<compile_context>
chip_gen: v7x
topology: tpu7x:2x2x1
jax: 0.10.2.dev20260603
libtpu: 0.0.44.dev20260713+nightly
codegen_flags: <defaults>
</compile_context>

<pallas_src>
import jax
import jax.numpy as jnp
from jax import lax
from jax.experimental import pallas as pl
from jax.experimental.pallas import tpu as pltpu
from jax.experimental.pallas import tpu_sc as plsc
from jax.experimental.compute_on import compute_on

_B = 16384
_C = 1000
_REM = int(_B * 0.9)
_R = 128

_RSC = 4096
_BTC = _B - _RSC
_BB = 1024
_NB = _BTC // _BB

_NTILES = 32
_NR = 2 * _RSC // _NTILES
_NCH = _NR // 16


def _ce_body(o1_ref, o2_ref, lab_ref, ce1_ref, ce2_ref):
    lab = lab_ref[0, 0, :]
    col = jax.lax.broadcasted_iota(jnp.int32, (_BB, _C), 1)
    onehot = col == lab[:, None]
    for o_ref, ce_ref in ((o1_ref, ce1_ref), (o2_ref, ce2_ref)):
        o = o_ref[...]
        m = jnp.max(o, axis=1)
        s = jnp.sum(jnp.exp(o - m[:, None]), axis=1)
        lg = jnp.sum(jnp.where(onehot, o, 0.0), axis=1)
        ce_ref[0, 0, :] = jnp.log(s) + m - lg


_ce_call = pl.pallas_call(
    _ce_body,
    grid=(_NB,),
    in_specs=[
        pl.BlockSpec((_BB, _C), lambda i: (i, 0)),
        pl.BlockSpec((_BB, _C), lambda i: (i, 0)),
        pl.BlockSpec((1, 1, _BB), lambda i: (i, 0, 0)),
    ],
    out_specs=[
        pl.BlockSpec((1, 1, _BB), lambda i: (i, 0, 0)),
        pl.BlockSpec((1, 1, _BB), lambda i: (i, 0, 0)),
    ],
    out_shape=[
        jax.ShapeDtypeStruct((_NB, 1, _BB), jnp.float32),
        jax.ShapeDtypeStruct((_NB, 1, _BB), jnp.float32),
    ],
)


_N128 = _NR // 128

_GDN = lax.GatherDimensionNumbers(
    offset_dims=(), collapsed_slice_dims=(0,), start_index_map=(0,))


def _perm16(x, idx):
    return lax.gather(x, idx[:, None], dimension_numbers=_GDN,
                      slice_sizes=(1,),
                      mode=lax.GatherScatterMode.PROMISE_IN_BOUNDS)


def _lane_sum_splat(x, lanes):
    for sh in (1, 2, 4, 8):
        x = x + _perm16(x, lanes ^ sh)
    return x


def _sc_body(o1_ref, o2_ref, lab_ref, s_ref, lg_ref,
             buf, labv, sst, lgst, idxv, sem):
    wid = lax.axis_index("s") * 2 + lax.axis_index("c")
    rb = jnp.where(wid < 16, wid, wid - 16) * _NR
    lanes = lax.iota(jnp.int32, 16)
    lo_mask = lanes < 8
    pltpu.sync_copy(lab_ref.at[pl.ds(_BTC + rb, _NR)], labv)

    def mkidx(j, _):
        lab16 = labv[pl.ds(j * 16, 16)]
        idx16 = (_BTC + rb + j * 16 + lanes) * _C + lab16
        row = idxv.at[j // 8]
        row[pl.ds((j % 8) * 16, 16)] = idx16
        return 0
    lax.fori_loop(0, _NR // 16, mkidx, 0, unroll=True)

    def run(o_hbm):
        for j in range(_N128):
            pltpu.async_copy(o_hbm.at[idxv.at[j]],
                             lgst.at[pl.ds(j * 128, 128)], sem).wait()

        def chunk_body(g, _):
            pltpu.async_copy(
                o_hbm.at[pl.ds((_BTC + rb + g * 16) * _C, 16 * _C)],
                buf, sem).wait()

            def pair_body(p, svec):
                base = p * 2 * _C
                s0 = jnp.zeros((16,), jnp.float32)
                s1 = jnp.zeros((16,), jnp.float32)
                zero = jnp.zeros((16,), jnp.float32)
                for v in range(125):
                    x = jnp.exp(buf[pl.ds(base + v * 16, 16)])
                    if v < 62:
                        s0 = s0 + x
                    elif v == 62:
                        s0 = s0 + jnp.where(lo_mask, x, zero)
                        s1 = s1 + jnp.where(lo_mask, zero, x)
                    else:
                        s1 = s1 + x
                svec = jnp.where(lanes == 2 * p,
                                 _lane_sum_splat(s0, lanes), svec)
                svec = jnp.where(lanes == 2 * p + 1,
                                 _lane_sum_splat(s1, lanes), svec)
                return svec

            svec = lax.fori_loop(0, 8, pair_body, jnp.zeros((16,), jnp.float32))
            sst[pl.ds(g * 16, 16)] = svec
            return 0

        lax.fori_loop(0, _NCH, chunk_body, 0)

    @pl.when(wid < 16)
    def _():
        run(o1_ref)

    @pl.when(wid >= 16)
    def _():
        run(o2_ref)

    pltpu.sync_copy(sst, s_ref.at[pl.ds(wid * _NR, _NR)])
    pltpu.sync_copy(lgst, lg_ref.at[pl.ds(wid * _NR, _NR)])


_sc_call = pl.kernel(
    _sc_body,
    mesh=plsc.VectorSubcoreMesh(core_axis_name="c", subcore_axis_name="s"),
    out_type=[
        jax.ShapeDtypeStruct((2 * _RSC,), jnp.float32),
        jax.ShapeDtypeStruct((2 * _RSC,), jnp.float32),
    ],
    scratch_types=[
        pltpu.VMEM((16 * _C,), jnp.float32),
        pltpu.VMEM((_NR,), jnp.int32),
        pltpu.VMEM((_NR,), jnp.float32),
        pltpu.VMEM((_NR,), jnp.float32),
        pltpu.VMEM((_N128, 128), jnp.int32),
        pltpu.SemaphoreType.DMA,
    ],
)


def _select_mean(keys, vals):
    kb = jax.lax.bitcast_convert_type(keys, jnp.uint32)
    ku = jnp.where(kb >> 31 != 0, ~kb, kb | jnp.uint32(0x80000000))

    def rnd(r, carry):
        prefix, maskhi, krem, cntless = carry
        bit = 31 - r
        bitmask = jnp.uint32(1) << bit
        cand = (ku & maskhi) == prefix
        m0 = cand & ((ku & bitmask) == 0)
        cnt0 = jnp.sum(m0.astype(jnp.int32))
        go1 = krem >= cnt0
        prefix = jnp.where(go1, prefix | bitmask, prefix)
        krem = jnp.where(go1, krem - cnt0, krem)
        cntless = cntless + jnp.where(go1, cnt0, 0)
        return prefix, maskhi | bitmask, krem, cntless

    kthr, _, _, cntless = jax.lax.fori_loop(
        0, 32, rnd,
        (jnp.uint32(0), jnp.uint32(0), jnp.int32(_REM - 1), jnp.int32(0)))

    less = ku < kthr
    tie = ku == kthr
    m = (_REM - cntless).astype(jnp.float32)
    t = tie.astype(jnp.float32)
    rr = jax.lax.broadcasted_iota(jnp.int32, (_R, _R), 0)
    cc = jax.lax.broadcasted_iota(jnp.int32, (_R, _R), 1)
    upper = (rr <= cc).astype(jnp.float32)
    strict_lower = (cc < rr).astype(jnp.float32)
    incl_row = jax.lax.dot(t, upper, preferred_element_type=jnp.float32)
    excl = incl_row - t
    row_tot = jnp.sum(t, axis=1, keepdims=True)
    prefix_row = jax.lax.dot(strict_lower, row_tot,
                             preferred_element_type=jnp.float32)
    rank = excl + prefix_row
    incl = less | (tie & (rank < m))
    return jnp.sum(jnp.where(incl, vals, 0.0)) / jnp.float32(_REM)


def _sel_body(ce1_ref, ce2_ref, s_ref, lg_ref, out_ref):
    ssc = s_ref[...]
    lgsc = lg_ref[...]
    ce_sc = jnp.log(ssc) - lgsc
    half = _RSC // _R
    ce1 = jnp.concatenate([ce1_ref[...], ce_sc[:half]], axis=0)
    ce2 = jnp.concatenate([ce2_ref[...], ce_sc[half:]], axis=0)
    l1 = _select_mean(ce2, ce1)
    l2 = _select_mean(ce1, ce2)
    out_ref[0:1, :] = jnp.full((1, _R), l1, dtype=jnp.float32)
    out_ref[1:2, :] = jnp.full((1, _R), l2, dtype=jnp.float32)


_sel_call = pl.pallas_call(
    _sel_body,
    out_shape=jax.ShapeDtypeStruct((2, _R), jnp.float32),
)


def kernel(o1, o2, labels):
    lab32 = labels.astype(jnp.int32)
    ssc, lgsc = _sc_call(o1.reshape(_B * _C), o2.reshape(_B * _C), lab32)
    lab3 = lab32[:_BTC].reshape(_NB, 1, _BB)
    ce1b, ce2b = _ce_call(o1, o2, lab3)
    out = _sel_call(
        ce1b.reshape(_BTC // _R, _R),
        ce2b.reshape(_BTC // _R, _R),
        ssc.reshape(2 * _RSC // _R, _R),
        lgsc.reshape(2 * _RSC // _R, _R),
    )
    return out[0, 0], out[1, 0]

# --- scband reference (transcript-rebuilt; emitter-appended) ---
"""Pipeline reference for scband-co-teaching-resnet-loss-69552700391883 (READ-ONLY COPY).

The authoritative reference and input builder live on the scoring server;
editing this copy changes nothing except your own understanding.
"""

import jax, jax.numpy as jnp
import numpy as np

B = 16384
C = 1000
NOISE_RATE = 0.1

def setup_inputs(seed: int = 0) -> dict:
    key = jax.random.key(seed)
    k1, k2, k3 = jax.random.split(key, 3)
    o1 = jax.random.normal(k1, (B, C), dtype=jnp.float32)
    o2 = jax.random.normal(k2, (B, C), dtype=jnp.float32)
    labels = jax.random.randint(k3, (B,), 0, C)
    return {"o1": o1, "o2": o2, "labels": labels}

def _cross_entropy_none(o, labels):
    # per-sample cross entropy, reduction='none'
    logp = jax.nn.log_softmax(o, axis=1)
    return -jnp.take_along_axis(logp, labels[:, None], axis=1)[:, 0]

def reference(o1, o2, labels):
    ce1 = _cross_entropy_none(o1, labels)
    ce2 = _cross_entropy_none(o2, labels)
    idxsortd1 = jnp.argsort(ce1)
    idxsortd2 = jnp.argsort(ce2)
    rem_num = int(o1.shape[0] * (1.0 - NOISE_RATE))
    l1 = jnp.take(ce1, idxsortd2[:rem_num], axis=0).mean()
    l2 = jnp.take(ce2, idxsortd1[:rem_num], axis=0).mean()
    return (l1, l2)

if __name__ == "__main__":
    import jax
    _d = setup_inputs()
    print(jax.jit(kernel)(*tuple(_d.values())))

</pallas_src>

<mosaic_0001>
#map = affine_map<(d0, d1) -> (0)>
module attributes {stable_mosaic.version = 14 : i64} {
  func.func @_sc_body(%arg0: i32, %arg1: i32, %arg2: memref<16384000xf32, #tpu.memory_space<hbm>>, %arg3: memref<16384000xf32, #tpu.memory_space<hbm>>, %arg4: memref<16384xi32, #tpu.memory_space<hbm>>, %arg5: memref<8192xf32, #tpu.memory_space<hbm>>, %arg6: memref<8192xf32, #tpu.memory_space<hbm>>, %arg7: memref<16000xf32, #tpu.memory_space<vmem>>, %arg8: memref<256xi32, #tpu.memory_space<vmem>>, %arg9: memref<256xf32, #tpu.memory_space<vmem>>, %arg10: memref<256xf32, #tpu.memory_space<vmem>>, %arg11: memref<2x128xi32, #tpu.memory_space<vmem>>, %arg12: memref<!tpu.dma_semaphore, #tpu.memory_space<semaphore_mem>>) attributes {dimension_semantics = [#tpu.dimension_semantics<core_parallel>, #tpu.dimension_semantics<subcore_parallel>], iteration_bounds = array<i64: 2, 16>, scalar_prefetch = 0 : i64, scratch_operands = 6 : i64, tpu.core_type = #tpu.core_type<sc_vector_subcore>, window_params = [{transform_indices = #map}, {transform_indices = #map}, {transform_indices = #map}, {transform_indices = #map}, {transform_indices = #map}]} {
    %mul3A = arith.constant 2 : i32
    %mul3A_0 = arith.muli %arg1, %mul3A : i32
    %add3A = arith.addi %mul3A_0, %arg0 : i32
    %lt3A = arith.constant 16 : i32
    %lt3A_1 = arith.cmpi slt, %add3A, %lt3A : i32
    %sub3A = arith.constant 16 : i32
    %sub3A_2 = arith.subi %add3A, %sub3A : i32
    %select_n3A = arith.select %lt3A_1, %add3A, %sub3A_2 : i32
    %mul3A_3 = arith.constant 256 : i32
    %mul3A_4 = arith.muli %select_n3A, %mul3A_3 : i32
    %iota3A = tpu.iota {dimensions = array<i32: 0>} : vector<16xi32>
    %lt3A_5 = arith.constant 8 : i32
    %lt3A_6 = vector.broadcast %lt3A_5 : i32 to vector<16xi32>
    %lt3A_7 = arith.cmpi slt, %iota3A, %lt3A_6 : vector<16xi32>
    %add3A_8 = arith.constant 12288 : i32
    %add3A_9 = arith.addi %add3A_8, %mul3A_4 : i32
    "tpu.region"() ({
      %run_scoped3A = tpu.sem_alloc : memref<!tpu.dma_semaphore, #tpu.memory_space<semaphore_mem>>
      %dma_start3A = tpu.memref_slice %arg4[%add3A_9] : memref<16384xi32, #tpu.memory_space<hbm>> -> memref<256xi32, #tpu.memory_space<hbm>>
      %dma_start3A_1085 = tpu.memref_slice %arg4[%add3A_9] : memref<16384xi32, #tpu.memory_space<hbm>> -> memref<256xi32, #tpu.memory_space<hbm>>
      tpu.enqueue_dma source(%dma_start3A_1085 : memref<256xi32, #tpu.memory_space<hbm>>) target(%arg8 : memref<256xi32, #tpu.memory_space<vmem>>) target_semaphore(%run_scoped3A : memref<!tpu.dma_semaphore, #tpu.memory_space<semaphore_mem>>)
      %dma_wait3A = tpu.memref_slice %arg4[%add3A_9] : memref<16384xi32, #tpu.memory_space<hbm>> -> memref<256xi32, #tpu.memory_space<hbm>>
      %dma_wait3A_1086 = tpu.memref_slice %arg4[%add3A_9] : memref<16384xi32, #tpu.memory_space<hbm>> -> memref<256xi32, #tpu.memory_space<hbm>>
      tpu.wait_dma2 semaphore(%run_scoped3A : memref<!tpu.dma_semaphore, #tpu.memory_space<semaphore_mem>>) src(%dma_wait3A_1086 : memref<256xi32, #tpu.memory_space<hbm>>) dst(%arg8 : memref<256xi32, #tpu.memory_space<vmem>>)
      tpu.yield
    }) : () -> ()
    %scan3A = arith.constant 0 : i32
    %scan3A_10 = arith.constant 0 : i32
    %mul3A_11 = arith.constant 16 : i32
    %mul3A_12 = arith.muli %scan3A_10, %mul3A_11 : i32
    %get3A = arith.index_cast %mul3A_12 : i32 to index
    %get3A_13 = tpu.vector_load %arg8[%get3A] {strides = array<i32>} : memref<256xi32, #tpu.memory_space<vmem>>, vector<16xi32>,
    %get3A_14 = vector.shape_cast %get3A_13 : vector<16xi32> to vector<16xi32>
    %add3A_15 = arith.constant 12288 : i32
    %add3A_16 = arith.addi %add3A_15, %mul3A_4 : i32
    %mul3A_17 = arith.constant 16 : i32
    %mul3A_18 = arith.muli %scan3A_10, %mul3A_17 : i32
    %add3A_19 = arith.addi %add3A_16, %mul3A_18 : i32
    %add3A_20 = vector.broadcast %add3A_19 : i32 to vector<16xi32>
    %add3A_21 = arith.addi %add3A_20, %iota3A : vector<16xi32>
    %mul3A_22 = arith.constant 1000 : i32
    %mul3A_23 = vector.broadcast %mul3A_22 : i32 to vector<16xi32>
    %mul3A_24 = arith.muli %add3A_21, %mul3A_23 : vector<16xi32>
    %add3A_25 = arith.addi %mul3A_24, %get3A_14 : vector<16xi32>
    %jit3A = arith.constant 8 : i32
    %div3A = arith.divsi %scan3A_10, %jit3A : i32
    %sign3A = arith.constant 0 : i32
    %sign3A_26 = arith.cmpi sgt, %scan3A_10, %sign3A : i32
    %sign3A_27 = arith.extui %sign3A_26 : i1 to i32
    %sign3A_28 = arith.constant 0 : i32
    %sign3A_29 = arith.cmpi slt, %scan3A_10, %sign3A_28 : i32
    %sign3A_30 = arith.extui %sign3A_29 : i1 to i32
    %sign3A_31 = arith.subi %sign3A_27, %sign3A_30 : i32
    %sign3A_32 = arith.constant 0 : i32
    %sign3A_33 = arith.cmpi sgt, %jit3A, %sign3A_32 : i32
    %sign3A_34 = arith.extui %sign3A_33 : i1 to i32
    %sign3A_35 = arith.constant 0 : i32
    %sign3A_36 = arith.cmpi slt, %jit3A, %sign3A_35 : i32
    %sign3A_37 = arith.extui %sign3A_36 : i1 to i32
    %sign3A_38 = arith.subi %sign3A_34, %sign3A_37 : i32
    %ne3A = arith.cmpi ne, %sign3A_31, %sign3A_38 : i32
    %rem3A = arith.remsi %scan3A_10, %jit3A : i32
    %ne3A_39 = arith.constant 0 : i32
    %ne3A_40 = arith.cmpi ne, %rem3A, %ne3A_39 : i32
    %and3A = arith.andi %ne3A, %ne3A_40 : i1
    %sub3A_41 = arith.constant 1 : i32
    %sub3A_42 = arith.subi %div3A, %sub3A_41 : i32
    %select_n3A_43 = arith.select %and3A, %sub3A_42, %div3A : i32
    %jit3A_44 = arith.constant 8 : i32
    %eq3A = arith.constant 0 : i32
    %eq3A_45 = arith.cmpi eq, %jit3A_44, %eq3A : i32
    %jit3A_46 = arith.constant 1 : i32
    %select_n3A_47 = arith.select %eq3A_45, %jit3A_46, %jit3A_44 : i32
    %rem3A_48 = arith.remsi %scan3A_10, %select_n3A_47 : i32
    %ne3A_49 = arith.constant 0 : i32
    %ne3A_50 = arith.cmpi ne, %rem3A_48, %ne3A_49 : i32
    %lt3A_51 = arith.constant 0 : i32
    %lt3A_52 = arith.cmpi slt, %rem3A_48, %lt3A_51 : i32
    %lt3A_53 = arith.constant 0 : i32
    %lt3A_54 = arith.cmpi slt, %select_n3A_47, %lt3A_53 : i32
    %ne3A_55 = arith.xori %lt3A_52, %lt3A_54 : i1
    %and3A_56 = arith.andi %ne3A_55, %ne3A_50 : i1
    %add3A_57 = arith.addi %rem3A_48, %select_n3A_47 : i32
    %select_n3A_58 = arith.select %and3A_56, %add3A_57, %rem3A_48 : i32
    %mul3A_59 = arith.constant 16 : i32
    %mul3A_60 = arith.muli %select_n3A_58, %mul3A_59 : i32
    %swap3A = arith.constant 0 : i32
    %swap3A_61 = tpu.memref_slice %arg11[%select_n3A_43, %swap3A] : memref<2x128xi32, #tpu.memory_space<vmem>> -> memref<1x128xi32, #tpu.memory_space<vmem>>
    %swap3A_62 = tpu.memref_squeeze %swap3A_61 : memref<1x128xi32, #tpu.memory_space<vmem>> -> memref<128xi32, #tpu.memory_space<vmem>>
    %swap3A_63 = arith.index_cast %mul3A_60 : i32 to index
    %swap3A_64 = tpu.vector_load %swap3A_62[%swap3A_63] {strides = array<i32>} : memref<128xi32, #tpu.memory_space<vmem>>, vector<16xi32>,
    %swap3A_65 = vector.shape_cast %swap3A_64 : vector<16xi32> to vector<16xi32>
    %swap3A_66 = vector.shape_cast %add3A_25 : vector<16xi32> to vector<16xi32>
    tpu.vector_store %swap3A_62[%swap3A_63], %swap3A_66 {strides = array<i32>} : memref<128xi32, #tpu.memory_space<vmem>>, vector<16xi32>,
    %scan3A_67 = arith.constant 0 : i32
    %scan3A_68 = arith.constant 1 : i32
    %mul3A_69 = arith.constant 16 : i32
    %mul3A_70 = arith.muli %scan3A_68, %mul3A_69 : i32
    %get3A_71 = arith.index_cast %mul3A_70 : i32 to index
    %get3A_72 = tpu.vector_load %arg8[%get3A_71] {strides = array<i32>} : memref<256xi32, #tpu.memory_space<vmem>>, vector<16xi32>,
    %get3A_73 = vector.shape_cast %get3A_72 : vector<16xi32> to vector<16xi32>
    %add3A_74 = arith.constant 12288 : i32
    %add3A_75 = arith.addi %add3A_74, %mul3A_4 : i32
    %mul3A_76 = arith.constant 16 : i32
    %mul3A_77 = arith.muli %scan3A_68, %mul3A_76 : i32
    %add3A_78 = arith.addi %add3A_75, %mul3A_77 : i32
    %add3A_79 = vector.broadcast %add3A_78 : i32 to vector<16xi32>
    %add3A_80 = arith.addi %add3A_79, %iota3A : vector<16xi32>
    %mul3A_81 = arith.constant 1000 : i32
    %mul3A_82 = vector.broadcast %mul3A_81 : i32 to vector<16xi32>
    %mul3A_83 = arith.muli %add3A_80, %mul3A_82 : vector<16xi32>
    %add3A_84 = arith.addi %mul3A_83, %get3A_73 : vector<16xi32>
    %jit3A_85 = arith.constant 8 : i32
    %div3A_86 = arith.divsi %scan3A_68, %jit3A_85 : i32
    %sign3A_87 = arith.constant 0 : i32
    %sign3A_88 = arith.cmpi sgt, %scan3A_68, %sign3A_87 : i32
    %sign3A_89 = arith.extui %sign3A_88 : i1 to i32
    %sign3A_90 = arith.constant 0 : i32
    %sign3A_91 = arith.cmpi slt, %scan3A_68, %sign3A_90 : i32
    %sign3A_92 = arith.extui %sign3A_91 : i1 to i32
    %sign3A_93 = arith.subi %sign3A_89, %sign3A_92 : i32
    %sign3A_94 = arith.constant 0 : i32
    %sign3A_95 = arith.cmpi sgt, %jit3A_85, %sign3A_94 : i32
    %sign3A_96 = arith.extui %sign3A_95 : i1 to i32
    %sign3A_97 = arith.constant 0 : i32
    %sign3A_98 = arith.cmpi slt, %jit3A_85, %sign3A_97 : i32
    %sign3A_99 = arith.extui %sign3A_98 : i1 to i32
    %sign3A_100 = arith.subi %sign3A_96, %sign3A_99 : i32
    %ne3A_101 = arith.cmpi ne, %sign3A_93, %sign3A_100 : i32
    %rem3A_102 = arith.remsi %scan3A_68, %jit3A_85 : i32
    %ne3A_103 = arith.constant 0 : i32
    %ne3A_104 = arith.cmpi ne, %rem3A_102, %ne3A_103 : i32
    %and3A_105 = arith.andi %ne3A_101, %ne3A_104 : i1
    %sub3A_106 = arith.constant 1 : i32
    %sub3A_107 = arith.subi %div3A_86, %sub3A_106 : i32
    %select_n3A_108 = arith.select %and3A_105, %sub3A_107, %div3A_86 : i32
    %jit3A_109 = arith.constant 8 : i32
    %eq3A_110 = arith.constant 0 : i32
    %eq3A_111 = arith.cmpi eq, %jit3A_109, %eq3A_110 : i32
    %jit3A_112 = arith.constant 1 : i32
    %select_n3A_113 = arith.select %eq3A_111, %jit3A_112, %jit3A_109 : i32
    %rem3A_114 = arith.remsi %scan3A_68, %select_n3A_113 : i32
    %ne3A_115 = arith.constant 0 : i32
    %ne3A_116 = arith.cmpi ne, %rem3A_114, %ne3A_115 : i32
    %lt3A_117 = arith.constant 0 : i32
    %lt3A_118 = arith.cmpi slt, %rem3A_114, %lt3A_117 : i32
    %lt3A_119 = arith.constant 0 : i32
    %lt3A_120 = arith.cmpi slt, %select_n3A_113, %lt3A_119 : i32
    %ne3A_121 = arith.xori %lt3A_118, %lt3A_120 : i1
    %and3A_122 = arith.andi %ne3A_121, %ne3A_116 : i1
    %add3A_123 = arith.addi %rem3A_114, %select_n3A_113 : i32
    %select_n3A_124 = arith.select %and3A_122, %add3A_123, %rem3A_114 : i32
    %mul3A_125 = arith.constant 16 : i32
    %mul3A_126 = arith.muli %select_n3A_124, %mul3A_125 : i32
    %swap3A_127 = arith.constant 0 : i32
    %swap3A_128 = tpu.memref_slice %arg11[%select_n3A_108, %swap3A_127] : memref<2x128xi32, #tpu.memory_space<vmem>> -> memref<1x128xi32, #tpu.memory_space<vmem>>
    %swap3A_129 = tpu.memref_squeeze %swap3A_128 : memref<1x128xi32, #tpu.memory_space<vmem>> -> memref<128xi32, #tpu.memory_space<vmem>>
    %swap3A_130 = arith.index_cast %mul3A_126 : i32 to index
    %swap3A_131 = tpu.vector_load %swap3A_129[%swap3A_130] {strides = array<i32>} : memref<128xi32, #tpu.memory_space<vmem>>, vector<16xi32>,
    %swap3A_132 = vector.shape_cast %swap3A_131 : vector<16xi32> to vector<16xi32>
    %swap3A_133 = vector.shape_cast %add3A_84 : vector<16xi32> to vector<16xi32>
    tpu.vector_store %swap3A_129[%swap3A_130], %swap3A_133 {strides = array<i32>} : memref<128xi32, #tpu.memory_space<vmem>>, vector<16xi32>,
    %scan3A_134 = arith.constant 0 : i32
    %scan3A_135 = arith.constant 2 : i32
    %mul3A_136 = arith.constant 16 : i32
    %mul3A_137 = arith.muli %scan3A_135, %mul3A_136 : i32
    %get3A_138 = arith.index_cast %mul3A_137 : i32 to index
    %get3A_139 = tpu.vector_load %arg8[%get3A_138] {strides = array<i32>} : memref<256xi32, #tpu.memory_space<vmem>>, vector<16xi32>,
    %get3A_140 = vector.shape_cast %get3A_139 : vector<16xi32> to vector<16xi32>
    %add3A_141 = arith.constant 12288 : i32
    %add3A_142 = arith.addi %add3A_141, %mul3A_4 : i32
    %mul3A_143 = arith.constant 16 : i32
    %mul3A_144 = arith.muli %scan3A_135, %mul3A_143 : i32
    %add3A_145 = arith.addi %add3A_142, %mul3A_144 : i32
    %add3A_146 = vector.broadcast %add3A_145 : i32 to vector<16xi32>
    %add3A_147 = arith.addi %add3A_146, %iota3A : vector<16xi32>
    %mul3A_148 = arith.constant 1000 : i32
    %mul3A_149 = vector.broadcast %mul3A_148 : i32 to vector<16xi32>
    %mul3A_150 = arith.muli %add3A_147, %mul3A_149 : vector<16xi32>
    %add3A_151 = arith.addi %mul3A_150, %get3A_140 : vector<16xi32>
    %jit3A_152 = arith.constant 8 : i32
    %div3A_153 = arith.divsi %scan3A_135, %jit3A_152 : i32
    %sign3A_154 = arith.constant 0 : i32
    %sign3A_155 = arith.cmpi sgt, %scan3A_135, %sign3A_154 : i32
    %sign3A_156 = arith.extui %sign3A_155 : i1 to i32
    %sign3A_157 = arith.constant 0 : i32
    %sign3A_158 = arith.cmpi slt, %scan3A_135, %sign3A_157 : i32
    %sign3A_159 = arith.extui %sign3A_158 : i1 to i32
    %sign3A_160 = arith.subi %sign3A_156, %sign3A_159 : i32
    %sign3A_161 = arith.constant 0 : i32
    %sign3A_162 = arith.cmpi sgt, %jit3A_152, %sign3A_161 : i32
    %sign3A_163 = arith.extui %sign3A_162 : i1 to i32
    %sign3A_164 = arith.constant 0 : i32
    %sign3A_165 = arith.cmpi slt, %jit3A_152, %sign3A_164 : i32
    %sign3A_166 = arith.extui %sign3A_165 : i1 to i32
    %sign3A_167 = arith.subi %sign3A_163, %sign3A_166 : i32
    %ne3A_168 = arith.cmpi ne, %sign3A_160, %sign3A_167 : i32
    %rem3A_169 = arith.remsi %scan3A_135, %jit3A_152 : i32
    %ne3A_170 = arith.constant 0 : i32
    %ne3A_171 = arith.cmpi ne, %rem3A_169, %ne3A_170 : i32
    %and3A_172 = arith.andi %ne3A_168, %ne3A_171 : i1
    %sub3A_173 = arith.constant 1 : i32
    %sub3A_174 = arith.subi %div3A_153, %sub3A_173 : i32
    %select_n3A_175 = arith.select %and3A_172, %sub3A_174, %div3A_153 : i32
    %jit3A_176 = arith.constant 8 : i32
    %eq3A_177 = arith.constant 0 : i32
    %eq3A_178 = arith.cmpi eq, %jit3A_176, %eq3A_177 : i32
    %jit3A_179 = arith.constant 1 : i32
    %select_n3A_180 = arith.select %eq3A_178, %jit3A_179, %jit3A_176 : i32
    %rem3A_181 = arith.remsi %scan3A_135, %select_n3A_180 : i32
    %ne3A_182 = arith.constant 0 : i32
    %ne3A_183 = arith.cmpi ne, %rem3A_181, %ne3A_182 : i32
    %lt3A_184 = arith.constant 0 : i32
    %lt3A_185 = arith.cmpi slt, %rem3A_181, %lt3A_184 : i32
    %lt3A_186 = arith.constant 0 : i32
    %lt3A_187 = arith.cmpi slt, %select_n3A_180, %lt3A_186 : i32
    %ne3A_188 = arith.xori %lt3A_185, %lt3A_187 : i1
    %and3A_189 = arith.andi %ne3A_188, %ne3A_183 : i1
    %add3A_190 = arith.addi %rem3A_181, %select_n3A_180 : i32
    %select_n3A_191 = arith.select %and3A_189, %add3A_190, %rem3A_181 : i32
    %mul3A_192 = arith.constant 16 : i32
    %mul3A_193 = arith.muli %select_n3A_191, %mul3A_192 : i32
    %swap3A_194 = arith.constant 0 : i32
    %swap3A_195 = tpu.memref_slice %arg11[%select_n3A_175, %swap3A_194] : memref<2x128xi32, #tpu.memory_space<vmem>> -> memref<1x128xi32, #tpu.memory_space<vmem>>
    %swap3A_196 = tpu.memref_squeeze %swap3A_195 : memref<1x128xi32, #tpu.memory_space<vmem>> -> memref<128xi32, #tpu.memory_space<vmem>>
    %swap3A_197 = arith.index_cast %mul3A_193 : i32 to index
    %swap3A_198 = tpu.vector_load %swap3A_196[%swap3A_197] {strides = array<i32>} : memref<128xi32, #tpu.memory_space<vmem>>, vector<16xi32>,
    %swap3A_199 = vector.shape_cast %swap3A_198 : vector<16xi32> to vector<16xi32>
    %swap3A_200 = vector.shape_cast %add3A_151 : vector<16xi32> to vector<16xi32>
    tpu.vector_store %swap3A_196[%swap3A_197], %swap3A_200 {strides = array<i32>} : memref<128xi32, #tpu.memory_space<vmem>>, vector<16xi32>,
    %scan3A_201 = arith.constant 0 : i32
    %scan3A_202 = arith.constant 3 : i32
    %mul3A_203 = arith.constant 16 : i32
    %mul3A_204 = arith.muli %scan3A_202, %mul3A_203 : i32
    %get3A_205 = arith.index_cast %mul3A_204 : i32 to index
    %get3A_206 = tpu.vector_load %arg8[%get3A_205] {strides = array<i32>} : memref<256xi32, #tpu.memory_space<vmem>>, vector<16xi32>,
    %get3A_207 = vector.shape_cast %get3A_206 : vector<16xi32> to vector<16xi32>
    %add3A_208 = arith.constant 12288 : i32
    %add3A_209 = arith.addi %add3A_208, %mul3A_4 : i32
    %mul3A_210 = arith.constant 16 : i32
    %mul3A_211 = arith.muli %scan3A_202, %mul3A_210 : i32
    %add3A_212 = arith.addi %add3A_209, %mul3A_211 : i32
    %add3A_213 = vector.broadcast %add3A_212 : i32 to vector<16xi32>
    %add3A_214 = arith.addi %add3A_213, %iota3A : vector<16xi32>
    %mul3A_215 = arith.constant 1000 : i32
    %mul3A_216 = vector.broadcast %mul3A_215 : i32 to vector<16xi32>
    %mul3A_217 = arith.muli %add3A_214, %mul3A_216 : vector<16xi32>
    %add3A_218 = arith.addi %mul3A_217, %get3A_207 : vector<16xi32>
    %jit3A_219 = arith.constant 8 : i32
    %div3A_220 = arith.divsi %scan3A_202, %jit3A_219 : i32
    %sign3A_221 = arith.constant 0 : i32
    %sign3A_222 = arith.cmpi sgt, %scan3A_202, %sign3A_221 : i32
    %sign3A_223 = arith.extui %sign3A_222 : i1 to i32
    %sign3A_224 = arith.constant 0 : i32
    %sign3A_225 = arith.cmpi slt, %scan3A_202, %sign3A_224 : i32
    %sign3A_226 = arith.extui %sign3A_225 : i1 to i32
    %sign3A_227 = arith.subi %sign3A_223, %sign3A_226 : i32
    %sign3A_228 = arith.constant 0 : i32
    %sign3A_229 = arith.cmpi sgt, %jit3A_219, %sign3A_228 : i32
    %sign3A_230 = arith.extui %sign3A_229 : i1 to i32
    %sign3A_231 = arith.constant 0 : i32
    %sign3A_232 = arith.cmpi slt, %jit3A_219, %sign3A_231 : i32
    %sign3A_233 = arith.extui %sign3A_232 : i1 to i32
    %sign3A_234 = arith.subi %sign3A_230, %sign3A_233 : i32
    %ne3A_235 = arith.cmpi ne, %sign3A_227, %sign3A_234 : i32
    %rem3A_236 = arith.remsi %scan3A_202, %jit3A_219 : i32
    %ne3A_237 = arith.constant 0 : i32
    %ne3A_238 = arith.cmpi ne, %rem3A_236, %ne3A_237 : i32
    %and3A_239 = arith.andi %ne3A_235, %ne3A_238 : i1
    %sub3A_240 = arith.constant 1 : i32
    %sub3A_241 = arith.subi %div3A_220, %sub3A_240 : i32
    %select_n3A_242 = arith.select %and3A_239, %sub3A_241, %div3A_220 : i32
    %jit3A_243 = arith.constant 8 : i32
    %eq3A_244 = arith.constant 0 : i32
    %eq3A_245 = arith.cmpi eq, %jit3A_243, %eq3A_244 : i32
    %jit3A_246 = arith.constant 1 : i32
    %select_n3A_247 = arith.select %eq3A_245, %jit3A_246, %jit3A_243 : i32
    %rem3A_248 = arith.remsi %scan3A_202, %select_n3A_247 : i32
    %ne3A_249 = arith.constant 0 : i32
    %ne3A_250 = arith.cmpi ne, %rem3A_248, %ne3A_249 : i32
    %lt3A_251 = arith.constant 0 : i32
    %lt3A_252 = arith.cmpi slt, %rem3A_248, %lt3A_251 : i32
    %lt3A_253 = arith.constant 0 : i32
    %lt3A_254 = arith.cmpi slt, %select_n3A_247, %lt3A_253 : i32
    %ne3A_255 = arith.xori %lt3A_252, %lt3A_254 : i1
    %and3A_256 = arith.andi %ne3A_255, %ne3A_250 : i1
    %add3A_257 = arith.addi %rem3A_248, %select_n3A_247 : i32
    %select_n3A_258 = arith.select %and3A_256, %add3A_257, %rem3A_248 : i32
    %mul3A_259 = arith.constant 16 : i32
    %mul3A_260 = arith.muli %select_n3A_258, %mul3A_259 : i32
    %swap3A_261 = arith.constant 0 : i32
    %swap3A_262 = tpu.memref_slice %arg11[%select_n3A_242, %swap3A_261] : memref<2x128xi32, #tpu.memory_space<vmem>> -> memref<1x128xi32, #tpu.memory_space<vmem>>
    %swap3A_263 = tpu.memref_squeeze %swap3A_262 : memref<1x128xi32, #tpu.memory_space<vmem>> -> memref<128xi32, #tpu.memory_space<vmem>>
    %swap3A_264 = arith.index_cast %mul3A_260 : i32 to index
    %swap3A_265 = tpu.vector_load %swap3A_263[%swap3A_264] {strides = array<i32>} : memref<128xi32, #tpu.memory_space<vmem>>, vector<16xi32>,
    %swap3A_266 = vector.shape_cast %swap3A_265 : vector<16xi32> to vector<16xi32>
    %swap3A_267 = vector.shape_cast %add3A_218 : vector<16xi32> to vector<16xi32>
    tpu.vector_store %swap3A_263[%swap3A_264], %swap3A_267 {strides = array<i32>} : memref<128xi32, #tpu.memory_space<vmem>>, vector<16xi32>,
    %scan3A_268 = arith.constant 0 : i32
    %scan3A_269 = arith.constant 4 : i32
    %mul3A_270 = arith.constant 16 : i32
    %mul3A_271 = arith.muli %scan3A_269, %mul3A_270 : i32
    %get3A_272 = arith.index_cast %mul3A_271 : i32 to index
    %get3A_273 = tpu.vector_load %arg8[%get3A_272] {strides = array<i32>} : memref<256xi32, #tpu.memory_space<vmem>>, vector<16xi32>,
    %get3A_274 = vector.shape_cast %get3A_273 : vector<16xi32> to vector<16xi32>
    %add3A_275 = arith.constant 12288 : i32
    %add3A_276 = arith.addi %add3A_275, %mul3A_4 : i32
    %mul3A_277 = arith.constant 16 : i32
    %mul3A_278 = arith.muli %scan3A_269, %mul3A_277 : i32
    %add3A_279 = arith.addi %add3A_276, %mul3A_278 : i32
    %add3A_280 = vector.broadcast %add3A_279 : i32 to vector<16xi32>
    %add3A_281 = arith.addi %add3A_280, %iota3A : vector<16xi32>
    %mul3A_282 = arith.constant 1000 : i32
    %mul3A_283 = vector.broadcast %mul3A_282 : i32 to vector<16xi32>
    %mul3A_284 = arith.muli %add3A_281, %mul3A_283 : vector<16xi32>
    %add3A_285 = arith.addi %mul3A_284, %get3A_274 : vector<16xi32>
    %jit3A_286 = arith.constant 8 : i32
    %div3A_287 = arith.divsi %scan3A_269, %jit3A_286 : i32
    %sign3A_288 = arith.constant 0 : i32
    %sign3A_289 = arith.cmpi sgt, %scan3A_269, %sign3A_288 : i32
    %sign3A_290 = arith.extui %sign3A_289 : i1 to i32
    %sign3A_291 = arith.constant 0 : i32
    %sign3A_292 = arith.cmpi slt, %scan3A_269, %sign3A_291 : i32
    %sign3A_293 = arith.extui %sign3A_292 : i1 to i32
    %sign3A_294 = arith.subi %sign3A_290, %sign3A_293 : i32
    %sign3A_295 = arith.constant 0 : i32
    %sign3A_296 = arith.cmpi sgt, %jit3A_286, %sign3A_295 : i32
    %sign3A_297 = arith.extui %sign3A_296 : i1 to i32
    %sign3A_298 = arith.constant 0 : i32
    %sign3A_299 = arith.cmpi slt, %jit3A_286, %sign3A_298 : i32
    %sign3A_300 = arith.extui %sign3A_299 : i1 to i32
    %sign3A_301 = arith.subi %sign3A_297, %sign3A_300 : i32
    %ne3A_302 = arith.cmpi ne, %sign3A_294, %sign3A_301 : i32
    %rem3A_303 = arith.remsi %scan3A_269, %jit3A_286 : i32
    %ne3A_304 = arith.constant 0 : i32
    %ne3A_305 = arith.cmpi ne, %rem3A_303, %ne3A_304 : i32
    %and3A_306 = arith.andi %ne3A_302, %ne3A_305 : i1
    %sub3A_307 = arith.constant 1 : i32
    %sub3A_308 = arith.subi %div3A_287, %sub3A_307 : i32
    %select_n3A_309 = arith.select %and3A_306, %sub3A_308, %div3A_287 : i32
    %jit3A_310 = arith.constant 8 : i32
    %eq3A_311 = arith.constant 0 : i32
    %eq3A_312 = arith.cmpi eq, %jit3A_310, %eq3A_311 : i32
    %jit3A_313 = arith.constant 1 : i32
    %select_n3A_314 = arith.select %eq3A_312, %jit3A_313, %jit3A_310 : i32
    %rem3A_315 = arith.remsi %scan3A_269, %select_n3A_314 : i32
    %ne3A_316 = arith.constant 0 : i32
    %ne3A_317 = arith.cmpi ne, %rem3A_315, %ne3A_316 : i32
    %lt3A_318 = arith.constant 0 : i32
    %lt3A_319 = arith.cmpi slt, %rem3A_315, %lt3A_318 : i32
    %lt3A_320 = arith.constant 0 : i32
    %lt3A_321 = arith.cmpi slt, %select_n3A_314, %lt3A_320 : i32
    %ne3A_322 = arith.xori %lt3A_319, %lt3A_321 : i1
    %and3A_323 = arith.andi %ne3A_322, %ne3A_317 : i1
    %add3A_324 = arith.addi %rem3A_315, %select_n3A_314 : i32
    %select_n3A_325 = arith.select %and3A_323, %add3A_324, %rem3A_315 : i32
    %mul3A_326 = arith.constant 16 : i32
    %mul3A_327 = arith.muli %select_n3A_325, %mul3A_326 : i32
    %swap3A_328 = arith.constant 0 : i32
    %swap3A_329 = tpu.memref_slice %arg11[%select_n3A_309, %swap3A_328] : memref<2x128xi32, #tpu.memory_space<vmem>> -> memref<1x128xi32, #tpu.memory_space<vmem>>
    %swap3A_330 = tpu.memref_squeeze %swap3A_329 : memref<1x128xi32, #tpu.memory_space<vmem>> -> memref<128xi32, #tpu.memory_space<vmem>>
    %swap3A_331 = arith.index_cast %mul3A_327 : i32 to index
    %swap3A_332 = tpu.vector_load %swap3A_330[%swap3A_331] {strides = array<i32>} : memref<128xi32, #tpu.memory_space<vmem>>, vector<16xi32>,
    %swap3A_333 = vector.shape_cast %swap3A_332 : vector<16xi32> to vector<16xi32>
    %swap3A_334 = vector.shape_cast %add3A_285 : vector<16xi32> to vector<16xi32>
    tpu.vector_store %swap3A_330[%swap3A_331], %swap3A_334 {strides = array<i32>} : memref<128xi32, #tpu.memory_space<vmem>>, vector<16xi32>,
    %scan3A_335 = arith.constant 0 : i32
    %scan3A_336 = arith.constant 5 : i32
    %mul3A_337 = arith.constant 16 : i32
    %mul3A_338 = arith.muli %scan3A_336, %mul3A_337 : i32
    %get3A_339 = arith.index_cast %mul3A_338 : i32 to index
    %get3A_340 = tpu.vector_load %arg8[%get3A_339] {strides = array<i32>} : memref<256xi32, #tpu.memory_space<vmem>>, vector<16xi32>,
    %get3A_341 = vector.shape_cast %get3A_340 : vector<16xi32> to vector<16xi32>
    %add3A_342 = arith.constant 12288 : i32
    %add3A_343 = arith.addi %add3A_342, %mul3A_4 : i32
    %mul3A_344 = arith.constant 16 : i32
    %mul3A_345 = arith.muli %scan3A_336, %mul3A_344 : i32
    %add3A_346 = arith.addi %add3A_343, %mul3A_345 : i32
    %add3A_347 = vector.broadcast %add3A_346 : i32 to vector<16xi32>
    %add3A_348 = arith.addi %add3A_347, %iota3A : vector<16xi32>
    %mul3A_349 = arith.constant 1000 : i32
    %mul3A_350 = vector.broadcast %mul3A_349 : i32 to vector<16xi32>
    %mul3A_351 = arith.muli %add3A_348, %mul3A_350 : vector<16xi32>
    %add3A_352 = arith.addi %mul3A_351, %get3A_341 : vector<16xi32>
    %jit3A_353 = arith.constant 8 : i32
    %div3A_354 = arith.divsi %scan3A_336, %jit3A_353 : i32
    %sign3A_355 = arith.constant 0 : i32
    %sign3A_356 = arith.cmpi sgt, %scan3A_336, %sign3A_355 : i32
    %sign3A_357 = arith.extui %sign3A_356 : i1 to i32
    %sign3A_358 = arith.constant 0 : i32
    %sign3A_359 = arith.cmpi slt, %scan3A_336, %sign3A_358 : i32
    %sign3A_360 = arith.extui %sign3A_359 : i1 to i32
    %sign3A_361 = arith.subi %sign3A_357, %sign3A_360 : i32
    %sign3A_362 = arith.constant 0 : i32
    %sign3A_363 = arith.cmpi sgt, %jit3A_353, %sign3A_362 : i32
    %sign3A_364 = arith.extui %sign3A_363 : i1 to i32
    %sign3A_365 = arith.constant 0 : i32
    %sign3A_366 = arith.cmpi slt, %jit3A_353, %sign3A_365 : i32
    %sign3A_367 = arith.extui %sign3A_366 : i1 to i32
    %sign3A_368 = arith.subi %sign3A_364, %sign3A_367 : i32
    %ne3A_369 = arith.cmpi ne, %sign3A_361, %sign3A_368 : i32
    %rem3A_370 = arith.remsi %scan3A_336, %jit3A_353 : i32
    %ne3A_371 = arith.constant 0 : i32
    %ne3A_372 = arith.cmpi ne, %rem3A_370, %ne3A_371 : i32
    %and3A_373 = arith.andi %ne3A_369, %ne3A_372 : i1
    %sub3A_374 = arith.constant 1 : i32
    %sub3A_375 = arith.subi %div3A_354, %sub3A_374 : i32
    %select_n3A_376 = arith.select %and3A_373, %sub3A_375, %div3A_354 : i32
    %jit3A_377 = arith.constant 8 : i32
    %eq3A_378 = arith.constant 0 : i32
    %eq3A_379 = arith.cmpi eq, %jit3A_377, %eq3A_378 : i32
    %jit3A_380 = arith.constant 1 : i32
    %select_n3A_381 = arith.select %eq3A_379, %jit3A_380, %jit3A_377 : i32
    %rem3A_382 = arith.remsi %scan3A_336, %select_n3A_381 : i32
    %ne3A_383 = arith.constant 0 : i32
    %ne3A_384 = arith.cmpi ne, %rem3A_382, %ne3A_383 : i32
    %lt3A_385 = arith.constant 0 : i32
    %lt3A_386 = arith.cmpi slt, %rem3A_382, %lt3A_385 : i32
    %lt3A_387 = arith.constant 0 : i32
    %lt3A_388 = arith.cmpi slt, %select_n3A_381, %lt3A_387 : i32
    %ne3A_389 = arith.xori %lt3A_386, %lt3A_388 : i1
    %and3A_390 = arith.andi %ne3A_389, %ne3A_384 : i1
    %add3A_391 = arith.addi %rem3A_382, %select_n3A_381 : i32
    %select_n3A_392 = arith.select %and3A_390, %add3A_391, %rem3A_382 : i32
    %mul3A_393 = arith.constant 16 : i32
    %mul3A_394 = arith.muli %select_n3A_392, %mul3A_393 : i32
    %swap3A_395 = arith.constant 0 : i32
    %swap3A_396 = tpu.memref_slice %arg11[%select_n3A_376, %swap3A_395] : memref<2x128xi32, #tpu.memory_space<vmem>> -> memref<1x128xi32, #tpu.memory_space<vmem>>
    %swap3A_397 = tpu.memref_squeeze %swap3A_396 : memref<1x128xi32, #tpu.memory_space<vmem>> -> memref<128xi32, #tpu.memory_space<vmem>>
    %swap3A_398 = arith.index_cast %mul3A_394 : i32 to index
    %swap3A_399 = tpu.vector_load %swap3A_397[%swap3A_398] {strides = array<i32>} : memref<128xi32, #tpu.memory_space<vmem>>, vector<16xi32>,
    %swap3A_400 = vector.shape_cast %swap3A_399 : vector<16xi32> to vector<16xi32>
    %swap3A_401 = vector.shape_cast %add3A_352 : vector<16xi32> to vector<16xi32>
    tpu.vector_store %swap3A_397[%swap3A_398], %swap3A_401 {strides = array<i32>} : memref<128xi32, #tpu.memory_space<vmem>>, vector<16xi32>,
    %scan3A_402 = arith.constant 0 : i32
    %scan3A_403 = arith.constant 6 : i32
    %mul3A_404 = arith.constant 16 : i32
    %mul3A_405 = arith.muli %scan3A_403, %mul3A_404 : i32
    %get3A_406 = arith.index_cast %mul3A_405 : i32 to index
    %get3A_407 = tpu.vector_load %arg8[%get3A_406] {strides = array<i32>} : memref<256xi32, #tpu.memory_space<vmem>>, vector<16xi32>,
    %get3A_408 = vector.shape_cast %get3A_407 : vector<16xi32> to vector<16xi32>
    %add3A_409 = arith.constant 12288 : i32
    %add3A_410 = arith.addi %add3A_409, %mul3A_4 : i32
    %mul3A_411 = arith.constant 16 : i32
    %mul3A_412 = arith.muli %scan3A_403, %mul3A_411 : i32
    %add3A_413 = arith.addi %add3A_410, %mul3A_412 : i32
    %add3A_414 = vector.broadcast %add3A_413 : i32 to vector<16xi32>
    %add3A_415 = arith.addi %add3A_414, %iota3A : vector<16xi32>
    %mul3A_416 = arith.constant 1000 : i32
    %mul3A_417 = vector.broadcast %mul3A_416 : i32 to vector<16xi32>
    %mul3A_418 = arith.muli %add3A_415, %mul3A_417 : vector<16xi32>
    %add3A_419 = arith.addi %mul3A_418, %get3A_408 : vector<16xi32>
    %jit3A_420 = arith.constant 8 : i32
    %div3A_421 = arith.divsi %scan3A_403, %jit3A_420 : i32
    %sign3A_422 = arith.constant 0 : i32
    %sign3A_423 = arith.cmpi sgt, %scan3A_403, %sign3A_422 : i32
    %sign3A_424 = arith.extui %sign3A_423 : i1 to i32
    %sign3A_425 = arith.constant 0 : i32
    %sign3A_426 = arith.cmpi slt, %scan3A_403, %sign3A_425 : i32
    %sign3A_427 = arith.extui %sign3A_426 : i1 to i32
    %sign3A_428 = arith.subi %sign3A_424, %sign3A_427 : i32
    %sign3A_429 = arith.constant 0 : i32
    %sign3A_430 = arith.cmpi sgt, %jit3A_420, %sign3A_429 : i32
    %sign3A_431 = arith.extui %sign3A_430 : i1 to i32
    %sign3A_432 = arith.constant 0 : i32
    %sign3A_433 = arith.cmpi slt, %jit3A_420, %sign3A_432 : i32
    %sign3A_434 = arith.extui %sign3A_433 : i1 to i32
    %sign3A_435 = arith.subi %sign3A_431, %sign3A_434 : i32
    %ne3A_436 = arith.cmpi ne, %sign3A_428, %sign3A_435 : i32
    %rem3A_437 = arith.remsi %scan3A_403, %jit3A_420 : i32
    %ne3A_438 = arith.constant 0 : i32
    %ne3A_439 = arith.cmpi ne, %rem3A_437, %ne3A_438 : i32
    %and3A_440 = arith.andi %ne3A_436, %ne3A_439 : i1
    %sub3A_441 = arith.constant 1 : i32
    %sub3A_442 = arith.subi %div3A_421, %sub3A_441 : i32
    %select_n3A_443 = arith.select %and3A_440, %sub3A_442, %div3A_421 : i32
    %jit3A_444 = arith.constant 8 : i32
    %eq3A_445 = arith.constant 0 : i32
    %eq3A_446 = arith.cmpi eq, %jit3A_444, %eq3A_445 : i32
    %jit3A_447 = arith.constant 1 : i32
    %select_n3A_448 = arith.select %eq3A_446, %jit3A_447, %jit3A_444 : i32
    %rem3A_449 = arith.remsi %scan3A_403, %select_n3A_448 : i32
    %ne3A_450 = arith.constant 0 : i32
    %ne3A_451 = arith.cmpi ne, %rem3A_449, %ne3A_450 : i32
    %lt3A_452 = arith.constant 0 : i32
    %lt3A_453 = arith.cmpi slt, %rem3A_449, %lt3A_452 : i32
    %lt3A_454 = arith.constant 0 : i32
    %lt3A_455 = arith.cmpi slt, %select_n3A_448, %lt3A_454 : i32
    %ne3A_456 = arith.xori %lt3A_453, %lt3A_455 : i1
    %and3A_457 = arith.andi %ne3A_456, %ne3A_451 : i1
    %add3A_458 = arith.addi %rem3A_449, %select_n3A_448 : i32
    %select_n3A_459 = arith.select %and3A_457, %add3A_458, %rem3A_449 : i32
    %mul3A_460 = arith.constant 16 : i32
    %mul3A_461 = arith.muli %select_n3A_459, %mul3A_460 : i32
    %swap3A_462 = arith.constant 0 : i32
    %swap3A_463 = tpu.memref_slice %arg11[%select_n3A_443, %swap3A_462] : memref<2x128xi32, #tpu.memory_space<vmem>> -> memref<1x128xi32, #tpu.memory_space<vmem>>
    %swap3A_464 = tpu.memref_squeeze %swap3A_463 : memref<1x128xi32, #tpu.memory_space<vmem>> -> memref<128xi32, #tpu.memory_space<vmem>>
    %swap3A_465 = arith.index_cast %mul3A_461 : i32 to index
    %swap3A_466 = tpu.vector_load %swap3A_464[%swap3A_465] {strides = array<i32>} : memref<128xi32, #tpu.memory_space<vmem>>, vector<16xi32>,
    %swap3A_467 = vector.shape_cast %swap3A_466 : vector<16xi32> to vector<16xi32>
    %swap3A_468 = vector.shape_cast %add3A_419 : vector<16xi32> to vector<16xi32>
    tpu.vector_store %swap3A_464[%swap3A_465], %swap3A_468 {strides = array<i32>} : memref<128xi32, #tpu.memory_space<vmem>>, vector<16xi32>,
    %scan3A_469 = arith.constant 0 : i32
    %scan3A_470 = arith.constant 7 : i32
    %mul3A_471 = arith.constant 16 : i32
    %mul3A_472 = arith.muli %scan3A_470, %mul3A_471 : i32
    %get3A_473 = arith.index_cast %mul3A_472 : i32 to index
    %get3A_474 = tpu.vector_load %arg8[%get3A_473] {strides = array<i32>} : memref<256xi32, #tpu.memory_space<vmem>>, vector<16xi32>,
    %get3A_475 = vector.shape_cast %get3A_474 : vector<16xi32> to vector<16xi32>
    %add3A_476 = arith.constant 12288 : i32
    %add3A_477 = arith.addi %add3A_476, %mul3A_4 : i32
    %mul3A_478 = arith.constant 16 : i32
    %mul3A_479 = arith.muli %scan3A_470, %mul3A_478 : i32
    %add3A_480 = arith.addi %add3A_477, %mul3A_479 : i32
    %add3A_481 = vector.broadcast %add3A_480 : i32 to vector<16xi32>
    %add3A_482 = arith.addi %add3A_481, %iota3A : vector<16xi32>
    %mul3A_483 = arith.constant 1000 : i32
    %mul3A_484 = vector.broadcast %mul3A_483 : i32 to vector<16xi32>
    %mul3A_485 = arith.muli %add3A_482, %mul3A_484 : vector<16xi32>
    %add3A_486 = arith.addi %mul3A_485, %get3A_475 : vector<16xi32>
    %jit3A_487 = arith.constant 8 : i32
    %div3A_488 = arith.divsi %scan3A_470, %jit3A_487 : i32
    %sign3A_489 = arith.constant 0 : i32
    %sign3A_490 = arith.cmpi sgt, %scan3A_470, %sign3A_489 : i32
    %sign3A_491 = arith.extui %sign3A_490 : i1 to i32
    %sign3A_492 = arith.constant 0 : i32
    %sign3A_493 = arith.cmpi slt, %scan3A_470, %sign3A_492 : i32
    %sign3A_494 = arith.extui %sign3A_493 : i1 to i32
    %sign3A_495 = arith.subi %sign3A_491, %sign3A_494 : i32
    %sign3A_496 = arith.constant 0 : i32
    %sign3A_497 = arith.cmpi sgt, %jit3A_487, %sign3A_496 : i32
    %sign3A_498 = arith.extui %sign3A_497 : i1 to i32
    %sign3A_499 = arith.constant 0 : i32
    %sign3A_500 = arith.cmpi slt, %jit3A_487, %sign3A_499 : i32
    %sign3A_501 = arith.extui %sign3A_500 : i1 to i32
    %sign3A_502 = arith.subi %sign3A_498, %sign3A_501 : i32
    %ne3A_503 = arith.cmpi ne, %sign3A_495, %sign3A_502 : i32
    %rem3A_504 = arith.remsi %scan3A_470, %jit3A_487 : i32
    %ne3A_505 = arith.constant 0 : i32
    %ne3A_506 = arith.cmpi ne, %rem3A_504, %ne3A_505 : i32
    %and3A_507 = arith.andi %ne3A_503, %ne3A_506 : i1
    %sub3A_508 = arith.constant 1 : i32
    %sub3A_509 = arith.subi %div3A_488, %sub3A_508 : i32
    %select_n3A_510 = arith.select %and3A_507, %sub3A_509, %div3A_488 : i32
    %jit3A_511 = arith.constant 8 : i32
    %eq3A_512 = arith.constant 0 : i32
    %eq3A_513 = arith.cmpi eq, %jit3A_511, %eq3A_512 : i32
    %jit3A_514 = arith.constant 1 : i32
    %select_n3A_515 = arith.select %eq3A_513, %jit3A_514, %jit3A_511 : i32
    %rem3A_516 = arith.remsi %scan3A_470, %select_n3A_515 : i32
    %ne3A_517 = arith.constant 0 : i32
    %ne3A_518 = arith.cmpi ne, %rem3A_516, %ne3A_517 : i32
    %lt3A_519 = arith.constant 0 : i32
    %lt3A_520 = arith.cmpi slt, %rem3A_516, %lt3A_519 : i32
    %lt3A_521 = arith.constant 0 : i32
    %lt3A_522 = arith.cmpi slt, %select_n3A_515, %lt3A_521 : i32
    %ne3A_523 = arith.xori %lt3A_520, %lt3A_522 : i1
    %and3A_524 = arith.andi %ne3A_523, %ne3A_518 : i1
    %add3A_525 = arith.addi %rem3A_516, %select_n3A_515 : i32
    %select_n3A_526 = arith.select %and3A_524, %add3A_525, %rem3A_516 : i32
    %mul3A_527 = arith.constant 16 : i32
    %mul3A_528 = arith.muli %select_n3A_526, %mul3A_527 : i32
    %swap3A_529 = arith.constant 0 : i32
    %swap3A_530 = tpu.memref_slice %arg11[%select_n3A_510, %swap3A_529] : memref<2x128xi32, #tpu.memory_space<vmem>> -> memref<1x128xi32, #tpu.memory_space<vmem>>
    %swap3A_531 = tpu.memref_squeeze %swap3A_530 : memref<1x128xi32, #tpu.memory_space<vmem>> -> memref<128xi32, #tpu.memory_space<vmem>>
    %swap3A_532 = arith.index_cast %mul3A_528 : i32 to index
    %swap3A_533 = tpu.vector_load %swap3A_531[%swap3A_532] {strides = array<i32>} : memref<128xi32, #tpu.memory_space<vmem>>, vector<16xi32>,
    %swap3A_534 = vector.shape_cast %swap3A_533 : vector<16xi32> to vector<16xi32>
    %swap3A_535 = vector.shape_cast %add3A_486 : vector<16xi32> to vector<16xi32>
    tpu.vector_store %swap3A_531[%swap3A_532], %swap3A_535 {strides = array<i32>} : memref<128xi32, #tpu.memory_space<vmem>>, vector<16xi32>,
    %scan3A_536 = arith.constant 0 : i32
    %scan3A_537 = arith.constant 8 : i32
    %mul3A_538 = arith.constant 16 : i32
    %mul3A_539 = arith.muli %scan3A_537, %mul3A_538 : i32
    %get3A_540 = arith.index_cast %mul3A_539 : i32 to index
    %get3A_541 = tpu.vector_load %arg8[%get3A_540] {strides = array<i32>} : memref<256xi32, #tpu.memory_space<vmem>>, vector<16xi32>,
    %get3A_542 = vector.shape_cast %get3A_541 : vector<16xi32> to vector<16xi32>
    %add3A_543 = arith.constant 12288 : i32
    %add3A_544 = arith.addi %add3A_543, %mul3A_4 : i32
    %mul3A_545 = arith.constant 16 : i32
    %mul3A_546 = arith.muli %scan3A_537, %mul3A_545 : i32
    %add3A_547 = arith.addi %add3A_544, %mul3A_546 : i32
    %add3A_548 = vector.broadcast %add3A_547 : i32 to vector<16xi32>
    %add3A_549 = arith.addi %add3A_548, %iota3A : vector<16xi32>
    %mul3A_550 = arith.constant 1000 : i32
    %mul3A_551 = vector.broadcast %mul3A_550 : i32 to vector<16xi32>
    %mul3A_552 = arith.muli %add3A_549, %mul3A_551 : vector<16xi32>
    %add3A_553 = arith.addi %mul3A_552, %get3A_542 : vector<16xi32>
    %jit3A_554 = arith.constant 8 : i32
    %div3A_555 = arith.divsi %scan3A_537, %jit3A_554 : i32
    %sign3A_556 = arith.constant 0 : i32
    %sign3A_557 = arith.cmpi sgt, %scan3A_537, %sign3A_556 : i32
    %sign3A_558 = arith.extui %sign3A_557 : i1 to i32
    %sign3A_559 = arith.constant 0 : i32
    %sign3A_560 = arith.cmpi slt, %scan3A_537, %sign3A_559 : i32
    %sign3A_561 = arith.extui %sign3A_560 : i1 to i32
    %sign3A_562 = arith.subi %sign3A_558, %sign3A_561 : i32
    %sign3A_563 = arith.constant 0 : i32
    %sign3A_564 = arith.cmpi sgt, %jit3A_554, %sign3A_563 : i32
    %sign3A_565 = arith.extui %sign3A_564 : i1 to i32
    %sign3A_566 = arith.constant 0 : i32
    %sign3A_567 = arith.cmpi slt, %jit3A_554, %sign3A_566 : i32
    %sign3A_568 = arith.extui %sign3A_567 : i1 to i32
    %sign3A_569 = arith.subi %sign3A_565, %sign3A_568 : i32
    %ne3A_570 = arith.cmpi ne, %sign3A_562, %sign3A_569 : i32
    %rem3A_571 = arith.remsi %scan3A_537, %jit3A_554 : i32
    %ne3A_572 = arith.constant 0 : i32
    %ne3A_573 = arith.cmpi ne, %rem3A_571, %ne3A_572 : i32
    %and3A_574 = arith.andi %ne3A_570, %ne3A_573 : i1
    %sub3A_575 = arith.constant 1 : i32
    %sub3A_576 = arith.subi %div3A_555, %sub3A_575 : i32
    %select_n3A_577 = arith.select %and3A_574, %sub3A_576, %div3A_555 : i32
    %jit3A_578 = arith.constant 8 : i32
    %eq3A_579 = arith.constant 0 : i32
    %eq3A_580 = arith.cmpi eq, %jit3A_578, %eq3A_579 : i32
    %jit3A_581 = arith.constant 1 : i32
    %select_n3A_582 = arith.select %eq3A_580, %jit3A_581, %jit3A_578 : i32
    %rem3A_583 = arith.remsi %scan3A_537, %select_n3A_582 : i32
    %ne3A_584 = arith.constant 0 : i32
    %ne3A_585 = arith.cmpi ne, %rem3A_583, %ne3A_584 : i32
    %lt3A_586 = arith.constant 0 : i32
    %lt3A_587 = arith.cmpi slt, %rem3A_583, %lt3A_586 : i32
    %lt3A_588 = arith.constant 0 : i32
    %lt3A_589 = arith.cmpi slt, %select_n3A_582, %lt3A_588 : i32
    %ne3A_590 = arith.xori %lt3A_587, %lt3A_589 : i1
    %and3A_591 = arith.andi %ne3A_590, %ne3A_585 : i1
    %add3A_592 = arith.addi %rem3A_583, %select_n3A_582 : i32
    %select_n3A_593 = arith.select %and3A_591, %add3A_592, %rem3A_583 : i32
    %mul3A_594 = arith.constant 16 : i32
    %mul3A_595 = arith.muli %select_n3A_593, %mul3A_594 : i32
    %swap3A_596 = arith.constant 0 : i32
    %swap3A_597 = tpu.memref_slice %arg11[%select_n3A_577, %swap3A_596] : memref<2x128xi32, #tpu.memory_space<vmem>> -> memref<1x128xi32, #tpu.memory_space<vmem>>
    %swap3A_598 = tpu.memref_squeeze %swap3A_597 : memref<1x128xi32, #tpu.memory_space<vmem>> -> memref<128xi32, #tpu.memory_space<vmem>>
    %swap3A_599 = arith.index_cast %mul3A_595 : i32 to index
    %swap3A_600 = tpu.vector_load %swap3A_598[%swap3A_599] {strides = array<i32>} : memref<128xi32, #tpu.memory_space<vmem>>, vector<16xi32>,
    %swap3A_601 = vector.shape_cast %swap3A_600 : vector<16xi32> to vector<16xi32>
    %swap3A_602 = vector.shape_cast %add3A_553 : vector<16xi32> to vector<16xi32>
    tpu.vector_store %swap3A_598[%swap3A_599], %swap3A_602 {strides = array<i32>} : memref<128xi32, #tpu.memory_space<vmem>>, vector<16xi32>,
    %scan3A_603 = arith.constant 0 : i32
    %scan3A_604 = arith.constant 9 : i32
    %mul3A_605 = arith.constant 16 : i32
    %mul3A_606 = arith.muli %scan3A_604, %mul3A_605 : i32
    %get3A_607 = arith.index_cast %mul3A_606 : i32 to index
    %get3A_608 = tpu.vector_load %arg8[%get3A_607] {strides = array<i32>} : memref<256xi32, #tpu.memory_space<vmem>>, vector<16xi32>,
    %get3A_609 = vector.shape_cast %get3A_608 : vector<16xi32> to vector<16xi32>
    %add3A_610 = arith.constant 12288 : i32
    %add3A_611 = arith.addi %add3A_610, %mul3A_4 : i32
    %mul3A_612 = arith.constant 16 : i32
    %mul3A_613 = arith.muli %scan3A_604, %mul3A_612 : i32
    %add3A_614 = arith.addi %add3A_611, %mul3A_613 : i32
    %add3A_615 = vector.broadcast %add3A_614 : i32 to vector<16xi32>
    %add3A_616 = arith.addi %add3A_615, %iota3A : vector<16xi32>
    %mul3A_617 = arith.constant 1000 : i32
    %mul3A_618 = vector.broadcast %mul3A_617 : i32 to vector<16xi32>
    %mul3A_619 = arith.muli %add3A_616, %mul3A_618 : vector<16xi32>
    %add3A_620 = arith.addi %mul3A_619, %get3A_609 : vector<16xi32>
    %jit3A_621 = arith.constant 8 : i32
    %div3A_622 = arith.divsi %scan3A_604, %jit3A_621 : i32
    %sign3A_623 = arith.constant 0 : i32
    %sign3A_624 = arith.cmpi sgt, %scan3A_604, %sign3A_623 : i32
    %sign3A_625 = arith.extui %sign3A_624 : i1 to i32
    %sign3A_626 = arith.constant 0 : i32
    %sign3A_627 = arith.cmpi slt, %scan3A_604, %sign3A_626 : i32
    %sign3A_628 = arith.extui %sign3A_627 : i1 to i32
    %sign3A_629 = arith.subi %sign3A_625, %sign3A_628 : i32
    %sign3A_630 = arith.constant 0 : i32
    %sign3A_631 = arith.cmpi sgt, %jit3A_621, %sign3A_630 : i32
    %sign3A_632 = arith.extui %sign3A_631 : i1 to i32
    %sign3A_633 = arith.constant 0 : i32
    %sign3A_634 = arith.cmpi slt, %jit3A_621, %sign3A_633 : i32
    %sign3A_635 = arith.extui %sign3A_634 : i1 to i32
    %sign3A_636 = arith.subi %sign3A_632, %sign3A_635 : i32
    %ne3A_637 = arith.cmpi ne, %sign3A_629, %sign3A_636 : i32
    %rem3A_638 = arith.remsi %scan3A_604, %jit3A_621 : i32
    %ne3A_639 = arith.constant 0 : i32
    %ne3A_640 = arith.cmpi ne, %rem3A_638, %ne3A_639 : i32
    %and3A_641 = arith.andi %ne3A_637, %ne3A_640 : i1
    %sub3A_642 = arith.constant 1 : i32
    %sub3A_643 = arith.subi %div3A_622, %sub3A_642 : i32
    %select_n3A_644 = arith.select %and3A_641, %sub3A_643, %div3A_622 : i32
    %jit3A_645 = arith.constant 8 : i32
    %eq3A_646 = arith.constant 0 : i32
    %eq3A_647 = arith.cmpi eq, %jit3A_645, %eq3A_646 : i32
    %jit3A_648 = arith.constant 1 : i32
    %select_n3A_649 = arith.select %eq3A_647, %jit3A_648, %jit3A_645 : i32
    %rem3A_650 = arith.remsi %scan3A_604, %select_n3A_649 : i32
    %ne3A_651 = arith.constant 0 : i32
    %ne3A_652 = arith.cmpi ne, %rem3A_650, %ne3A_651 : i32
    %lt3A_653 = arith.constant 0 : i32
    %lt3A_654 = arith.cmpi slt, %rem3A_650, %lt3A_653 : i32
    %lt3A_655 = arith.constant 0 : i32
    %lt3A_656 = arith.cmpi slt, %select_n3A_649, %lt3A_655 : i32
    %ne3A_657 = arith.xori %lt3A_654, %lt3A_656 : i1
    %and3A_658 = arith.andi %ne3A_657, %ne3A_652 : i1
    %add3A_659 = arith.addi %rem3A_650, %select_n3A_649 : i32
    %select_n3A_660 = arith.select %and3A_658, %add3A_659, %rem3A_650 : i32
    %mul3A_661 = arith.constant 16 : i32
    %mul3A_662 = arith.muli %select_n3A_660, %mul3A_661 : i32
    %swap3A_663 = arith.constant 0 : i32
    %swap3A_664 = tpu.memref_slice %arg11[%select_n3A_644, %swap3A_663] : memref<2x128xi32, #tpu.memory_space<vmem>> -> memref<1x128xi32, #tpu.memory_space<vmem>>
    %swap3A_665 = tpu.memref_squeeze %swap3A_664 : memref<1x128xi32, #tpu.memory_space<vmem>> -> memref<128xi32, #tpu.memory_space<vmem>>
    %swap3A_666 = arith.index_cast %mul3A_662 : i32 to index
    %swap3A_667 = tpu.vector_load %swap3A_665[%swap3A_666] {strides = array<i32>} : memref<128xi32, #tpu.memory_space<vmem>>, vector<16xi32>,
    %swap3A_668 = vector.shape_cast %swap3A_667 : vector<16xi32> to vector<16xi32>
    %swap3A_669 = vector.shape_cast %add3A_620 : vector<16xi32> to vector<16xi32>
    tpu.vector_store %swap3A_665[%swap3A_666], %swap3A_669 {strides = array<i32>} : memref<128xi32, #tpu.memory_space<vmem>>, vector<16xi32>,
    %scan3A_670 = arith.constant 0 : i32
    %scan3A_671 = arith.constant 10 : i32
    %mul3A_672 = arith.constant 16 : i32
    %mul3A_673 = arith.muli %scan3A_671, %mul3A_672 : i32
    %get3A_674 = arith.index_cast %mul3A_673 : i32 to index
    %get3A_675 = tpu.vector_load %arg8[%get3A_674] {strides = array<i32>} : memref<256xi32, #tpu.memory_space<vmem>>, vector<16xi32>,
    %get3A_676 = vector.shape_cast %get3A_675 : vector<16xi32> to vector<16xi32>
    %add3A_677 = arith.constant 12288 : i32
    %add3A_678 = arith.addi %add3A_677, %mul3A_4 : i32
    %mul3A_679 = arith.constant 16 : i32
    %mul3A_680 = arith.muli %scan3A_671, %mul3A_679 : i32
    %add3A_681 = arith.addi %add3A_678, %mul3A_680 : i32
    %add3A_682 = vector.broadcast %add3A_681 : i32 to vector<16xi32>
    %add3A_683 = arith.addi %add3A_682, %iota3A : vector<16xi32>
    %mul3A_684 = arith.constant 1000 : i32
    %mul3A_685 = vector.broadcast %mul3A_684 : i32 to vector<16xi32>
    %mul3A_686 = arith.muli %add3A_683, %mul3A_685 : vector<16xi32>
    %add3A_687 = arith.addi %mul3A_686, %get3A_676 : vector<16xi32>
    %jit3A_688 = arith.constant 8 : i32
    %div3A_689 = arith.divsi %scan3A_671, %jit3A_688 : i32
    %sign3A_690 = arith.constant 0 : i32
    %sign3A_691 = arith.cmpi sgt, %scan3A_671, %sign3A_690 : i32
    %sign3A_692 = arith.extui %sign3A_691 : i1 to i32
    %sign3A_693 = arith.constant 0 : i32
    %sign3A_694 = arith.cmpi slt, %scan3A_671, %sign3A_693 : i32
    %sign3A_695 = arith.extui %sign3A_694 : i1 to i32
    %sign3A_696 = arith.subi %sign3A_692, %sign3A_695 : i32
    %sign3A_697 = arith.constant 0 : i32
    %sign3A_698 = arith.cmpi sgt, %jit3A_688, %sign3A_697 : i32
    %sign3A_699 = arith.extui %sign3A_698 : i1 to i32
    %sign3A_700 = arith.constant 0 : i32
    %sign3A_701 = arith.cmpi slt, %jit3A_688, %sign3A_700 : i32
    %sign3A_702 = arith.extui %sign3A_701 : i1 to i32
    %sign3A_703 = arith.subi %sign3A_699, %sign3A_702 : i32
    %ne3A_704 = arith.cmpi ne, %sign3A_696, %sign3A_703 : i32
    %rem3A_705 = arith.remsi %scan3A_671, %jit3A_688 : i32
    %ne3A_706 = arith.constant 0 : i32
    %ne3A_707 = arith.cmpi ne, %rem3A_705, %ne3A_706 : i32
    %and3A_708 = arith.andi %ne3A_704, %ne3A_707 : i1
    %sub3A_709 = arith.constant 1 : i32
    %sub3A_710 = arith.subi %div3A_689, %sub3A_709 : i32
    %select_n3A_711 = arith.select %and3A_708, %sub3A_710, %div3A_689 : i32
    %jit3A_712 = arith.constant 8 : i32
    %eq3A_713 = arith.constant 0 : i32
    %eq3A_714 = arith.cmpi eq, %jit3A_712, %eq3A_713 : i32
    %jit3A_715 = arith.constant 1 : i32
    %select_n3A_716 = arith.select %eq3A_714, %jit3A_715, %jit3A_712 : i32
    %rem3A_717 = arith.remsi %scan3A_671, %select_n3A_716 : i32
    %ne3A_718 = arith.constant 0 : i32
    %ne3A_719 = arith.cmpi ne, %rem3A_717, %ne3A_718 : i32
    %lt3A_720 = arith.constant 0 : i32
    %lt3A_721 = arith.cmpi slt, %rem3A_717, %lt3A_720 : i32
    %lt3A_722 = arith.constant 0 : i32
    %lt3A_723 = arith.cmpi slt, %select_n3A_716, %lt3A_722 : i32
    %ne3A_724 = arith.xori %lt3A_721, %lt3A_723 : i1
    %and3A_725 = arith.andi %ne3A_724, %ne3A_719 : i1
    %add3A_726 = arith.addi %rem3A_717, %select_n3A_716 : i32
    %select_n3A_727 = arith.select %and3A_725, %add3A_726, %rem3A_717 : i32
    %mul3A_728 = arith.constant 16 : i32
    %mul3A_729 = arith.muli %select_n3A_727, %mul3A_728 : i32
    %swap3A_730 = arith.constant 0 : i32
    %swap3A_731 = tpu.memref_slice %arg11[%select_n3A_711, %swap3A_730] : memref<2x128xi32, #tpu.memory_space<vmem>> -> memref<1x128xi32, #tpu.memory_space<vmem>>
    %swap3A_732 = tpu.memref_squeeze %swap3A_731 : memref<1x128xi32, #tpu.memory_space<vmem>> -> memref<128xi32, #tpu.memory_space<vmem>>
    %swap3A_733 = arith.index_cast %mul3A_729 : i32 to index
    %swap3A_734 = tpu.vector_load %swap3A_732[%swap3A_733] {strides = array<i32>} : memref<128xi32, #tpu.memory_space<vmem>>, vector<16xi32>,
    %swap3A_735 = vector.shape_cast %swap3A_734 : vector<16xi32> to vector<16xi32>
    %swap3A_736 = vector.shape_cast %add3A_687 : vector<16xi32> to vector<16xi32>
    tpu.vector_store %swap3A_732[%swap3A_733], %swap3A_736 {strides = array<i32>} : memref<128xi32, #tpu.memory_space<vmem>>, vector<16xi32>,
    %scan3A_737 = arith.constant 0 : i32
    %scan3A_738 = arith.constant 11 : i32
    %mul3A_739 = arith.constant 16 : i32
    %mul3A_740 = arith.muli %scan3A_738, %mul3A_739 : i32
    %get3A_741 = arith.index_cast %mul3A_740 : i32 to index
    %get3A_742 = tpu.vector_load %arg8[%get3A_741] {strides = array<i32>} : memref<256xi32, #tpu.memory_space<vmem>>, vector<16xi32>,
    %get3A_743 = vector.shape_cast %get3A_742 : vector<16xi32> to vector<16xi32>
    %add3A_744 = arith.constant 12288 : i32
    %add3A_745 = arith.addi %add3A_744, %mul3A_4 : i32
    %mul3A_746 = arith.constant 16 : i32
    %mul3A_747 = arith.muli %scan3A_738, %mul3A_746 : i32
    %add3A_748 = arith.addi %add3A_745, %mul3A_747 : i32
    %add3A_749 = vector.broadcast %add3A_748 : i32 to vector<16xi32>
    %add3A_750 = arith.addi %add3A_749, %iota3A : vector<16xi32>
    %mul3A_751 = arith.constant 1000 : i32
    %mul3A_752 = vector.broadcast %mul3A_751 : i32 to vector<16xi32>
    %mul3A_753 = arith.muli %add3A_750, %mul3A_752 : vector<16xi32>
    %add3A_754 = arith.addi %mul3A_753, %get3A_743 : vector<16xi32>
    %jit3A_755 = arith.constant 8 : i32
    %div3A_756 = arith.divsi %scan3A_738, %jit3A_755 : i32
    %sign3A_757 = arith.constant 0 : i32
    %sign3A_758 = arith.cmpi sgt, %scan3A_738, %sign3A_757 : i32
    %sign3A_759 = arith.extui %sign3A_758 : i1 to i32
    %sign3A_760 = arith.constant 0 : i32
    %sign3A_761 = arith.cmpi slt, %scan3A_738, %sign3A_760 : i32
    %sign3A_762 = arith.extui %sign3A_761 : i1 to i32
    %sign3A_763 = arith.subi %sign3A_759, %sign3A_762 : i32
    %sign3A_764 = arith.constant 0 : i32
    %sign3A_765 = arith.cmpi sgt, %jit3A_755, %sign3A_764 : i32
    %sign3A_766 = arith.extui %sign3A_765 : i1 to i32
    %sign3A_767 = arith.constant 0 : i32
    %sign3A_768 = arith.cmpi slt, %jit3A_755, %sign3A_767 : i32
    %sign3A_769 = arith.extui %sign3A_768 : i1 to i32
    %sign3A_770 = arith.subi %sign3A_766, %sign3A_769 : i32
    %ne3A_771 = arith.cmpi ne, %sign3A_763, %sign3A_770 : i32
    %rem3A_772 = arith.remsi %scan3A_738, %jit3A_755 : i32
    %ne3A_773 = arith.constant 0 : i32
    %ne3A_774 = arith.cmpi ne, %rem3A_772, %ne3A_773 : i32
    %and3A_775 = arith.andi %ne3A_771, %ne3A_774 : i1
    %sub3A_776 = arith.constant 1 : i32
    %sub3A_777 = arith.subi %div3A_756, %sub3A_776 : i32
    %select_n3A_778 = arith.select %and3A_775, %sub3A_777, %div3A_756 : i32
    %jit3A_779 = arith.constant 8 : i32
    %eq3A_780 = arith.constant 0 : i32
    %eq3A_781 = arith.cmpi eq, %jit3A_779, %eq3A_780 : i32
    %jit3A_782 = arith.constant 1 : i32
    %select_n3A_783 = arith.select %eq3A_781, %jit3A_782, %jit3A_779 : i32
    %rem3A_784 = arith.remsi %scan3A_738, %select_n3A_783 : i32
    %ne3A_785 = arith.constant 0 : i32
    %ne3A_786 = arith.cmpi ne, %rem3A_784, %ne3A_785 : i32
    %lt3A_787 = arith.constant 0 : i32
    %lt3A_788 = arith.cmpi slt, %rem3A_784, %lt3A_787 : i32
    %lt3A_789 = arith.constant 0 : i32
    %lt3A_790 = arith.cmpi slt, %select_n3A_783, %lt3A_789 : i32
    %ne3A_791 = arith.xori %lt3A_788, %lt3A_790 : i1
    %and3A_792 = arith.andi %ne3A_791, %ne3A_786 : i1
    %add3A_793 = arith.addi %rem3A_784, %select_n3A_783 : i32
    %select_n3A_794 = arith.select %and3A_792, %add3A_793, %rem3A_784 : i32
    %mul3A_795 = arith.constant 16 : i32
    %mul3A_796 = arith.muli %select_n3A_794, %mul3A_795 : i32
    %swap3A_797 = arith.constant 0 : i32
    %swap3A_798 = tpu.memref_slice %arg11[%select_n3A_778, %swap3A_797] : memref<2x128xi32, #tpu.memory_space<vmem>> -> memref<1x128xi32, #tpu.memory_space<vmem>>
    %swap3A_799 = tpu.memref_squeeze %swap3A_798 : memref<1x128xi32, #tpu.memory_space<vmem>> -> memref<128xi32, #tpu.memory_space<vmem>>
    %swap3A_800 = arith.index_cast %mul3A_796 : i32 to index
    %swap3A_801 = tpu.vector_load %swap3A_799[%swap3A_800] {strides = array<i32>} : memref<128xi32, #tpu.memory_space<vmem>>, vector<16xi32>,
    %swap3A_802 = vector.shape_cast %swap3A_801 : vector<16xi32> to vector<16xi32>
    %swap3A_803 = vector.shape_cast %add3A_754 : vector<16xi32> to vector<16xi32>
    tpu.vector_store %swap3A_799[%swap3A_800], %swap3A_803 {strides = array<i32>} : memref<128xi32, #tpu.memory_space<vmem>>, vector<16xi32>,
    %scan3A_804 = arith.constant 0 : i32
    %scan3A_805 = arith.constant 12 : i32
    %mul3A_806 = arith.constant 16 : i32
    %mul3A_807 = arith.muli %scan3A_805, %mul3A_806 : i32
    %get3A_808 = arith.index_cast %mul3A_807 : i32 to index
    %get3A_809 = tpu.vector_load %arg8[%get3A_808] {strides = array<i32>} : memref<256xi32, #tpu.memory_space<vmem>>, vector<16xi32>,
    %get3A_810 = vector.shape_cast %get3A_809 : vector<16xi32> to vector<16xi32>
    %add3A_811 = arith.constant 12288 : i32
    %add3A_812 = arith.addi %add3A_811, %mul3A_4 : i32
    %mul3A_813 = arith.constant 16 : i32
    %mul3A_814 = arith.muli %scan3A_805, %mul3A_813 : i32
    %add3A_815 = arith.addi %add3A_812, %mul3A_814 : i32
    %add3A_816 = vector.broadcast %add3A_815 : i32 to vector<16xi32>
    %add3A_817 = arith.addi %add3A_816, %iota3A : vector<16xi32>
    %mul3A_818 = arith.constant 1000 : i32
    %mul3A_819 = vector.broadcast %mul3A_818 : i32 to vector<16xi32>
    %mul3A_820 = arith.muli %add3A_817, %mul3A_819 : vector<16xi32>
    %add3A_821 = arith.addi %mul3A_820, %get3A_810 : vector<16xi32>
    %jit3A_822 = arith.constant 8 : i32
    %div3A_823 = arith.divsi %scan3A_805, %jit3A_822 : i32
    %sign3A_824 = arith.constant 0 : i32
    %sign3A_825 = arith.cmpi sgt, %scan3A_805, %sign3A_824 : i32
    %sign3A_826 = arith.extui %sign3A_825 : i1 to i32
    %sign3A_827 = arith.constant 0 : i32
    %sign3A_828 = arith.cmpi slt, %scan3A_805, %sign3A_827 : i32
    %sign3A_829 = arith.extui %sign3A_828 : i1 to i32
    %sign3A_830 = arith.subi %sign3A_826, %sign3A_829 : i32
    %sign3A_831 = arith.constant 0 : i32
    %sign3A_832 = arith.cmpi sgt, %jit3A_822, %sign3A_831 : i32
    %sign3A_833 = arith.extui %sign3A_832 : i1 to i32
    %sign3A_834 = arith.constant 0 : i32
    %sign3A_835 = arith.cmpi slt, %jit3A_822, %sign3A_834 : i32
    %sign3A_836 = arith.extui %sign3A_835 : i1 to i32
    %sign3A_837 = arith.subi %sign3A_833, %sign3A_836 : i32
    %ne3A_838 = arith.cmpi ne, %sign3A_830, %sign3A_837 : i32
    %rem3A_839 = arith.remsi %scan3A_805, %jit3A_822 : i32
    %ne3A_840 = arith.constant 0 : i32
    %ne3A_841 = arith.cmpi ne, %rem3A_839, %ne3A_840 : i32
    %and3A_842 = arith.andi %ne3A_838, %ne3A_841 : i1
    %sub3A_843 = arith.constant 1 : i32
    %sub3A_844 = arith.subi %div3A_823, %sub3A_843 : i32
    %select_n3A_845 = arith.select %and3A_842, %sub3A_844, %div3A_823 : i32
    %jit3A_846 = arith.constant 8 : i32
    %eq3A_847 = arith.constant 0 : i32
    %eq3A_848 = arith.cmpi eq, %jit3A_846, %eq3A_847 : i32
    %jit3A_849 = arith.constant 1 : i32
    %select_n3A_850 = arith.select %eq3A_848, %jit3A_849, %jit3A_846 : i32
    %rem3A_851 = arith.remsi %scan3A_805, %select_n3A_850 : i32
    %ne3A_852 = arith.constant 0 : i32
    %ne3A_853 = arith.cmpi ne, %rem3A_851, %ne3A_852 : i32
    %lt3A_854 = arith.constant 0 : i32
    %lt3A_855 = arith.cmpi slt, %rem3A_851, %lt3A_854 : i32
    %lt3A_856 = arith.constant 0 : i32
    %lt3A_857 = arith.cmpi slt, %select_n3A_850, %lt3A_856 : i32
    %ne3A_858 = arith.xori %lt3A_855, %lt3A_857 : i1
    %and3A_859 = arith.andi %ne3A_858, %ne3A_853 : i1
    %add3A_860 = arith.addi %rem3A_851, %select_n3A_850 : i32
    %select_n3A_861 = arith.select %and3A_859, %add3A_860, %rem3A_851 : i32
    %mul3A_862 = arith.constant 16 : i32
    %mul3A_863 = arith.muli %select_n3A_861, %mul3A_862 : i32
    %swap3A_864 = arith.constant 0 : i32
    %swap3A_865 = tpu.memref_slice %arg11[%select_n3A_845, %swap3A_864] : memref<2x128xi32, #tpu.memory_space<vmem>> -> memref<1x128xi32, #tpu.memory_space<vmem>>
    %swap3A_866 = tpu.memref_squeeze %swap3A_865 : memref<1x128xi32, #tpu.memory_space<vmem>> -> memref<128xi32, #tpu.memory_space<vmem>>
    %swap3A_867 = arith.index_cast %mul3A_863 : i32 to index
    %swap3A_868 = tpu.vector_load %swap3A_866[%swap3A_867] {strides = array<i32>} : memref<128xi32, #tpu.memory_space<vmem>>, vector<16xi32>,
    %swap3A_869 = vector.shape_cast %swap3A_868 : vector<16xi32> to vector<16xi32>
    %swap3A_870 = vector.shape_cast %add3A_821 : vector<16xi32> to vector<16xi32>
    tpu.vector_store %swap3A_866[%swap3A_867], %swap3A_870 {strides = array<i32>} : memref<128xi32, #tpu.memory_space<vmem>>, vector<16xi32>,
    %scan3A_871 = arith.constant 0 : i32
    %scan3A_872 = arith.constant 13 : i32
    %mul3A_873 = arith.constant 16 : i32
    %mul3A_874 = arith.muli %scan3A_872, %mul3A_873 : i32
    %get3A_875 = arith.index_cast %mul3A_874 : i32 to index
    %get3A_876 = tpu.vector_load %arg8[%get3A_875] {strides = array<i32>} : memref<256xi32, #tpu.memory_space<vmem>>, vector<16xi32>,
    %get3A_877 = vector.shape_cast %get3A_876 : vector<16xi32> to vector<16xi32>
    %add3A_878 = arith.constant 12288 : i32
    %add3A_879 = arith.addi %add3A_878, %mul3A_4 : i32
    %mul3A_880 = arith.constant 16 : i32
    %mul3A_881 = arith.muli %scan3A_872, %mul3A_880 : i32
    %add3A_882 = arith.addi %add3A_879, %mul3A_881 : i32
    %add3A_883 = vector.broadcast %add3A_882 : i32 to vector<16xi32>
    %add3A_884 = arith.addi %add3A_883, %iota3A : vector<16xi32>
    %mul3A_885 = arith.constant 1000 : i32
    %mul3A_886 = vector.broadcast %mul3A_885 : i32 to vector<16xi32>
    %mul3A_887 = arith.muli %add3A_884, %mul3A_886 : vector<16xi32>
    %add3A_888 = arith.addi %mul3A_887, %get3A_877 : vector<16xi32>
    %jit3A_889 = arith.constant 8 : i32
    %div3A_890 = arith.divsi %scan3A_872, %jit3A_889 : i32
    %sign3A_891 = arith.constant 0 : i32
    %sign3A_892 = arith.cmpi sgt, %scan3A_872, %sign3A_891 : i32
    %sign3A_893 = arith.extui %sign3A_892 : i1 to i32
    %sign3A_894 = arith.constant 0 : i32
    %sign3A_895 = arith.cmpi slt, %scan3A_872, %sign3A_894 : i32
    %sign3A_896 = arith.extui %sign3A_895 : i1 to i32
    %sign3A_897 = arith.subi %sign3A_893, %sign3A_896 : i32
    %sign3A_898 = arith.constant 0 : i32
    %sign3A_899 = arith.cmpi sgt, %jit3A_889, %sign3A_898 : i32
    %sign3A_900 = arith.extui %sign3A_899 : i1 to i32
    %sign3A_901 = arith.constant 0 : i32
    %sign3A_902 = arith.cmpi slt, %jit3A_889, %sign3A_901 : i32
    %sign3A_903 = arith.extui %sign3A_902 : i1 to i32
    %sign3A_904 = arith.subi %sign3A_900, %sign3A_903 : i32
    %ne3A_905 = arith.cmpi ne, %sign3A_897, %sign3A_904 : i32
    %rem3A_906 = arith.remsi %scan3A_872, %jit3A_889 : i32
    %ne3A_907 = arith.constant 0 : i32
    %ne3A_908 = arith.cmpi ne, %rem3A_906, %ne3A_907 : i32
    %and3A_909 = arith.andi %ne3A_905, %ne3A_908 : i1
    %sub3A_910 = arith.constant 1 : i32
    %sub3A_911 = arith.subi %div3A_890, %sub3A_910 : i32
    %select_n3A_912 = arith.select %and3A_909, %sub3A_911, %div3A_890 : i32
    %jit3A_913 = arith.constant 8 : i32
    %eq3A_914 = arith.constant 0 : i32
    %eq3A_915 = arith.cmpi eq, %jit3A_913, %eq3A_914 : i32
    %jit3A_916 = arith.constant 1 : i32
    %select_n3A_917 = arith.select %eq3A_915, %jit3A_916, %jit3A_913 : i32
    %rem3A_918 = arith.remsi %scan3A_872, %select_n3A_917 : i32
    %ne3A_919 = arith.constant 0 : i32
    %ne3A_920 = arith.cmpi ne, %rem3A_918, %ne3A_919 : i32
    %lt3A_921 = arith.constant 0 : i32
    %lt3A_922 = arith.cmpi slt, %rem3A_918, %lt3A_921 : i32
    %lt3A_923 = arith.constant 0 : i32
    %lt3A_924 = arith.cmpi slt, %select_n3A_917, %lt3A_923 : i32
    %ne3A_925 = arith.xori %lt3A_922, %lt3A_924 : i1
    %and3A_926 = arith.andi %ne3A_925, %ne3A_920 : i1
    %add3A_927 = arith.addi %rem3A_918, %select_n3A_917 : i32
    %select_n3A_928 = arith.select %and3A_926, %add3A_927, %rem3A_918 : i32
    %mul3A_929 = arith.constant 16 : i32
    %mul3A_930 = arith.muli %select_n3A_928, %mul3A_929 : i32
    %swap3A_931 = arith.constant 0 : i32
    %swap3A_932 = tpu.memref_slice %arg11[%select_n3A_912, %swap3A_931] : memref<2x128xi32, #tpu.memory_space<vmem>> -> memref<1x128xi32, #tpu.memory_space<vmem>>
    %swap3A_933 = tpu.memref_squeeze %swap3A_932 : memref<1x128xi32, #tpu.memory_space<vmem>> -> memref<128xi32, #tpu.memory_space<vmem>>
    %swap3A_934 = arith.index_cast %mul3A_930 : i32 to index
    %swap3A_935 = tpu.vector_load %swap3A_933[%swap3A_934] {strides = array<i32>} : memref<128xi32, #tpu.memory_space<vmem>>, vector<16xi32>,
    %swap3A_936 = vector.shape_cast %swap3A_935 : vector<16xi32> to vector<16xi32>
    %swap3A_937 = vector.shape_cast %add3A_888 : vector<16xi32> to vector<16xi32>
    tpu.vector_store %swap3A_933[%swap3A_934], %swap3A_937 {strides = array<i32>} : memref<128xi32, #tpu.memory_space<vmem>>, vector<16xi32>,
    %scan3A_938 = arith.constant 0 : i32
    %scan3A_939 = arith.constant 14 : i32
    %mul3A_940 = arith.constant 16 : i32
    %mul3A_941 = arith.muli %scan3A_939, %mul3A_940 : i32
    %get3A_942 = arith.index_cast %mul3A_941 : i32 to index
    %get3A_943 = tpu.vector_load %arg8[%get3A_942] {strides = array<i32>} : memref<256xi32, #tpu.memory_space<vmem>>, vector<16xi32>,
    %get3A_944 = vector.shape_cast %get3A_943 : vector<16xi32> to vector<16xi32>
    %add3A_945 = arith.constant 12288 : i32
    %add3A_946 = arith.addi %add3A_945, %mul3A_4 : i32
    %mul3A_947 = arith.constant 16 : i32
    %mul3A_948 = arith.muli %scan3A_939, %mul3A_947 : i32
    %add3A_949 = arith.addi %add3A_946, %mul3A_948 : i32
    %add3A_950 = vector.broadcast %add3A_949 : i32 to vector<16xi32>
    %add3A_951 = arith.addi %add3A_950, %iota3A : vector<16xi32>
    %mul3A_952 = arith.constant 1000 : i32
    %mul3A_953 = vector.broadcast %mul3A_952 : i32 to vector<16xi32>
    %mul3A_954 = arith.muli %add3A_951, %mul3A_953 : vector<16xi32>
    %add3A_955 = arith.addi %mul3A_954, %get3A_944 : vector<16xi32>
    %jit3A_956 = arith.constant 8 : i32
    %div3A_957 = arith.divsi %scan3A_939, %jit3A_956 : i32
    %sign3A_958 = arith.constant 0 : i32
    %sign3A_959 = arith.cmpi sgt, %scan3A_939, %sign3A_958 : i32
    %sign3A_960 = arith.extui %sign3A_959 : i1 to i32
    %sign3A_961 = arith.constant 0 : i32
    %sign3A_962 = arith.cmpi slt, %scan3A_939, %sign3A_961 : i32
    %sign3A_963 = arith.extui %sign3A_962 : i1 to i32
    %sign3A_964 = arith.subi %sign3A_960, %sign3A_963 : i32
    %sign3A_965 = arith.constant 0 : i32
    %sign3A_966 = arith.cmpi sgt, %jit3A_956, %sign3A_965 : i32
    %sign3A_967 = arith.extui %sign3A_966 : i1 to i32
    %sign3A_968 = arith.constant 0 : i32
    %sign3A_969 = arith.cmpi slt, %jit3A_956, %sign3A_968 : i32
    %sign3A_970 = arith.extui %sign3A_969 : i1 to i32
    %sign3A_971 = arith.subi %sign3A_967, %sign3A_970 : i32
    %ne3A_972 = arith.cmpi ne, %sign3A_964, %sign3A_971 : i32
    %rem3A_973 = arith.remsi %scan3A_939, %jit3A_956 : i32
    %ne3A_974 = arith.constant 0 : i32
    %ne3A_975 = arith.cmpi ne, %rem3A_973, %ne3A_974 : i32
    %and3A_976 = arith.andi %ne3A_972, %ne3A_975 : i1
    %sub3A_977 = arith.constant 1 : i32
    %sub3A_978 = arith.subi %div3A_957, %sub3A_977 : i32
    %select_n3A_979 = arith.select %and3A_976, %sub3A_978, %div3A_957 : i32
    %jit3A_980 = arith.constant 8 : i32
    %eq3A_981 = arith.constant 0 : i32
    %eq3A_982 = arith.cmpi eq, %jit3A_980, %eq3A_981 : i32
    %jit3A_983 = arith.constant 1 : i32
    %select_n3A_984 = arith.select %eq3A_982, %jit3A_983, %jit3A_980 : i32
    %rem3A_985 = arith.remsi %scan3A_939, %select_n3A_984 : i32
    %ne3A_986 = arith.constant 0 : i32
    %ne3A_987 = arith.cmpi ne, %rem3A_985, %ne3A_986 : i32
    %lt3A_988 = arith.constant 0 : i32
    %lt3A_989 = arith.cmpi slt, %rem3A_985, %lt3A_988 : i32
    %lt3A_990 = arith.constant 0 : i32
    %lt3A_991 = arith.cmpi slt, %select_n3A_984, %lt3A_990 : i32
    %ne3A_992 = arith.xori %lt3A_989, %lt3A_991 : i1
    %and3A_993 = arith.andi %ne3A_992, %ne3A_987 : i1
    %add3A_994 = arith.addi %rem3A_985, %select_n3A_984 : i32
    %select_n3A_995 = arith.select %and3A_993, %add3A_994, %rem3A_985 : i32
    %mul3A_996 = arith.constant 16 : i32
    %mul3A_997 = arith.muli %select_n3A_995, %mul3A_996 : i32
    %swap3A_998 = arith.constant 0 : i32
    %swap3A_999 = tpu.memref_slice %arg11[%select_n3A_979, %swap3A_998] : memref<2x128xi32, #tpu.memory_space<vmem>> -> memref<1x128xi32, #tpu.memory_space<vmem>>
    %swap3A_1000 = tpu.memref_squeeze %swap3A_999 : memref<1x128xi32, #tpu.memory_space<vmem>> -> memref<128xi32, #tpu.memory_space<vmem>>
    %swap3A_1001 = arith.index_cast %mul3A_997 : i32 to index
    %swap3A_1002 = tpu.vector_load %swap3A_1000[%swap3A_1001] {strides = array<i32>} : memref<128xi32, #tpu.memory_space<vmem>>, vector<16xi32>,
    %swap3A_1003 = vector.shape_cast %swap3A_1002 : vector<16xi32> to vector<16xi32>
    %swap3A_1004 = vector.shape_cast %add3A_955 : vector<16xi32> to vector<16xi32>
    tpu.vector_store %swap3A_1000[%swap3A_1001], %swap3A_1004 {strides = array<i32>} : memref<128xi32, #tpu.memory_space<vmem>>, vector<16xi32>,
    %scan3A_1005 = arith.constant 0 : i32
    %scan3A_1006 = arith.constant 15 : i32
    %mul3A_1007 = arith.constant 16 : i32
    %mul3A_1008 = arith.muli %scan3A_1006, %mul3A_1007 : i32
    %get3A_1009 = arith.index_cast %mul3A_1008 : i32 to index
    %get3A_1010 = tpu.vector_load %arg8[%get3A_1009] {strides = array<i32>} : memref<256xi32, #tpu.memory_space<vmem>>, vector<16xi32>,
    %get3A_1011 = vector.shape_cast %get3A_1010 : vector<16xi32> to vector<16xi32>
    %add3A_1012 = arith.constant 12288 : i32
    %add3A_1013 = arith.addi %add3A_1012, %mul3A_4 : i32
    %mul3A_1014 = arith.constant 16 : i32
    %mul3A_1015 = arith.muli %scan3A_1006, %mul3A_1014 : i32
    %add3A_1016 = arith.addi %add3A_1013, %mul3A_1015 : i32
    %add3A_1017 = vector.broadcast %add3A_1016 : i32 to vector<16xi32>
    %add3A_1018 = arith.addi %add3A_1017, %iota3A : vector<16xi32>
    %mul3A_1019 = arith.constant 1000 : i32
    %mul3A_1020 = vector.broadcast %mul3A_1019 : i32 to vector<16xi32>
    %mul3A_1021 = arith.muli %add3A_1018, %mul3A_1020 : vector<16xi32>
    %add3A_1022 = arith.addi %mul3A_1021, %get3A_1011 : vector<16xi32>
    %jit3A_1023 = arith.constant 8 : i32
    %div3A_1024 = arith.divsi %scan3A_1006, %jit3A_1023 : i32
    %sign3A_1025 = arith.constant 0 : i32
    %sign3A_1026 = arith.cmpi sgt, %scan3A_1006, %sign3A_1025 : i32
    %sign3A_1027 = arith.extui %sign3A_1026 : i1 to i32
    %sign3A_1028 = arith.constant 0 : i32
    %sign3A_1029 = arith.cmpi slt, %scan3A_1006, %sign3A_1028 : i32
    %sign3A_1030 = arith.extui %sign3A_1029 : i1 to i32
    %sign3A_1031 = arith.subi %sign3A_1027, %sign3A_1030 : i32
    %sign3A_1032 = arith.constant 0 : i32
    %sign3A_1033 = arith.cmpi sgt, %jit3A_1023, %sign3A_1032 : i32
    %sign3A_1034 = arith.extui %sign3A_1033 : i1 to i32
    %sign3A_1035 = arith.constant 0 : i32
    %sign3A_1036 = arith.cmpi slt, %jit3A_1023, %sign3A_1035 : i32
    %sign3A_1037 = arith.extui %sign3A_1036 : i1 to i32
    %sign3A_1038 = arith.subi %sign3A_1034, %sign3A_1037 : i32
    %ne3A_1039 = arith.cmpi ne, %sign3A_1031, %sign3A_1038 : i32
    %rem3A_1040 = arith.remsi %scan3A_1006, %jit3A_1023 : i32
    %ne3A_1041 = arith.constant 0 : i32
    %ne3A_1042 = arith.cmpi ne, %rem3A_1040, %ne3A_1041 : i32
    %and3A_1043 = arith.andi %ne3A_1039, %ne3A_1042 : i1
    %sub3A_1044 = arith.constant 1 : i32
    %sub3A_1045 = arith.subi %div3A_1024, %sub3A_1044 : i32
    %select_n3A_1046 = arith.select %and3A_1043, %sub3A_1045, %div3A_1024 : i32
    %jit3A_1047 = arith.constant 8 : i32
    %eq3A_1048 = arith.constant 0 : i32
    %eq3A_1049 = arith.cmpi eq, %jit3A_1047, %eq3A_1048 : i32
    %jit3A_1050 = arith.constant 1 : i32
    %select_n3A_1051 = arith.select %eq3A_1049, %jit3A_1050, %jit3A_1047 : i32
    %rem3A_1052 = arith.remsi %scan3A_1006, %select_n3A_1051 : i32
    %ne3A_1053 = arith.constant 0 : i32
    %ne3A_1054 = arith.cmpi ne, %rem3A_1052, %ne3A_1053 : i32
    %lt3A_1055 = arith.constant 0 : i32
    %lt3A_1056 = arith.cmpi slt, %rem3A_1052, %lt3A_1055 : i32
    %lt3A_1057 = arith.constant 0 : i32
    %lt3A_1058 = arith.cmpi slt, %select_n3A_1051, %lt3A_1057 : i32
    %ne3A_1059 = arith.xori %lt3A_1056, %lt3A_1058 : i1
    %and3A_1060 = arith.andi %ne3A_1059, %ne3A_1054 : i1
    %add3A_1061 = arith.addi %rem3A_1052, %select_n3A_1051 : i32
    %select_n3A_1062 = arith.select %and3A_1060, %add3A_1061, %rem3A_1052 : i32
    %mul3A_1063 = arith.constant 16 : i32
    %mul3A_1064 = arith.muli %select_n3A_1062, %mul3A_1063 : i32
    %swap3A_1065 = arith.constant 0 : i32
    %swap3A_1066 = tpu.memref_slice %arg11[%select_n3A_1046, %swap3A_1065] : memref<2x128xi32, #tpu.memory_space<vmem>> -> memref<1x128xi32, #tpu.memory_space<vmem>>
    %swap3A_1067 = tpu.memref_squeeze %swap3A_1066 : memref<1x128xi32, #tpu.memory_space<vmem>> -> memref<128xi32, #tpu.memory_space<vmem>>
    %swap3A_1068 = arith.index_cast %mul3A_1064 : i32 to index
    %swap3A_1069 = tpu.vector_load %swap3A_1067[%swap3A_1068] {strides = array<i32>} : memref<128xi32, #tpu.memory_space<vmem>>, vector<16xi32>,
    %swap3A_1070 = vector.shape_cast %swap3A_1069 : vector<16xi32> to vector<16xi32>
    %swap3A_1071 = vector.shape_cast %add3A_1022 : vector<16xi32> to vector<16xi32>
    tpu.vector_store %swap3A_1067[%swap3A_1068], %swap3A_1071 {strides = array<i32>} : memref<128xi32, #tpu.memory_space<vmem>>, vector<16xi32>,
    %scan3A_1072 = arith.constant 0 : i32
    %scan3A_1073 = arith.constant 16 : i32
    %lt3A_1074 = arith.constant 16 : i32
    %lt3A_1075 = arith.cmpi slt, %add3A, %lt3A_1074 : i32
    %convert_element_type3A = arith.extui %lt3A_1075 : i1 to i32
    %cond3A = arith.constant 0 : i32
    %cond3A_1076 = arith.cmpi ne, %convert_element_type3A, %cond3A : i32
    scf.if %cond3A_1076 {
      %dma_start3A = arith.constant 0 : i32
      %dma_start3A_1085 = arith.constant 0 : i32
      %dma_start3A_1086 = tpu.memref_slice %arg10[%dma_start3A_1085] : memref<256xf32, #tpu.memory_space<vmem>> -> memref<128xf32, #tpu.memory_space<vmem>>
      %dma_start3A_1087 = arith.constant 0 : i32
      %dma_start3A_1088 = tpu.memref_slice %arg11[%dma_start3A, %dma_start3A_1087] : memref<2x128xi32, #tpu.memory_space<vmem>> -> memref<1x128xi32, #tpu.memory_space<vmem>>
      %dma_start3A_1089 = tpu.memref_squeeze %dma_start3A_1088 : memref<1x128xi32, #tpu.memory_space<vmem>> -> memref<128xi32, #tpu.memory_space<vmem>>
      %dma_start3A_1090 = arith.constant 0 : i32
      %dma_start3A_1091 = tpu.memref_slice %arg2[%dma_start3A_1090] : memref<16384000xf32, #tpu.memory_space<hbm>> -> memref<16384000xf32, #tpu.memory_space<hbm>>
      tpu.enqueue_indirect_dma source(%dma_start3A_1091 : memref<16384000xf32, #tpu.memory_space<hbm>>) target(%dma_start3A_1086 : memref<128xf32, #tpu.memory_space<vmem>>) offsets(%dma_start3A_1089 : memref<128xi32, #tpu.memory_space<vmem>>) semaphore(%arg12 : memref<!tpu.dma_semaphore, #tpu.memory_space<semaphore_mem>>)
      %dma_wait3A = arith.constant 0 : i32
      %dma_wait3A_1092 = arith.constant 0 : i32
      %dma_wait3A_1093 = tpu.memref_slice %arg10[%dma_wait3A_1092] : memref<256xf32, #tpu.memory_space<vmem>> -> memref<128xf32, #tpu.memory_space<vmem>>
      %dma_wait3A_1094 = arith.constant 0 : i32
      %dma_wait3A_1095 = tpu.memref_slice %arg11[%dma_wait3A, %dma_wait3A_1094] : memref<2x128xi32, #tpu.memory_space<vmem>> -> memref<1x128xi32, #tpu.memory_space<vmem>>
      %dma_wait3A_1096 = tpu.memref_squeeze %dma_wait3A_1095 : memref<1x128xi32, #tpu.memory_space<vmem>> -> memref<128xi32, #tpu.memory_space<vmem>>
      %dma_wait3A_1097 = arith.constant 0 : i32
      %dma_wait3A_1098 = tpu.memref_slice %arg2[%dma_wait3A_1097] : memref<16384000xf32, #tpu.memory_space<hbm>> -> memref<16384000xf32, #tpu.memory_space<hbm>>
      tpu.wait_indirect_dma semaphore(%arg12 : memref<!tpu.dma_semaphore, #tpu.memory_space<semaphore_mem>>) src(%dma_wait3A_1098 : memref<16384000xf32, #tpu.memory_space<hbm>>) dst(%dma_wait3A_1093 : memref<128xf32, #tpu.memory_space<vmem>>)
      %dma_start3A_1099 = arith.constant 1 : i32
      %dma_start3A_1100 = arith.constant 128 : i32
      %dma_start3A_1101 = tpu.memref_slice %arg10[%dma_start3A_1100] : memref<256xf32, #tpu.memory_space<vmem>> -> memref<128xf32, #tpu.memory_space<vmem>>
      %dma_start3A_1102 = arith.constant 0 : i32
      %dma_start3A_1103 = tpu.memref_slice %arg11[%dma_start3A_1099, %dma_start3A_1102] : memref<2x128xi32, #tpu.memory_space<vmem>> -> memref<1x128xi32, #tpu.memory_space<vmem>>
      %dma_start3A_1104 = tpu.memref_squeeze %dma_start3A_1103 : memref<1x128xi32, #tpu.memory_space<vmem>> -> memref<128xi32, #tpu.memory_space<vmem>>
      %dma_start3A_1105 = arith.constant 0 : i32
      %dma_start3A_1106 = tpu.memref_slice %arg2[%dma_start3A_1105] : memref<16384000xf32, #tpu.memory_space<hbm>> -> memref<16384000xf32, #tpu.memory_space<hbm>>
      tpu.enqueue_indirect_dma source(%dma_start3A_1106 : memref<16384000xf32, #tpu.memory_space<hbm>>) target(%dma_start3A_1101 : memref<128xf32, #tpu.memory_space<vmem>>) offsets(%dma_start3A_1104 : memref<128xi32, #tpu.memory_space<vmem>>) semaphore(%arg12 : memref<!tpu.dma_semaphore, #tpu.memory_space<semaphore_mem>>)
      %dma_wait3A_1107 = arith.constant 1 : i32
      %dma_wait3A_1108 = arith.constant 128 : i32
      %dma_wait3A_1109 = tpu.memref_slice %arg10[%dma_wait3A_1108] : memref<256xf32, #tpu.memory_space<vmem>> -> memref<128xf32, #tpu.memory_space<vmem>>
      %dma_wait3A_1110 = arith.constant 0 : i32
      %dma_wait3A_1111 = tpu.memref_slice %arg11[%dma_wait3A_1107, %dma_wait3A_1110] : memref<2x128xi32, #tpu.memory_space<vmem>> -> memref<1x128xi32, #tpu.memory_space<vmem>>
      %dma_wait3A_1112 = tpu.memref_squeeze %dma_wait3A_1111 : memref<1x128xi32, #tpu.memory_space<vmem>> -> memref<128xi32, #tpu.memory_space<vmem>>
      %dma_wait3A_1113 = arith.constant 0 : i32
      %dma_wait3A_1114 = tpu.memref_slice %arg2[%dma_wait3A_1113] : memref<16384000xf32, #tpu.memory_space<hbm>> -> memref<16384000xf32, #tpu.memory_space<hbm>>
      tpu.wait_indirect_dma semaphore(%arg12 : memref<!tpu.dma_semaphore, #tpu.memory_space<semaphore_mem>>) src(%dma_wait3A_1114 : memref<16384000xf32, #tpu.memory_space<hbm>>) dst(%dma_wait3A_1109 : memref<128xf32, #tpu.memory_space<vmem>>)
      %scan3A_1115 = arith.constant 0 : i32
      %scan3A_1116 = arith.constant 0 : i32
      %scan3A_1117 = arith.constant 16 : i32
      %scan3A_1118 = arith.addi %scan3A_1116, %scan3A_1117 : i32
      %scan3A_1119 = arith.constant 1 : i32
      %scan3A_1120 = scf.for %scan3A_1122 = %scan3A_1116 to %scan3A_1118 step %scan3A_1119 iter_args(%scan3A_1123 = %scan3A_1115) -> (i32)  : i32 {
        %add3A_1124 = arith.constant 12288 : i32
        %add3A_1125 = arith.addi %add3A_1124, %mul3A_4 : i32
        %mul3A_1126 = arith.constant 16 : i32
        %mul3A_1127 = arith.muli %scan3A_1122, %mul3A_1126 : i32
        %add3A_1128 = arith.addi %add3A_1125, %mul3A_1127 : i32
        %mul3A_1129 = arith.constant 1000 : i32
        %mul3A_1130 = arith.muli %add3A_1128, %mul3A_1129 : i32
        %dma_start3A_1131 = tpu.memref_slice %arg2[%mul3A_1130] : memref<16384000xf32, #tpu.memory_space<hbm>> -> memref<16000xf32, #tpu.memory_space<hbm>>
        %dma_start3A_1132 = tpu.memref_slice %arg2[%mul3A_1130] : memref<16384000xf32, #tpu.memory_space<hbm>> -> memref<16000xf32, #tpu.memory_space<hbm>>
        tpu.enqueue_dma source(%dma_start3A_1132 : memref<16000xf32, #tpu.memory_space<hbm>>) target(%arg7 : memref<16000xf32, #tpu.memory_space<vmem>>) target_semaphore(%arg12 : memref<!tpu.dma_semaphore, #tpu.memory_space<semaphore_mem>>)
        %dma_wait3A_1133 = tpu.memref_slice %arg2[%mul3A_1130] : memref<16384000xf32, #tpu.memory_space<hbm>> -> memref<16000xf32, #tpu.memory_space<hbm>>
        %dma_wait3A_1134 = tpu.memref_slice %arg2[%mul3A_1130] : memref<16384000xf32, #tpu.memory_space<hbm>> -> memref<16000xf32, #tpu.memory_space<hbm>>
        tpu.wait_dma2 semaphore(%arg12 : memref<!tpu.dma_semaphore, #tpu.memory_space<semaphore_mem>>) src(%dma_wait3A_1134 : memref<16000xf32, #tpu.memory_space<hbm>>) dst(%arg7 : memref<16000xf32, #tpu.memory_space<vmem>>)
        %broadcast_in_dim3A = arith.constant 0.000000e+00 : f32
        %broadcast_in_dim3A_1135 = vector.broadcast %broadcast_in_dim3A : f32 to vector<16xf32>
        %scan3A_1136 = arith.constant 0 : i32
        %scan3A_1137 = arith.constant 8 : i32
        %scan3A_1138 = arith.addi %scan3A_1136, %scan3A_1137 : i32
        %scan3A_1139 = arith.constant 1 : i32
        %scan3A_1140 = scf.for %scan3A_1149 = %scan3A_1136 to %scan3A_1138 step %scan3A_1139 iter_args(%scan3A_1150 = %broadcast_in_dim3A_1135) -> (vector<16xf32>)  : i32 {
          %mul3A_1151 = arith.constant 2 : i32
          %mul3A_1152 = arith.muli %scan3A_1149, %mul3A_1151 : i32
          %mul3A_1153 = arith.constant 1000 : i32
          %mul3A_1154 = arith.muli %mul3A_1152, %mul3A_1153 : i32
          %broadcast_in_dim3A_1155 = arith.constant 0.000000e+00 : f32
          %broadcast_in_dim3A_1156 = vector.broadcast %broadcast_in_dim3A_1155 : f32 to vector<16xf32>
          %broadcast_in_dim3A_1157 = arith.constant 0.000000e+00 : f32
          %broadcast_in_dim3A_1158 = vector.broadcast %broadcast_in_dim3A_1157 : f32 to vector<16xf32>
          %broadcast_in_dim3A_1159 = arith.constant 0.000000e+00 : f32
          %broadcast_in_dim3A_1160 = vector.broadcast %broadcast_in_dim3A_1159 : f32 to vector<16xf32>
          %add3A_1161 = arith.constant 0 : i32
          %add3A_1162 = arith.addi %mul3A_1154, %add3A_1161 : i32
          %get3A_1163 = arith.index_cast %add3A_1162 : i32 to index
          %get3A_1164 = tpu.vector_load %arg7[%get3A_1163] {strides = array<i32>} : memref<16000xf32, #tpu.memory_space<vmem>>, vector<16xf32>,
          %get3A_1165 = vector.shape_cast %get3A_1164 : vector<16xf32> to vector<16xf32>
          %exp3A = math.exp %get3A_1165 : vector<16xf32>
          %add3A_1166 = arith.addf %broadcast_in_dim3A_1156, %exp3A : vector<16xf32>
          %add3A_1167 = arith.constant 16 : i32
          %add3A_1168 = arith.addi %mul3A_1154, %add3A_1167 : i32
          %get3A_1169 = arith.index_cast %add3A_1168 : i32 to index
          %get3A_1170 = tpu.vector_load %arg7[%get3A_1169] {strides = array<i32>} : memref<16000xf32, #tpu.memory_space<vmem>>, vector<16xf32>,
          %get3A_1171 = vector.shape_cast %get3A_1170 : vector<16xf32> to vector<16xf32>
          %exp3A_1172 = math.exp %get3A_1171 : vector<16xf32>
          %add3A_1173 = arith.addf %add3A_1166, %exp3A_1172 : vector<16xf32>
          %add3A_1174 = arith.constant 32 : i32
          %add3A_1175 = arith.addi %mul3A_1154, %add3A_1174 : i32
          %get3A_1176 = arith.index_cast %add3A_1175 : i32 to index
          %get3A_1177 = tpu.vector_load %arg7[%get3A_1176] {strides = array<i32>} : memref<16000xf32, #tpu.memory_space<vmem>>, vector<16xf32>,
          %get3A_1178 = vector.shape_cast %get3A_1177 : vector<16xf32> to vector<16xf32>
          %exp3A_1179 = math.exp %get3A_1178 : vector<16xf32>
          %add3A_1180 = arith.addf %add3A_1173, %exp3A_1179 : vector<16xf32>
          %add3A_1181 = arith.constant 48 : i32
          %add3A_1182 = arith.addi %mul3A_1154, %add3A_1181 : i32
          %get3A_1183 = arith.index_cast %add3A_1182 : i32 to index
          %get3A_1184 = tpu.vector_load %arg7[%get3A_1183] {strides = array<i32>} : memref<16000xf32, #tpu.memory_space<vmem>>, vector<16xf32>,
          %get3A_1185 = vector.shape_cast %get3A_1184 : vector<16xf32> to vector<16xf32>
          %exp3A_1186 = math.exp %get3A_1185 : vector<16xf32>
          %add3A_1187 = arith.addf %add3A_1180, %exp3A_1186 : vector<16xf32>
          %add3A_1188 = arith.constant 64 : i32
          %add3A_1189 = arith.addi %mul3A_1154, %add3A_1188 : i32
          %get3A_1190 = arith.index_cast %add3A_1189 : i32 to index
          %get3A_1191 = tpu.vector_load %arg7[%get3A_1190] {strides = array<i32>} : memref<16000xf32, #tpu.memory_space<vmem>>, vector<16xf32>,
          %get3A_1192 = vector.shape_cast %get3A_1191 : vector<16xf32> to vector<16xf32>
          %exp3A_1193 = math.exp %get3A_1192 : vector<16xf32>
          %add3A_1194 = arith.addf %add3A_1187, %exp3A_1193 : vector<16xf32>
          %add3A_1195 = arith.constant 80 : i32
          %add3A_1196 = arith.addi %mul3A_1154, %add3A_1195 : i32
          %get3A_1197 = arith.index_cast %add3A_1196 : i32 to index
          %get3A_1198 = tpu.vector_load %arg7[%get3A_1197] {strides = array<i32>} : memref<16000xf32, #tpu.memory_space<vmem>>, vector<16xf32>,
          %get3A_1199 = vector.shape_cast %get3A_1198 : vector<16xf32> to vector<16xf32>
          %exp3A_1200 = math.exp %get3A_1199 : vector<16xf32>
          %add3A_1201 = arith.addf %add3A_1194, %exp3A_1200 : vector<16xf32>
          %add3A_1202 = arith.constant 96 : i32
          %add3A_1203 = arith.addi %mul3A_1154, %add3A_1202 : i32
          %get3A_1204 = arith.index_cast %add3A_1203 : i32 to index
          %get3A_1205 = tpu.vector_load %arg7[%get3A_1204] {strides = array<i32>} : memref<16000xf32, #tpu.memory_space<vmem>>, vector<16xf32>,
          %get3A_1206 = vector.shape_cast %get3A_1205 : vector<16xf32> to vector<16xf32>
          %exp3A_1207 = math.exp %get3A_1206 : vector<16xf32>
          %add3A_1208 = arith.addf %add3A_1201, %exp3A_1207 : vector<16xf32>
          %add3A_1209 = arith.constant 112 : i32
          %add3A_1210 = arith.addi %mul3A_1154, %add3A_1209 : i32
          %get3A_1211 = arith.index_cast %add3A_1210 : i32 to index
          %get3A_1212 = tpu.vector_load %arg7[%get3A_1211] {strides = array<i32>} : memref<16000xf32, #tpu.memory_space<vmem>>, vector<16xf32>,
          %get3A_1213 = vector.shape_cast %get3A_1212 : vector<16xf32> to vector<16xf32>
          %exp3A_1214 = math.exp %get3A_1213 : vector<16xf32>
          %add3A_1215 = arith.addf %add3A_1208, %exp3A_1214 : vector<16xf32>
          %add3A_1216 = arith.constant 128 : i32
          %add3A_1217 = arith.addi %mul3A_1154, %add3A_1216 : i32
          %get3A_1218 = arith.index_cast %add3A_1217 : i32 to index
          %get3A_1219 = tpu.vector_load %arg7[%get3A_1218] {strides = array<i32>} : memref<16000xf32, #tpu.memory_space<vmem>>, vector<16xf32>,
          %get3A_1220 = vector.shape_cast %get3A_1219 : vector<16xf32> to vector<16xf32>
          %exp3A_1221 = math.exp %get3A_1220 : vector<16xf32>
          %add3A_1222 = arith.addf %add3A_1215, %exp3A_1221 : vector<16xf32>
          %add3A_1223 = arith.constant 144 : i32
          %add3A_1224 = arith.addi %mul3A_1154, %add3A_1223 : i32
          %get3A_1225 = arith.index_cast %add3A_1224 : i32 to index
          %get3A_1226 = tpu.vector_load %arg7[%get3A_1225] {strides = array<i32>} : memref<16000xf32, #tpu.memory_space<vmem>>, vector<16xf32>,
          %get3A_1227 = vector.shape_cast %get3A_1226 : vector<16xf32> to vector<16xf32>
          %exp3A_1228 = math.exp %get3A_1227 : vector<16xf32>
          %add3A_1229 = arith.addf %add3A_1222, %exp3A_1228 : vector<16xf32>
          %add3A_1230 = arith.constant 160 : i32
          %add3A_1231 = arith.addi %mul3A_1154, %add3A_1230 : i32
          %get3A_1232 = arith.index_cast %add3A_1231 : i32 to index
          %get3A_1233 = tpu.vector_load %arg7[%get3A_1232] {strides = array<i32>} : memref<16000xf32, #tpu.memory_space<vmem>>, vector<16xf32>,
          %get3A_1234 = vector.shape_cast %get3A_1233 : vector<16xf32> to vector<16xf32>
          %exp3A_1235 = math.exp %get3A_1234 : vector<16xf32>
          %add3A_1236 = arith.addf %add3A_1229, %exp3A_1235 : vector<16xf32>
          %add3A_1237 = arith.constant 176 : i32
          %add3A_1238 = arith.addi %mul3A_1154, %add3A_1237 : i32
          %get3A_1239 = arith.index_cast %add3A_1238 : i32 to index
          %get3A_1240 = tpu.vector_load %arg7[%get3A_1239] {strides = array<i32>} : memref<16000xf32, #tpu.memory_space<vmem>>, vector<16xf32>,
          %get3A_1241 = vector.shape_cast %get3A_1240 : vector<16xf32> to vector<16xf32>
          %exp3A_1242 = math.exp %get3A_1241 : vector<16xf32>
          %add3A_1243 = arith.addf %add3A_1236, %exp3A_1242 : vector<16xf32>
          %add3A_1244 = arith.constant 192 : i32
          %add3A_1245 = arith.addi %mul3A_1154, %add3A_1244 : i32
          %get3A_1246 = arith.index_cast %add3A_1245 : i32 to index
          %get3A_1247 = tpu.vector_load %arg7[%get3A_1246] {strides = array<i32>} : memref<16000xf32, #tpu.memory_space<vmem>>, vector<16xf32>,
          %get3A_1248 = vector.shape_cast %get3A_1247 : vector<16xf32> to vector<16xf32>
          %exp3A_1249 = math.exp %get3A_1248 : vector<16xf32>
          %add3A_1250 = arith.addf %add3A_1243, %exp3A_1249 : vector<16xf32>
          %add3A_1251 = arith.constant 208 : i32
          %add3A_1252 = arith.addi %mul3A_1154, %add3A_1251 : i32
          %get3A_1253 = arith.index_cast %add3A_1252 : i32 to index
          %get3A_1254 = tpu.vector_load %arg7[%get3A_1253] {strides = array<i32>} : memref<16000xf32, #tpu.memory_space<vmem>>, vector<16xf32>,
          %get3A_1255 = vector.shape_cast %get3A_1254 : vector<16xf32> to vector<16xf32>
          %exp3A_1256 = math.exp %get3A_1255 : vector<16xf32>
          %add3A_1257 = arith.addf %add3A_1250, %exp3A_1256 : vector<16xf32>
          %add3A_1258 = arith.constant 224 : i32
          %add3A_1259 = arith.addi %mul3A_1154, %add3A_1258 : i32
          %get3A_1260 = arith.index_cast %add3A_1259 : i32 to index
          %get3A_1261 = tpu.vector_load %arg7[%get3A_1260] {strides = array<i32>} : memref<16000xf32, #tpu.memory_space<vmem>>, vector<16xf32>,
          %get3A_1262 = vector.shape_cast %get3A_1261 : vector<16xf32> to vector<16xf32>
          %exp3A_1263 = math.exp %get3A_1262 : vector<16xf32>
          %add3A_1264 = arith.addf %add3A_1257, %exp3A_1263 : vector<16xf32>
          %add3A_1265 = arith.constant 240 : i32
          %add3A_1266 = arith.addi %mul3A_1154, %add3A_1265 : i32
          %get3A_1267 = arith.index_cast %add3A_1266 : i32 to index
          %get3A_1268 = tpu.vector_load %arg7[%get3A_1267] {strides = array<i32>} : memref<16000xf32, #tpu.memory_space<vmem>>, vector<16xf32>,
          %get3A_1269 = vector.shape_cast %get3A_1268 : vector<16xf32> to vector<16xf32>
          %exp3A_1270 = math.exp %get3A_1269 : vector<16xf32>
          %add3A_1271 = arith.addf %add3A_1264, %exp3A_1270 : vector<16xf32>
          %add3A_1272 = arith.constant 256 : i32
          %add3A_1273 = arith.addi %mul3A_1154, %add3A_1272 : i32
          %get3A_1274 = arith.index_cast %add3A_1273 : i32 to index
          %get3A_1275 = tpu.vector_load %arg7[%get3A_1274] {strides = array<i32>} : memref<16000xf32, #tpu.memory_space<vmem>>, vector<16xf32>,
          %get3A_1276 = vector.shape_cast %get3A_1275 : vector<16xf32> to vector<16xf32>
          %exp3A_1277 = math.exp %get3A_1276 : vector<16xf32>
          %add3A_1278 = arith.addf %add3A_1271, %exp3A_1277 : vector<16xf32>
          %add3A_1279 = arith.constant 272 : i32
          %add3A_1280 = arith.addi %mul3A_1154, %add3A_1279 : i32
          %get3A_1281 = arith.index_cast %add3A_1280 : i32 to index
          %get3A_1282 = tpu.vector_load %arg7[%get3A_1281] {strides = array<i32>} : memref<16000xf32, #tpu.memory_space<vmem>>, vector<16xf32>,
          %get3A_1283 = vector.shape_cast %get3A_1282 : vector<16xf32> to vector<16xf32>
          %exp3A_1284 = math.exp %get3A_1283 : vector<16xf32>
          %add3A_1285 = arith.addf %add3A_1278, %exp3A_1284 : vector<16xf32>
          %add3A_1286 = arith.constant 288 : i32
          %add3A_1287 = arith.addi %mul3A_1154, %add3A_1286 : i32
          %get3A_1288 = arith.index_cast %add3A_1287 : i32 to index
          %get3A_1289 = tpu.vector_load %arg7[%get3A_1288] {strides = array<i32>} : memref<16000xf32, #tpu.memory_space<vmem>>, vector<16xf32>,
          %get3A_1290 = vector.shape_cast %get3A_1289 : vector<16xf32> to vector<16xf32>
          %exp3A_1291 = math.exp %get3A_1290 : vector<16xf32>
          %add3A_1292 = arith.addf %add3A_1285, %exp3A_1291 : vector<16xf32>
          %add3A_1293 = arith.constant 304 : i32
          %add3A_1294 = arith.addi %mul3A_1154, %add3A_1293 : i32
          %get3A_1295 = arith.index_cast %add3A_1294 : i32 to index
          %get3A_1296 = tpu.vector_load %arg7[%get3A_1295] {strides = array<i32>} : memref<16000xf32, #tpu.memory_space<vmem>>, vector<16xf32>,
          %get3A_1297 = vector.shape_cast %get3A_1296 : vector<16xf32> to vector<16xf32>
          %exp3A_1298 = math.exp %get3A_1297 : vector<16xf32>
          %add3A_1299 = arith.addf %add3A_1292, %exp3A_1298 : vector<16xf32>
          %add3A_1300 = arith.constant 320 : i32
          %add3A_1301 = arith.addi %mul3A_1154, %add3A_1300 : i32
          %get3A_1302 = arith.index_cast %add3A_1301 : i32 to index
          %get3A_1303 = tpu.vector_load %arg7[%get3A_1302] {strides = array<i32>} : memref<16000xf32, #tpu.memory_space<vmem>>, vector<16xf32>,
          %get3A_1304 = vector.shape_cast %get3A_1303 : vector<16xf32> to vector<16xf32>
          %exp3A_1305 = math.exp %get3A_1304 : vector<16xf32>
          %add3A_1306 = arith.addf %add3A_1299, %exp3A_1305 : vector<16xf32>
          %add3A_1307 = arith.constant 336 : i32
          %add3A_1308 = arith.addi %mul3A_1154, %add3A_1307 : i32
          %get3A_1309 = arith.index_cast %add3A_1308 : i32 to index
          %get3A_1310 = tpu.vector_load %arg7[%get3A_1309] {strides = array<i32>} : memref<16000xf32, #tpu.memory_space<vmem>>, vector<16xf32>,
          %get3A_1311 = vector.shape_cast %get3A_1310 : vector<16xf32> to vector<16xf32>
          %exp3A_1312 = math.exp %get3A_1311 : vector<16xf32>
          %add3A_1313 = arith.addf %add3A_1306, %exp3A_1312 : vector<16xf32>
          %add3A_1314 = arith.constant 352 : i32
          %add3A_1315 = arith.addi %mul3A_1154, %add3A_1314 : i32
          %get3A_1316 = arith.index_cast %add3A_1315 : i32 to index
          %get3A_1317 = tpu.vector_load %arg7[%get3A_1316] {strides = array<i32>} : memref<16000xf32, #tpu.memory_space<vmem>>, vector<16xf32>,
          %get3A_1318 = vector.shape_cast %get3A_1317 : vector<16xf32> to vector<16xf32>
          %exp3A_1319 = math.exp %get3A_1318 : vector<16xf32>
          %add3A_1320 = arith.addf %add3A_1313, %exp3A_1319 : vector<16xf32>
          %add3A_1321 = arith.constant 368 : i32
          %add3A_1322 = arith.addi %mul3A_1154, %add3A_1321 : i32
          %get3A_1323 = arith.index_cast %add3A_1322 : i32 to index
          %get3A_1324 = tpu.vector_load %arg7[%get3A_1323] {strides = array<i32>} : memref<16000xf32, #tpu.memory_space<vmem>>, vector<16xf32>,
          %get3A_1325 = vector.shape_cast %get3A_1324 : vector<16xf32> to vector<16xf32>
          %exp3A_1326 = math.exp %get3A_1325 : vector<16xf32>
          %add3A_1327 = arith.addf %add3A_1320, %exp3A_1326 : vector<16xf32>
          %add3A_1328 = arith.constant 384 : i32
          %add3A_1329 = arith.addi %mul3A_1154, %add3A_1328 : i32
          %get3A_1330 = arith.index_cast %add3A_1329 : i32 to index
          %get3A_1331 = tpu.vector_load %arg7[%get3A_1330] {strides = array<i32>} : memref<16000xf32, #tpu.memory_space<vmem>>, vector<16xf32>,
          %get3A_1332 = vector.shape_cast %get3A_1331 : vector<16xf32> to vector<16xf32>
          %exp3A_1333 = math.exp %get3A_1332 : vector<16xf32>
          %add3A_1334 = arith.addf %add3A_1327, %exp3A_1333 : vector<16xf32>
          %add3A_1335 = arith.constant 400 : i32
          %add3A_1336 = arith.addi %mul3A_1154, %add3A_1335 : i32
          %get3A_1337 = arith.index_cast %add3A_1336 : i32 to index
          %get3A_1338 = tpu.vector_load %arg7[%get3A_1337] {strides = array<i32>} : memref<16000xf32, #tpu.memory_space<vmem>>, vector<16xf32>,
          %get3A_1339 = vector.shape_cast %get3A_1338 : vector<16xf32> to vector<16xf32>
          %exp3A_1340 = math.exp %get3A_1339 : vector<16xf32>
          %add3A_1341 = arith.addf %add3A_1334, %exp3A_1340 : vector<16xf32>
          %add3A_1342 = arith.constant 416 : i32
          %add3A_1343 = arith.addi %mul3A_1154, %add3A_1342 : i32
          %get3A_1344 = arith.index_cast %add3A_1343 : i32 to index
          %get3A_1345 = tpu.vector_load %arg7[%get3A_1344] {strides = array<i32>} : memref<16000xf32, #tpu.memory_space<vmem>>, vector<16xf32>,
          %get3A_1346 = vector.shape_cast %get3A_1345 : vector<16xf32> to vector<16xf32>
          %exp3A_1347 = math.exp %get3A_1346 : vector<16xf32>
          %add3A_1348 = arith.addf %add3A_1341, %exp3A_1347 : vector<16xf32>
          %add3A_1349 = arith.constant 432 : i32
          %add3A_1350 = arith.addi %mul3A_1154, %add3A_1349 : i32
          %get3A_1351 = arith.index_cast %add3A_1350 : i32 to index
          %get3A_1352 = tpu.vector_load %arg7[%get3A_1351] {strides = array<i32>} : memref<16000xf32, #tpu.memory_space<vmem>>, vector<16xf32>,
          %get3A_1353 = vector.shape_cast %get3A_1352 : vector<16xf32> to vector<16xf32>
          %exp3A_1354 = math.exp %get3A_1353 : vector<16xf32>
          %add3A_1355 = arith.addf %add3A_1348, %exp3A_1354 : vector<16xf32>
          %add3A_1356 = arith.constant 448 : i32
          %add3A_1357 = arith.addi %mul3A_1154, %add3A_1356 : i32
          %get3A_1358 = arith.index_cast %add3A_1357 : i32 to index
          %get3A_1359 = tpu.vector_load %arg7[%get3A_1358] {strides = array<i32>} : memref<16000xf32, #tpu.memory_space<vmem>>, vector<16xf32>,
          %get3A_1360 = vector.shape_cast %get3A_1359 : vector<16xf32> to vector<16xf32>
          %exp3A_1361 = math.exp %get3A_1360 : vector<16xf32>
          %add3A_1362 = arith.addf %add3A_1355, %exp3A_1361 : vector<16xf32>
          %add3A_1363 = arith.constant 464 : i32
          %add3A_1364 = arith.addi %mul3A_1154, %add3A_1363 : i32
          %get3A_1365 = arith.index_cast %add3A_1364 : i32 to index
          %get3A_1366 = tpu.vector_load %arg7[%get3A_1365] {strides = array<i32>} : memref<16000xf32, #tpu.memory_space<vmem>>, vector<16xf32>,
          %get3A_1367 = vector.shape_cast %get3A_1366 : vector<16xf32> to vector<16xf32>
          %exp3A_1368 = math.exp %get3A_1367 : vector<16xf32>
          %add3A_1369 = arith.addf %add3A_1362, %exp3A_1368 : vector<16xf32>
          %add3A_1370 = arith.constant 480 : i32
          %add3A_1371 = arith.addi %mul3A_1154, %add3A_1370 : i32
          %get3A_1372 = arith.index_cast %add3A_1371 : i32 to index
          %get3A_1373 = tpu.vector_load %arg7[%get3A_1372] {strides = array<i32>} : memref<16000xf32, #tpu.memory_space<vmem>>, vector<16xf32>,
          %get3A_1374 = vector.shape_cast %get3A_1373 : vector<16xf32> to vector<16xf32>
          %exp3A_1375 = math.exp %get3A_1374 : vector<16xf32>
          %add3A_1376 = arith.addf %add3A_1369, %exp3A_1375 : vector<16xf32>
          %add3A_1377 = arith.constant 496 : i32
          %add3A_1378 = arith.addi %mul3A_1154, %add3A_1377 : i32
          %get3A_1379 = arith.index_cast %add3A_1378 : i32 to index
          %get3A_1380 = tpu.vector_load %arg7[%get3A_1379] {strides = array<i32>} : memref<16000xf32, #tpu.memory_space<vmem>>, vector<16xf32>,
          %get3A_1381 = vector.shape_cast %get3A_1380 : vector<16xf32> to vector<16xf32>
          %exp3A_1382 = math.exp %get3A_1381 : vector<16xf32>
          %add3A_1383 = arith.addf %add3A_1376, %exp3A_1382 : vector<16xf32>
          %add3A_1384 = arith.constant 512 : i32
          %add3A_1385 = arith.addi %mul3A_1154, %add3A_1384 : i32
          %get3A_1386 = arith.index_cast %add3A_1385 : i32 to index
          %get3A_1387 = tpu.vector_load %arg7[%get3A_1386] {strides = array<i32>} : memref<16000xf32, #tpu.memory_space<vmem>>, vector<16xf32>,
          %get3A_1388 = vector.shape_cast %get3A_1387 : vector<16xf32> to vector<16xf32>
          %exp3A_1389 = math.exp %get3A_1388 : vector<16xf32>
          %add3A_1390 = arith.addf %add3A_1383, %exp3A_1389 : vector<16xf32>
          %add3A_1391 = arith.constant 528 : i32
          %add3A_1392 = arith.addi %mul3A_1154, %add3A_1391 : i32
          %get3A_1393 = arith.index_cast %add3A_1392 : i32 to index
          %get3A_1394 = tpu.vector_load %arg7[%get3A_1393] {strides = array<i32>} : memref<16000xf32, #tpu.memory_space<vmem>>, vector<16xf32>,
          %get3A_1395 = vector.shape_cast %get3A_1394 : vector<16xf32> to vector<16xf32>
          %exp3A_1396 = math.exp %get3A_1395 : vector<16xf32>
          %add3A_1397 = arith.addf %add3A_1390, %exp3A_1396 : vector<16xf32>
          %add3A_1398 = arith.constant 544 : i32
          %add3A_1399 = arith.addi %mul3A_1154, %add3A_1398 : i32
          %get3A_1400 = arith.index_cast %add3A_1399 : i32 to index
          %get3A_1401 = tpu.vector_load %arg7[%get3A_1400] {strides = array<i32>} : memref<16000xf32, #tpu.memory_space<vmem>>, vector<16xf32>,
          %get3A_1402 = vector.shape_cast %get3A_1401 : vector<16xf32> to vector<16xf32>
          %exp3A_1403 = math.exp %get3A_1402 : vector<16xf32>
          %add3A_1404 = arith.addf %add3A_1397, %exp3A_1403 : vector<16xf32>
          %add3A_1405 = arith.constant 560 : i32
          %add3A_1406 = arith.addi %mul3A_1154, %add3A_1405 : i32
          %get3A_1407 = arith.index_cast %add3A_1406 : i32 to index
          %get3A_1408 = tpu.vector_load %arg7[%get3A_1407] {strides = array<i32>} : memref<16000xf32, #tpu.memory_space<vmem>>, vector<16xf32>,
          %get3A_1409 = vector.shape_cast %get3A_1408 : vector<16xf32> to vector<16xf32>
          %exp3A_1410 = math.exp %get3A_1409 : vector<16xf32>
          %add3A_1411 = arith.addf %add3A_1404, %exp3A_1410 : vector<16xf32>
          %add3A_1412 = arith.constant 576 : i32
          %add3A_1413 = arith.addi %mul3A_1154, %add3A_1412 : i32
          %get3A_1414 = arith.index_cast %add3A_1413 : i32 to index
          %get3A_1415 = tpu.vector_load %arg7[%get3A_1414] {strides = array<i32>} : memref<16000xf32, #tpu.memory_space<vmem>>, vector<16xf32>,
          %get3A_1416 = vector.shape_cast %get3A_1415 : vector<16xf32> to vector<16xf32>
          %exp3A_1417 = math.exp %get3A_1416 : vector<16xf32>
          %add3A_1418 = arith.addf %add3A_1411, %exp3A_1417 : vector<16xf32>
          %add3A_1419 = arith.constant 592 : i32
          %add3A_1420 = arith.addi %mul3A_1154, %add3A_1419 : i32
          %get3A_1421 = arith.index_cast %add3A_1420 : i32 to index
          %get3A_1422 = tpu.vector_load %arg7[%get3A_1421] {strides = array<i32>} : memref<16000xf32, #tpu.memory_space<vmem>>, vector<16xf32>,
          %get3A_1423 = vector.shape_cast %get3A_1422 : vector<16xf32> to vector<16xf32>
          %exp3A_1424 = math.exp %get3A_1423 : vector<16xf32>
          %add3A_1425 = arith.addf %add3A_1418, %exp3A_1424 : vector<16xf32>
          %add3A_1426 = arith.constant 608 : i32
          %add3A_1427 = arith.addi %mul3A_1154, %add3A_1426 : i32
          %get3A_1428 = arith.index_cast %add3A_1427 : i32 to index
          %get3A_1429 = tpu.vector_load %arg7[%get3A_1428] {strides = array<i32>} : memref<16000xf32, #tpu.memory_space<vmem>>, vector<16xf32>,
          %get3A_1430 = vector.shape_cast %get3A_1429 : vector<16xf32> to vector<16xf32>
          %exp3A_1431 = math.exp %get3A_1430 : vector<16xf32>
          %add3A_1432 = arith.addf %add3A_1425, %exp3A_1431 : vector<16xf32>
          %add3A_1433 = arith.constant 624 : i32
          %add3A_1434 = arith.addi %mul3A_1154, %add3A_1433 : i32
          %get3A_1435 = arith.index_cast %add3A_1434 : i32 to index
          %get3A_1436 = tpu.vector_load %arg7[%get3A_1435] {strides = array<i32>} : memref<16000xf32, #tpu.memory_space<vmem>>, vector<16xf32>,
          %get3A_1437 = vector.shape_cast %get3A_1436 : vector<16xf32> to vector<16xf32>
          %exp3A_1438 = math.exp %get3A_1437 : vector<16xf32>
          %add3A_1439 = arith.addf %add3A_1432, %exp3A_1438 : vector<16xf32>
          %add3A_1440 = arith.constant 640 : i32
          %add3A_1441 = arith.addi %mul3A_1154, %add3A_1440 : i32
          %get3A_1442 = arith.index_cast %add3A_1441 : i32 to index
          %get3A_1443 = tpu.vector_load %arg7[%get3A_1442] {strides = array<i32>} : memref<16000xf32, #tpu.memory_space<vmem>>, vector<16xf32>,
          %get3A_1444 = vector.shape_cast %get3A_1443 : vector<16xf32> to vector<16xf32>
          %exp3A_1445 = math.exp %get3A_1444 : vector<16xf32>
          %add3A_1446 = arith.addf %add3A_1439, %exp3A_1445 : vector<16xf32>
          %add3A_1447 = arith.constant 656 : i32
          %add3A_1448 = arith.addi %mul3A_1154, %add3A_1447 : i32
          %get3A_1449 = arith.index_cast %add3A_1448 : i32 to index
          %get3A_1450 = tpu.vector_load %arg7[%get3A_1449] {strides = array<i32>} : memref<16000xf32, #tpu.memory_space<vmem>>, vector<16xf32>,
          %get3A_1451 = vector.shape_cast %get3A_1450 : vector<16xf32> to vector<16xf32>
          %exp3A_1452 = math.exp %get3A_1451 : vector<16xf32>
          %add3A_1453 = arith.addf %add3A_1446, %exp3A_1452 : vector<16xf32>
          %add3A_1454 = arith.constant 672 : i32
          %add3A_1455 = arith.addi %mul3A_1154, %add3A_1454 : i32
          %get3A_1456 = arith.index_cast %add3A_1455 : i32 to index
          %get3A_1457 = tpu.vector_load %arg7[%get3A_1456] {strides = array<i32>} : memref<16000xf32, #tpu.memory_space<vmem>>, vector<16xf32>,
          %get3A_1458 = vector.shape_cast %get3A_1457 : vector<16xf32> to vector<16xf32>
          %exp3A_1459 = math.exp %get3A_1458 : vector<16xf32>
          %add3A_1460 = arith.addf %add3A_1453, %exp3A_1459 : vector<16xf32>
          %add3A_1461 = arith.constant 688 : i32
          %add3A_1462 = arith.addi %mul3A_1154, %add3A_1461 : i32
          %get3A_1463 = arith.index_cast %add3A_1462 : i32 to index
          %get3A_1464 = tpu.vector_load %arg7[%get3A_1463] {strides = array<i32>} : memref<16000xf32, #tpu.memory_space<vmem>>, vector<16xf32>,
          %get3A_1465 = vector.shape_cast %get3A_1464 : vector<16xf32> to vector<16xf32>
          %exp3A_1466 = math.exp %get3A_1465 : vector<16xf32>
          %add3A_1467 = arith.addf %add3A_1460, %exp3A_1466 : vector<16xf32>
          %add3A_1468 = arith.constant 704 : i32
          %add3A_1469 = arith.addi %mul3A_1154, %add3A_1468 : i32
          %get3A_1470 = arith.index_cast %add3A_1469 : i32 to index
          %get3A_1471 = tpu.vector_load %arg7[%get3A_1470] {strides = array<i32>} : memref<16000xf32, #tpu.memory_space<vmem>>, vector<16xf32>,
          %get3A_1472 = vector.shape_cast %get3A_1471 : vector<16xf32> to vector<16xf32>
          %exp3A_1473 = math.exp %get3A_1472 : vector<16xf32>
          %add3A_1474 = arith.addf %add3A_1467, %exp3A_1473 : vector<16xf32>
          %add3A_1475 = arith.constant 720 : i32
          %add3A_1476 = arith.addi %mul3A_1154, %add3A_1475 : i32
          %get3A_1477 = arith.index_cast %add3A_1476 : i32 to index
          %get3A_1478 = tpu.vector_load %arg7[%get3A_1477] {strides = array<i32>} : memref<16000xf32, #tpu.memory_space<vmem>>, vector<16xf32>,
          %get3A_1479 = vector.shape_cast %get3A_1478 : vector<16xf32> to vector<16xf32>
          %exp3A_1480 = math.exp %get3A_1479 : vector<16xf32>
          %add3A_1481 = arith.addf %add3A_1474, %exp3A_1480 : vector<16xf32>
          %add3A_1482 = arith.constant 736 : i32
          %add3A_1483 = arith.addi %mul3A_1154, %add3A_1482 : i32
          %get3A_1484 = arith.index_cast %add3A_1483 : i32 to index
          %get3A_1485 = tpu.vector_load %arg7[%get3A_1484] {strides = array<i32>} : memref<16000xf32, #tpu.memory_space<vmem>>, vector<16xf32>,
          %get3A_1486 = vector.shape_cast %get3A_1485 : vector<16xf32> to vector<16xf32>
          %exp3A_1487 = math.exp %get3A_1486 : vector<16xf32>
          %add3A_1488 = arith.addf %add3A_1481, %exp3A_1487 : vector<16xf32>
          %add3A_1489 = arith.constant 752 : i32
          %add3A_1490 = arith.addi %mul3A_1154, %add3A_1489 : i32
          %get3A_1491 = arith.index_cast %add3A_1490 : i32 to index
          %get3A_1492 = tpu.vector_load %arg7[%get3A_1491] {strides = array<i32>} : memref<16000xf32, #tpu.memory_space<vmem>>, vector<16xf32>,
          %get3A_1493 = vector.shape_cast %get3A_1492 : vector<16xf32> to vector<16xf32>
          %exp3A_1494 = math.exp %get3A_1493 : vector<16xf32>
          %add3A_1495 = arith.addf %add3A_1488, %exp3A_1494 : vector<16xf32>
          %add3A_1496 = arith.constant 768 : i32
          %add3A_1497 = arith.addi %mul3A_1154, %add3A_1496 : i32
          %get3A_1498 = arith.index_cast %add3A_1497 : i32 to index
          %get3A_1499 = tpu.vector_load %arg7[%get3A_1498] {strides = array<i32>} : memref<16000xf32, #tpu.memory_space<vmem>>, vector<16xf32>,
          %get3A_1500 = vector.shape_cast %get3A_1499 : vector<16xf32> to vector<16xf32>
          %exp3A_1501 = math.exp %get3A_1500 : vector<16xf32>
          %add3A_1502 = arith.addf %add3A_1495, %exp3A_1501 : vector<16xf32>
          %add3A_1503 = arith.constant 784 : i32
          %add3A_1504 = arith.addi %mul3A_1154, %add3A_1503 : i32
          %get3A_1505 = arith.index_cast %add3A_1504 : i32 to index
          %get3A_1506 = tpu.vector_load %arg7[%get3A_1505] {strides = array<i32>} : memref<16000xf32, #tpu.memory_space<vmem>>, vector<16xf32>,
          %get3A_1507 = vector.shape_cast %get3A_1506 : vector<16xf32> to vector<16xf32>
          %exp3A_1508 = math.exp %get3A_1507 : vector<16xf32>
          %add3A_1509 = arith.addf %add3A_1502, %exp3A_1508 : vector<16xf32>
          %add3A_1510 = arith.constant 800 : i32
          %add3A_1511 = arith.addi %mul3A_1154, %add3A_1510 : i32
          %get3A_1512 = arith.index_cast %add3A_1511 : i32 to index
          %get3A_1513 = tpu.vector_load %arg7[%get3A_1512] {strides = array<i32>} : memref<16000xf32, #tpu.memory_space<vmem>>, vector<16xf32>,
          %get3A_1514 = vector.shape_cast %get3A_1513 : vector<16xf32> to vector<16xf32>
          %exp3A_1515 = math.exp %get3A_1514 : vector<16xf32>
          %add3A_1516 = arith.addf %add3A_1509, %exp3A_1515 : vector<16xf32>
          %add3A_1517 = arith.constant 816 : i32
          %add3A_1518 = arith.addi %mul3A_1154, %add3A_1517 : i32
          %get3A_1519 = arith.index_cast %add3A_1518 : i32 to index
          %get3A_1520 = tpu.vector_load %arg7[%get3A_1519] {strides = array<i32>} : memref<16000xf32, #tpu.memory_space<vmem>>, vector<16xf32>,
          %get3A_1521 = vector.shape_cast %get3A_1520 : vector<16xf32> to vector<16xf32>
          %exp3A_1522 = math.exp %get3A_1521 : vector<16xf32>
          %add3A_1523 = arith.addf %add3A_1516, %exp3A_1522 : vector<16xf32>
          %add3A_1524 = arith.constant 832 : i32
          %add3A_1525 = arith.addi %mul3A_1154, %add3A_1524 : i32
          %get3A_1526 = arith.index_cast %add3A_1525 : i32 to index
          %get3A_1527 = tpu.vector_load %arg7[%get3A_1526] {strides = array<i32>} : memref<16000xf32, #tpu.memory_space<vmem>>, vector<16xf32>,
          %get3A_1528 = vector.shape_cast %get3A_1527 : vector<16xf32> to vector<16xf32>
          %exp3A_1529 = math.exp %get3A_1528 : vector<16xf32>
          %add3A_1530 = arith.addf %add3A_1523, %exp3A_1529 : vector<16xf32>
          %add3A_1531 = arith.constant 848 : i32
          %add3A_1532 = arith.addi %mul3A_1154, %add3A_1531 : i32
          %get3A_1533 = arith.index_cast %add3A_1532 : i32 to index
          %get3A_1534 = tpu.vector_load %arg7[%get3A_1533] {strides = array<i32>} : memref<16000xf32, #tpu.memory_space<vmem>>, vector<16xf32>,
          %get3A_1535 = vector.shape_cast %get3A_1534 : vector<16xf32> to vector<16xf32>
          %exp3A_1536 = math.exp %get3A_1535 : vector<16xf32>
          %add3A_1537 = arith.addf %add3A_1530, %exp3A_1536 : vector<16xf32>
          %add3A_1538 = arith.constant 864 : i32
          %add3A_1539 = arith.addi %mul3A_1154, %add3A_1538 : i32
          %get3A_1540 = arith.index_cast %add3A_1539 : i32 to index
          %get3A_1541 = tpu.vector_load %arg7[%get3A_1540] {strides = array<i32>} : memref<16000xf32, #tpu.memory_space<vmem>>, vector<16xf32>,
          %get3A_1542 = vector.shape_cast %get3A_1541 : vector<16xf32> to vector<16xf32>
          %exp3A_1543 = math.exp %get3A_1542 : vector<16xf32>
          %add3A_1544 = arith.addf %add3A_1537, %exp3A_1543 : vector<16xf32>
          %add3A_1545 = arith.constant 880 : i32
          %add3A_1546 = arith.addi %mul3A_1154, %add3A_1545 : i32
          %get3A_1547 = arith.index_cast %add3A_1546 : i32 to index
          %get3A_1548 = tpu.vector_load %arg7[%get3A_1547] {strides = array<i32>} : memref<16000xf32, #tpu.memory_space<vmem>>, vector<16xf32>,
          %get3A_1549 = vector.shape_cast %get3A_1548 : vector<16xf32> to vector<16xf32>
          %exp3A_1550 = math.exp %get3A_1549 : vector<16xf32>
          %add3A_1551 = arith.addf %add3A_1544, %exp3A_1550 : vector<16xf32>
          %add3A_1552 = arith.constant 896 : i32
          %add3A_1553 = arith.addi %mul3A_1154, %add3A_1552 : i32
          %get3A_1554 = arith.index_cast %add3A_1553 : i32 to index
          %get3A_1555 = tpu.vector_load %arg7[%get3A_1554] {strides = array<i32>} : memref<16000xf32, #tpu.memory_space<vmem>>, vector<16xf32>,
          %get3A_1556 = vector.shape_cast %get3A_1555 : vector<16xf32> to vector<16xf32>
          %exp3A_1557 = math.exp %get3A_1556 : vector<16xf32>
          %add3A_1558 = arith.addf %add3A_1551, %exp3A_1557 : vector<16xf32>
          %add3A_1559 = arith.constant 912 : i32
          %add3A_1560 = arith.addi %mul3A_1154, %add3A_1559 : i32
          %get3A_1561 = arith.index_cast %add3A_1560 : i32 to index
          %get3A_1562 = tpu.vector_load %arg7[%get3A_1561] {strides = array<i32>} : memref<16000xf32, #tpu.memory_space<vmem>>, vector<16xf32>,
          %get3A_1563 = vector.shape_cast %get3A_1562 : vector<16xf32> to vector<16xf32>
          %exp3A_1564 = math.exp %get3A_1563 : vector<16xf32>
          %add3A_1565 = arith.addf %add3A_1558, %exp3A_1564 : vector<16xf32>
          %add3A_1566 = arith.constant 928 : i32
          %add3A_1567 = arith.addi %mul3A_1154, %add3A_1566 : i32
          %get3A_1568 = arith.index_cast %add3A_1567 : i32 to index
          %get3A_1569 = tpu.vector_load %arg7[%get3A_1568] {strides = array<i32>} : memref<16000xf32, #tpu.memory_space<vmem>>, vector<16xf32>,
          %get3A_1570 = vector.shape_cast %get3A_1569 : vector<16xf32> to vector<16xf32>
          %exp3A_1571 = math.exp %get3A_1570 : vector<16xf32>
          %add3A_1572 = arith.addf %add3A_1565, %exp3A_1571 : vector<16xf32>
          %add3A_1573 = arith.constant 944 : i32
          %add3A_1574 = arith.addi %mul3A_1154, %add3A_1573 : i32
          %get3A_1575 = arith.index_cast %add3A_1574 : i32 to index
          %get3A_1576 = tpu.vector_load %arg7[%get3A_1575] {strides = array<i32>} : memref<16000xf32, #tpu.memory_space<vmem>>, vector<16xf32>,
          %get3A_1577 = vector.shape_cast %get3A_1576 : vector<16xf32> to vector<16xf32>
          %exp3A_1578 = math.exp %get3A_1577 : vector<16xf32>
          %add3A_1579 = arith.addf %add3A_1572, %exp3A_1578 : vector<16xf32>
          %add3A_1580 = arith.constant 960 : i32
          %add3A_1581 = arith.addi %mul3A_1154, %add3A_1580 : i32
          %get3A_1582 = arith.index_cast %add3A_1581 : i32 to index
          %get3A_1583 = tpu.vector_load %arg7[%get3A_1582] {strides = array<i32>} : memref<16000xf32, #tpu.memory_space<vmem>>, vector<16xf32>,
          %get3A_1584 = vector.shape_cast %get3A_1583 : vector<16xf32> to vector<16xf32>
          %exp3A_1585 = math.exp %get3A_1584 : vector<16xf32>
          %add3A_1586 = arith.addf %add3A_1579, %exp3A_1585 : vector<16xf32>
          %add3A_1587 = arith.constant 976 : i32
          %add3A_1588 = arith.addi %mul3A_1154, %add3A_1587 : i32
          %get3A_1589 = arith.index_cast %add3A_1588 : i32 to index
          %get3A_1590 = tpu.vector_load %arg7[%get3A_1589] {strides = array<i32>} : memref<16000xf32, #tpu.memory_space<vmem>>, vector<16xf32>,
          %get3A_1591 = vector.shape_cast %get3A_1590 : vector<16xf32> to vector<16xf32>
          %exp3A_1592 = math.exp %get3A_1591 : vector<16xf32>
          %add3A_1593 = arith.addf %add3A_1586, %exp3A_1592 : vector<16xf32>
          %add3A_1594 = arith.constant 992 : i32
          %add3A_1595 = arith.addi %mul3A_1154, %add3A_1594 : i32
          %get3A_1596 = arith.index_cast %add3A_1595 : i32 to index
          %get3A_1597 = tpu.vector_load %arg7[%get3A_1596] {strides = array<i32>} : memref<16000xf32, #tpu.memory_space<vmem>>, vector<16xf32>,
          %get3A_1598 = vector.shape_cast %get3A_1597 : vector<16xf32> to vector<16xf32>
          %exp3A_1599 = math.exp %get3A_1598 : vector<16xf32>
          %select_n3A_1600 = arith.select %lt3A_7, %exp3A_1599, %broadcast_in_dim3A_1160 : vector<16xi1>, vector<16xf32>
          %add3A_1601 = arith.addf %add3A_1593, %select_n3A_1600 : vector<16xf32>
          %select_n3A_1602 = arith.select %lt3A_7, %broadcast_in_dim3A_1160, %exp3A_1599 : vector<16xi1>, vector<16xf32>
          %add3A_1603 = arith.addf %broadcast_in_dim3A_1158, %select_n3A_1602 : vector<16xf32>
          %add3A_1604 = arith.constant 1008 : i32
          %add3A_1605 = arith.addi %mul3A_1154, %add3A_1604 : i32
          %get3A_1606 = arith.index_cast %add3A_1605 : i32 to index
          %get3A_1607 = tpu.vector_load %arg7[%get3A_1606] {strides = array<i32>} : memref<16000xf32, #tpu.memory_space<vmem>>, vector<16xf32>,
          %get3A_1608 = vector.shape_cast %get3A_1607 : vector<16xf32> to vector<16xf32>
          %exp3A_1609 = math.exp %get3A_1608 : vector<16xf32>
          %add3A_1610 = arith.addf %add3A_1603, %exp3A_1609 : vector<16xf32>
          %add3A_1611 = arith.constant 1024 : i32
          %add3A_1612 = arith.addi %mul3A_1154, %add3A_1611 : i32
          %get3A_1613 = arith.index_cast %add3A_1612 : i32 to index
          %get3A_1614 = tpu.vector_load %arg7[%get3A_1613] {strides = array<i32>} : memref<16000xf32, #tpu.memory_space<vmem>>, vector<16xf32>,
          %get3A_1615 = vector.shape_cast %get3A_1614 : vector<16xf32> to vector<16xf32>
          %exp3A_1616 = math.exp %get3A_1615 : vector<16xf32>
          %add3A_1617 = arith.addf %add3A_1610, %exp3A_1616 : vector<16xf32>
          %add3A_1618 = arith.constant 1040 : i32
          %add3A_1619 = arith.addi %mul3A_1154, %add3A_1618 : i32
          %get3A_1620 = arith.index_cast %add3A_1619 : i32 to index
          %get3A_1621 = tpu.vector_load %arg7[%get3A_1620] {strides = array<i32>} : memref<16000xf32, #tpu.memory_space<vmem>>, vector<16xf32>,
          %get3A_1622 = vector.shape_cast %get3A_1621 : vector<16xf32> to vector<16xf32>
          %exp3A_1623 = math.exp %get3A_1622 : vector<16xf32>
          %add3A_1624 = arith.addf %add3A_1617, %exp3A_1623 : vector<16xf32>
          %add3A_1625 = arith.constant 1056 : i32
          %add3A_1626 = arith.addi %mul3A_1154, %add3A_1625 : i32
          %get3A_1627 = arith.index_cast %add3A_1626 : i32 to index
          %get3A_1628 = tpu.vector_load %arg7[%get3A_1627] {strides = array<i32>} : memref<16000xf32, #tpu.memory_space<vmem>>, vector<16xf32>,
          %get3A_1629 = vector.shape_cast %get3A_1628 : vector<16xf32> to vector<16xf32>
          %exp3A_1630 = math.exp %get3A_1629 : vector<16xf32>
          %add3A_1631 = arith.addf %add3A_1624, %exp3A_1630 : vector<16xf32>
          %add3A_1632 = arith.constant 1072 : i32
          %add3A_1633 = arith.addi %mul3A_1154, %add3A_1632 : i32
          %get3A_1634 = arith.index_cast %add3A_1633 : i32 to index
          %get3A_1635 = tpu.vector_load %arg7[%get3A_1634] {strides = array<i32>} : memref<16000xf32, #tpu.memory_space<vmem>>, vector<16xf32>,
          %get3A_1636 = vector.shape_cast %get3A_1635 : vector<16xf32> to vector<16xf32>
          %exp3A_1637 = math.exp %get3A_1636 : vector<16xf32>
          %add3A_1638 = arith.addf %add3A_1631, %exp3A_1637 : vector<16xf32>
          %add3A_1639 = arith.constant 1088 : i32
          %add3A_1640 = arith.addi %mul3A_1154, %add3A_1639 : i32
          %get3A_1641 = arith.index_cast %add3A_1640 : i32 to index
          %get3A_1642 = tpu.vector_load %arg7[%get3A_1641] {strides = array<i32>} : memref<16000xf32, #tpu.memory_space<vmem>>, vector<16xf32>,
          %get3A_1643 = vector.shape_cast %get3A_1642 : vector<16xf32> to vector<16xf32>
          %exp3A_1644 = math.exp %get3A_1643 : vector<16xf32>
          %add3A_1645 = arith.addf %add3A_1638, %exp3A_1644 : vector<16xf32>
          %add3A_1646 = arith.constant 1104 : i32
          %add3A_1647 = arith.addi %mul3A_1154, %add3A_1646 : i32
          %get3A_1648 = arith.index_cast %add3A_1647 : i32 to index
          %get3A_1649 = tpu.vector_load %arg7[%get3A_1648] {strides = array<i32>} : memref<16000xf32, #tpu.memory_space<vmem>>, vector<16xf32>,
          %get3A_1650 = vector.shape_cast %get3A_1649 : vector<16xf32> to vector<16xf32>
          %exp3A_1651 = math.exp %get3A_1650 : vector<16xf32>
          %add3A_1652 = arith.addf %add3A_1645, %exp3A_1651 : vector<16xf32>
          %add3A_1653 = arith.constant 1120 : i32
          %add3A_1654 = arith.addi %mul3A_1154, %add3A_1653 : i32
          %get3A_1655 = arith.index_cast %add3A_1654 : i32 to index
          %get3A_1656 = tpu.vector_load %arg7[%get3A_1655] {strides = array<i32>} : memref<16000xf32, #tpu.memory_space<vmem>>, vector<16xf32>,
          %get3A_1657 = vector.shape_cast %get3A_1656 : vector<16xf32> to vector<16xf32>
          %exp3A_1658 = math.exp %get3A_1657 : vector<16xf32>
          %add3A_1659 = arith.addf %add3A_1652, %exp3A_1658 : vector<16xf32>
          %add3A_1660 = arith.constant 1136 : i32
          %add3A_1661 = arith.addi %mul3A_1154, %add3A_1660 : i32
          %get3A_1662 = arith.index_cast %add3A_1661 : i32 to index
          %get3A_1663 = tpu.vector_load %arg7[%get3A_1662] {strides = array<i32>} : memref<16000xf32, #tpu.memory_space<vmem>>, vector<16xf32>,
          %get3A_1664 = vector.shape_cast %get3A_1663 : vector<16xf32> to vector<16xf32>
          %exp3A_1665 = math.exp %get3A_1664 : vector<16xf32>
          %add3A_1666 = arith.addf %add3A_1659, %exp3A_1665 : vector<16xf32>
          %add3A_1667 = arith.constant 1152 : i32
          %add3A_1668 = arith.addi %mul3A_1154, %add3A_1667 : i32
          %get3A_1669 = arith.index_cast %add3A_1668 : i32 to index
          %get3A_1670 = tpu.vector_load %arg7[%get3A_1669] {strides = array<i32>} : memref<16000xf32, #tpu.memory_space<vmem>>, vector<16xf32>,
          %get3A_1671 = vector.shape_cast %get3A_1670 : vector<16xf32> to vector<16xf32>
          %exp3A_1672 = math.exp %get3A_1671 : vector<16xf32>
          %add3A_1673 = arith.addf %add3A_1666, %exp3A_1672 : vector<16xf32>
          %add3A_1674 = arith.constant 1168 : i32
          %add3A_1675 = arith.addi %mul3A_1154, %add3A_1674 : i32
          %get3A_1676 = arith.index_cast %add3A_1675 : i32 to index
          %get3A_1677 = tpu.vector_load %arg7[%get3A_1676] {strides = array<i32>} : memref<16000xf32, #tpu.memory_space<vmem>>, vector<16xf32>,
          %get3A_1678 = vector.shape_cast %get3A_1677 : vector<16xf32> to vector<16xf32>
          %exp3A_1679 = math.exp %get3A_1678 : vector<16xf32>
          %add3A_1680 = arith.addf %add3A_1673, %exp3A_1679 : vector<16xf32>
          %add3A_1681 = arith.constant 1184 : i32
          %add3A_1682 = arith.addi %mul3A_1154, %add3A_1681 : i32
          %get3A_1683 = arith.index_cast %add3A_1682 : i32 to index
          %get3A_1684 = tpu.vector_load %arg7[%get3A_1683] {strides = array<i32>} : memref<16000xf32, #tpu.memory_space<vmem>>, vector<16xf32>,
          %get3A_1685 = vector.shape_cast %get3A_1684 : vector<16xf32> to vector<16xf32>
          %exp3A_1686 = math.exp %get3A_1685 : vector<16xf32>
          %add3A_1687 = arith.addf %add3A_1680, %exp3A_1686 : vector<16xf32>
          %add3A_1688 = arith.constant 1200 : i32
          %add3A_1689 = arith.addi %mul3A_1154, %add3A_1688 : i32
          %get3A_1690 = arith.index_cast %add3A_1689 : i32 to index
          %get3A_1691 = tpu.vector_load %arg7[%get3A_1690] {strides = array<i32>} : memref<16000xf32, #tpu.memory_space<vmem>>, vector<16xf32>,
          %get3A_1692 = vector.shape_cast %get3A_1691 : vector<16xf32> to vector<16xf32>
          %exp3A_1693 = math.exp %get3A_1692 : vector<16xf32>
          %add3A_1694 = arith.addf %add3A_1687, %exp3A_1693 : vector<16xf32>
          %add3A_1695 = arith.constant 1216 : i32
          %add3A_1696 = arith.addi %mul3A_1154, %add3A_1695 : i32
          %get3A_1697 = arith.index_cast %add3A_1696 : i32 to index
          %get3A_1698 = tpu.vector_load %arg7[%get3A_1697] {strides = array<i32>} : memref<16000xf32, #tpu.memory_space<vmem>>, vector<16xf32>,
          %get3A_1699 = vector.shape_cast %get3A_1698 : vector<16xf32> to vector<16xf32>
          %exp3A_1700 = math.exp %get3A_1699 : vector<16xf32>
          %add3A_1701 = arith.addf %add3A_1694, %exp3A_1700 : vector<16xf32>
          %add3A_1702 = arith.constant 1232 : i32
          %add3A_1703 = arith.addi %mul3A_1154, %add3A_1702 : i32
          %get3A_1704 = arith.index_cast %add3A_1703 : i32 to index
          %get3A_1705 = tpu.vector_load %arg7[%get3A_1704] {strides = array<i32>} : memref<16000xf32, #tpu.memory_space<vmem>>, vector<16xf32>,
          %get3A_1706 = vector.shape_cast %get3A_1705 : vector<16xf32> to vector<16xf32>
          %exp3A_1707 = math.exp %get3A_1706 : vector<16xf32>
          %add3A_1708 = arith.addf %add3A_1701, %exp3A_1707 : vector<16xf32>
          %add3A_1709 = arith.constant 1248 : i32
          %add3A_1710 = arith.addi %mul3A_1154, %add3A_1709 : i32
          %get3A_1711 = arith.index_cast %add3A_1710 : i32 to index
          %get3A_1712 = tpu.vector_load %arg7[%get3A_1711] {strides = array<i32>} : memref<16000xf32, #tpu.memory_space<vmem>>, vector<16xf32>,
          %get3A_1713 = vector.shape_cast %get3A_1712 : vector<16xf32> to vector<16xf32>
          %exp3A_1714 = math.exp %get3A_1713 : vector<16xf32>
          %add3A_1715 = arith.addf %add3A_1708, %exp3A_1714 : vector<16xf32>
          %add3A_1716 = arith.constant 1264 : i32
          %add3A_1717 = arith.addi %mul3A_1154, %add3A_1716 : i32
          %get3A_1718 = arith.index_cast %add3A_1717 : i32 to index
          %get3A_1719 = tpu.vector_load %arg7[%get3A_1718] {strides = array<i32>} : memref<16000xf32, #tpu.memory_space<vmem>>, vector<16xf32>,
          %get3A_1720 = vector.shape_cast %get3A_1719 : vector<16xf32> to vector<16xf32>
          %exp3A_1721 = math.exp %get3A_1720 : vector<16xf32>
          %add3A_1722 = arith.addf %add3A_1715, %exp3A_1721 : vector<16xf32>
          %add3A_1723 = arith.constant 1280 : i32
          %add3A_1724 = arith.addi %mul3A_1154, %add3A_1723 : i32
          %get3A_1725 = arith.index_cast %add3A_1724 : i32 to index
          %get3A_1726 = tpu.vector_load %arg7[%get3A_1725] {strides = array<i32>} : memref<16000xf32, #tpu.memory_space<vmem>>, vector<16xf32>,
          %get3A_1727 = vector.shape_cast %get3A_1726 : vector<16xf32> to vector<16xf32>
          %exp3A_1728 = math.exp %get3A_1727 : vector<16xf32>
          %add3A_1729 = arith.addf %add3A_1722, %exp3A_1728 : vector<16xf32>
          %add3A_1730 = arith.constant 1296 : i32
          %add3A_1731 = arith.addi %mul3A_1154, %add3A_1730 : i32
          %get3A_1732 = arith.index_cast %add3A_1731 : i32 to index
          %get3A_1733 = tpu.vector_load %arg7[%get3A_1732] {strides = array<i32>} : memref<16000xf32, #tpu.memory_space<vmem>>, vector<16xf32>,
          %get3A_1734 = vector.shape_cast %get3A_1733 : vector<16xf32> to vector<16xf32>
          %exp3A_1735 = math.exp %get3A_1734 : vector<16xf32>
          %add3A_1736 = arith.addf %add3A_1729, %exp3A_1735 : vector<16xf32>
          %add3A_1737 = arith.constant 1312 : i32
          %add3A_1738 = arith.addi %mul3A_1154, %add3A_1737 : i32
          %get3A_1739 = arith.index_cast %add3A_1738 : i32 to index
          %get3A_1740 = tpu.vector_load %arg7[%get3A_1739] {strides = array<i32>} : memref<16000xf32, #tpu.memory_space<vmem>>, vector<16xf32>,
          %get3A_1741 = vector.shape_cast %get3A_1740 : vector<16xf32> to vector<16xf32>
          %exp3A_1742 = math.exp %get3A_1741 : vector<16xf32>
          %add3A_1743 = arith.addf %add3A_1736, %exp3A_1742 : vector<16xf32>
          %add3A_1744 = arith.constant 1328 : i32
          %add3A_1745 = arith.addi %mul3A_1154, %add3A_1744 : i32
          %get3A_1746 = arith.index_cast %add3A_1745 : i32 to index
          %get3A_1747 = tpu.vector_load %arg7[%get3A_1746] {strides = array<i32>} : memref<16000xf32, #tpu.memory_space<vmem>>, vector<16xf32>,
          %get3A_1748 = vector.shape_cast %get3A_1747 : vector<16xf32> to vector<16xf32>
          %exp3A_1749 = math.exp %get3A_1748 : vector<16xf32>
          %add3A_1750 = arith.addf %add3A_1743, %exp3A_1749 : vector<16xf32>
          %add3A_1751 = arith.constant 1344 : i32
          %add3A_1752 = arith.addi %mul3A_1154, %add3A_1751 : i32
          %get3A_1753 = arith.index_cast %add3A_1752 : i32 to index
          %get3A_1754 = tpu.vector_load %arg7[%get3A_1753] {strides = array<i32>} : memref<16000xf32, #tpu.memory_space<vmem>>, vector<16xf32>,
          %get3A_1755 = vector.shape_cast %get3A_1754 : vector<16xf32> to vector<16xf32>
          %exp3A_1756 = math.exp %get3A_1755 : vector<16xf32>
          %add3A_1757 = arith.addf %add3A_1750, %exp3A_1756 : vector<16xf32>
          %add3A_1758 = arith.constant 1360 : i32
          %add3A_1759 = arith.addi %mul3A_1154, %add3A_1758 : i32
          %get3A_1760 = arith.index_cast %add3A_1759 : i32 to index
          %get3A_1761 = tpu.vector_load %arg7[%get3A_1760] {strides = array<i32>} : memref<16000xf32, #tpu.memory_space<vmem>>, vector<16xf32>,
          %get3A_1762 = vector.shape_cast %get3A_1761 : vector<16xf32> to vector<16xf32>
          %exp3A_1763 = math.exp %get3A_1762 : vector<16xf32>
          %add3A_1764 = arith.addf %add3A_1757, %exp3A_1763 : vector<16xf32>
          %add3A_1765 = arith.constant 1376 : i32
          %add3A_1766 = arith.addi %mul3A_1154, %add3A_1765 : i32
          %get3A_1767 = arith.index_cast %add3A_1766 : i32 to index
          %get3A_1768 = tpu.vector_load %arg7[%get3A_1767] {strides = array<i32>} : memref<16000xf32, #tpu.memory_space<vmem>>, vector<16xf32>,
          %get3A_1769 = vector.shape_cast %get3A_1768 : vector<16xf32> to vector<16xf32>
          %exp3A_1770 = math.exp %get3A_1769 : vector<16xf32>
          %add3A_1771 = arith.addf %add3A_1764, %exp3A_1770 : vector<16xf32>
          %add3A_1772 = arith.constant 1392 : i32
          %add3A_1773 = arith.addi %mul3A_1154, %add3A_1772 : i32
          %get3A_1774 = arith.index_cast %add3A_1773 : i32 to index
          %get3A_1775 = tpu.vector_load %arg7[%get3A_1774] {strides = array<i32>} : memref<16000xf32, #tpu.memory_space<vmem>>, vector<16xf32>,
          %get3A_1776 = vector.shape_cast %get3A_1775 : vector<16xf32> to vector<16xf32>
          %exp3A_1777 = math.exp %get3A_1776 : vector<16xf32>
          %add3A_1778 = arith.addf %add3A_1771, %exp3A_1777 : vector<16xf32>
          %add3A_1779 = arith.constant 1408 : i32
          %add3A_1780 = arith.addi %mul3A_1154, %add3A_1779 : i32
          %get3A_1781 = arith.index_cast %add3A_1780 : i32 to index
          %get3A_1782 = tpu.vector_load %arg7[%get3A_1781] {strides = array<i32>} : memref<16000xf32, #tpu.memory_space<vmem>>, vector<16xf32>,
          %get3A_1783 = vector.shape_cast %get3A_1782 : vector<16xf32> to vector<16xf32>
          %exp3A_1784 = math.exp %get3A_1783 : vector<16xf32>
          %add3A_1785 = arith.addf %add3A_1778, %exp3A_1784 : vector<16xf32>
          %add3A_1786 = arith.constant 1424 : i32
          %add3A_1787 = arith.addi %mul3A_1154, %add3A_1786 : i32
          %get3A_1788 = arith.index_cast %add3A_1787 : i32 to index
          %get3A_1789 = tpu.vector_load %arg7[%get3A_1788] {strides = array<i32>} : memref<16000xf32, #tpu.memory_space<vmem>>, vector<16xf32>,
          %get3A_1790 = vector.shape_cast %get3A_1789 : vector<16xf32> to vector<16xf32>
          %exp3A_1791 = math.exp %get3A_1790 : vector<16xf32>
          %add3A_1792 = arith.addf %add3A_1785, %exp3A_1791 : vector<16xf32>
          %add3A_1793 = arith.constant 1440 : i32
          %add3A_1794 = arith.addi %mul3A_1154, %add3A_1793 : i32
          %get3A_1795 = arith.index_cast %add3A_1794 : i32 to index
          %get3A_1796 = tpu.vector_load %arg7[%get3A_1795] {strides = array<i32>} : memref<16000xf32, #tpu.memory_space<vmem>>, vector<16xf32>,
          %get3A_1797 = vector.shape_cast %get3A_1796 : vector<16xf32> to vector<16xf32>
          %exp3A_1798 = math.exp %get3A_1797 : vector<16xf32>
          %add3A_1799 = arith.addf %add3A_1792, %exp3A_1798 : vector<16xf32>
          %add3A_1800 = arith.constant 1456 : i32
          %add3A_1801 = arith.addi %mul3A_1154, %add3A_1800 : i32
          %get3A_1802 = arith.index_cast %add3A_1801 : i32 to index
          %get3A_1803 = tpu.vector_load %arg7[%get3A_1802] {strides = array<i32>} : memref<16000xf32, #tpu.memory_space<vmem>>, vector<16xf32>,
          %get3A_1804 = vector.shape_cast %get3A_1803 : vector<16xf32> to vector<16xf32>
          %exp3A_1805 = math.exp %get3A_1804 : vector<16xf32>
          %add3A_1806 = arith.addf %add3A_1799, %exp3A_1805 : vector<16xf32>
          %add3A_1807 = arith.constant 1472 : i32
          %add3A_1808 = arith.addi %mul3A_1154, %add3A_1807 : i32
          %get3A_1809 = arith.index_cast %add3A_1808 : i32 to index
          %get3A_1810 = tpu.vector_load %arg7[%get3A_1809] {strides = array<i32>} : memref<16000xf32, #tpu.memory_space<vmem>>, vector<16xf32>,
          %get3A_1811 = vector.shape_cast %get3A_1810 : vector<16xf32> to vector<16xf32>
          %exp3A_1812 = math.exp %get3A_1811 : vector<16xf32>
          %add3A_1813 = arith.addf %add3A_1806, %exp3A_1812 : vector<16xf32>
          %add3A_1814 = arith.constant 1488 : i32
          %add3A_1815 = arith.addi %mul3A_1154, %add3A_1814 : i32
          %get3A_1816 = arith.index_cast %add3A_1815 : i32 to index
          %get3A_1817 = tpu.vector_load %arg7[%get3A_1816] {strides = array<i32>} : memref<16000xf32, #tpu.memory_space<vmem>>, vector<16xf32>,
          %get3A_1818 = vector.shape_cast %get3A_1817 : vector<16xf32> to vector<16xf32>
          %exp3A_1819 = math.exp %get3A_1818 : vector<16xf32>
          %add3A_1820 = arith.addf %add3A_1813, %exp3A_1819 : vector<16xf32>
          %add3A_1821 = arith.constant 1504 : i32
          %add3A_1822 = arith.addi %mul3A_1154, %add3A_1821 : i32
          %get3A_1823 = arith.index_cast %add3A_1822 : i32 to index
          %get3A_1824 = tpu.vector_load %arg7[%get3A_1823] {strides = array<i32>} : memref<16000xf32, #tpu.memory_space<vmem>>, vector<16xf32>,
          %get3A_1825 = vector.shape_cast %get3A_1824 : vector<16xf32> to vector<16xf32>
          %exp3A_1826 = math.exp %get3A_1825 : vector<16xf32>
          %add3A_1827 = arith.addf %add3A_1820, %exp3A_1826 : vector<16xf32>
          %add3A_1828 = arith.constant 1520 : i32
          %add3A_1829 = arith.addi %mul3A_1154, %add3A_1828 : i32
          %get3A_1830 = arith.index_cast %add3A_1829 : i32 to index
          %get3A_1831 = tpu.vector_load %arg7[%get3A_1830] {strides = array<i32>} : memref<16000xf32, #tpu.memory_space<vmem>>, vector<16xf32>,
          %get3A_1832 = vector.shape_cast %get3A_1831 : vector<16xf32> to vector<16xf32>
          %exp3A_1833 = math.exp %get3A_1832 : vector<16xf32>
          %add3A_1834 = arith.addf %add3A_1827, %exp3A_1833 : vector<16xf32>
          %add3A_1835 = arith.constant 1536 : i32
          %add3A_1836 = arith.addi %mul3A_1154, %add3A_1835 : i32
          %get3A_1837 = arith.index_cast %add3A_1836 : i32 to index
          %get3A_1838 = tpu.vector_load %arg7[%get3A_1837] {strides = array<i32>} : memref<16000xf32, #tpu.memory_space<vmem>>, vector<16xf32>,
          %get3A_1839 = vector.shape_cast %get3A_1838 : vector<16xf32> to vector<16xf32>
          %exp3A_1840 = math.exp %get3A_1839 : vector<16xf32>
          %add3A_1841 = arith.addf %add3A_1834, %exp3A_1840 : vector<16xf32>
          %add3A_1842 = arith.constant 1552 : i32
          %add3A_1843 = arith.addi %mul3A_1154, %add3A_1842 : i32
          %get3A_1844 = arith.index_cast %add3A_1843 : i32 to index
          %get3A_1845 = tpu.vector_load %arg7[%get3A_1844] {strides = array<i32>} : memref<16000xf32, #tpu.memory_space<vmem>>, vector<16xf32>,
          %get3A_1846 = vector.shape_cast %get3A_1845 : vector<16xf32> to vector<16xf32>
          %exp3A_1847 = math.exp %get3A_1846 : vector<16xf32>
          %add3A_1848 = arith.addf %add3A_1841, %exp3A_1847 : vector<16xf32>
          %add3A_1849 = arith.constant 1568 : i32
          %add3A_1850 = arith.addi %mul3A_1154, %add3A_1849 : i32
          %get3A_1851 = arith.index_cast %add3A_1850 : i32 to index
          %get3A_1852 = tpu.vector_load %arg7[%get3A_1851] {strides = array<i32>} : memref<16000xf32, #tpu.memory_space<vmem>>, vector<16xf32>,
          %get3A_1853 = vector.shape_cast %get3A_1852 : vector<16xf32> to vector<16xf32>
          %exp3A_1854 = math.exp %get3A_1853 : vector<16xf32>
          %add3A_1855 = arith.addf %add3A_1848, %exp3A_1854 : vector<16xf32>
          %add3A_1856 = arith.constant 1584 : i32
          %add3A_1857 = arith.addi %mul3A_1154, %add3A_1856 : i32
          %get3A_1858 = arith.index_cast %add3A_1857 : i32 to index
          %get3A_1859 = tpu.vector_load %arg7[%get3A_1858] {strides = array<i32>} : memref<16000xf32, #tpu.memory_space<vmem>>, vector<16xf32>,
          %get3A_1860 = vector.shape_cast %get3A_1859 : vector<16xf32> to vector<16xf32>
          %exp3A_1861 = math.exp %get3A_1860 : vector<16xf32>
          %add3A_1862 = arith.addf %add3A_1855, %exp3A_1861 : vector<16xf32>
          %add3A_1863 = arith.constant 1600 : i32
          %add3A_1864 = arith.addi %mul3A_1154, %add3A_1863 : i32
          %get3A_1865 = arith.index_cast %add3A_1864 : i32 to index
          %get3A_1866 = tpu.vector_load %arg7[%get3A_1865] {strides = array<i32>} : memref<16000xf32, #tpu.memory_space<vmem>>, vector<16xf32>,
          %get3A_1867 = vector.shape_cast %get3A_1866 : vector<16xf32> to vector<16xf32>
          %exp3A_1868 = math.exp %get3A_1867 : vector<16xf32>
          %add3A_1869 = arith.addf %add3A_1862, %exp3A_1868 : vector<16xf32>
          %add3A_1870 = arith.constant 1616 : i32
          %add3A_1871 = arith.addi %mul3A_1154, %add3A_1870 : i32
          %get3A_1872 = arith.index_cast %add3A_1871 : i32 to index
          %get3A_1873 = tpu.vector_load %arg7[%get3A_1872] {strides = array<i32>} : memref<16000xf32, #tpu.memory_space<vmem>>, vector<16xf32>,
          %get3A_1874 = vector.shape_cast %get3A_1873 : vector<16xf32> to vector<16xf32>
          %exp3A_1875 = math.exp %get3A_1874 : vector<16xf32>
          %add3A_1876 = arith.addf %add3A_1869, %exp3A_1875 : vector<16xf32>
          %add3A_1877 = arith.constant 1632 : i32
          %add3A_1878 = arith.addi %mul3A_1154, %add3A_1877 : i32
          %get3A_1879 = arith.index_cast %add3A_1878 : i32 to index
          %get3A_1880 = tpu.vector_load %arg7[%get3A_1879] {strides = array<i32>} : memref<16000xf32, #tpu.memory_space<vmem>>, vector<16xf32>,
          %get3A_1881 = vector.shape_cast %get3A_1880 : vector<16xf32> to vector<16xf32>
          %exp3A_1882 = math.exp %get3A_1881 : vector<16xf32>
          %add3A_1883 = arith.addf %add3A_1876, %exp3A_1882 : vector<16xf32>
          %add3A_1884 = arith.constant 1648 : i32
          %add3A_1885 = arith.addi %mul3A_1154, %add3A_1884 : i32
          %get3A_1886 = arith.index_cast %add3A_1885 : i32 to index
          %get3A_1887 = tpu.vector_load %arg7[%get3A_1886] {strides = array<i32>} : memref<16000xf32, #tpu.memory_space<vmem>>, vector<16xf32>,
          %get3A_1888 = vector.shape_cast %get3A_1887 : vector<16xf32> to vector<16xf32>
          %exp3A_1889 = math.exp %get3A_1888 : vector<16xf32>
          %add3A_1890 = arith.addf %add3A_1883, %exp3A_1889 : vector<16xf32>
          %add3A_1891 = arith.constant 1664 : i32
          %add3A_1892 = arith.addi %mul3A_1154, %add3A_1891 : i32
          %get3A_1893 = arith.index_cast %add3A_1892 : i32 to index
          %get3A_1894 = tpu.vector_load %arg7[%get3A_1893] {strides = array<i32>} : memref<16000xf32, #tpu.memory_space<vmem>>, vector<16xf32>,
          %get3A_1895 = vector.shape_cast %get3A_1894 : vector<16xf32> to vector<16xf32>
          %exp3A_1896 = math.exp %get3A_1895 : vector<16xf32>
          %add3A_1897 = arith.addf %add3A_1890, %exp3A_1896 : vector<16xf32>
          %add3A_1898 = arith.constant 1680 : i32
          %add3A_1899 = arith.addi %mul3A_1154, %add3A_1898 : i32
          %get3A_1900 = arith.index_cast %add3A_1899 : i32 to index
          %get3A_1901 = tpu.vector_load %arg7[%get3A_1900] {strides = array<i32>} : memref<16000xf32, #tpu.memory_space<vmem>>, vector<16xf32>,
          %get3A_1902 = vector.shape_cast %get3A_1901 : vector<16xf32> to vector<16xf32>
          %exp3A_1903 = math.exp %get3A_1902 : vector<16xf32>
          %add3A_1904 = arith.addf %add3A_1897, %exp3A_1903 : vector<16xf32>
          %add3A_1905 = arith.constant 1696 : i32
          %add3A_1906 = arith.addi %mul3A_1154, %add3A_1905 : i32
          %get3A_1907 = arith.index_cast %add3A_1906 : i32 to index
          %get3A_1908 = tpu.vector_load %arg7[%get3A_1907] {strides = array<i32>} : memref<16000xf32, #tpu.memory_space<vmem>>, vector<16xf32>,
          %get3A_1909 = vector.shape_cast %get3A_1908 : vector<16xf32> to vector<16xf32>
          %exp3A_1910 = math.exp %get3A_1909 : vector<16xf32>
          %add3A_1911 = arith.addf %add3A_1904, %exp3A_1910 : vector<16xf32>
          %add3A_1912 = arith.constant 1712 : i32
          %add3A_1913 = arith.addi %mul3A_1154, %add3A_1912 : i32
          %get3A_1914 = arith.index_cast %add3A_1913 : i32 to index
          %get3A_1915 = tpu.vector_load %arg7[%get3A_1914] {strides = array<i32>} : memref<16000xf32, #tpu.memory_space<vmem>>, vector<16xf32>,
          %get3A_1916 = vector.shape_cast %get3A_1915 : vector<16xf32> to vector<16xf32>
          %exp3A_1917 = math.exp %get3A_1916 : vector<16xf32>
          %add3A_1918 = arith.addf %add3A_1911, %exp3A_1917 : vector<16xf32>
          %add3A_1919 = arith.constant 1728 : i32
          %add3A_1920 = arith.addi %mul3A_1154, %add3A_1919 : i32
          %get3A_1921 = arith.index_cast %add3A_1920 : i32 to index
          %get3A_1922 = tpu.vector_load %arg7[%get3A_1921] {strides = array<i32>} : memref<16000xf32, #tpu.memory_space<vmem>>, vector<16xf32>,
          %get3A_1923 = vector.shape_cast %get3A_1922 : vector<16xf32> to vector<16xf32>
          %exp3A_1924 = math.exp %get3A_1923 : vector<16xf32>
          %add3A_1925 = arith.addf %add3A_1918, %exp3A_1924 : vector<16xf32>
          %add3A_1926 = arith.constant 1744 : i32
          %add3A_1927 = arith.addi %mul3A_1154, %add3A_1926 : i32
          %get3A_1928 = arith.index_cast %add3A_1927 : i32 to index
          %get3A_1929 = tpu.vector_load %arg7[%get3A_1928] {strides = array<i32>} : memref<16000xf32, #tpu.memory_space<vmem>>, vector<16xf32>,
          %get3A_1930 = vector.shape_cast %get3A_1929 : vector<16xf32> to vector<16xf32>
          %exp3A_1931 = math.exp %get3A_1930 : vector<16xf32>
          %add3A_1932 = arith.addf %add3A_1925, %exp3A_1931 : vector<16xf32>
          %add3A_1933 = arith.constant 1760 : i32
          %add3A_1934 = arith.addi %mul3A_1154, %add3A_1933 : i32
          %get3A_1935 = arith.index_cast %add3A_1934 : i32 to index
          %get3A_1936 = tpu.vector_load %arg7[%get3A_1935] {strides = array<i32>} : memref<16000xf32, #tpu.memory_space<vmem>>, vector<16xf32>,
          %get3A_1937 = vector.shape_cast %get3A_1936 : vector<16xf32> to vector<16xf32>
          %exp3A_1938 = math.exp %get3A_1937 : vector<16xf32>
          %add3A_1939 = arith.addf %add3A_1932, %exp3A_1938 : vector<16xf32>
          %add3A_1940 = arith.constant 1776 : i32
          %add3A_1941 = arith.addi %mul3A_1154, %add3A_1940 : i32
          %get3A_1942 = arith.index_cast %add3A_1941 : i32 to index
          %get3A_1943 = tpu.vector_load %arg7[%get3A_1942] {strides = array<i32>} : memref<16000xf32, #tpu.memory_space<vmem>>, vector<16xf32>,
          %get3A_1944 = vector.shape_cast %get3A_1943 : vector<16xf32> to vector<16xf32>
          %exp3A_1945 = math.exp %get3A_1944 : vector<16xf32>
          %add3A_1946 = arith.addf %add3A_1939, %exp3A_1945 : vector<16xf32>
          %add3A_1947 = arith.constant 1792 : i32
          %add3A_1948 = arith.addi %mul3A_1154, %add3A_1947 : i32
          %get3A_1949 = arith.index_cast %add3A_1948 : i32 to index
          %get3A_1950 = tpu.vector_load %arg7[%get3A_1949] {strides = array<i32>} : memref<16000xf32, #tpu.memory_space<vmem>>, vector<16xf32>,
          %get3A_1951 = vector.shape_cast %get3A_1950 : vector<16xf32> to vector<16xf32>
          %exp3A_1952 = math.exp %get3A_1951 : vector<16xf32>
          %add3A_1953 = arith.addf %add3A_1946, %exp3A_1952 : vector<16xf32>
          %add3A_1954 = arith.constant 1808 : i32
          %add3A_1955 = arith.addi %mul3A_1154, %add3A_1954 : i32
          %get3A_1956 = arith.index_cast %add3A_1955 : i32 to index
          %get3A_1957 = tpu.vector_load %arg7[%get3A_1956] {strides = array<i32>} : memref<16000xf32, #tpu.memory_space<vmem>>, vector<16xf32>,
          %get3A_1958 = vector.shape_cast %get3A_1957 : vector<16xf32> to vector<16xf32>
          %exp3A_1959 = math.exp %get3A_1958 : vector<16xf32>
          %add3A_1960 = arith.addf %add3A_1953, %exp3A_1959 : vector<16xf32>
          %add3A_1961 = arith.constant 1824 : i32
          %add3A_1962 = arith.addi %mul3A_1154, %add3A_1961 : i32
          %get3A_1963 = arith.index_cast %add3A_1962 : i32 to index
          %get3A_1964 = tpu.vector_load %arg7[%get3A_1963] {strides = array<i32>} : memref<16000xf32, #tpu.memory_space<vmem>>, vector<16xf32>,
          %get3A_1965 = vector.shape_cast %get3A_1964 : vector<16xf32> to vector<16xf32>
          %exp3A_1966 = math.exp %get3A_1965 : vector<16xf32>
          %add3A_1967 = arith.addf %add3A_1960, %exp3A_1966 : vector<16xf32>
          %add3A_1968 = arith.constant 1840 : i32
          %add3A_1969 = arith.addi %mul3A_1154, %add3A_1968 : i32
          %get3A_1970 = arith.index_cast %add3A_1969 : i32 to index
          %get3A_1971 = tpu.vector_load %arg7[%get3A_1970] {strides = array<i32>} : memref<16000xf32, #tpu.memory_space<vmem>>, vector<16xf32>,
          %get3A_1972 = vector.shape_cast %get3A_1971 : vector<16xf32> to vector<16xf32>
          %exp3A_1973 = math.exp %get3A_1972 : vector<16xf32>
          %add3A_1974 = arith.addf %add3A_1967, %exp3A_1973 : vector<16xf32>
          %add3A_1975 = arith.constant 1856 : i32
          %add3A_1976 = arith.addi %mul3A_1154, %add3A_1975 : i32
          %get3A_1977 = arith.index_cast %add3A_1976 : i32 to index
          %get3A_1978 = tpu.vector_load %arg7[%get3A_1977] {strides = array<i32>} : memref<16000xf32, #tpu.memory_space<vmem>>, vector<16xf32>,
          %get3A_1979 = vector.shape_cast %get3A_1978 : vector<16xf32> to vector<16xf32>
          %exp3A_1980 = math.exp %get3A_1979 : vector<16xf32>
          %add3A_1981 = arith.addf %add3A_1974, %exp3A_1980 : vector<16xf32>
          %add3A_1982 = arith.constant 1872 : i32
          %add3A_1983 = arith.addi %mul3A_1154, %add3A_1982 : i32
          %get3A_1984 = arith.index_cast %add3A_1983 : i32 to index
          %get3A_1985 = tpu.vector_load %arg7[%get3A_1984] {strides = array<i32>} : memref<16000xf32, #tpu.memory_space<vmem>>, vector<16xf32>,
          %get3A_1986 = vector.shape_cast %get3A_1985 : vector<16xf32> to vector<16xf32>
          %exp3A_1987 = math.exp %get3A_1986 : vector<16xf32>
          %add3A_1988 = arith.addf %add3A_1981, %exp3A_1987 : vector<16xf32>
          %add3A_1989 = arith.constant 1888 : i32
          %add3A_1990 = arith.addi %mul3A_1154, %add3A_1989 : i32
          %get3A_1991 = arith.index_cast %add3A_1990 : i32 to index
          %get3A_1992 = tpu.vector_load %arg7[%get3A_1991] {strides = array<i32>} : memref<16000xf32, #tpu.memory_space<vmem>>, vector<16xf32>,
          %get3A_1993 = vector.shape_cast %get3A_1992 : vector<16xf32> to vector<16xf32>
          %exp3A_1994 = math.exp %get3A_1993 : vector<16xf32>
          %add3A_1995 = arith.addf %add3A_1988, %exp3A_1994 : vector<16xf32>
          %add3A_1996 = arith.constant 1904 : i32
          %add3A_1997 = arith.addi %mul3A_1154, %add3A_1996 : i32
          %get3A_1998 = arith.index_cast %add3A_1997 : i32 to index
          %get3A_1999 = tpu.vector_load %arg7[%get3A_1998] {strides = array<i32>} : memref<16000xf32, #tpu.memory_space<vmem>>, vector<16xf32>,
          %get3A_2000 = vector.shape_cast %get3A_1999 : vector<16xf32> to vector<16xf32>
          %exp3A_2001 = math.exp %get3A_2000 : vector<16xf32>
          %add3A_2002 = arith.addf %add3A_1995, %exp3A_2001 : vector<16xf32>
          %add3A_2003 = arith.constant 1920 : i32
          %add3A_2004 = arith.addi %mul3A_1154, %add3A_2003 : i32
          %get3A_2005 = arith.index_cast %add3A_2004 : i32 to index
          %get3A_2006 = tpu.vector_load %arg7[%get3A_2005] {strides = array<i32>} : memref<16000xf32, #tpu.memory_space<vmem>>, vector<16xf32>,
          %get3A_2007 = vector.shape_cast %get3A_2006 : vector<16xf32> to vector<16xf32>
          %exp3A_2008 = math.exp %get3A_2007 : vector<16xf32>
          %add3A_2009 = arith.addf %add3A_2002, %exp3A_2008 : vector<16xf32>
          %add3A_2010 = arith.constant 1936 : i32
          %add3A_2011 = arith.addi %mul3A_1154, %add3A_2010 : i32
          %get3A_2012 = arith.index_cast %add3A_2011 : i32 to index
          %get3A_2013 = tpu.vector_load %arg7[%get3A_2012] {strides = array<i32>} : memref<16000xf32, #tpu.memory_space<vmem>>, vector<16xf32>,
          %get3A_2014 = vector.shape_cast %get3A_2013 : vector<16xf32> to vector<16xf32>
          %exp3A_2015 = math.exp %get3A_2014 : vector<16xf32>
          %add3A_2016 = arith.addf %add3A_2009, %exp3A_2015 : vector<16xf32>
          %add3A_2017 = arith.constant 1952 : i32
          %add3A_2018 = arith.addi %mul3A_1154, %add3A_2017 : i32
          %get3A_2019 = arith.index_cast %add3A_2018 : i32 to index
          %get3A_2020 = tpu.vector_load %arg7[%get3A_2019] {strides = array<i32>} : memref<16000xf32, #tpu.memory_space<vmem>>, vector<16xf32>,
          %get3A_2021 = vector.shape_cast %get3A_2020 : vector<16xf32> to vector<16xf32>
          %exp3A_2022 = math.exp %get3A_2021 : vector<16xf32>
          %add3A_2023 = arith.addf %add3A_2016, %exp3A_2022 : vector<16xf32>
          %add3A_2024 = arith.constant 1968 : i32
          %add3A_2025 = arith.addi %mul3A_1154, %add3A_2024 : i32
          %get3A_2026 = arith.index_cast %add3A_2025 : i32 to index
          %get3A_2027 = tpu.vector_load %arg7[%get3A_2026] {strides = array<i32>} : memref<16000xf32, #tpu.memory_space<vmem>>, vector<16xf32>,
          %get3A_2028 = vector.shape_cast %get3A_2027 : vector<16xf32> to vector<16xf32>
          %exp3A_2029 = math.exp %get3A_2028 : vector<16xf32>
          %add3A_2030 = arith.addf %add3A_2023, %exp3A_2029 : vector<16xf32>
          %add3A_2031 = arith.constant 1984 : i32
          %add3A_2032 = arith.addi %mul3A_1154, %add3A_2031 : i32
          %get3A_2033 = arith.index_cast %add3A_2032 : i32 to index
          %get3A_2034 = tpu.vector_load %arg7[%get3A_2033] {strides = array<i32>} : memref<16000xf32, #tpu.memory_space<vmem>>, vector<16xf32>,
          %get3A_2035 = vector.shape_cast %get3A_2034 : vector<16xf32> to vector<16xf32>
          %exp3A_2036 = math.exp %get3A_2035 : vector<16xf32>
          %add3A_2037 = arith.addf %add3A_2030, %exp3A_2036 : vector<16xf32>
          %mul3A_2038 = arith.constant 2 : i32
          %mul3A_2039 = arith.muli %mul3A_2038, %scan3A_1149 : i32
          %eq3A_2040 = vector.broadcast %mul3A_2039 : i32 to vector<16xi32>
          %eq3A_2041 = arith.cmpi eq, %iota3A, %eq3A_2040 : vector<16xi32>
          %xor3A = arith.constant 1 : i32
          %xor3A_2042 = vector.broadcast %xor3A : i32 to vector<16xi32>
          %xor3A_2043 = arith.xori %iota3A, %xor3A_2042 : vector<16xi32>
          %broadcast_in_dim3A_2044 = vector.shape_cast %xor3A_2043 : vector<16xi32> to vector<16x1xi32>
          %gather3A = vector.shape_cast %broadcast_in_dim3A_2044 : vector<16x1xi32> to vector<16xi32>
          %gather3A_2045 = tpu.dynamic_gather %add3A_1601[%gather3A] in [0] : vector<16xf32>, vector<16xi32> -> vector<16xf32>
          %add3A_2046 = arith.addf %add3A_1601, %gather3A_2045 : vector<16xf32>
          %xor3A_2047 = arith.constant 2 : i32
          %xor3A_2048 = vector.broadcast %xor3A_2047 : i32 to vector<16xi32>
          %xor3A_2049 = arith.xori %iota3A, %xor3A_2048 : vector<16xi32>
          %broadcast_in_dim3A_2050 = vector.shape_cast %xor3A_2049 : vector<16xi32> to vector<16x1xi32>
          %gather3A_2051 = vector.shape_cast %broadcast_in_dim3A_2050 : vector<16x1xi32> to vector<16xi32>
          %gather3A_2052 = tpu.dynamic_gather %add3A_2046[%gather3A_2051] in [0] : vector<16xf32>, vector<16xi32> -> vector<16xf32>
          %add3A_2053 = arith.addf %add3A_2046, %gather3A_2052 : vector<16xf32>
          %xor3A_2054 = arith.constant 4 : i32
          %xor3A_2055 = vector.broadcast %xor3A_2054 : i32 to vector<16xi32>
          %xor3A_2056 = arith.xori %iota3A, %xor3A_2055 : vector<16xi32>
          %broadcast_in_dim3A_2057 = vector.shape_cast %xor3A_2056 : vector<16xi32> to vector<16x1xi32>
          %gather3A_2058 = vector.shape_cast %broadcast_in_dim3A_2057 : vector<16x1xi32> to vector<16xi32>
          %gather3A_2059 = tpu.dynamic_gather %add3A_2053[%gather3A_2058] in [0] : vector<16xf32>, vector<16xi32> -> vector<16xf32>
          %add3A_2060 = arith.addf %add3A_2053, %gather3A_2059 : vector<16xf32>
          %xor3A_2061 = arith.constant 8 : i32
          %xor3A_2062 = vector.broadcast %xor3A_2061 : i32 to vector<16xi32>
          %xor3A_2063 = arith.xori %iota3A, %xor3A_2062 : vector<16xi32>
          %broadcast_in_dim3A_2064 = vector.shape_cast %xor3A_2063 : vector<16xi32> to vector<16x1xi32>
          %gather3A_2065 = vector.shape_cast %broadcast_in_dim3A_2064 : vector<16x1xi32> to vector<16xi32>
          %gather3A_2066 = tpu.dynamic_gather %add3A_2060[%gather3A_2065] in [0] : vector<16xf32>, vector<16xi32> -> vector<16xf32>
          %add3A_2067 = arith.addf %add3A_2060, %gather3A_2066 : vector<16xf32>
          %select_n3A_2068 = arith.select %eq3A_2041, %add3A_2067, %scan3A_1150 : vector<16xi1>, vector<16xf32>
          %mul3A_2069 = arith.constant 2 : i32
          %mul3A_2070 = arith.muli %mul3A_2069, %scan3A_1149 : i32
          %add3A_2071 = arith.constant 1 : i32
          %add3A_2072 = arith.addi %mul3A_2070, %add3A_2071 : i32
          %eq3A_2073 = vector.broadcast %add3A_2072 : i32 to vector<16xi32>
          %eq3A_2074 = arith.cmpi eq, %iota3A, %eq3A_2073 : vector<16xi32>
          %xor3A_2075 = arith.constant 1 : i32
          %xor3A_2076 = vector.broadcast %xor3A_2075 : i32 to vector<16xi32>
          %xor3A_2077 = arith.xori %iota3A, %xor3A_2076 : vector<16xi32>
          %broadcast_in_dim3A_2078 = vector.shape_cast %xor3A_2077 : vector<16xi32> to vector<16x1xi32>
          %gather3A_2079 = vector.shape_cast %broadcast_in_dim3A_2078 : vector<16x1xi32> to vector<16xi32>
          %gather3A_2080 = tpu.dynamic_gather %add3A_2037[%gather3A_2079] in [0] : vector<16xf32>, vector<16xi32> -> vector<16xf32>
          %add3A_2081 = arith.addf %add3A_2037, %gather3A_2080 : vector<16xf32>
          %xor3A_2082 = arith.constant 2 : i32
          %xor3A_2083 = vector.broadcast %xor3A_2082 : i32 to vector<16xi32>
          %xor3A_2084 = arith.xori %iota3A, %xor3A_2083 : vector<16xi32>
          %broadcast_in_dim3A_2085 = vector.shape_cast %xor3A_2084 : vector<16xi32> to vector<16x1xi32>
          %gather3A_2086 = vector.shape_cast %broadcast_in_dim3A_2085 : vector<16x1xi32> to vector<16xi32>
          %gather3A_2087 = tpu.dynamic_gather %add3A_2081[%gather3A_2086] in [0] : vector<16xf32>, vector<16xi32> -> vector<16xf32>
          %add3A_2088 = arith.addf %add3A_2081, %gather3A_2087 : vector<16xf32>
          %xor3A_2089 = arith.constant 4 : i32
          %xor3A_2090 = vector.broadcast %xor3A_2089 : i32 to vector<16xi32>
          %xor3A_2091 = arith.xori %iota3A, %xor3A_2090 : vector<16xi32>
          %broadcast_in_dim3A_2092 = vector.shape_cast %xor3A_2091 : vector<16xi32> to vector<16x1xi32>
          %gather3A_2093 = vector.shape_cast %broadcast_in_dim3A_2092 : vector<16x1xi32> to vector<16xi32>
          %gather3A_2094 = tpu.dynamic_gather %add3A_2088[%gather3A_2093] in [0] : vector<16xf32>, vector<16xi32> -> vector<16xf32>
          %add3A_2095 = arith.addf %add3A_2088, %gather3A_2094 : vector<16xf32>
          %xor3A_2096 = arith.constant 8 : i32
          %xor3A_2097 = vector.broadcast %xor3A_2096 : i32 to vector<16xi32>
          %xor3A_2098 = arith.xori %iota3A, %xor3A_2097 : vector<16xi32>
          %broadcast_in_dim3A_2099 = vector.shape_cast %xor3A_2098 : vector<16xi32> to vector<16x1xi32>
          %gather3A_2100 = vector.shape_cast %broadcast_in_dim3A_2099 : vector<16x1xi32> to vector<16xi32>
          %gather3A_2101 = tpu.dynamic_gather %add3A_2095[%gather3A_2100] in [0] : vector<16xf32>, vector<16xi32> -> vector<16xf32>
          %add3A_2102 = arith.addf %add3A_2095, %gather3A_2101 : vector<16xf32>
          %select_n3A_2103 = arith.select %eq3A_2074, %add3A_2102, %select_n3A_2068 : vector<16xi1>, vector<16xf32>
          scf.yield %select_n3A_2103 : vector<16xf32>
        }
        %scan3A_1141 = arith.constant 8 : i32
        %mul3A_1142 = arith.constant 16 : i32
        %mul3A_1143 = arith.muli %scan3A_1122, %mul3A_1142 : i32
        %swap3A_1144 = arith.index_cast %mul3A_1143 : i32 to index
        %swap3A_1145 = tpu.vector_load %arg9[%swap3A_1144] {strides = array<i32>} : memref<256xf32, #tpu.memory_space<vmem>>, vector<16xf32>,
        %swap3A_1146 = vector.shape_cast %swap3A_1145 : vector<16xf32> to vector<16xf32>
        %swap3A_1147 = vector.shape_cast %scan3A_1140 : vector<16xf32> to vector<16xf32>
        tpu.vector_store %arg9[%swap3A_1144], %swap3A_1147 {strides = array<i32>} : memref<256xf32, #tpu.memory_space<vmem>>, vector<16xf32>,
        %scan3A_1148 = arith.constant 0 : i32
        scf.yield %scan3A_1148 : i32
      }
      %scan3A_1121 = arith.constant 16 : i32
    } else {
    }
    %ge3A = arith.constant 16 : i32
    %ge3A_1077 = arith.cmpi sge, %add3A, %ge3A : i32
    %convert_element_type3A_1078 = arith.extui %ge3A_1077 : i1 to i32
    %cond3A_1079 = arith.constant 0 : i32
    %cond3A_1080 = arith.cmpi ne, %convert_element_type3A_1078, %cond3A_1079 : i32
    scf.if %cond3A_1080 {
      %dma_start3A = arith.constant 0 : i32
      %dma_start3A_1085 = arith.constant 0 : i32
      %dma_start3A_1086 = tpu.memref_slice %arg10[%dma_start3A_1085] : memref<256xf32, #tpu.memory_space<vmem>> -> memref<128xf32, #tpu.memory_space<vmem>>
      %dma_start3A_1087 = arith.constant 0 : i32
      %dma_start3A_1088 = tpu.memref_slice %arg11[%dma_start3A, %dma_start3A_1087] : memref<2x128xi32, #tpu.memory_space<vmem>> -> memref<1x128xi32, #tpu.memory_space<vmem>>
      %dma_start3A_1089 = tpu.memref_squeeze %dma_start3A_1088 : memref<1x128xi32, #tpu.memory_space<vmem>> -> memref<128xi32, #tpu.memory_space<vmem>>
      %dma_start3A_1090 = arith.constant 0 : i32
      %dma_start3A_1091 = tpu.memref_slice %arg3[%dma_start3A_1090] : memref<16384000xf32, #tpu.memory_space<hbm>> -> memref<16384000xf32, #tpu.memory_space<hbm>>
      tpu.enqueue_indirect_dma source(%dma_start3A_1091 : memref<16384000xf32, #tpu.memory_space<hbm>>) target(%dma_start3A_1086 : memref<128xf32, #tpu.memory_space<vmem>>) offsets(%dma_start3A_1089 : memref<128xi32, #tpu.memory_space<vmem>>) semaphore(%arg12 : memref<!tpu.dma_semaphore, #tpu.memory_space<semaphore_mem>>)
      %dma_wait3A = arith.constant 0 : i32
      %dma_wait3A_1092 = arith.constant 0 : i32
      %dma_wait3A_1093 = tpu.memref_slice %arg10[%dma_wait3A_1092] : memref<256xf32, #tpu.memory_space<vmem>> -> memref<128xf32, #tpu.memory_space<vmem>>
      %dma_wait3A_1094 = arith.constant 0 : i32
      %dma_wait3A_1095 = tpu.memref_slice %arg11[%dma_wait3A, %dma_wait3A_1094] : memref<2x128xi32, #tpu.memory_space<vmem>> -> memref<1x128xi32, #tpu.memory_space<vmem>>
      %dma_wait3A_1096 = tpu.memref_squeeze %dma_wait3A_1095 : memref<1x128xi32, #tpu.memory_space<vmem>> -> memref<128xi32, #tpu.memory_space<vmem>>
      %dma_wait3A_1097 = arith.constant 0 : i32
      %dma_wait3A_1098 = tpu.memref_slice %arg3[%dma_wait3A_1097] : memref<16384000xf32, #tpu.memory_space<hbm>> -> memref<16384000xf32, #tpu.memory_space<hbm>>
      tpu.wait_indirect_dma semaphore(%arg12 : memref<!tpu.dma_semaphore, #tpu.memory_space<semaphore_mem>>) src(%dma_wait3A_1098 : memref<16384000xf32, #tpu.memory_space<hbm>>) dst(%dma_wait3A_1093 : memref<128xf32, #tpu.memory_space<vmem>>)
      %dma_start3A_1099 = arith.constant 1 : i32
      %dma_start3A_1100 = arith.constant 128 : i32
      %dma_start3A_1101 = tpu.memref_slice %arg10[%dma_start3A_1100] : memref<256xf32, #tpu.memory_space<vmem>> -> memref<128xf32, #tpu.memory_space<vmem>>
      %dma_start3A_1102 = arith.constant 0 : i32
      %dma_start3A_1103 = tpu.memref_slice %arg11[%dma_start3A_1099, %dma_start3A_1102] : memref<2x128xi32, #tpu.memory_space<vmem>> -> memref<1x128xi32, #tpu.memory_space<vmem>>
      %dma_start3A_1104 = tpu.memref_squeeze %dma_start3A_1103 : memref<1x128xi32, #tpu.memory_space<vmem>> -> memref<128xi32, #tpu.memory_space<vmem>>
      %dma_start3A_1105 = arith.constant 0 : i32
      %dma_start3A_1106 = tpu.memref_slice %arg3[%dma_start3A_1105] : memref<16384000xf32, #tpu.memory_space<hbm>> -> memref<16384000xf32, #tpu.memory_space<hbm>>
      tpu.enqueue_indirect_dma source(%dma_start3A_1106 : memref<16384000xf32, #tpu.memory_space<hbm>>) target(%dma_start3A_1101 : memref<128xf32, #tpu.memory_space<vmem>>) offsets(%dma_start3A_1104 : memref<128xi32, #tpu.memory_space<vmem>>) semaphore(%arg12 : memref<!tpu.dma_semaphore, #tpu.memory_space<semaphore_mem>>)
      %dma_wait3A_1107 = arith.constant 1 : i32
      %dma_wait3A_1108 = arith.constant 128 : i32
      %dma_wait3A_1109 = tpu.memref_slice %arg10[%dma_wait3A_1108] : memref<256xf32, #tpu.memory_space<vmem>> -> memref<128xf32, #tpu.memory_space<vmem>>
      %dma_wait3A_1110 = arith.constant 0 : i32
      %dma_wait3A_1111 = tpu.memref_slice %arg11[%dma_wait3A_1107, %dma_wait3A_1110] : memref<2x128xi32, #tpu.memory_space<vmem>> -> memref<1x128xi32, #tpu.memory_space<vmem>>
      %dma_wait3A_1112 = tpu.memref_squeeze %dma_wait3A_1111 : memref<1x128xi32, #tpu.memory_space<vmem>> -> memref<128xi32, #tpu.memory_space<vmem>>
      %dma_wait3A_1113 = arith.constant 0 : i32
      %dma_wait3A_1114 = tpu.memref_slice %arg3[%dma_wait3A_1113] : memref<16384000xf32, #tpu.memory_space<hbm>> -> memref<16384000xf32, #tpu.memory_space<hbm>>
      tpu.wait_indirect_dma semaphore(%arg12 : memref<!tpu.dma_semaphore, #tpu.memory_space<semaphore_mem>>) src(%dma_wait3A_1114 : memref<16384000xf32, #tpu.memory_space<hbm>>) dst(%dma_wait3A_1109 : memref<128xf32, #tpu.memory_space<vmem>>)
      %scan3A_1115 = arith.constant 0 : i32
      %scan3A_1116 = arith.constant 0 : i32
      %scan3A_1117 = arith.constant 16 : i32
      %scan3A_1118 = arith.addi %scan3A_1116, %scan3A_1117 : i32
      %scan3A_1119 = arith.constant 1 : i32
      %scan3A_1120 = scf.for %scan3A_1122 = %scan3A_1116 to %scan3A_1118 step %scan3A_1119 iter_args(%scan3A_1123 = %scan3A_1115) -> (i32)  : i32 {
        %add3A_1124 = arith.constant 12288 : i32
        %add3A_1125 = arith.addi %add3A_1124, %mul3A_4 : i32
        %mul3A_1126 = arith.constant 16 : i32
        %mul3A_1127 = arith.muli %scan3A_1122, %mul3A_1126 : i32
        %add3A_1128 = arith.addi %add3A_1125, %mul3A_1127 : i32
        %mul3A_1129 = arith.constant 1000 : i32
        %mul3A_1130 = arith.muli %add3A_1128, %mul3A_1129 : i32
        %dma_start3A_1131 = tpu.memref_slice %arg3[%mul3A_1130] : memref<16384000xf32, #tpu.memory_space<hbm>> -> memref<16000xf32, #tpu.memory_space<hbm>>
        %dma_start3A_1132 = tpu.memref_slice %arg3[%mul3A_1130] : memref<16384000xf32, #tpu.memory_space<hbm>> -> memref<16000xf32, #tpu.memory_space<hbm>>
        tpu.enqueue_dma source(%dma_start3A_1132 : memref<16000xf32, #tpu.memory_space<hbm>>) target(%arg7 : memref<16000xf32, #tpu.memory_space<vmem>>) target_semaphore(%arg12 : memref<!tpu.dma_semaphore, #tpu.memory_space<semaphore_mem>>)
        %dma_wait3A_1133 = tpu.memref_slice %arg3[%mul3A_1130] : memref<16384000xf32, #tpu.memory_space<hbm>> -> memref<16000xf32, #tpu.memory_space<hbm>>
        %dma_wait3A_1134 = tpu.memref_slice %arg3[%mul3A_1130] : memref<16384000xf32, #tpu.memory_space<hbm>> -> memref<16000xf32, #tpu.memory_space<hbm>>
        tpu.wait_dma2 semaphore(%arg12 : memref<!tpu.dma_semaphore, #tpu.memory_space<semaphore_mem>>) src(%dma_wait3A_1134 : memref<16000xf32, #tpu.memory_space<hbm>>) dst(%arg7 : memref<16000xf32, #tpu.memory_space<vmem>>)
        %broadcast_in_dim3A = arith.constant 0.000000e+00 : f32
        %broadcast_in_dim3A_1135 = vector.broadcast %broadcast_in_dim3A : f32 to vector<16xf32>
        %scan3A_1136 = arith.constant 0 : i32
        %scan3A_1137 = arith.constant 8 : i32
        %scan3A_1138 = arith.addi %scan3A_1136, %scan3A_1137 : i32
        %scan3A_1139 = arith.constant 1 : i32
        %scan3A_1140 = scf.for %scan3A_1149 = %scan3A_1136 to %scan3A_1138 step %scan3A_1139 iter_args(%scan3A_1150 = %broadcast_in_dim3A_1135) -> (vector<16xf32>)  : i32 {
          %mul3A_1151 = arith.constant 2 : i32
          %mul3A_1152 = arith.muli %scan3A_1149, %mul3A_1151 : i32
          %mul3A_1153 = arith.constant 1000 : i32
          %mul3A_1154 = arith.muli %mul3A_1152, %mul3A_1153 : i32
          %broadcast_in_dim3A_1155 = arith.constant 0.000000e+00 : f32
          %broadcast_in_dim3A_1156 = vector.broadcast %broadcast_in_dim3A_1155 : f32 to vector<16xf32>
          %broadcast_in_dim3A_1157 = arith.constant 0.000000e+00 : f32
          %broadcast_in_dim3A_1158 = vector.broadcast %broadcast_in_dim3A_1157 : f32 to vector<16xf32>
          %broadcast_in_dim3A_1159 = arith.constant 0.000000e+00 : f32
          %broadcast_in_dim3A_1160 = vector.broadcast %broadcast_in_dim3A_1159 : f32 to vector<16xf32>
          %add3A_1161 = arith.constant 0 : i32
          %add3A_1162 = arith.addi %mul3A_1154, %add3A_1161 : i32
          %get3A_1163 = arith.index_cast %add3A_1162 : i32 to index
          %get3A_1164 = tpu.vector_load %arg7[%get3A_1163] {strides = array<i32>} : memref<16000xf32, #tpu.memory_space<vmem>>, vector<16xf32>,
          %get3A_1165 = vector.shape_cast %get3A_1164 : vector<16xf32> to vector<16xf32>
          %exp3A = math.exp %get3A_1165 : vector<16xf32>
          %add3A_1166 = arith.addf %broadcast_in_dim3A_1156, %exp3A : vector<16xf32>
          %add3A_1167 = arith.constant 16 : i32
          %add3A_1168 = arith.addi %mul3A_1154, %add3A_1167 : i32
          %get3A_1169 = arith.index_cast %add3A_1168 : i32 to index
          %get3A_1170 = tpu.vector_load %arg7[%get3A_1169] {strides = array<i32>} : memref<16000xf32, #tpu.memory_space<vmem>>, vector<16xf32>,
          %get3A_1171 = vector.shape_cast %get3A_1170 : vector<16xf32> to vector<16xf32>
          %exp3A_1172 = math.exp %get3A_1171 : vector<16xf32>
          %add3A_1173 = arith.addf %add3A_1166, %exp3A_1172 : vector<16xf32>
          %add3A_1174 = arith.constant 32 : i32
          %add3A_1175 = arith.addi %mul3A_1154, %add3A_1174 : i32
          %get3A_1176 = arith.index_cast %add3A_1175 : i32 to index
          %get3A_1177 = tpu.vector_load %arg7[%get3A_1176] {strides = array<i32>} : memref<16000xf32, #tpu.memory_space<vmem>>, vector<16xf32>,
          %get3A_1178 = vector.shape_cast %get3A_1177 : vector<16xf32> to vector<16xf32>
          %exp3A_1179 = math.exp %get3A_1178 : vector<16xf32>
          %add3A_1180 = arith.addf %add3A_1173, %exp3A_1179 : vector<16xf32>
          %add3A_1181 = arith.constant 48 : i32
          %add3A_1182 = arith.addi %mul3A_1154, %add3A_1181 : i32
          %get3A_1183 = arith.index_cast %add3A_1182 : i32 to index
          %get3A_1184 = tpu.vector_load %arg7[%get3A_1183] {strides = array<i32>} : memref<16000xf32, #tpu.memory_space<vmem>>, vector<16xf32>,
          %get3A_1185 = vector.shape_cast %get3A_1184 : vector<16xf32> to vector<16xf32>
          %exp3A_1186 = math.exp %get3A_1185 : vector<16xf32>
          %add3A_1187 = arith.addf %add3A_1180, %exp3A_1186 : vector<16xf32>
          %add3A_1188 = arith.constant 64 : i32
          %add3A_1189 = arith.addi %mul3A_1154, %add3A_1188 : i32
          %get3A_1190 = arith.index_cast %add3A_1189 : i32 to index
          %get3A_1191 = tpu.vector_load %arg7[%get3A_1190] {strides = array<i32>} : memref<16000xf32, #tpu.memory_space<vmem>>, vector<16xf32>,
          %get3A_1192 = vector.shape_cast %get3A_1191 : vector<16xf32> to vector<16xf32>
          %exp3A_1193 = math.exp %get3A_1192 : vector<16xf32>
          %add3A_1194 = arith.addf %add3A_1187, %exp3A_1193 : vector<16xf32>
          %add3A_1195 = arith.constant 80 : i32
          %add3A_1196 = arith.addi %mul3A_1154, %add3A_1195 : i32
          %get3A_1197 = arith.index_cast %add3A_1196 : i32 to index
          %get3A_1198 = tpu.vector_load %arg7[%get3A_1197] {strides = array<i32>} : memref<16000xf32, #tpu.memory_space<vmem>>, vector<16xf32>,
          %get3A_1199 = vector.shape_cast %get3A_1198 : vector<16xf32> to vector<16xf32>
          %exp3A_1200 = math.exp %get3A_1199 : vector<16xf32>
          %add3A_1201 = arith.addf %add3A_1194, %exp3A_1200 : vector<16xf32>
          %add3A_1202 = arith.constant 96 : i32
          %add3A_1203 = arith.addi %mul3A_1154, %add3A_1202 : i32
          %get3A_1204 = arith.index_cast %add3A_1203 : i32 to index
          %get3A_1205 = tpu.vector_load %arg7[%get3A_1204] {strides = array<i32>} : memref<16000xf32, #tpu.memory_space<vmem>>, vector<16xf32>,
          %get3A_1206 = vector.shape_cast %get3A_1205 : vector<16xf32> to vector<16xf32>
          %exp3A_1207 = math.exp %get3A_1206 : vector<16xf32>
          %add3A_1208 = arith.addf %add3A_1201, %exp3A_1207 : vector<16xf32>
          %add3A_1209 = arith.constant 112 : i32
          %add3A_1210 = arith.addi %mul3A_1154, %add3A_1209 : i32
          %get3A_1211 = arith.index_cast %add3A_1210 : i32 to index
          %get3A_1212 = tpu.vector_load %arg7[%get3A_1211] {strides = array<i32>} : memref<16000xf32, #tpu.memory_space<vmem>>, vector<16xf32>,
          %get3A_1213 = vector.shape_cast %get3A_1212 : vector<16xf32> to vector<16xf32>
          %exp3A_1214 = math.exp %get3A_1213 : vector<16xf32>
          %add3A_1215 = arith.addf %add3A_1208, %exp3A_1214 : vector<16xf32>
          %add3A_1216 = arith.constant 128 : i32
          %add3A_1217 = arith.addi %mul3A_1154, %add3A_1216 : i32
          %get3A_1218 = arith.index_cast %add3A_1217 : i32 to index
          %get3A_1219 = tpu.vector_load %arg7[%get3A_1218] {strides = array<i32>} : memref<16000xf32, #tpu.memory_space<vmem>>, vector<16xf32>,
          %get3A_1220 = vector.shape_cast %get3A_1219 : vector<16xf32> to vector<16xf32>
          %exp3A_1221 = math.exp %get3A_1220 : vector<16xf32>
          %add3A_1222 = arith.addf %add3A_1215, %exp3A_1221 : vector<16xf32>
          %add3A_1223 = arith.constant 144 : i32
          %add3A_1224 = arith.addi %mul3A_1154, %add3A_1223 : i32
          %get3A_1225 = arith.index_cast %add3A_1224 : i32 to index
          %get3A_1226 = tpu.vector_load %arg7[%get3A_1225] {strides = array<i32>} : memref<16000xf32, #tpu.memory_space<vmem>>, vector<16xf32>,
          %get3A_1227 = vector.shape_cast %get3A_1226 : vector<16xf32> to vector<16xf32>
          %exp3A_1228 = math.exp %get3A_1227 : vector<16xf32>
          %add3A_1229 = arith.addf %add3A_1222, %exp3A_1228 : vector<16xf32>
          %add3A_1230 = arith.constant 160 : i32
          %add3A_1231 = arith.addi %mul3A_1154, %add3A_1230 : i32
          %get3A_1232 = arith.index_cast %add3A_1231 : i32 to index
          %get3A_1233 = tpu.vector_load %arg7[%get3A_1232] {strides = array<i32>} : memref<16000xf32, #tpu.memory_space<vmem>>, vector<16xf32>,
          %get3A_1234 = vector.shape_cast %get3A_1233 : vector<16xf32> to vector<16xf32>
          %exp3A_1235 = math.exp %get3A_1234 : vector<16xf32>
          %add3A_1236 = arith.addf %add3A_1229, %exp3A_1235 : vector<16xf32>
          %add3A_1237 = arith.constant 176 : i32
          %add3A_1238 = arith.addi %mul3A_1154, %add3A_1237 : i32
          %get3A_1239 = arith.index_cast %add3A_1238 : i32 to index
          %get3A_1240 = tpu.vector_load %arg7[%get3A_1239] {strides = array<i32>} : memref<16000xf32, #tpu.memory_space<vmem>>, vector<16xf32>,
          %get3A_1241 = vector.shape_cast %get3A_1240 : vector<16xf32> to vector<16xf32>
          %exp3A_1242 = math.exp %get3A_1241 : vector<16xf32>
          %add3A_1243 = arith.addf %add3A_1236, %exp3A_1242 : vector<16xf32>
          %add3A_1244 = arith.constant 192 : i32
          %add3A_1245 = arith.addi %mul3A_1154, %add3A_1244 : i32
          %get3A_1246 = arith.index_cast %add3A_1245 : i32 to index
          %get3A_1247 = tpu.vector_load %arg7[%get3A_1246] {strides = array<i32>} : memref<16000xf32, #tpu.memory_space<vmem>>, vector<16xf32>,
          %get3A_1248 = vector.shape_cast %get3A_1247 : vector<16xf32> to vector<16xf32>
          %exp3A_1249 = math.exp %get3A_1248 : vector<16xf32>
          %add3A_1250 = arith.addf %add3A_1243, %exp3A_1249 : vector<16xf32>
          %add3A_1251 = arith.constant 208 : i32
          %add3A_1252 = arith.addi %mul3A_1154, %add3A_1251 : i32
          %get3A_1253 = arith.index_cast %add3A_1252 : i32 to index
          %get3A_1254 = tpu.vector_load %arg7[%get3A_1253] {strides = array<i32>} : memref<16000xf32, #tpu.memory_space<vmem>>, vector<16xf32>,
          %get3A_1255 = vector.shape_cast %get3A_1254 : vector<16xf32> to vector<16xf32>
          %exp3A_1256 = math.exp %get3A_1255 : vector<16xf32>
          %add3A_1257 = arith.addf %add3A_1250, %exp3A_1256 : vector<16xf32>
          %add3A_1258 = arith.constant 224 : i32
          %add3A_1259 = arith.addi %mul3A_1154, %add3A_1258 : i32
          %get3A_1260 = arith.index_cast %add3A_1259 : i32 to index
          %get3A_1261 = tpu.vector_load %arg7[%get3A_1260] {strides = array<i32>} : memref<16000xf32, #tpu.memory_space<vmem>>, vector<16xf32>,
          %get3A_1262 = vector.shape_cast %get3A_1261 : vector<16xf32> to vector<16xf32>
          %exp3A_1263 = math.exp %get3A_1262 : vector<16xf32>
          %add3A_1264 = arith.addf %add3A_1257, %exp3A_1263 : vector<16xf32>
          %add3A_1265 = arith.constant 240 : i32
          %add3A_1266 = arith.addi %mul3A_1154, %add3A_1265 : i32
          %get3A_1267 = arith.index_cast %add3A_1266 : i32 to index
          %get3A_1268 = tpu.vector_load %arg7[%get3A_1267] {strides = array<i32>} : memref<16000xf32, #tpu.memory_space<vmem>>, vector<16xf32>,
          %get3A_1269 = vector.shape_cast %get3A_1268 : vector<16xf32> to vector<16xf32>
          %exp3A_1270 = math.exp %get3A_1269 : vector<16xf32>
          %add3A_1271 = arith.addf %add3A_1264, %exp3A_1270 : vector<16xf32>
          %add3A_1272 = arith.constant 256 : i32
          %add3A_1273 = arith.addi %mul3A_1154, %add3A_1272 : i32
          %get3A_1274 = arith.index_cast %add3A_1273 : i32 to index
          %get3A_1275 = tpu.vector_load %arg7[%get3A_1274] {strides = array<i32>} : memref<16000xf32, #tpu.memory_space<vmem>>, vector<16xf32>,
          %get3A_1276 = vector.shape_cast %get3A_1275 : vector<16xf32> to vector<16xf32>
          %exp3A_1277 = math.exp %get3A_1276 : vector<16xf32>
          %add3A_1278 = arith.addf %add3A_1271, %exp3A_1277 : vector<16xf32>
          %add3A_1279 = arith.constant 272 : i32
          %add3A_1280 = arith.addi %mul3A_1154, %add3A_1279 : i32
          %get3A_1281 = arith.index_cast %add3A_1280 : i32 to index
          %get3A_1282 = tpu.vector_load %arg7[%get3A_1281] {strides = array<i32>} : memref<16000xf32, #tpu.memory_space<vmem>>, vector<16xf32>,
          %get3A_1283 = vector.shape_cast %get3A_1282 : vector<16xf32> to vector<16xf32>
          %exp3A_1284 = math.exp %get3A_1283 : vector<16xf32>
          %add3A_1285 = arith.addf %add3A_1278, %exp3A_1284 : vector<16xf32>
          %add3A_1286 = arith.constant 288 : i32
          %add3A_1287 = arith.addi %mul3A_1154, %add3A_1286 : i32
          %get3A_1288 = arith.index_cast %add3A_1287 : i32 to index
          %get3A_1289 = tpu.vector_load %arg7[%get3A_1288] {strides = array<i32>} : memref<16000xf32, #tpu.memory_space<vmem>>, vector<16xf32>,
          %get3A_1290 = vector.shape_cast %get3A_1289 : vector<16xf32> to vector<16xf32>
          %exp3A_1291 = math.exp %get3A_1290 : vector<16xf32>
          %add3A_1292 = arith.addf %add3A_1285, %exp3A_1291 : vector<16xf32>
          %add3A_1293 = arith.constant 304 : i32
          %add3A_1294 = arith.addi %mul3A_1154, %add3A_1293 : i32
          %get3A_1295 = arith.index_cast %add3A_1294 : i32 to index
          %get3A_1296 = tpu.vector_load %arg7[%get3A_1295] {strides = array<i32>} : memref<16000xf32, #tpu.memory_space<vmem>>, vector<16xf32>,
          %get3A_1297 = vector.shape_cast %get3A_1296 : vector<16xf32> to vector<16xf32>
          %exp3A_1298 = math.exp %get3A_1297 : vector<16xf32>
          %add3A_1299 = arith.addf %add3A_1292, %exp3A_1298 : vector<16xf32>
          %add3A_1300 = arith.constant 320 : i32
          %add3A_1301 = arith.addi %mul3A_1154, %add3A_1300 : i32
          %get3A_1302 = arith.index_cast %add3A_1301 : i32 to index
          %get3A_1303 = tpu.vector_load %arg7[%get3A_1302] {strides = array<i32>} : memref<16000xf32, #tpu.memory_space<vmem>>, vector<16xf32>,
          %get3A_1304 = vector.shape_cast %get3A_1303 : vector<16xf32> to vector<16xf32>
          %exp3A_1305 = math.exp %get3A_1304 : vector<16xf32>
          %add3A_1306 = arith.addf %add3A_1299, %exp3A_1305 : vector<16xf32>
          %add3A_1307 = arith.constant 336 : i32
          %add3A_1308 = arith.addi %mul3A_1154, %add3A_1307 : i32
          %get3A_1309 = arith.index_cast %add3A_1308 : i32 to index
          %get3A_1310 = tpu.vector_load %arg7[%get3A_1309] {strides = array<i32>} : memref<16000xf32, #tpu.memory_space<vmem>>, vector<16xf32>,
          %get3A_1311 = vector.shape_cast %get3A_1310 : vector<16xf32> to vector<16xf32>
          %exp3A_1312 = math.exp %get3A_1311 : vector<16xf32>
          %add3A_1313 = arith.addf %add3A_1306, %exp3A_1312 : vector<16xf32>
          %add3A_1314 = arith.constant 352 : i32
          %add3A_1315 = arith.addi %mul3A_1154, %add3A_1314 : i32
          %get3A_1316 = arith.index_cast %add3A_1315 : i32 to index
          %get3A_1317 = tpu.vector_load %arg7[%get3A_1316] {strides = array<i32>} : memref<16000xf32, #tpu.memory_space<vmem>>, vector<16xf32>,
          %get3A_1318 = vector.shape_cast %get3A_1317 : vector<16xf32> to vector<16xf32>
          %exp3A_1319 = math.exp %get3A_1318 : vector<16xf32>
          %add3A_1320 = arith.addf %add3A_1313, %exp3A_1319 : vector<16xf32>
          %add3A_1321 = arith.constant 368 : i32
          %add3A_1322 = arith.addi %mul3A_1154, %add3A_1321 : i32
          %get3A_1323 = arith.index_cast %add3A_1322 : i32 to index
          %get3A_1324 = tpu.vector_load %arg7[%get3A_1323] {strides = array<i32>} : memref<16000xf32, #tpu.memory_space<vmem>>, vector<16xf32>,
          %get3A_1325 = vector.shape_cast %get3A_1324 : vector<16xf32> to vector<16xf32>
          %exp3A_1326 = math.exp %get3A_1325 : vector<16xf32>
          %add3A_1327 = arith.addf %add3A_1320, %exp3A_1326 : vector<16xf32>
          %add3A_1328 = arith.constant 384 : i32
          %add3A_1329 = arith.addi %mul3A_1154, %add3A_1328 : i32
          %get3A_1330 = arith.index_cast %add3A_1329 : i32 to index
          %get3A_1331 = tpu.vector_load %arg7[%get3A_1330] {strides = array<i32>} : memref<16000xf32, #tpu.memory_space<vmem>>, vector<16xf32>,
          %get3A_1332 = vector.shape_cast %get3A_1331 : vector<16xf32> to vector<16xf32>
          %exp3A_1333 = math.exp %get3A_1332 : vector<16xf32>
          %add3A_1334 = arith.addf %add3A_1327, %exp3A_1333 : vector<16xf32>
          %add3A_1335 = arith.constant 400 : i32
          %add3A_1336 = arith.addi %mul3A_1154, %add3A_1335 : i32
          %get3A_1337 = arith.index_cast %add3A_1336 : i32 to index
          %get3A_1338 = tpu.vector_load %arg7[%get3A_1337] {strides = array<i32>} : memref<16000xf32, #tpu.memory_space<vmem>>, vector<16xf32>,
          %get3A_1339 = vector.shape_cast %get3A_1338 : vector<16xf32> to vector<16xf32>
          %exp3A_1340 = math.exp %get3A_1339 : vector<16xf32>
          %add3A_1341 = arith.addf %add3A_1334, %exp3A_1340 : vector<16xf32>
          %add3A_1342 = arith.constant 416 : i32
          %add3A_1343 = arith.addi %mul3A_1154, %add3A_1342 : i32
          %get3A_1344 = arith.index_cast %add3A_1343 : i32 to index
          %get3A_1345 = tpu.vector_load %arg7[%get3A_1344] {strides = array<i32>} : memref<16000xf32, #tpu.memory_space<vmem>>, vector<16xf32>,
          %get3A_1346 = vector.shape_cast %get3A_1345 : vector<16xf32> to vector<16xf32>
          %exp3A_1347 = math.exp %get3A_1346 : vector<16xf32>
          %add3A_1348 = arith.addf %add3A_1341, %exp3A_1347 : vector<16xf32>
          %add3A_1349 = arith.constant 432 : i32
          %add3A_1350 = arith.addi %mul3A_1154, %add3A_1349 : i32
          %get3A_1351 = arith.index_cast %add3A_1350 : i32 to index
          %get3A_1352 = tpu.vector_load %arg7[%get3A_1351] {strides = array<i32>} : memref<16000xf32, #tpu.memory_space<vmem>>, vector<16xf32>,
          %get3A_1353 = vector.shape_cast %get3A_1352 : vector<16xf32> to vector<16xf32>
          %exp3A_1354 = math.exp %get3A_1353 : vector<16xf32>
          %add3A_1355 = arith.addf %add3A_1348, %exp3A_1354 : vector<16xf32>
          %add3A_1356 = arith.constant 448 : i32
          %add3A_1357 = arith.addi %mul3A_1154, %add3A_1356 : i32
          %get3A_1358 = arith.index_cast %add3A_1357 : i32 to index
          %get3A_1359 = tpu.vector_load %arg7[%get3A_1358] {strides = array<i32>} : memref<16000xf32, #tpu.memory_space<vmem>>, vector<16xf32>,
          %get3A_1360 = vector.shape_cast %get3A_1359 : vector<16xf32> to vector<16xf32>
          %exp3A_1361 = math.exp %get3A_1360 : vector<16xf32>
          %add3A_1362 = arith.addf %add3A_1355, %exp3A_1361 : vector<16xf32>
          %add3A_1363 = arith.constant 464 : i32
          %add3A_1364 = arith.addi %mul3A_1154, %add3A_1363 : i32
          %get3A_1365 = arith.index_cast %add3A_1364 : i32 to index
          %get3A_1366 = tpu.vector_load %arg7[%get3A_1365] {strides = array<i32>} : memref<16000xf32, #tpu.memory_space<vmem>>, vector<16xf32>,
          %get3A_1367 = vector.shape_cast %get3A_1366 : vector<16xf32> to vector<16xf32>
          %exp3A_1368 = math.exp %get3A_1367 : vector<16xf32>
          %add3A_1369 = arith.addf %add3A_1362, %exp3A_1368 : vector<16xf32>
          %add3A_1370 = arith.constant 480 : i32
          %add3A_1371 = arith.addi %mul3A_1154, %add3A_1370 : i32
          %get3A_1372 = arith.index_cast %add3A_1371 : i32 to index
          %get3A_1373 = tpu.vector_load %arg7[%get3A_1372] {strides = array<i32>} : memref<16000xf32, #tpu.memory_space<vmem>>, vector<16xf32>,
          %get3A_1374 = vector.shape_cast %get3A_1373 : vector<16xf32> to vector<16xf32>
          %exp3A_1375 = math.exp %get3A_1374 : vector<16xf32>
          %add3A_1376 = arith.addf %add3A_1369, %exp3A_1375 : vector<16xf32>
          %add3A_1377 = arith.constant 496 : i32
          %add3A_1378 = arith.addi %mul3A_1154, %add3A_1377 : i32
          %get3A_1379 = arith.index_cast %add3A_1378 : i32 to index
          %get3A_1380 = tpu.vector_load %arg7[%get3A_1379] {strides = array<i32>} : memref<16000xf32, #tpu.memory_space<vmem>>, vector<16xf32>,
          %get3A_1381 = vector.shape_cast %get3A_1380 : vector<16xf32> to vector<16xf32>
          %exp3A_1382 = math.exp %get3A_1381 : vector<16xf32>
          %add3A_1383 = arith.addf %add3A_1376, %exp3A_1382 : vector<16xf32>
          %add3A_1384 = arith.constant 512 : i32
          %add3A_1385 = arith.addi %mul3A_1154, %add3A_1384 : i32
          %get3A_1386 = arith.index_cast %add3A_1385 : i32 to index
          %get3A_1387 = tpu.vector_load %arg7[%get3A_1386] {strides = array<i32>} : memref<16000xf32, #tpu.memory_space<vmem>>, vector<16xf32>,
          %get3A_1388 = vector.shape_cast %get3A_1387 : vector<16xf32> to vector<16xf32>
          %exp3A_1389 = math.exp %get3A_1388 : vector<16xf32>
          %add3A_1390 = arith.addf %add3A_1383, %exp3A_1389 : vector<16xf32>
          %add3A_1391 = arith.constant 528 : i32
          %add3A_1392 = arith.addi %mul3A_1154, %add3A_1391 : i32
          %get3A_1393 = arith.index_cast %add3A_1392 : i32 to index
          %get3A_1394 = tpu.vector_load %arg7[%get3A_1393] {strides = array<i32>} : memref<16000xf32, #tpu.memory_space<vmem>>, vector<16xf32>,
          %get3A_1395 = vector.shape_cast %get3A_1394 : vector<16xf32> to vector<16xf32>
          %exp3A_1396 = math.exp %get3A_1395 : vector<16xf32>
          %add3A_1397 = arith.addf %add3A_1390, %exp3A_1396 : vector<16xf32>
          %add3A_1398 = arith.constant 544 : i32
          %add3A_1399 = arith.addi %mul3A_1154, %add3A_1398 : i32
          %get3A_1400 = arith.index_cast %add3A_1399 : i32 to index
          %get3A_1401 = tpu.vector_load %arg7[%get3A_1400] {strides = array<i32>} : memref<16000xf32, #tpu.memory_space<vmem>>, vector<16xf32>,
          %get3A_1402 = vector.shape_cast %get3A_1401 : vector<16xf32> to vector<16xf32>
          %exp3A_1403 = math.exp %get3A_1402 : vector<16xf32>
          %add3A_1404 = arith.addf %add3A_1397, %exp3A_1403 : vector<16xf32>
          %add3A_1405 = arith.constant 560 : i32
          %add3A_1406 = arith.addi %mul3A_1154, %add3A_1405 : i32
          %get3A_1407 = arith.index_cast %add3A_1406 : i32 to index
          %get3A_1408 = tpu.vector_load %arg7[%get3A_1407] {strides = array<i32>} : memref<16000xf32, #tpu.memory_space<vmem>>, vector<16xf32>,
          %get3A_1409 = vector.shape_cast %get3A_1408 : vector<16xf32> to vector<16xf32>
          %exp3A_1410 = math.exp %get3A_1409 : vector<16xf32>
          %add3A_1411 = arith.addf %add3A_1404, %exp3A_1410 : vector<16xf32>
          %add3A_1412 = arith.constant 576 : i32
          %add3A_1413 = arith.addi %mul3A_1154, %add3A_1412 : i32
          %get3A_1414 = arith.index_cast %add3A_1413 : i32 to index
          %get3A_1415 = tpu.vector_load %arg7[%get3A_1414] {strides = array<i32>} : memref<16000xf32, #tpu.memory_space<vmem>>, vector<16xf32>,
          %get3A_1416 = vector.shape_cast %get3A_1415 : vector<16xf32> to vector<16xf32>
          %exp3A_1417 = math.exp %get3A_1416 : vector<16xf32>
          %add3A_1418 = arith.addf %add3A_1411, %exp3A_1417 : vector<16xf32>
          %add3A_1419 = arith.constant 592 : i32
          %add3A_1420 = arith.addi %mul3A_1154, %add3A_1419 : i32
          %get3A_1421 = arith.index_cast %add3A_1420 : i32 to index
          %get3A_1422 = tpu.vector_load %arg7[%get3A_1421] {strides = array<i32>} : memref<16000xf32, #tpu.memory_space<vmem>>, vector<16xf32>,
          %get3A_1423 = vector.shape_cast %get3A_1422 : vector<16xf32> to vector<16xf32>
          %exp3A_1424 = math.exp %get3A_1423 : vector<16xf32>
          %add3A_1425 = arith.addf %add3A_1418, %exp3A_1424 : vector<16xf32>
          %add3A_1426 = arith.constant 608 : i32
          %add3A_1427 = arith.addi %mul3A_1154, %add3A_1426 : i32
          %get3A_1428 = arith.index_cast %add3A_1427 : i32 to index
          %get3A_1429 = tpu.vector_load %arg7[%get3A_1428] {strides = array<i32>} : memref<16000xf32, #tpu.memory_space<vmem>>, vector<16xf32>,
          %get3A_1430 = vector.shape_cast %get3A_1429 : vector<16xf32> to vector<16xf32>
          %exp3A_1431 = math.exp %get3A_1430 : vector<16xf32>
          %add3A_1432 = arith.addf %add3A_1425, %exp3A_1431 : vector<16xf32>
          %add3A_1433 = arith.constant 624 : i32
          %add3A_1434 = arith.addi %mul3A_1154, %add3A_1433 : i32
          %get3A_1435 = arith.index_cast %add3A_1434 : i32 to index
          %get3A_1436 = tpu.vector_load %arg7[%get3A_1435] {strides = array<i32>} : memref<16000xf32, #tpu.memory_space<vmem>>, vector<16xf32>,
          %get3A_1437 = vector.shape_cast %get3A_1436 : vector<16xf32> to vector<16xf32>
          %exp3A_1438 = math.exp %get3A_1437 : vector<16xf32>
          %add3A_1439 = arith.addf %add3A_1432, %exp3A_1438 : vector<16xf32>
          %add3A_1440 = arith.constant 640 : i32
          %add3A_1441 = arith.addi %mul3A_1154, %add3A_1440 : i32
          %get3A_1442 = arith.index_cast %add3A_1441 : i32 to index
          %get3A_1443 = tpu.vector_load %arg7[%get3A_1442] {strides = array<i32>} : memref<16000xf32, #tpu.memory_space<vmem>>, vector<16xf32>,
          %get3A_1444 = vector.shape_cast %get3A_1443 : vector<16xf32> to vector<16xf32>
          %exp3A_1445 = math.exp %get3A_1444 : vector<16xf32>
          %add3A_1446 = arith.addf %add3A_1439, %exp3A_1445 : vector<16xf32>
          %add3A_1447 = arith.constant 656 : i32
          %add3A_1448 = arith.addi %mul3A_1154, %add3A_1447 : i32
          %get3A_1449 = arith.index_cast %add3A_1448 : i32 to index
          %get3A_1450 = tpu.vector_load %arg7[%get3A_1449] {strides = array<i32>} : memref<16000xf32, #tpu.memory_space<vmem>>, vector<16xf32>,
          %get3A_1451 = vector.shape_cast %get3A_1450 : vector<16xf32> to vector<16xf32>
          %exp3A_1452 = math.exp %get3A_1451 : vector<16xf32>
          %add3A_1453 = arith.addf %add3A_1446, %exp3A_1452 : vector<16xf32>
          %add3A_1454 = arith.constant 672 : i32
          %add3A_1455 = arith.addi %mul3A_1154, %add3A_1454 : i32
          %get3A_1456 = arith.index_cast %add3A_1455 : i32 to index
          %get3A_1457 = tpu.vector_load %arg7[%get3A_1456] {strides = array<i32>} : memref<16000xf32, #tpu.memory_space<vmem>>, vector<16xf32>,
          %get3A_1458 = vector.shape_cast %get3A_1457 : vector<16xf32> to vector<16xf32>
          %exp3A_1459 = math.exp %get3A_1458 : vector<16xf32>
          %add3A_1460 = arith.addf %add3A_1453, %exp3A_1459 : vector<16xf32>
          %add3A_1461 = arith.constant 688 : i32
          %add3A_1462 = arith.addi %mul3A_1154, %add3A_1461 : i32
          %get3A_1463 = arith.index_cast %add3A_1462 : i32 to index
          %get3A_1464 = tpu.vector_load %arg7[%get3A_1463] {strides = array<i32>} : memref<16000xf32, #tpu.memory_space<vmem>>, vector<16xf32>,
          %get3A_1465 = vector.shape_cast %get3A_1464 : vector<16xf32> to vector<16xf32>
          %exp3A_1466 = math.exp %get3A_1465 : vector<16xf32>
          %add3A_1467 = arith.addf %add3A_1460, %exp3A_1466 : vector<16xf32>
          %add3A_1468 = arith.constant 704 : i32
          %add3A_1469 = arith.addi %mul3A_1154, %add3A_1468 : i32
          %get3A_1470 = arith.index_cast %add3A_1469 : i32 to index
          %get3A_1471 = tpu.vector_load %arg7[%get3A_1470] {strides = array<i32>} : memref<16000xf32, #tpu.memory_space<vmem>>, vector<16xf32>,
          %get3A_1472 = vector.shape_cast %get3A_1471 : vector<16xf32> to vector<16xf32>
          %exp3A_1473 = math.exp %get3A_1472 : vector<16xf32>
          %add3A_1474 = arith.addf %add3A_1467, %exp3A_1473 : vector<16xf32>
          %add3A_1475 = arith.constant 720 : i32
          %add3A_1476 = arith.addi %mul3A_1154, %add3A_1475 : i32
          %get3A_1477 = arith.index_cast %add3A_1476 : i32 to index
          %get3A_1478 = tpu.vector_load %arg7[%get3A_1477] {strides = array<i32>} : memref<16000xf32, #tpu.memory_space<vmem>>, vector<16xf32>,
          %get3A_1479 = vector.shape_cast %get3A_1478 : vector<16xf32> to vector<16xf32>
          %exp3A_1480 = math.exp %get3A_1479 : vector<16xf32>
          %add3A_1481 = arith.addf %add3A_1474, %exp3A_1480 : vector<16xf32>
          %add3A_1482 = arith.constant 736 : i32
          %add3A_1483 = arith.addi %mul3A_1154, %add3A_1482 : i32
          %get3A_1484 = arith.index_cast %add3A_1483 : i32 to index
          %get3A_1485 = tpu.vector_load %arg7[%get3A_1484] {strides = array<i32>} : memref<16000xf32, #tpu.memory_space<vmem>>, vector<16xf32>,
          %get3A_1486 = vector.shape_cast %get3A_1485 : vector<16xf32> to vector<16xf32>
          %exp3A_1487 = math.exp %get3A_1486 : vector<16xf32>
          %add3A_1488 = arith.addf %add3A_1481, %exp3A_1487 : vector<16xf32>
          %add3A_1489 = arith.constant 752 : i32
          %add3A_1490 = arith.addi %mul3A_1154, %add3A_1489 : i32
          %get3A_1491 = arith.index_cast %add3A_1490 : i32 to index
          %get3A_1492 = tpu.vector_load %arg7[%get3A_1491] {strides = array<i32>} : memref<16000xf32, #tpu.memory_space<vmem>>, vector<16xf32>,
          %get3A_1493 = vector.shape_cast %get3A_1492 : vector<16xf32> to vector<16xf32>
          %exp3A_1494 = math.exp %get3A_1493 : vector<16xf32>
          %add3A_1495 = arith.addf %add3A_1488, %exp3A_1494 : vector<16xf32>
          %add3A_1496 = arith.constant 768 : i32
          %add3A_1497 = arith.addi %mul3A_1154, %add3A_1496 : i32
          %get3A_1498 = arith.index_cast %add3A_1497 : i32 to index
          %get3A_1499 = tpu.vector_load %arg7[%get3A_1498] {strides = array<i32>} : memref<16000xf32, #tpu.memory_space<vmem>>, vector<16xf32>,
          %get3A_1500 = vector.shape_cast %get3A_1499 : vector<16xf32> to vector<16xf32>
          %exp3A_1501 = math.exp %get3A_1500 : vector<16xf32>
          %add3A_1502 = arith.addf %add3A_1495, %exp3A_1501 : vector<16xf32>
          %add3A_1503 = arith.constant 784 : i32
          %add3A_1504 = arith.addi %mul3A_1154, %add3A_1503 : i32
          %get3A_1505 = arith.index_cast %add3A_1504 : i32 to index
          %get3A_1506 = tpu.vector_load %arg7[%get3A_1505] {strides = array<i32>} : memref<16000xf32, #tpu.memory_space<vmem>>, vector<16xf32>,
          %get3A_1507 = vector.shape_cast %get3A_1506 : vector<16xf32> to vector<16xf32>
          %exp3A_1508 = math.exp %get3A_1507 : vector<16xf32>
          %add3A_1509 = arith.addf %add3A_1502, %exp3A_1508 : vector<16xf32>
          %add3A_1510 = arith.constant 800 : i32
          %add3A_1511 = arith.addi %mul3A_1154, %add3A_1510 : i32
          %get3A_1512 = arith.index_cast %add3A_1511 : i32 to index
          %get3A_1513 = tpu.vector_load %arg7[%get3A_1512] {strides = array<i32>} : memref<16000xf32, #tpu.memory_space<vmem>>, vector<16xf32>,
          %get3A_1514 = vector.shape_cast %get3A_1513 : vector<16xf32> to vector<16xf32>
          %exp3A_1515 = math.exp %get3A_1514 : vector<16xf32>
          %add3A_1516 = arith.addf %add3A_1509, %exp3A_1515 : vector<16xf32>
          %add3A_1517 = arith.constant 816 : i32
          %add3A_1518 = arith.addi %mul3A_1154, %add3A_1517 : i32
          %get3A_1519 = arith.index_cast %add3A_1518 : i32 to index
          %get3A_1520 = tpu.vector_load %arg7[%get3A_1519] {strides = array<i32>} : memref<16000xf32, #tpu.memory_space<vmem>>, vector<16xf32>,
          %get3A_1521 = vector.shape_cast %get3A_1520 : vector<16xf32> to vector<16xf32>
          %exp3A_1522 = math.exp %get3A_1521 : vector<16xf32>
          %add3A_1523 = arith.addf %add3A_1516, %exp3A_1522 : vector<16xf32>
          %add3A_1524 = arith.constant 832 : i32
          %add3A_1525 = arith.addi %mul3A_1154, %add3A_1524 : i32
          %get3A_1526 = arith.index_cast %add3A_1525 : i32 to index
          %get3A_1527 = tpu.vector_load %arg7[%get3A_1526] {strides = array<i32>} : memref<16000xf32, #tpu.memory_space<vmem>>, vector<16xf32>,
          %get3A_1528 = vector.shape_cast %get3A_1527 : vector<16xf32> to vector<16xf32>
          %exp3A_1529 = math.exp %get3A_1528 : vector<16xf32>
          %add3A_1530 = arith.addf %add3A_1523, %exp3A_1529 : vector<16xf32>
          %add3A_1531 = arith.constant 848 : i32
          %add3A_1532 = arith.addi %mul3A_1154, %add3A_1531 : i32
          %get3A_1533 = arith.index_cast %add3A_1532 : i32 to index
          %get3A_1534 = tpu.vector_load %arg7[%get3A_1533] {strides = array<i32>} : memref<16000xf32, #tpu.memory_space<vmem>>, vector<16xf32>,
          %get3A_1535 = vector.shape_cast %get3A_1534 : vector<16xf32> to vector<16xf32>
          %exp3A_1536 = math.exp %get3A_1535 : vector<16xf32>
          %add3A_1537 = arith.addf %add3A_1530, %exp3A_1536 : vector<16xf32>
          %add3A_1538 = arith.constant 864 : i32
          %add3A_1539 = arith.addi %mul3A_1154, %add3A_1538 : i32
          %get3A_1540 = arith.index_cast %add3A_1539 : i32 to index
          %get3A_1541 = tpu.vector_load %arg7[%get3A_1540] {strides = array<i32>} : memref<16000xf32, #tpu.memory_space<vmem>>, vector<16xf32>,
          %get3A_1542 = vector.shape_cast %get3A_1541 : vector<16xf32> to vector<16xf32>
          %exp3A_1543 = math.exp %get3A_1542 : vector<16xf32>
          %add3A_1544 = arith.addf %add3A_1537, %exp3A_1543 : vector<16xf32>
          %add3A_1545 = arith.constant 880 : i32
          %add3A_1546 = arith.addi %mul3A_1154, %add3A_1545 : i32
          %get3A_1547 = arith.index_cast %add3A_1546 : i32 to index
          %get3A_1548 = tpu.vector_load %arg7[%get3A_1547] {strides = array<i32>} : memref<16000xf32, #tpu.memory_space<vmem>>, vector<16xf32>,
          %get3A_1549 = vector.shape_cast %get3A_1548 : vector<16xf32> to vector<16xf32>
          %exp3A_1550 = math.exp %get3A_1549 : vector<16xf32>
          %add3A_1551 = arith.addf %add3A_1544, %exp3A_1550 : vector<16xf32>
          %add3A_1552 = arith.constant 896 : i32
          %add3A_1553 = arith.addi %mul3A_1154, %add3A_1552 : i32
          %get3A_1554 = arith.index_cast %add3A_1553 : i32 to index
          %get3A_1555 = tpu.vector_load %arg7[%get3A_1554] {strides = array<i32>} : memref<16000xf32, #tpu.memory_space<vmem>>, vector<16xf32>,
          %get3A_1556 = vector.shape_cast %get3A_1555 : vector<16xf32> to vector<16xf32>
          %exp3A_1557 = math.exp %get3A_1556 : vector<16xf32>
          %add3A_1558 = arith.addf %add3A_1551, %exp3A_1557 : vector<16xf32>
          %add3A_1559 = arith.constant 912 : i32
          %add3A_1560 = arith.addi %mul3A_1154, %add3A_1559 : i32
          %get3A_1561 = arith.index_cast %add3A_1560 : i32 to index
          %get3A_1562 = tpu.vector_load %arg7[%get3A_1561] {strides = array<i32>} : memref<16000xf32, #tpu.memory_space<vmem>>, vector<16xf32>,
          %get3A_1563 = vector.shape_cast %get3A_1562 : vector<16xf32> to vector<16xf32>
          %exp3A_1564 = math.exp %get3A_1563 : vector<16xf32>
          %add3A_1565 = arith.addf %add3A_1558, %exp3A_1564 : vector<16xf32>
          %add3A_1566 = arith.constant 928 : i32
          %add3A_1567 = arith.addi %mul3A_1154, %add3A_1566 : i32
          %get3A_1568 = arith.index_cast %add3A_1567 : i32 to index
          %get3A_1569 = tpu.vector_load %arg7[%get3A_1568] {strides = array<i32>} : memref<16000xf32, #tpu.memory_space<vmem>>, vector<16xf32>,
          %get3A_1570 = vector.shape_cast %get3A_1569 : vector<16xf32> to vector<16xf32>
          %exp3A_1571 = math.exp %get3A_1570 : vector<16xf32>
          %add3A_1572 = arith.addf %add3A_1565, %exp3A_1571 : vector<16xf32>
          %add3A_1573 = arith.constant 944 : i32
          %add3A_1574 = arith.addi %mul3A_1154, %add3A_1573 : i32
          %get3A_1575 = arith.index_cast %add3A_1574 : i32 to index
          %get3A_1576 = tpu.vector_load %arg7[%get3A_1575] {strides = array<i32>} : memref<16000xf32, #tpu.memory_space<vmem>>, vector<16xf32>,
          %get3A_1577 = vector.shape_cast %get3A_1576 : vector<16xf32> to vector<16xf32>
          %exp3A_1578 = math.exp %get3A_1577 : vector<16xf32>
          %add3A_1579 = arith.addf %add3A_1572, %exp3A_1578 : vector<16xf32>
          %add3A_1580 = arith.constant 960 : i32
          %add3A_1581 = arith.addi %mul3A_1154, %add3A_1580 : i32
          %get3A_1582 = arith.index_cast %add3A_1581 : i32 to index
          %get3A_1583 = tpu.vector_load %arg7[%get3A_1582] {strides = array<i32>} : memref<16000xf32, #tpu.memory_space<vmem>>, vector<16xf32>,
          %get3A_1584 = vector.shape_cast %get3A_1583 : vector<16xf32> to vector<16xf32>
          %exp3A_1585 = math.exp %get3A_1584 : vector<16xf32>
          %add3A_1586 = arith.addf %add3A_1579, %exp3A_1585 : vector<16xf32>
          %add3A_1587 = arith.constant 976 : i32
          %add3A_1588 = arith.addi %mul3A_1154, %add3A_1587 : i32
          %get3A_1589 = arith.index_cast %add3A_1588 : i32 to index
          %get3A_1590 = tpu.vector_load %arg7[%get3A_1589] {strides = array<i32>} : memref<16000xf32, #tpu.memory_space<vmem>>, vector<16xf32>,
          %get3A_1591 = vector.shape_cast %get3A_1590 : vector<16xf32> to vector<16xf32>
          %exp3A_1592 = math.exp %get3A_1591 : vector<16xf32>
          %add3A_1593 = arith.addf %add3A_1586, %exp3A_1592 : vector<16xf32>
          %add3A_1594 = arith.constant 992 : i32
          %add3A_1595 = arith.addi %mul3A_1154, %add3A_1594 : i32
          %get3A_1596 = arith.index_cast %add3A_1595 : i32 to index
          %get3A_1597 = tpu.vector_load %arg7[%get3A_1596] {strides = array<i32>} : memref<16000xf32, #tpu.memory_space<vmem>>, vector<16xf32>,
          %get3A_1598 = vector.shape_cast %get3A_1597 : vector<16xf32> to vector<16xf32>
          %exp3A_1599 = math.exp %get3A_1598 : vector<16xf32>
          %select_n3A_1600 = arith.select %lt3A_7, %exp3A_1599, %broadcast_in_dim3A_1160 : vector<16xi1>, vector<16xf32>
          %add3A_1601 = arith.addf %add3A_1593, %select_n3A_1600 : vector<16xf32>
          %select_n3A_1602 = arith.select %lt3A_7, %broadcast_in_dim3A_1160, %exp3A_1599 : vector<16xi1>, vector<16xf32>
          %add3A_1603 = arith.addf %broadcast_in_dim3A_1158, %select_n3A_1602 : vector<16xf32>
          %add3A_1604 = arith.constant 1008 : i32
          %add3A_1605 = arith.addi %mul3A_1154, %add3A_1604 : i32
          %get3A_1606 = arith.index_cast %add3A_1605 : i32 to index
          %get3A_1607 = tpu.vector_load %arg7[%get3A_1606] {strides = array<i32>} : memref<16000xf32, #tpu.memory_space<vmem>>, vector<16xf32>,
          %get3A_1608 = vector.shape_cast %get3A_1607 : vector<16xf32> to vector<16xf32>
          %exp3A_1609 = math.exp %get3A_1608 : vector<16xf32>
          %add3A_1610 = arith.addf %add3A_1603, %exp3A_1609 : vector<16xf32>
          %add3A_1611 = arith.constant 1024 : i32
          %add3A_1612 = arith.addi %mul3A_1154, %add3A_1611 : i32
          %get3A_1613 = arith.index_cast %add3A_1612 : i32 to index
          %get3A_1614 = tpu.vector_load %arg7[%get3A_1613] {strides = array<i32>} : memref<16000xf32, #tpu.memory_space<vmem>>, vector<16xf32>,
          %get3A_1615 = vector.shape_cast %get3A_1614 : vector<16xf32> to vector<16xf32>
          %exp3A_1616 = math.exp %get3A_1615 : vector<16xf32>
          %add3A_1617 = arith.addf %add3A_1610, %exp3A_1616 : vector<16xf32>
          %add3A_1618 = arith.constant 1040 : i32
          %add3A_1619 = arith.addi %mul3A_1154, %add3A_1618 : i32
          %get3A_1620 = arith.index_cast %add3A_1619 : i32 to index
          %get3A_1621 = tpu.vector_load %arg7[%get3A_1620] {strides = array<i32>} : memref<16000xf32, #tpu.memory_space<vmem>>, vector<16xf32>,
          %get3A_1622 = vector.shape_cast %get3A_1621 : vector<16xf32> to vector<16xf32>
          %exp3A_1623 = math.exp %get3A_1622 : vector<16xf32>
          %add3A_1624 = arith.addf %add3A_1617, %exp3A_1623 : vector<16xf32>
          %add3A_1625 = arith.constant 1056 : i32
          %add3A_1626 = arith.addi %mul3A_1154, %add3A_1625 : i32
          %get3A_1627 = arith.index_cast %add3A_1626 : i32 to index
          %get3A_1628 = tpu.vector_load %arg7[%get3A_1627] {strides = array<i32>} : memref<16000xf32, #tpu.memory_space<vmem>>, vector<16xf32>,
          %get3A_1629 = vector.shape_cast %get3A_1628 : vector<16xf32> to vector<16xf32>
          %exp3A_1630 = math.exp %get3A_1629 : vector<16xf32>
          %add3A_1631 = arith.addf %add3A_1624, %exp3A_1630 : vector<16xf32>
          %add3A_1632 = arith.constant 1072 : i32
          %add3A_1633 = arith.addi %mul3A_1154, %add3A_1632 : i32
          %get3A_1634 = arith.index_cast %add3A_1633 : i32 to index
          %get3A_1635 = tpu.vector_load %arg7[%get3A_1634] {strides = array<i32>} : memref<16000xf32, #tpu.memory_space<vmem>>, vector<16xf32>,
          %get3A_1636 = vector.shape_cast %get3A_1635 : vector<16xf32> to vector<16xf32>
          %exp3A_1637 = math.exp %get3A_1636 : vector<16xf32>
          %add3A_1638 = arith.addf %add3A_1631, %exp3A_1637 : vector<16xf32>
          %add3A_1639 = arith.constant 1088 : i32
          %add3A_1640 = arith.addi %mul3A_1154, %add3A_1639 : i32
          %get3A_1641 = arith.index_cast %add3A_1640 : i32 to index
          %get3A_1642 = tpu.vector_load %arg7[%get3A_1641] {strides = array<i32>} : memref<16000xf32, #tpu.memory_space<vmem>>, vector<16xf32>,
          %get3A_1643 = vector.shape_cast %get3A_1642 : vector<16xf32> to vector<16xf32>
          %exp3A_1644 = math.exp %get3A_1643 : vector<16xf32>
          %add3A_1645 = arith.addf %add3A_1638, %exp3A_1644 : vector<16xf32>
          %add3A_1646 = arith.constant 1104 : i32
          %add3A_1647 = arith.addi %mul3A_1154, %add3A_1646 : i32
          %get3A_1648 = arith.index_cast %add3A_1647 : i32 to index
          %get3A_1649 = tpu.vector_load %arg7[%get3A_1648] {strides = array<i32>} : memref<16000xf32, #tpu.memory_space<vmem>>, vector<16xf32>,
          %get3A_1650 = vector.shape_cast %get3A_1649 : vector<16xf32> to vector<16xf32>
          %exp3A_1651 = math.exp %get3A_1650 : vector<16xf32>
          %add3A_1652 = arith.addf %add3A_1645, %exp3A_1651 : vector<16xf32>
          %add3A_1653 = arith.constant 1120 : i32
          %add3A_1654 = arith.addi %mul3A_1154, %add3A_1653 : i32
          %get3A_1655 = arith.index_cast %add3A_1654 : i32 to index
          %get3A_1656 = tpu.vector_load %arg7[%get3A_1655] {strides = array<i32>} : memref<16000xf32, #tpu.memory_space<vmem>>, vector<16xf32>,
          %get3A_1657 = vector.shape_cast %get3A_1656 : vector<16xf32> to vector<16xf32>
          %exp3A_1658 = math.exp %get3A_1657 : vector<16xf32>
          %add3A_1659 = arith.addf %add3A_1652, %exp3A_1658 : vector<16xf32>
          %add3A_1660 = arith.constant 1136 : i32
          %add3A_1661 = arith.addi %mul3A_1154, %add3A_1660 : i32
          %get3A_1662 = arith.index_cast %add3A_1661 : i32 to index
          %get3A_1663 = tpu.vector_load %arg7[%get3A_1662] {strides = array<i32>} : memref<16000xf32, #tpu.memory_space<vmem>>, vector<16xf32>,
          %get3A_1664 = vector.shape_cast %get3A_1663 : vector<16xf32> to vector<16xf32>
          %exp3A_1665 = math.exp %get3A_1664 : vector<16xf32>
          %add3A_1666 = arith.addf %add3A_1659, %exp3A_1665 : vector<16xf32>
          %add3A_1667 = arith.constant 1152 : i32
          %add3A_1668 = arith.addi %mul3A_1154, %add3A_1667 : i32
          %get3A_1669 = arith.index_cast %add3A_1668 : i32 to index
          %get3A_1670 = tpu.vector_load %arg7[%get3A_1669] {strides = array<i32>} : memref<16000xf32, #tpu.memory_space<vmem>>, vector<16xf32>,
          %get3A_1671 = vector.shape_cast %get3A_1670 : vector<16xf32> to vector<16xf32>
          %exp3A_1672 = math.exp %get3A_1671 : vector<16xf32>
          %add3A_1673 = arith.addf %add3A_1666, %exp3A_1672 : vector<16xf32>
          %add3A_1674 = arith.constant 1168 : i32
          %add3A_1675 = arith.addi %mul3A_1154, %add3A_1674 : i32
          %get3A_1676 = arith.index_cast %add3A_1675 : i32 to index
          %get3A_1677 = tpu.vector_load %arg7[%get3A_1676] {strides = array<i32>} : memref<16000xf32, #tpu.memory_space<vmem>>, vector<16xf32>,
          %get3A_1678 = vector.shape_cast %get3A_1677 : vector<16xf32> to vector<16xf32>
          %exp3A_1679 = math.exp %get3A_1678 : vector<16xf32>
          %add3A_1680 = arith.addf %add3A_1673, %exp3A_1679 : vector<16xf32>
          %add3A_1681 = arith.constant 1184 : i32
          %add3A_1682 = arith.addi %mul3A_1154, %add3A_1681 : i32
          %get3A_1683 = arith.index_cast %add3A_1682 : i32 to index
          %get3A_1684 = tpu.vector_load %arg7[%get3A_1683] {strides = array<i32>} : memref<16000xf32, #tpu.memory_space<vmem>>, vector<16xf32>,
          %get3A_1685 = vector.shape_cast %get3A_1684 : vector<16xf32> to vector<16xf32>
          %exp3A_1686 = math.exp %get3A_1685 : vector<16xf32>
          %add3A_1687 = arith.addf %add3A_1680, %exp3A_1686 : vector<16xf32>
          %add3A_1688 = arith.constant 1200 : i32
          %add3A_1689 = arith.addi %mul3A_1154, %add3A_1688 : i32
          %get3A_1690 = arith.index_cast %add3A_1689 : i32 to index
          %get3A_1691 = tpu.vector_load %arg7[%get3A_1690] {strides = array<i32>} : memref<16000xf32, #tpu.memory_space<vmem>>, vector<16xf32>,
          %get3A_1692 = vector.shape_cast %get3A_1691 : vector<16xf32> to vector<16xf32>
          %exp3A_1693 = math.exp %get3A_1692 : vector<16xf32>
          %add3A_1694 = arith.addf %add3A_1687, %exp3A_1693 : vector<16xf32>
          %add3A_1695 = arith.constant 1216 : i32
          %add3A_1696 = arith.addi %mul3A_1154, %add3A_1695 : i32
          %get3A_1697 = arith.index_cast %add3A_1696 : i32 to index
          %get3A_1698 = tpu.vector_load %arg7[%get3A_1697] {strides = array<i32>} : memref<16000xf32, #tpu.memory_space<vmem>>, vector<16xf32>,
          %get3A_1699 = vector.shape_cast %get3A_1698 : vector<16xf32> to vector<16xf32>
          %exp3A_1700 = math.exp %get3A_1699 : vector<16xf32>
          %add3A_1701 = arith.addf %add3A_1694, %exp3A_1700 : vector<16xf32>
          %add3A_1702 = arith.constant 1232 : i32
          %add3A_1703 = arith.addi %mul3A_1154, %add3A_1702 : i32
          %get3A_1704 = arith.index_cast %add3A_1703 : i32 to index
          %get3A_1705 = tpu.vector_load %arg7[%get3A_1704] {strides = array<i32>} : memref<16000xf32, #tpu.memory_space<vmem>>, vector<16xf32>,
          %get3A_1706 = vector.shape_cast %get3A_1705 : vector<16xf32> to vector<16xf32>
          %exp3A_1707 = math.exp %get3A_1706 : vector<16xf32>
          %add3A_1708 = arith.addf %add3A_1701, %exp3A_1707 : vector<16xf32>
          %add3A_1709 = arith.constant 1248 : i32
          %add3A_1710 = arith.addi %mul3A_1154, %add3A_1709 : i32
          %get3A_1711 = arith.index_cast %add3A_1710 : i32 to index
          %get3A_1712 = tpu.vector_load %arg7[%get3A_1711] {strides = array<i32>} : memref<16000xf32, #tpu.memory_space<vmem>>, vector<16xf32>,
          %get3A_1713 = vector.shape_cast %get3A_1712 : vector<16xf32> to vector<16xf32>
          %exp3A_1714 = math.exp %get3A_1713 : vector<16xf32>
          %add3A_1715 = arith.addf %add3A_1708, %exp3A_1714 : vector<16xf32>
          %add3A_1716 = arith.constant 1264 : i32
          %add3A_1717 = arith.addi %mul3A_1154, %add3A_1716 : i32
          %get3A_1718 = arith.index_cast %add3A_1717 : i32 to index
          %get3A_1719 = tpu.vector_load %arg7[%get3A_1718] {strides = array<i32>} : memref<16000xf32, #tpu.memory_space<vmem>>, vector<16xf32>,
          %get3A_1720 = vector.shape_cast %get3A_1719 : vector<16xf32> to vector<16xf32>
          %exp3A_1721 = math.exp %get3A_1720 : vector<16xf32>
          %add3A_1722 = arith.addf %add3A_1715, %exp3A_1721 : vector<16xf32>
          %add3A_1723 = arith.constant 1280 : i32
          %add3A_1724 = arith.addi %mul3A_1154, %add3A_1723 : i32
          %get3A_1725 = arith.index_cast %add3A_1724 : i32 to index
          %get3A_1726 = tpu.vector_load %arg7[%get3A_1725] {strides = array<i32>} : memref<16000xf32, #tpu.memory_space<vmem>>, vector<16xf32>,
          %get3A_1727 = vector.shape_cast %get3A_1726 : vector<16xf32> to vector<16xf32>
          %exp3A_1728 = math.exp %get3A_1727 : vector<16xf32>
          %add3A_1729 = arith.addf %add3A_1722, %exp3A_1728 : vector<16xf32>
          %add3A_1730 = arith.constant 1296 : i32
          %add3A_1731 = arith.addi %mul3A_1154, %add3A_1730 : i32
          %get3A_1732 = arith.index_cast %add3A_1731 : i32 to index
          %get3A_1733 = tpu.vector_load %arg7[%get3A_1732] {strides = array<i32>} : memref<16000xf32, #tpu.memory_space<vmem>>, vector<16xf32>,
          %get3A_1734 = vector.shape_cast %get3A_1733 : vector<16xf32> to vector<16xf32>
          %exp3A_1735 = math.exp %get3A_1734 : vector<16xf32>
          %add3A_1736 = arith.addf %add3A_1729, %exp3A_1735 : vector<16xf32>
          %add3A_1737 = arith.constant 1312 : i32
          %add3A_1738 = arith.addi %mul3A_1154, %add3A_1737 : i32
          %get3A_1739 = arith.index_cast %add3A_1738 : i32 to index
          %get3A_1740 = tpu.vector_load %arg7[%get3A_1739] {strides = array<i32>} : memref<16000xf32, #tpu.memory_space<vmem>>, vector<16xf32>,
          %get3A_1741 = vector.shape_cast %get3A_1740 : vector<16xf32> to vector<16xf32>
          %exp3A_1742 = math.exp %get3A_1741 : vector<16xf32>
          %add3A_1743 = arith.addf %add3A_1736, %exp3A_1742 : vector<16xf32>
          %add3A_1744 = arith.constant 1328 : i32
          %add3A_1745 = arith.addi %mul3A_1154, %add3A_1744 : i32
          %get3A_1746 = arith.index_cast %add3A_1745 : i32 to index
          %get3A_1747 = tpu.vector_load %arg7[%get3A_1746] {strides = array<i32>} : memref<16000xf32, #tpu.memory_space<vmem>>, vector<16xf32>,
          %get3A_1748 = vector.shape_cast %get3A_1747 : vector<16xf32> to vector<16xf32>
          %exp3A_1749 = math.exp %get3A_1748 : vector<16xf32>
          %add3A_1750 = arith.addf %add3A_1743, %exp3A_1749 : vector<16xf32>
          %add3A_1751 = arith.constant 1344 : i32
          %add3A_1752 = arith.addi %mul3A_1154, %add3A_1751 : i32
          %get3A_1753 = arith.index_cast %add3A_1752 : i32 to index
          %get3A_1754 = tpu.vector_load %arg7[%get3A_1753] {strides = array<i32>} : memref<16000xf32, #tpu.memory_space<vmem>>, vector<16xf32>,
          %get3A_1755 = vector.shape_cast %get3A_1754 : vector<16xf32> to vector<16xf32>
          %exp3A_1756 = math.exp %get3A_1755 : vector<16xf32>
          %add3A_1757 = arith.addf %add3A_1750, %exp3A_1756 : vector<16xf32>
          %add3A_1758 = arith.constant 1360 : i32
          %add3A_1759 = arith.addi %mul3A_1154, %add3A_1758 : i32
          %get3A_1760 = arith.index_cast %add3A_1759 : i32 to index
          %get3A_1761 = tpu.vector_load %arg7[%get3A_1760] {strides = array<i32>} : memref<16000xf32, #tpu.memory_space<vmem>>, vector<16xf32>,
          %get3A_1762 = vector.shape_cast %get3A_1761 : vector<16xf32> to vector<16xf32>
          %exp3A_1763 = math.exp %get3A_1762 : vector<16xf32>
          %add3A_1764 = arith.addf %add3A_1757, %exp3A_1763 : vector<16xf32>
          %add3A_1765 = arith.constant 1376 : i32
          %add3A_1766 = arith.addi %mul3A_1154, %add3A_1765 : i32
          %get3A_1767 = arith.index_cast %add3A_1766 : i32 to index
          %get3A_1768 = tpu.vector_load %arg7[%get3A_1767] {strides = array<i32>} : memref<16000xf32, #tpu.memory_space<vmem>>, vector<16xf32>,
          %get3A_1769 = vector.shape_cast %get3A_1768 : vector<16xf32> to vector<16xf32>
          %exp3A_1770 = math.exp %get3A_1769 : vector<16xf32>
          %add3A_1771 = arith.addf %add3A_1764, %exp3A_1770 : vector<16xf32>
          %add3A_1772 = arith.constant 1392 : i32
          %add3A_1773 = arith.addi %mul3A_1154, %add3A_1772 : i32
          %get3A_1774 = arith.index_cast %add3A_1773 : i32 to index
          %get3A_1775 = tpu.vector_load %arg7[%get3A_1774] {strides = array<i32>} : memref<16000xf32, #tpu.memory_space<vmem>>, vector<16xf32>,
          %get3A_1776 = vector.shape_cast %get3A_1775 : vector<16xf32> to vector<16xf32>
          %exp3A_1777 = math.exp %get3A_1776 : vector<16xf32>
          %add3A_1778 = arith.addf %add3A_1771, %exp3A_1777 : vector<16xf32>
          %add3A_1779 = arith.constant 1408 : i32
          %add3A_1780 = arith.addi %mul3A_1154, %add3A_1779 : i32
          %get3A_1781 = arith.index_cast %add3A_1780 : i32 to index
          %get3A_1782 = tpu.vector_load %arg7[%get3A_1781] {strides = array<i32>} : memref<16000xf32, #tpu.memory_space<vmem>>, vector<16xf32>,
          %get3A_1783 = vector.shape_cast %get3A_1782 : vector<16xf32> to vector<16xf32>
          %exp3A_1784 = math.exp %get3A_1783 : vector<16xf32>
          %add3A_1785 = arith.addf %add3A_1778, %exp3A_1784 : vector<16xf32>
          %add3A_1786 = arith.constant 1424 : i32
          %add3A_1787 = arith.addi %mul3A_1154, %add3A_1786 : i32
          %get3A_1788 = arith.index_cast %add3A_1787 : i32 to index
          %get3A_1789 = tpu.vector_load %arg7[%get3A_1788] {strides = array<i32>} : memref<16000xf32, #tpu.memory_space<vmem>>, vector<16xf32>,
          %get3A_1790 = vector.shape_cast %get3A_1789 : vector<16xf32> to vector<16xf32>
          %exp3A_1791 = math.exp %get3A_1790 : vector<16xf32>
          %add3A_1792 = arith.addf %add3A_1785, %exp3A_1791 : vector<16xf32>
          %add3A_1793 = arith.constant 1440 : i32
          %add3A_1794 = arith.addi %mul3A_1154, %add3A_1793 : i32
          %get3A_1795 = arith.index_cast %add3A_1794 : i32 to index
          %get3A_1796 = tpu.vector_load %arg7[%get3A_1795] {strides = array<i32>} : memref<16000xf32, #tpu.memory_space<vmem>>, vector<16xf32>,
          %get3A_1797 = vector.shape_cast %get3A_1796 : vector<16xf32> to vector<16xf32>
          %exp3A_1798 = math.exp %get3A_1797 : vector<16xf32>
          %add3A_1799 = arith.addf %add3A_1792, %exp3A_1798 : vector<16xf32>
          %add3A_1800 = arith.constant 1456 : i32
          %add3A_1801 = arith.addi %mul3A_1154, %add3A_1800 : i32
          %get3A_1802 = arith.index_cast %add3A_1801 : i32 to index
          %get3A_1803 = tpu.vector_load %arg7[%get3A_1802] {strides = array<i32>} : memref<16000xf32, #tpu.memory_space<vmem>>, vector<16xf32>,
          %get3A_1804 = vector.shape_cast %get3A_1803 : vector<16xf32> to vector<16xf32>
          %exp3A_1805 = math.exp %get3A_1804 : vector<16xf32>
          %add3A_1806 = arith.addf %add3A_1799, %exp3A_1805 : vector<16xf32>
          %add3A_1807 = arith.constant 1472 : i32
          %add3A_1808 = arith.addi %mul3A_1154, %add3A_1807 : i32
          %get3A_1809 = arith.index_cast %add3A_1808 : i32 to index
          %get3A_1810 = tpu.vector_load %arg7[%get3A_1809] {strides = array<i32>} : memref<16000xf32, #tpu.memory_space<vmem>>, vector<16xf32>,
          %get3A_1811 = vector.shape_cast %get3A_1810 : vector<16xf32> to vector<16xf32>
          %exp3A_1812 = math.exp %get3A_1811 : vector<16xf32>
          %add3A_1813 = arith.addf %add3A_1806, %exp3A_1812 : vector<16xf32>
          %add3A_1814 = arith.constant 1488 : i32
          %add3A_1815 = arith.addi %mul3A_1154, %add3A_1814 : i32
          %get3A_1816 = arith.index_cast %add3A_1815 : i32 to index
          %get3A_1817 = tpu.vector_load %arg7[%get3A_1816] {strides = array<i32>} : memref<16000xf32, #tpu.memory_space<vmem>>, vector<16xf32>,
          %get3A_1818 = vector.shape_cast %get3A_1817 : vector<16xf32> to vector<16xf32>
          %exp3A_1819 = math.exp %get3A_1818 : vector<16xf32>
          %add3A_1820 = arith.addf %add3A_1813, %exp3A_1819 : vector<16xf32>
          %add3A_1821 = arith.constant 1504 : i32
          %add3A_1822 = arith.addi %mul3A_1154, %add3A_1821 : i32
          %get3A_1823 = arith.index_cast %add3A_1822 : i32 to index
          %get3A_1824 = tpu.vector_load %arg7[%get3A_1823] {strides = array<i32>} : memref<16000xf32, #tpu.memory_space<vmem>>, vector<16xf32>,
          %get3A_1825 = vector.shape_cast %get3A_1824 : vector<16xf32> to vector<16xf32>
          %exp3A_1826 = math.exp %get3A_1825 : vector<16xf32>
          %add3A_1827 = arith.addf %add3A_1820, %exp3A_1826 : vector<16xf32>
          %add3A_1828 = arith.constant 1520 : i32
          %add3A_1829 = arith.addi %mul3A_1154, %add3A_1828 : i32
          %get3A_1830 = arith.index_cast %add3A_1829 : i32 to index
          %get3A_1831 = tpu.vector_load %arg7[%get3A_1830] {strides = array<i32>} : memref<16000xf32, #tpu.memory_space<vmem>>, vector<16xf32>,
          %get3A_1832 = vector.shape_cast %get3A_1831 : vector<16xf32> to vector<16xf32>
          %exp3A_1833 = math.exp %get3A_1832 : vector<16xf32>
          %add3A_1834 = arith.addf %add3A_1827, %exp3A_1833 : vector<16xf32>
          %add3A_1835 = arith.constant 1536 : i32
          %add3A_1836 = arith.addi %mul3A_1154, %add3A_1835 : i32
          %get3A_1837 = arith.index_cast %add3A_1836 : i32 to index
          %get3A_1838 = tpu.vector_load %arg7[%get3A_1837] {strides = array<i32>} : memref<16000xf32, #tpu.memory_space<vmem>>, vector<16xf32>,
          %get3A_1839 = vector.shape_cast %get3A_1838 : vector<16xf32> to vector<16xf32>
          %exp3A_1840 = math.exp %get3A_1839 : vector<16xf32>
          %add3A_1841 = arith.addf %add3A_1834, %exp3A_1840 : vector<16xf32>
          %add3A_1842 = arith.constant 1552 : i32
          %add3A_1843 = arith.addi %mul3A_1154, %add3A_1842 : i32
          %get3A_1844 = arith.index_cast %add3A_1843 : i32 to index
          %get3A_1845 = tpu.vector_load %arg7[%get3A_1844] {strides = array<i32>} : memref<16000xf32, #tpu.memory_space<vmem>>, vector<16xf32>,
          %get3A_1846 = vector.shape_cast %get3A_1845 : vector<16xf32> to vector<16xf32>
          %exp3A_1847 = math.exp %get3A_1846 : vector<16xf32>
          %add3A_1848 = arith.addf %add3A_1841, %exp3A_1847 : vector<16xf32>
          %add3A_1849 = arith.constant 1568 : i32
          %add3A_1850 = arith.addi %mul3A_1154, %add3A_1849 : i32
          %get3A_1851 = arith.index_cast %add3A_1850 : i32 to index
          %get3A_1852 = tpu.vector_load %arg7[%get3A_1851] {strides = array<i32>} : memref<16000xf32, #tpu.memory_space<vmem>>, vector<16xf32>,
          %get3A_1853 = vector.shape_cast %get3A_1852 : vector<16xf32> to vector<16xf32>
          %exp3A_1854 = math.exp %get3A_1853 : vector<16xf32>
          %add3A_1855 = arith.addf %add3A_1848, %exp3A_1854 : vector<16xf32>
          %add3A_1856 = arith.constant 1584 : i32
          %add3A_1857 = arith.addi %mul3A_1154, %add3A_1856 : i32
          %get3A_1858 = arith.index_cast %add3A_1857 : i32 to index
          %get3A_1859 = tpu.vector_load %arg7[%get3A_1858] {strides = array<i32>} : memref<16000xf32, #tpu.memory_space<vmem>>, vector<16xf32>,
          %get3A_1860 = vector.shape_cast %get3A_1859 : vector<16xf32> to vector<16xf32>
          %exp3A_1861 = math.exp %get3A_1860 : vector<16xf32>
          %add3A_1862 = arith.addf %add3A_1855, %exp3A_1861 : vector<16xf32>
          %add3A_1863 = arith.constant 1600 : i32
          %add3A_1864 = arith.addi %mul3A_1154, %add3A_1863 : i32
          %get3A_1865 = arith.index_cast %add3A_1864 : i32 to index
          %get3A_1866 = tpu.vector_load %arg7[%get3A_1865] {strides = array<i32>} : memref<16000xf32, #tpu.memory_space<vmem>>, vector<16xf32>,
          %get3A_1867 = vector.shape_cast %get3A_1866 : vector<16xf32> to vector<16xf32>
          %exp3A_1868 = math.exp %get3A_1867 : vector<16xf32>
          %add3A_1869 = arith.addf %add3A_1862, %exp3A_1868 : vector<16xf32>
          %add3A_1870 = arith.constant 1616 : i32
          %add3A_1871 = arith.addi %mul3A_1154, %add3A_1870 : i32
          %get3A_1872 = arith.index_cast %add3A_1871 : i32 to index
          %get3A_1873 = tpu.vector_load %arg7[%get3A_1872] {strides = array<i32>} : memref<16000xf32, #tpu.memory_space<vmem>>, vector<16xf32>,
          %get3A_1874 = vector.shape_cast %get3A_1873 : vector<16xf32> to vector<16xf32>
          %exp3A_1875 = math.exp %get3A_1874 : vector<16xf32>
          %add3A_1876 = arith.addf %add3A_1869, %exp3A_1875 : vector<16xf32>
          %add3A_1877 = arith.constant 1632 : i32
          %add3A_1878 = arith.addi %mul3A_1154, %add3A_1877 : i32
          %get3A_1879 = arith.index_cast %add3A_1878 : i32 to index
          %get3A_1880 = tpu.vector_load %arg7[%get3A_1879] {strides = array<i32>} : memref<16000xf32, #tpu.memory_space<vmem>>, vector<16xf32>,
          %get3A_1881 = vector.shape_cast %get3A_1880 : vector<16xf32> to vector<16xf32>
          %exp3A_1882 = math.exp %get3A_1881 : vector<16xf32>
          %add3A_1883 = arith.addf %add3A_1876, %exp3A_1882 : vector<16xf32>
          %add3A_1884 = arith.constant 1648 : i32
          %add3A_1885 = arith.addi %mul3A_1154, %add3A_1884 : i32
          %get3A_1886 = arith.index_cast %add3A_1885 : i32 to index
          %get3A_1887 = tpu.vector_load %arg7[%get3A_1886] {strides = array<i32>} : memref<16000xf32, #tpu.memory_space<vmem>>, vector<16xf32>,
          %get3A_1888 = vector.shape_cast %get3A_1887 : vector<16xf32> to vector<16xf32>
          %exp3A_1889 = math.exp %get3A_1888 : vector<16xf32>
          %add3A_1890 = arith.addf %add3A_1883, %exp3A_1889 : vector<16xf32>
          %add3A_1891 = arith.constant 1664 : i32
          %add3A_1892 = arith.addi %mul3A_1154, %add3A_1891 : i32
          %get3A_1893 = arith.index_cast %add3A_1892 : i32 to index
          %get3A_1894 = tpu.vector_load %arg7[%get3A_1893] {strides = array<i32>} : memref<16000xf32, #tpu.memory_space<vmem>>, vector<16xf32>,
          %get3A_1895 = vector.shape_cast %get3A_1894 : vector<16xf32> to vector<16xf32>
          %exp3A_1896 = math.exp %get3A_1895 : vector<16xf32>
          %add3A_1897 = arith.addf %add3A_1890, %exp3A_1896 : vector<16xf32>
          %add3A_1898 = arith.constant 1680 : i32
          %add3A_1899 = arith.addi %mul3A_1154, %add3A_1898 : i32
          %get3A_1900 = arith.index_cast %add3A_1899 : i32 to index
          %get3A_1901 = tpu.vector_load %arg7[%get3A_1900] {strides = array<i32>} : memref<16000xf32, #tpu.memory_space<vmem>>, vector<16xf32>,
          %get3A_1902 = vector.shape_cast %get3A_1901 : vector<16xf32> to vector<16xf32>
          %exp3A_1903 = math.exp %get3A_1902 : vector<16xf32>
          %add3A_1904 = arith.addf %add3A_1897, %exp3A_1903 : vector<16xf32>
          %add3A_1905 = arith.constant 1696 : i32
          %add3A_1906 = arith.addi %mul3A_1154, %add3A_1905 : i32
          %get3A_1907 = arith.index_cast %add3A_1906 : i32 to index
          %get3A_1908 = tpu.vector_load %arg7[%get3A_1907] {strides = array<i32>} : memref<16000xf32, #tpu.memory_space<vmem>>, vector<16xf32>,
          %get3A_1909 = vector.shape_cast %get3A_1908 : vector<16xf32> to vector<16xf32>
          %exp3A_1910 = math.exp %get3A_1909 : vector<16xf32>
          %add3A_1911 = arith.addf %add3A_1904, %exp3A_1910 : vector<16xf32>
          %add3A_1912 = arith.constant 1712 : i32
          %add3A_1913 = arith.addi %mul3A_1154, %add3A_1912 : i32
          %get3A_1914 = arith.index_cast %add3A_1913 : i32 to index
          %get3A_1915 = tpu.vector_load %arg7[%get3A_1914] {strides = array<i32>} : memref<16000xf32, #tpu.memory_space<vmem>>, vector<16xf32>,
          %get3A_1916 = vector.shape_cast %get3A_1915 : vector<16xf32> to vector<16xf32>
          %exp3A_1917 = math.exp %get3A_1916 : vector<16xf32>
          %add3A_1918 = arith.addf %add3A_1911, %exp3A_1917 : vector<16xf32>
          %add3A_1919 = arith.constant 1728 : i32
          %add3A_1920 = arith.addi %mul3A_1154, %add3A_1919 : i32
          %get3A_1921 = arith.index_cast %add3A_1920 : i32 to index
          %get3A_1922 = tpu.vector_load %arg7[%get3A_1921] {strides = array<i32>} : memref<16000xf32, #tpu.memory_space<vmem>>, vector<16xf32>,
          %get3A_1923 = vector.shape_cast %get3A_1922 : vector<16xf32> to vector<16xf32>
          %exp3A_1924 = math.exp %get3A_1923 : vector<16xf32>
          %add3A_1925 = arith.addf %add3A_1918, %exp3A_1924 : vector<16xf32>
          %add3A_1926 = arith.constant 1744 : i32
          %add3A_1927 = arith.addi %mul3A_1154, %add3A_1926 : i32
          %get3A_1928 = arith.index_cast %add3A_1927 : i32 to index
          %get3A_1929 = tpu.vector_load %arg7[%get3A_1928] {strides = array<i32>} : memref<16000xf32, #tpu.memory_space<vmem>>, vector<16xf32>,
          %get3A_1930 = vector.shape_cast %get3A_1929 : vector<16xf32> to vector<16xf32>
          %exp3A_1931 = math.exp %get3A_1930 : vector<16xf32>
          %add3A_1932 = arith.addf %add3A_1925, %exp3A_1931 : vector<16xf32>
          %add3A_1933 = arith.constant 1760 : i32
          %add3A_1934 = arith.addi %mul3A_1154, %add3A_1933 : i32
          %get3A_1935 = arith.index_cast %add3A_1934 : i32 to index
          %get3A_1936 = tpu.vector_load %arg7[%get3A_1935] {strides = array<i32>} : memref<16000xf32, #tpu.memory_space<vmem>>, vector<16xf32>,
          %get3A_1937 = vector.shape_cast %get3A_1936 : vector<16xf32> to vector<16xf32>
          %exp3A_1938 = math.exp %get3A_1937 : vector<16xf32>
          %add3A_1939 = arith.addf %add3A_1932, %exp3A_1938 : vector<16xf32>
          %add3A_1940 = arith.constant 1776 : i32
          %add3A_1941 = arith.addi %mul3A_1154, %add3A_1940 : i32
          %get3A_1942 = arith.index_cast %add3A_1941 : i32 to index
          %get3A_1943 = tpu.vector_load %arg7[%get3A_1942] {strides = array<i32>} : memref<16000xf32, #tpu.memory_space<vmem>>, vector<16xf32>,
          %get3A_1944 = vector.shape_cast %get3A_1943 : vector<16xf32> to vector<16xf32>
          %exp3A_1945 = math.exp %get3A_1944 : vector<16xf32>
          %add3A_1946 = arith.addf %add3A_1939, %exp3A_1945 : vector<16xf32>
          %add3A_1947 = arith.constant 1792 : i32
          %add3A_1948 = arith.addi %mul3A_1154, %add3A_1947 : i32
          %get3A_1949 = arith.index_cast %add3A_1948 : i32 to index
          %get3A_1950 = tpu.vector_load %arg7[%get3A_1949] {strides = array<i32>} : memref<16000xf32, #tpu.memory_space<vmem>>, vector<16xf32>,
          %get3A_1951 = vector.shape_cast %get3A_1950 : vector<16xf32> to vector<16xf32>
          %exp3A_1952 = math.exp %get3A_1951 : vector<16xf32>
          %add3A_1953 = arith.addf %add3A_1946, %exp3A_1952 : vector<16xf32>
          %add3A_1954 = arith.constant 1808 : i32
          %add3A_1955 = arith.addi %mul3A_1154, %add3A_1954 : i32
          %get3A_1956 = arith.index_cast %add3A_1955 : i32 to index
          %get3A_1957 = tpu.vector_load %arg7[%get3A_1956] {strides = array<i32>} : memref<16000xf32, #tpu.memory_space<vmem>>, vector<16xf32>,
          %get3A_1958 = vector.shape_cast %get3A_1957 : vector<16xf32> to vector<16xf32>
          %exp3A_1959 = math.exp %get3A_1958 : vector<16xf32>
          %add3A_1960 = arith.addf %add3A_1953, %exp3A_1959 : vector<16xf32>
          %add3A_1961 = arith.constant 1824 : i32
          %add3A_1962 = arith.addi %mul3A_1154, %add3A_1961 : i32
          %get3A_1963 = arith.index_cast %add3A_1962 : i32 to index
          %get3A_1964 = tpu.vector_load %arg7[%get3A_1963] {strides = array<i32>} : memref<16000xf32, #tpu.memory_space<vmem>>, vector<16xf32>,
          %get3A_1965 = vector.shape_cast %get3A_1964 : vector<16xf32> to vector<16xf32>
          %exp3A_1966 = math.exp %get3A_1965 : vector<16xf32>
          %add3A_1967 = arith.addf %add3A_1960, %exp3A_1966 : vector<16xf32>
          %add3A_1968 = arith.constant 1840 : i32
          %add3A_1969 = arith.addi %mul3A_1154, %add3A_1968 : i32
          %get3A_1970 = arith.index_cast %add3A_1969 : i32 to index
          %get3A_1971 = tpu.vector_load %arg7[%get3A_1970] {strides = array<i32>} : memref<16000xf32, #tpu.memory_space<vmem>>, vector<16xf32>,
          %get3A_1972 = vector.shape_cast %get3A_1971 : vector<16xf32> to vector<16xf32>
          %exp3A_1973 = math.exp %get3A_1972 : vector<16xf32>
          %add3A_1974 = arith.addf %add3A_1967, %exp3A_1973 : vector<16xf32>
          %add3A_1975 = arith.constant 1856 : i32
          %add3A_1976 = arith.addi %mul3A_1154, %add3A_1975 : i32
          %get3A_1977 = arith.index_cast %add3A_1976 : i32 to index
          %get3A_1978 = tpu.vector_load %arg7[%get3A_1977] {strides = array<i32>} : memref<16000xf32, #tpu.memory_space<vmem>>, vector<16xf32>,
          %get3A_1979 = vector.shape_cast %get3A_1978 : vector<16xf32> to vector<16xf32>
          %exp3A_1980 = math.exp %get3A_1979 : vector<16xf32>
          %add3A_1981 = arith.addf %add3A_1974, %exp3A_1980 : vector<16xf32>
          %add3A_1982 = arith.constant 1872 : i32
          %add3A_1983 = arith.addi %mul3A_1154, %add3A_1982 : i32
          %get3A_1984 = arith.index_cast %add3A_1983 : i32 to index
          %get3A_1985 = tpu.vector_load %arg7[%get3A_1984] {strides = array<i32>} : memref<16000xf32, #tpu.memory_space<vmem>>, vector<16xf32>,
          %get3A_1986 = vector.shape_cast %get3A_1985 : vector<16xf32> to vector<16xf32>
          %exp3A_1987 = math.exp %get3A_1986 : vector<16xf32>
          %add3A_1988 = arith.addf %add3A_1981, %exp3A_1987 : vector<16xf32>
          %add3A_1989 = arith.constant 1888 : i32
          %add3A_1990 = arith.addi %mul3A_1154, %add3A_1989 : i32
          %get3A_1991 = arith.index_cast %add3A_1990 : i32 to index
          %get3A_1992 = tpu.vector_load %arg7[%get3A_1991] {strides = array<i32>} : memref<16000xf32, #tpu.memory_space<vmem>>, vector<16xf32>,
          %get3A_1993 = vector.shape_cast %get3A_1992 : vector<16xf32> to vector<16xf32>
          %exp3A_1994 = math.exp %get3A_1993 : vector<16xf32>
          %add3A_1995 = arith.addf %add3A_1988, %exp3A_1994 : vector<16xf32>
          %add3A_1996 = arith.constant 1904 : i32
          %add3A_1997 = arith.addi %mul3A_1154, %add3A_1996 : i32
          %get3A_1998 = arith.index_cast %add3A_1997 : i32 to index
          %get3A_1999 = tpu.vector_load %arg7[%get3A_1998] {strides = array<i32>} : memref<16000xf32, #tpu.memory_space<vmem>>, vector<16xf32>,
          %get3A_2000 = vector.shape_cast %get3A_1999 : vector<16xf32> to vector<16xf32>
          %exp3A_2001 = math.exp %get3A_2000 : vector<16xf32>
          %add3A_2002 = arith.addf %add3A_1995, %exp3A_2001 : vector<16xf32>
          %add3A_2003 = arith.constant 1920 : i32
          %add3A_2004 = arith.addi %mul3A_1154, %add3A_2003 : i32
          %get3A_2005 = arith.index_cast %add3A_2004 : i32 to index
          %get3A_2006 = tpu.vector_load %arg7[%get3A_2005] {strides = array<i32>} : memref<16000xf32, #tpu.memory_space<vmem>>, vector<16xf32>,
          %get3A_2007 = vector.shape_cast %get3A_2006 : vector<16xf32> to vector<16xf32>
          %exp3A_2008 = math.exp %get3A_2007 : vector<16xf32>
          %add3A_2009 = arith.addf %add3A_2002, %exp3A_2008 : vector<16xf32>
          %add3A_2010 = arith.constant 1936 : i32
          %add3A_2011 = arith.addi %mul3A_1154, %add3A_2010 : i32
          %get3A_2012 = arith.index_cast %add3A_2011 : i32 to index
          %get3A_2013 = tpu.vector_load %arg7[%get3A_2012] {strides = array<i32>} : memref<16000xf32, #tpu.memory_space<vmem>>, vector<16xf32>,
          %get3A_2014 = vector.shape_cast %get3A_2013 : vector<16xf32> to vector<16xf32>
          %exp3A_2015 = math.exp %get3A_2014 : vector<16xf32>
          %add3A_2016 = arith.addf %add3A_2009, %exp3A_2015 : vector<16xf32>
          %add3A_2017 = arith.constant 1952 : i32
          %add3A_2018 = arith.addi %mul3A_1154, %add3A_2017 : i32
          %get3A_2019 = arith.index_cast %add3A_2018 : i32 to index
          %get3A_2020 = tpu.vector_load %arg7[%get3A_2019] {strides = array<i32>} : memref<16000xf32, #tpu.memory_space<vmem>>, vector<16xf32>,
          %get3A_2021 = vector.shape_cast %get3A_2020 : vector<16xf32> to vector<16xf32>
          %exp3A_2022 = math.exp %get3A_2021 : vector<16xf32>
          %add3A_2023 = arith.addf %add3A_2016, %exp3A_2022 : vector<16xf32>
          %add3A_2024 = arith.constant 1968 : i32
          %add3A_2025 = arith.addi %mul3A_1154, %add3A_2024 : i32
          %get3A_2026 = arith.index_cast %add3A_2025 : i32 to index
          %get3A_2027 = tpu.vector_load %arg7[%get3A_2026] {strides = array<i32>} : memref<16000xf32, #tpu.memory_space<vmem>>, vector<16xf32>,
          %get3A_2028 = vector.shape_cast %get3A_2027 : vector<16xf32> to vector<16xf32>
          %exp3A_2029 = math.exp %get3A_2028 : vector<16xf32>
          %add3A_2030 = arith.addf %add3A_2023, %exp3A_2029 : vector<16xf32>
          %add3A_2031 = arith.constant 1984 : i32
          %add3A_2032 = arith.addi %mul3A_1154, %add3A_2031 : i32
          %get3A_2033 = arith.index_cast %add3A_2032 : i32 to index
          %get3A_2034 = tpu.vector_load %arg7[%get3A_2033] {strides = array<i32>} : memref<16000xf32, #tpu.memory_space<vmem>>, vector<16xf32>,
          %get3A_2035 = vector.shape_cast %get3A_2034 : vector<16xf32> to vector<16xf32>
          %exp3A_2036 = math.exp %get3A_2035 : vector<16xf32>
          %add3A_2037 = arith.addf %add3A_2030, %exp3A_2036 : vector<16xf32>
          %mul3A_2038 = arith.constant 2 : i32
          %mul3A_2039 = arith.muli %mul3A_2038, %scan3A_1149 : i32
          %eq3A_2040 = vector.broadcast %mul3A_2039 : i32 to vector<16xi32>
          %eq3A_2041 = arith.cmpi eq, %iota3A, %eq3A_2040 : vector<16xi32>
          %xor3A = arith.constant 1 : i32
          %xor3A_2042 = vector.broadcast %xor3A : i32 to vector<16xi32>
          %xor3A_2043 = arith.xori %iota3A, %xor3A_2042 : vector<16xi32>
          %broadcast_in_dim3A_2044 = vector.shape_cast %xor3A_2043 : vector<16xi32> to vector<16x1xi32>
          %gather3A = vector.shape_cast %broadcast_in_dim3A_2044 : vector<16x1xi32> to vector<16xi32>
          %gather3A_2045 = tpu.dynamic_gather %add3A_1601[%gather3A] in [0] : vector<16xf32>, vector<16xi32> -> vector<16xf32>
          %add3A_2046 = arith.addf %add3A_1601, %gather3A_2045 : vector<16xf32>
          %xor3A_2047 = arith.constant 2 : i32
          %xor3A_2048 = vector.broadcast %xor3A_2047 : i32 to vector<16xi32>
          %xor3A_2049 = arith.xori %iota3A, %xor3A_2048 : vector<16xi32>
          %broadcast_in_dim3A_2050 = vector.shape_cast %xor3A_2049 : vector<16xi32> to vector<16x1xi32>
          %gather3A_2051 = vector.shape_cast %broadcast_in_dim3A_2050 : vector<16x1xi32> to vector<16xi32>
          %gather3A_2052 = tpu.dynamic_gather %add3A_2046[%gather3A_2051] in [0] : vector<16xf32>, vector<16xi32> -> vector<16xf32>
          %add3A_2053 = arith.addf %add3A_2046, %gather3A_2052 : vector<16xf32>
          %xor3A_2054 = arith.constant 4 : i32
          %xor3A_2055 = vector.broadcast %xor3A_2054 : i32 to vector<16xi32>
          %xor3A_2056 = arith.xori %iota3A, %xor3A_2055 : vector<16xi32>
          %broadcast_in_dim3A_2057 = vector.shape_cast %xor3A_2056 : vector<16xi32> to vector<16x1xi32>
          %gather3A_2058 = vector.shape_cast %broadcast_in_dim3A_2057 : vector<16x1xi32> to vector<16xi32>
          %gather3A_2059 = tpu.dynamic_gather %add3A_2053[%gather3A_2058] in [0] : vector<16xf32>, vector<16xi32> -> vector<16xf32>
          %add3A_2060 = arith.addf %add3A_2053, %gather3A_2059 : vector<16xf32>
          %xor3A_2061 = arith.constant 8 : i32
          %xor3A_2062 = vector.broadcast %xor3A_2061 : i32 to vector<16xi32>
          %xor3A_2063 = arith.xori %iota3A, %xor3A_2062 : vector<16xi32>
          %broadcast_in_dim3A_2064 = vector.shape_cast %xor3A_2063 : vector<16xi32> to vector<16x1xi32>
          %gather3A_2065 = vector.shape_cast %broadcast_in_dim3A_2064 : vector<16x1xi32> to vector<16xi32>
          %gather3A_2066 = tpu.dynamic_gather %add3A_2060[%gather3A_2065] in [0] : vector<16xf32>, vector<16xi32> -> vector<16xf32>
          %add3A_2067 = arith.addf %add3A_2060, %gather3A_2066 : vector<16xf32>
          %select_n3A_2068 = arith.select %eq3A_2041, %add3A_2067, %scan3A_1150 : vector<16xi1>, vector<16xf32>
          %mul3A_2069 = arith.constant 2 : i32
          %mul3A_2070 = arith.muli %mul3A_2069, %scan3A_1149 : i32
          %add3A_2071 = arith.constant 1 : i32
          %add3A_2072 = arith.addi %mul3A_2070, %add3A_2071 : i32
          %eq3A_2073 = vector.broadcast %add3A_2072 : i32 to vector<16xi32>
          %eq3A_2074 = arith.cmpi eq, %iota3A, %eq3A_2073 : vector<16xi32>
          %xor3A_2075 = arith.constant 1 : i32
          %xor3A_2076 = vector.broadcast %xor3A_2075 : i32 to vector<16xi32>
          %xor3A_2077 = arith.xori %iota3A, %xor3A_2076 : vector<16xi32>
          %broadcast_in_dim3A_2078 = vector.shape_cast %xor3A_2077 : vector<16xi32> to vector<16x1xi32>
          %gather3A_2079 = vector.shape_cast %broadcast_in_dim3A_2078 : vector<16x1xi32> to vector<16xi32>
          %gather3A_2080 = tpu.dynamic_gather %add3A_2037[%gather3A_2079] in [0] : vector<16xf32>, vector<16xi32> -> vector<16xf32>
          %add3A_2081 = arith.addf %add3A_2037, %gather3A_2080 : vector<16xf32>
          %xor3A_2082 = arith.constant 2 : i32
          %xor3A_2083 = vector.broadcast %xor3A_2082 : i32 to vector<16xi32>
          %xor3A_2084 = arith.xori %iota3A, %xor3A_2083 : vector<16xi32>
          %broadcast_in_dim3A_2085 = vector.shape_cast %xor3A_2084 : vector<16xi32> to vector<16x1xi32>
          %gather3A_2086 = vector.shape_cast %broadcast_in_dim3A_2085 : vector<16x1xi32> to vector<16xi32>
          %gather3A_2087 = tpu.dynamic_gather %add3A_2081[%gather3A_2086] in [0] : vector<16xf32>, vector<16xi32> -> vector<16xf32>
          %add3A_2088 = arith.addf %add3A_2081, %gather3A_2087 : vector<16xf32>
          %xor3A_2089 = arith.constant 4 : i32
          %xor3A_2090 = vector.broadcast %xor3A_2089 : i32 to vector<16xi32>
          %xor3A_2091 = arith.xori %iota3A, %xor3A_2090 : vector<16xi32>
          %broadcast_in_dim3A_2092 = vector.shape_cast %xor3A_2091 : vector<16xi32> to vector<16x1xi32>
          %gather3A_2093 = vector.shape_cast %broadcast_in_dim3A_2092 : vector<16x1xi32> to vector<16xi32>
          %gather3A_2094 = tpu.dynamic_gather %add3A_2088[%gather3A_2093] in [0] : vector<16xf32>, vector<16xi32> -> vector<16xf32>
          %add3A_2095 = arith.addf %add3A_2088, %gather3A_2094 : vector<16xf32>
          %xor3A_2096 = arith.constant 8 : i32
          %xor3A_2097 = vector.broadcast %xor3A_2096 : i32 to vector<16xi32>
          %xor3A_2098 = arith.xori %iota3A, %xor3A_2097 : vector<16xi32>
          %broadcast_in_dim3A_2099 = vector.shape_cast %xor3A_2098 : vector<16xi32> to vector<16x1xi32>
          %gather3A_2100 = vector.shape_cast %broadcast_in_dim3A_2099 : vector<16x1xi32> to vector<16xi32>
          %gather3A_2101 = tpu.dynamic_gather %add3A_2095[%gather3A_2100] in [0] : vector<16xf32>, vector<16xi32> -> vector<16xf32>
          %add3A_2102 = arith.addf %add3A_2095, %gather3A_2101 : vector<16xf32>
          %select_n3A_2103 = arith.select %eq3A_2074, %add3A_2102, %select_n3A_2068 : vector<16xi1>, vector<16xf32>
          scf.yield %select_n3A_2103 : vector<16xf32>
        }
        %scan3A_1141 = arith.constant 8 : i32
        %mul3A_1142 = arith.constant 16 : i32
        %mul3A_1143 = arith.muli %scan3A_1122, %mul3A_1142 : i32
        %swap3A_1144 = arith.index_cast %mul3A_1143 : i32 to index
        %swap3A_1145 = tpu.vector_load %arg9[%swap3A_1144] {strides = array<i32>} : memref<256xf32, #tpu.memory_space<vmem>>, vector<16xf32>,
        %swap3A_1146 = vector.shape_cast %swap3A_1145 : vector<16xf32> to vector<16xf32>
        %swap3A_1147 = vector.shape_cast %scan3A_1140 : vector<16xf32> to vector<16xf32>
        tpu.vector_store %arg9[%swap3A_1144], %swap3A_1147 {strides = array<i32>} : memref<256xf32, #tpu.memory_space<vmem>>, vector<16xf32>,
        %scan3A_1148 = arith.constant 0 : i32
        scf.yield %scan3A_1148 : i32
      }
      %scan3A_1121 = arith.constant 16 : i32
    } else {
    }
    %mul3A_1081 = arith.constant 256 : i32
    %mul3A_1082 = arith.muli %add3A, %mul3A_1081 : i32
    "tpu.region"() ({
      %run_scoped3A = tpu.sem_alloc : memref<!tpu.dma_semaphore, #tpu.memory_space<semaphore_mem>>
      %dma_start3A = tpu.memref_slice %arg5[%mul3A_1082] : memref<8192xf32, #tpu.memory_space<hbm>> -> memref<256xf32, #tpu.memory_space<hbm>>
      %dma_start3A_1085 = tpu.memref_slice %arg5[%mul3A_1082] : memref<8192xf32, #tpu.memory_space<hbm>> -> memref<256xf32, #tpu.memory_space<hbm>>
      tpu.enqueue_dma source(%arg9 : memref<256xf32, #tpu.memory_space<vmem>>) target(%dma_start3A_1085 : memref<256xf32, #tpu.memory_space<hbm>>) target_semaphore(%run_scoped3A : memref<!tpu.dma_semaphore, #tpu.memory_space<semaphore_mem>>)
      %dma_wait3A = tpu.memref_slice %arg5[%mul3A_1082] : memref<8192xf32, #tpu.memory_space<hbm>> -> memref<256xf32, #tpu.memory_space<hbm>>
      %dma_wait3A_1086 = tpu.memref_slice %arg5[%mul3A_1082] : memref<8192xf32, #tpu.memory_space<hbm>> -> memref<256xf32, #tpu.memory_space<hbm>>
      tpu.wait_dma2 semaphore(%run_scoped3A : memref<!tpu.dma_semaphore, #tpu.memory_space<semaphore_mem>>) src(%arg9 : memref<256xf32, #tpu.memory_space<vmem>>) dst(%dma_wait3A_1086 : memref<256xf32, #tpu.memory_space<hbm>>)
      tpu.yield
    }) : () -> ()
    %mul3A_1083 = arith.constant 256 : i32
    %mul3A_1084 = arith.muli %add3A, %mul3A_1083 : i32
    "tpu.region"() ({
      %run_scoped3A = tpu.sem_alloc : memref<!tpu.dma_semaphore, #tpu.memory_space<semaphore_mem>>
      %dma_start3A = tpu.memref_slice %arg6[%mul3A_1084] : memref<8192xf32, #tpu.memory_space<hbm>> -> memref<256xf32, #tpu.memory_space<hbm>>
      %dma_start3A_1085 = tpu.memref_slice %arg6[%mul3A_1084] : memref<8192xf32, #tpu.memory_space<hbm>> -> memref<256xf32, #tpu.memory_space<hbm>>
      tpu.enqueue_dma source(%arg10 : memref<256xf32, #tpu.memory_space<vmem>>) target(%dma_start3A_1085 : memref<256xf32, #tpu.memory_space<hbm>>) target_semaphore(%run_scoped3A : memref<!tpu.dma_semaphore, #tpu.memory_space<semaphore_mem>>)
      %dma_wait3A = tpu.memref_slice %arg6[%mul3A_1084] : memref<8192xf32, #tpu.memory_space<hbm>> -> memref<256xf32, #tpu.memory_space<hbm>>
      %dma_wait3A_1086 = tpu.memref_slice %arg6[%mul3A_1084] : memref<8192xf32, #tpu.memory_space<hbm>> -> memref<256xf32, #tpu.memory_space<hbm>>
      tpu.wait_dma2 semaphore(%run_scoped3A : memref<!tpu.dma_semaphore, #tpu.memory_space<semaphore_mem>>) src(%arg10 : memref<256xf32, #tpu.memory_space<vmem>>) dst(%dma_wait3A_1086 : memref<256xf32, #tpu.memory_space<hbm>>)
      tpu.yield
    }) : () -> ()
    return
  }
}

module attributes {stable_mosaic.version = 14 : i64} {
  func.func @_sel_body(%arg0: memref<96x128xf32, #tpu.memory_space<vmem>>, %arg1: memref<96x128xf32, #tpu.memory_space<vmem>>, %arg2: memref<64x128xf32, #tpu.memory_space<vmem>>, %arg3: memref<64x128xf32, #tpu.memory_space<vmem>>, %arg4: memref<2x128xf32, #tpu.memory_space<vmem>>) attributes {dimension_semantics = [], scalar_prefetch = 0 : i64, scratch_operands = 0 : i64, tpu.core_type = #tpu.core_type<tc>} {
    %get3A = arith.constant 0 : index
    %get3A_0 = arith.constant 0 : index
    %get3A_1 = vector.load %arg2[%get3A, %get3A_0] : memref<64x128xf32, #tpu.memory_space<vmem>>, vector<64x128xf32>
    %get3A_2 = arith.constant 0 : index
    %get3A_3 = arith.constant 0 : index
    %get3A_4 = vector.load %arg3[%get3A_2, %get3A_3] : memref<64x128xf32, #tpu.memory_space<vmem>>, vector<64x128xf32>
    %log3A = math.log %get3A_1 : vector<64x128xf32>
    %sub3A = arith.subf %log3A, %get3A_4 : vector<64x128xf32>
    %get3A_5 = arith.constant 0 : index
    %get3A_6 = arith.constant 0 : index
    %get3A_7 = vector.load %arg0[%get3A_5, %get3A_6] : memref<96x128xf32, #tpu.memory_space<vmem>>, vector<96x128xf32>
    %slice3A = vector.extract_strided_slice %sub3A {offsets = [0, 0], sizes = [32, 128], strides = [1, 1]} : vector<64x128xf32> to vector<32x128xf32>
    %concatenate3A = tpu.concatenate %get3A_7, %slice3A in 0 : vector<96x128xf32>, vector<32x128xf32> -> vector<128x128xf32>
    %get3A_8 = arith.constant 0 : index
    %get3A_9 = arith.constant 0 : index
    %get3A_10 = vector.load %arg1[%get3A_8, %get3A_9] : memref<96x128xf32, #tpu.memory_space<vmem>>, vector<96x128xf32>
    %slice3A_11 = vector.extract_strided_slice %sub3A {offsets = [32, 0], sizes = [32, 128], strides = [1, 1]} : vector<64x128xf32> to vector<32x128xf32>
    %concatenate3A_12 = tpu.concatenate %get3A_10, %slice3A_11 in 0 : vector<96x128xf32>, vector<32x128xf32> -> vector<128x128xf32>
    %bitcast_convert_type3A = tpu.bitcast %concatenate3A_12 : vector<128x128xf32> -> vector<128x128xi32>
    %shift_right_logical3A = arith.constant 31 : i32
    %shift_right_logical3A_13 = vector.broadcast %shift_right_logical3A : i32 to vector<128x128xi32>
    %shift_right_logical3A_14 = arith.shrui %bitcast_convert_type3A, %shift_right_logical3A_13 : vector<128x128xi32>
    %ne3A = arith.constant 0 : i32
    %ne3A_15 = vector.broadcast %ne3A : i32 to vector<128x128xi32>
    %ne3A_16 = arith.cmpi ne, %shift_right_logical3A_14, %ne3A_15 : vector<128x128xi32>
    %not3A = arith.constant dense<-1> : vector<128x128xi32>
    %not3A_17 = arith.xori %bitcast_convert_type3A, %not3A : vector<128x128xi32>
    %or3A = arith.constant -2147483648 : i32
    %or3A_18 = vector.broadcast %or3A : i32 to vector<128x128xi32>
    %or3A_19 = arith.ori %bitcast_convert_type3A, %or3A_18 : vector<128x128xi32>
    %select_n3A = arith.select %ne3A_16, %not3A_17, %or3A_19 : vector<128x128xi1>, vector<128x128xi32>
    %scan3A = arith.constant 0 : i32
    %scan3A_20 = arith.constant 0 : i32
    %scan3A_21 = arith.constant 14744 : i32
    %scan3A_22 = arith.constant 0 : i32
    %scan3A_23 = arith.constant 0 : i32
    %scan3A_24 = arith.constant 32 : i32
    %scan3A_25 = arith.addi %scan3A_23, %scan3A_24 : i32
    %scan3A_26 = arith.constant 1 : i32
    %scan3A_27:4 = scf.for %scan3A_129 = %scan3A_23 to %scan3A_25 step %scan3A_26 iter_args(%scan3A_130 = %scan3A, %scan3A_131 = %scan3A_20, %scan3A_132 = %scan3A_21, %scan3A_133 = %scan3A_22) -> (i32, i32, i32, i32)  : i32 {
      %sub3A_134 = arith.constant 31 : i32
      %sub3A_135 = arith.subi %sub3A_134, %scan3A_129 : i32
      %shift_left3A = arith.constant 1 : i32
      %shift_left3A_136 = arith.shli %shift_left3A, %sub3A_135 : i32
      %and3A_137 = vector.broadcast %scan3A_131 : i32 to vector<128x128xi32>
      %and3A_138 = arith.andi %select_n3A, %and3A_137 : vector<128x128xi32>
      %eq3A_139 = vector.broadcast %scan3A_130 : i32 to vector<128x128xi32>
      %eq3A_140 = arith.cmpi eq, %and3A_138, %eq3A_139 : vector<128x128xi32>
      %and3A_141 = vector.broadcast %shift_left3A_136 : i32 to vector<128x128xi32>
      %and3A_142 = arith.andi %select_n3A, %and3A_141 : vector<128x128xi32>
      %eq3A_143 = arith.constant 0 : i32
      %eq3A_144 = vector.broadcast %eq3A_143 : i32 to vector<128x128xi32>
      %eq3A_145 = arith.cmpi eq, %and3A_142, %eq3A_144 : vector<128x128xi32>
      %and3A_146 = arith.andi %eq3A_140, %eq3A_145 : vector<128x128xi1>
      %convert_element_type3A_147 = arith.extui %and3A_146 : vector<128x128xi1> to vector<128x128xi32>
      %reduce_sum3A_148 = vector.shape_cast %convert_element_type3A_147 : vector<128x128xi32> to vector<1x128x128xi32>
      %reduce_sum3A_149 = arith.constant dense<0> : vector<1xi32>
      %reduce_sum3A_150 = vector.multi_reduction <add>, %reduce_sum3A_148, %reduce_sum3A_149 [1, 2] : vector<1x128x128xi32> to vector<1xi32>
      %reduce_sum3A_151 = vector.shape_cast %reduce_sum3A_150 : vector<1xi32> to vector<1x1x1xi32>
      %reduce_sum3A_152 = vector.extract %reduce_sum3A_151[0, 0, 0] : i32 from vector<1x1x1xi32>
      %ge3A = arith.cmpi sge, %scan3A_132, %reduce_sum3A_152 : i32
      %or3A_153 = arith.ori %scan3A_130, %shift_left3A_136 : i32
      %select_n3A_154 = arith.select %ge3A, %or3A_153, %scan3A_130 : i32
      %sub3A_155 = arith.subi %scan3A_132, %reduce_sum3A_152 : i32
      %select_n3A_156 = arith.select %ge3A, %sub3A_155, %scan3A_132 : i32
      %jit3A_157 = arith.constant 0 : i32
      %select_n3A_158 = arith.select %ge3A, %reduce_sum3A_152, %jit3A_157 : i32
      %add3A_159 = arith.addi %scan3A_133, %select_n3A_158 : i32
      %or3A_160 = arith.ori %scan3A_131, %shift_left3A_136 : i32
      scf.yield %select_n3A_154, %or3A_160, %select_n3A_156, %add3A_159 : i32, i32, i32, i32
    }
    %scan3A_28 = arith.constant 32 : i32
    %lt3A = vector.broadcast %scan3A_27#0 : i32 to vector<128x128xi32>
    %lt3A_29 = arith.cmpi ult, %select_n3A, %lt3A : vector<128x128xi32>
    %eq3A = vector.broadcast %scan3A_27#0 : i32 to vector<128x128xi32>
    %eq3A_30 = arith.cmpi eq, %select_n3A, %eq3A : vector<128x128xi32>
    %sub3A_31 = arith.constant 14745 : i32
    %sub3A_32 = arith.subi %sub3A_31, %scan3A_27#3 : i32
    %convert_element_type3A = arith.sitofp %sub3A_32 : i32 to f32
    %convert_element_type3A_33 = arith.extui %eq3A_30 : vector<128x128xi1> to vector<128x128xi32>
    %convert_element_type3A_34 = arith.sitofp %convert_element_type3A_33 : vector<128x128xi32> to vector<128x128xf32>
    %iota3A = tpu.iota {dimensions = array<i32: 0>} : vector<128x128xi32>
    %iota3A_35 = tpu.iota {dimensions = array<i32: 1>} : vector<128x128xi32>
    %le3A = arith.cmpi sle, %iota3A, %iota3A_35 : vector<128x128xi32>
    %convert_element_type3A_36 = arith.extui %le3A : vector<128x128xi1> to vector<128x128xi32>
    %convert_element_type3A_37 = arith.sitofp %convert_element_type3A_36 : vector<128x128xi32> to vector<128x128xf32>
    %lt3A_38 = arith.cmpi slt, %iota3A_35, %iota3A : vector<128x128xi32>
    %convert_element_type3A_39 = arith.extui %lt3A_38 : vector<128x128xi1> to vector<128x128xi32>
    %convert_element_type3A_40 = arith.sitofp %convert_element_type3A_39 : vector<128x128xi32> to vector<128x128xf32>
    %dot_general3A = arith.constant dense<0.000000e+00> : vector<128x128xf32>
    %dot_general3A_41 = tpu.matmul %convert_element_type3A_34, %convert_element_type3A_37, %dot_general3A {dimension_numbers = #tpu.dot_dimension_numbers<[1], [0], [0], [1], [0, 0, 1, 1], [], []>, transpose_lhs_hint = false} : vector<128x128xf32>, vector<128x128xf32>, vector<128x128xf32> -> vector<128x128xf32>
    %sub3A_42 = arith.subf %dot_general3A_41, %convert_element_type3A_34 : vector<128x128xf32>
    %reduce_sum3A = arith.constant dense<0.000000e+00> : vector<128xf32>
    %reduce_sum3A_43 = vector.multi_reduction <add>, %convert_element_type3A_34, %reduce_sum3A [1] : vector<128x128xf32> to vector<128xf32>
    %broadcast_in_dim3A = vector.shape_cast %reduce_sum3A_43 : vector<128xf32> to vector<128x1xf32>
    %dot_general3A_44 = arith.constant dense<0.000000e+00> : vector<128x1xf32>
    %dot_general3A_45 = tpu.matmul %convert_element_type3A_40, %broadcast_in_dim3A, %dot_general3A_44 {dimension_numbers = #tpu.dot_dimension_numbers<[1], [0], [0], [1], [0, 0, 1, 1], [], []>, transpose_lhs_hint = false} : vector<128x128xf32>, vector<128x1xf32>, vector<128x1xf32> -> vector<128x1xf32>
    %add3A = vector.broadcast %dot_general3A_45 : vector<128x1xf32> to vector<128x128xf32>
    %add3A_46 = arith.addf %sub3A_42, %add3A : vector<128x128xf32>
    %lt3A_47 = vector.broadcast %convert_element_type3A : f32 to vector<128x128xf32>
    %lt3A_48 = arith.cmpf olt, %add3A_46, %lt3A_47 : vector<128x128xf32>
    %and3A = arith.andi %eq3A_30, %lt3A_48 : vector<128x128xi1>
    %or3A_49 = arith.ori %lt3A_29, %and3A : vector<128x128xi1>
    %jit3A = arith.constant 0.000000e+00 : f32
    %broadcast_in_dim3A_50 = vector.broadcast %jit3A : f32 to vector<128x128xf32>
    %select_n3A_51 = arith.select %or3A_49, %concatenate3A, %broadcast_in_dim3A_50 : vector<128x128xi1>, vector<128x128xf32>
    %reduce_sum3A_52 = vector.shape_cast %select_n3A_51 : vector<128x128xf32> to vector<1x128x128xf32>
    %reduce_sum3A_53 = arith.constant dense<0.000000e+00> : vector<1xf32>
    %reduce_sum3A_54 = vector.multi_reduction <add>, %reduce_sum3A_52, %reduce_sum3A_53 [1, 2] : vector<1x128x128xf32> to vector<1xf32>
    %reduce_sum3A_55 = vector.shape_cast %reduce_sum3A_54 : vector<1xf32> to vector<1x1x1xf32>
    %reduce_sum3A_56 = vector.extract %reduce_sum3A_55[0, 0, 0] : f32 from vector<1x1x1xf32>
    %div3A = arith.constant 1.474500e+04 : f32
    %div3A_57 = arith.divf %reduce_sum3A_56, %div3A : f32
    %bitcast_convert_type3A_58 = tpu.bitcast %concatenate3A : vector<128x128xf32> -> vector<128x128xi32>
    %shift_right_logical3A_59 = arith.constant 31 : i32
    %shift_right_logical3A_60 = vector.broadcast %shift_right_logical3A_59 : i32 to vector<128x128xi32>
    %shift_right_logical3A_61 = arith.shrui %bitcast_convert_type3A_58, %shift_right_logical3A_60 : vector<128x128xi32>
    %ne3A_62 = arith.constant 0 : i32
    %ne3A_63 = vector.broadcast %ne3A_62 : i32 to vector<128x128xi32>
    %ne3A_64 = arith.cmpi ne, %shift_right_logical3A_61, %ne3A_63 : vector<128x128xi32>
    %not3A_65 = arith.constant dense<-1> : vector<128x128xi32>
    %not3A_66 = arith.xori %bitcast_convert_type3A_58, %not3A_65 : vector<128x128xi32>
    %or3A_67 = arith.constant -2147483648 : i32
    %or3A_68 = vector.broadcast %or3A_67 : i32 to vector<128x128xi32>
    %or3A_69 = arith.ori %bitcast_convert_type3A_58, %or3A_68 : vector<128x128xi32>
    %select_n3A_70 = arith.select %ne3A_64, %not3A_66, %or3A_69 : vector<128x128xi1>, vector<128x128xi32>
    %scan3A_71 = arith.constant 0 : i32
    %scan3A_72 = arith.constant 0 : i32
    %scan3A_73 = arith.constant 14744 : i32
    %scan3A_74 = arith.constant 0 : i32
    %scan3A_75 = arith.constant 0 : i32
    %scan3A_76 = arith.constant 32 : i32
    %scan3A_77 = arith.addi %scan3A_75, %scan3A_76 : i32
    %scan3A_78 = arith.constant 1 : i32
    %scan3A_79:4 = scf.for %scan3A_129 = %scan3A_75 to %scan3A_77 step %scan3A_78 iter_args(%scan3A_130 = %scan3A_71, %scan3A_131 = %scan3A_72, %scan3A_132 = %scan3A_73, %scan3A_133 = %scan3A_74) -> (i32, i32, i32, i32)  : i32 {
      %sub3A_134 = arith.constant 31 : i32
      %sub3A_135 = arith.subi %sub3A_134, %scan3A_129 : i32
      %shift_left3A = arith.constant 1 : i32
      %shift_left3A_136 = arith.shli %shift_left3A, %sub3A_135 : i32
      %and3A_137 = vector.broadcast %scan3A_131 : i32 to vector<128x128xi32>
      %and3A_138 = arith.andi %select_n3A_70, %and3A_137 : vector<128x128xi32>
      %eq3A_139 = vector.broadcast %scan3A_130 : i32 to vector<128x128xi32>
      %eq3A_140 = arith.cmpi eq, %and3A_138, %eq3A_139 : vector<128x128xi32>
      %and3A_141 = vector.broadcast %shift_left3A_136 : i32 to vector<128x128xi32>
      %and3A_142 = arith.andi %select_n3A_70, %and3A_141 : vector<128x128xi32>
      %eq3A_143 = arith.constant 0 : i32
      %eq3A_144 = vector.broadcast %eq3A_143 : i32 to vector<128x128xi32>
      %eq3A_145 = arith.cmpi eq, %and3A_142, %eq3A_144 : vector<128x128xi32>
      %and3A_146 = arith.andi %eq3A_140, %eq3A_145 : vector<128x128xi1>
      %convert_element_type3A_147 = arith.extui %and3A_146 : vector<128x128xi1> to vector<128x128xi32>
      %reduce_sum3A_148 = vector.shape_cast %convert_element_type3A_147 : vector<128x128xi32> to vector<1x128x128xi32>
      %reduce_sum3A_149 = arith.constant dense<0> : vector<1xi32>
      %reduce_sum3A_150 = vector.multi_reduction <add>, %reduce_sum3A_148, %reduce_sum3A_149 [1, 2] : vector<1x128x128xi32> to vector<1xi32>
      %reduce_sum3A_151 = vector.shape_cast %reduce_sum3A_150 : vector<1xi32> to vector<1x1x1xi32>
      %reduce_sum3A_152 = vector.extract %reduce_sum3A_151[0, 0, 0] : i32 from vector<1x1x1xi32>
      %ge3A = arith.cmpi sge, %scan3A_132, %reduce_sum3A_152 : i32
      %or3A_153 = arith.ori %scan3A_130, %shift_left3A_136 : i32
      %select_n3A_154 = arith.select %ge3A, %or3A_153, %scan3A_130 : i32
      %sub3A_155 = arith.subi %scan3A_132, %reduce_sum3A_152 : i32
      %select_n3A_156 = arith.select %ge3A, %sub3A_155, %scan3A_132 : i32
      %jit3A_157 = arith.constant 0 : i32
      %select_n3A_158 = arith.select %ge3A, %reduce_sum3A_152, %jit3A_157 : i32
      %add3A_159 = arith.addi %scan3A_133, %select_n3A_158 : i32
      %or3A_160 = arith.ori %scan3A_131, %shift_left3A_136 : i32
      scf.yield %select_n3A_154, %or3A_160, %select_n3A_156, %add3A_159 : i32, i32, i32, i32
    }
    %scan3A_80 = arith.constant 32 : i32
    %lt3A_81 = vector.broadcast %scan3A_79#0 : i32 to vector<128x128xi32>
    %lt3A_82 = arith.cmpi ult, %select_n3A_70, %lt3A_81 : vector<128x128xi32>
    %eq3A_83 = vector.broadcast %scan3A_79#0 : i32 to vector<128x128xi32>
    %eq3A_84 = arith.cmpi eq, %select_n3A_70, %eq3A_83 : vector<128x128xi32>
    %sub3A_85 = arith.constant 14745 : i32
    %sub3A_86 = arith.subi %sub3A_85, %scan3A_79#3 : i32
    %convert_element_type3A_87 = arith.sitofp %sub3A_86 : i32 to f32
    %convert_element_type3A_88 = arith.extui %eq3A_84 : vector<128x128xi1> to vector<128x128xi32>
    %convert_element_type3A_89 = arith.sitofp %convert_element_type3A_88 : vector<128x128xi32> to vector<128x128xf32>
    %iota3A_90 = tpu.iota {dimensions = array<i32: 0>} : vector<128x128xi32>
    %iota3A_91 = tpu.iota {dimensions = array<i32: 1>} : vector<128x128xi32>
    %le3A_92 = arith.cmpi sle, %iota3A_90, %iota3A_91 : vector<128x128xi32>
    %convert_element_type3A_93 = arith.extui %le3A_92 : vector<128x128xi1> to vector<128x128xi32>
    %convert_element_type3A_94 = arith.sitofp %convert_element_type3A_93 : vector<128x128xi32> to vector<128x128xf32>
    %lt3A_95 = arith.cmpi slt, %iota3A_91, %iota3A_90 : vector<128x128xi32>
    %convert_element_type3A_96 = arith.extui %lt3A_95 : vector<128x128xi1> to vector<128x128xi32>
    %convert_element_type3A_97 = arith.sitofp %convert_element_type3A_96 : vector<128x128xi32> to vector<128x128xf32>
    %dot_general3A_98 = arith.constant dense<0.000000e+00> : vector<128x128xf32>
    %dot_general3A_99 = tpu.matmul %convert_element_type3A_89, %convert_element_type3A_94, %dot_general3A_98 {dimension_numbers = #tpu.dot_dimension_numbers<[1], [0], [0], [1], [0, 0, 1, 1], [], []>, transpose_lhs_hint = false} : vector<128x128xf32>, vector<128x128xf32>, vector<128x128xf32> -> vector<128x128xf32>
    %sub3A_100 = arith.subf %dot_general3A_99, %convert_element_type3A_89 : vector<128x128xf32>
    %reduce_sum3A_101 = arith.constant dense<0.000000e+00> : vector<128xf32>
    %reduce_sum3A_102 = vector.multi_reduction <add>, %convert_element_type3A_89, %reduce_sum3A_101 [1] : vector<128x128xf32> to vector<128xf32>
    %broadcast_in_dim3A_103 = vector.shape_cast %reduce_sum3A_102 : vector<128xf32> to vector<128x1xf32>
    %dot_general3A_104 = arith.constant dense<0.000000e+00> : vector<128x1xf32>
    %dot_general3A_105 = tpu.matmul %convert_element_type3A_97, %broadcast_in_dim3A_103, %dot_general3A_104 {dimension_numbers = #tpu.dot_dimension_numbers<[1], [0], [0], [1], [0, 0, 1, 1], [], []>, transpose_lhs_hint = false} : vector<128x128xf32>, vector<128x1xf32>, vector<128x1xf32> -> vector<128x1xf32>
    %add3A_106 = vector.broadcast %dot_general3A_105 : vector<128x1xf32> to vector<128x128xf32>
    %add3A_107 = arith.addf %sub3A_100, %add3A_106 : vector<128x128xf32>
    %lt3A_108 = vector.broadcast %convert_element_type3A_87 : f32 to vector<128x128xf32>
    %lt3A_109 = arith.cmpf olt, %add3A_107, %lt3A_108 : vector<128x128xf32>
    %and3A_110 = arith.andi %eq3A_84, %lt3A_109 : vector<128x128xi1>
    %or3A_111 = arith.ori %lt3A_82, %and3A_110 : vector<128x128xi1>
    %jit3A_112 = arith.constant 0.000000e+00 : f32
    %broadcast_in_dim3A_113 = vector.broadcast %jit3A_112 : f32 to vector<128x128xf32>
    %select_n3A_114 = arith.select %or3A_111, %concatenate3A_12, %broadcast_in_dim3A_113 : vector<128x128xi1>, vector<128x128xf32>
    %reduce_sum3A_115 = vector.shape_cast %select_n3A_114 : vector<128x128xf32> to vector<1x128x128xf32>
    %reduce_sum3A_116 = arith.constant dense<0.000000e+00> : vector<1xf32>
    %reduce_sum3A_117 = vector.multi_reduction <add>, %reduce_sum3A_115, %reduce_sum3A_116 [1, 2] : vector<1x128x128xf32> to vector<1xf32>
    %reduce_sum3A_118 = vector.shape_cast %reduce_sum3A_117 : vector<1xf32> to vector<1x1x1xf32>
    %reduce_sum3A_119 = vector.extract %reduce_sum3A_118[0, 0, 0] : f32 from vector<1x1x1xf32>
    %div3A_120 = arith.constant 1.474500e+04 : f32
    %div3A_121 = arith.divf %reduce_sum3A_119, %div3A_120 : f32
    %broadcast_in_dim3A_122 = vector.broadcast %div3A_57 : f32 to vector<1x128xf32>
    %swap3A = arith.constant 0 : index
    %swap3A_123 = arith.constant 0 : index
    %swap3A_124 = vector.load %arg4[%swap3A, %swap3A_123] : memref<2x128xf32, #tpu.memory_space<vmem>>, vector<1x128xf32>
    tpu.vector_store %arg4[%swap3A, %swap3A_123], %broadcast_in_dim3A_122 {strides = array<i32>} : memref<2x128xf32, #tpu.memory_space<vmem>>, vector<1x128xf32>,
    %broadcast_in_dim3A_125 = vector.broadcast %div3A_121 : f32 to vector<1x128xf32>
    %swap3A_126 = arith.constant 1 : index
    %swap3A_127 = arith.constant 0 : index
    %swap3A_128 = vector.load %arg4[%swap3A_126, %swap3A_127] : memref<2x128xf32, #tpu.memory_space<vmem>>, vector<1x128xf32>
    tpu.vector_store %arg4[%swap3A_126, %swap3A_127], %broadcast_in_dim3A_125 {strides = array<i32>} : memref<2x128xf32, #tpu.memory_space<vmem>>, vector<1x128xf32>,
    return
  }
}

module attributes {stable_mosaic.version = 14 : i64} {
  func.func @_ce_body(%arg0: i32, %arg1: memref<1024x1000xf32, #tpu.memory_space<vmem>>, %arg2: memref<1024x1000xf32, #tpu.memory_space<vmem>>, %arg3: memref<1x1x1024xi32, #tpu.memory_space<vmem>>, %arg4: memref<1x1x1024xf32, #tpu.memory_space<vmem>>, %arg5: memref<1x1x1024xf32, #tpu.memory_space<vmem>>) attributes {dimension_semantics = [#tpu.dimension_semantics<arbitrary>], iteration_bounds = array<i64: 12>, scalar_prefetch = 0 : i64, scratch_operands = 0 : i64, tpu.core_type = #tpu.core_type<tc>, window_params = [{transform_indices = @transform_0, window_bounds = array<i64: 1024, 1000>}, {transform_indices = @transform_1, window_bounds = array<i64: 1024, 1000>}, {transform_indices = @transform_2, window_bounds = array<i64: 1, 1, 1024>}, {transform_indices = @transform_3, window_bounds = array<i64: 1, 1, 1024>}, {transform_indices = @transform_4, window_bounds = array<i64: 1, 1, 1024>}]} {
    %get3A = arith.constant 0 : index
    %get3A_0 = arith.constant 0 : index
    %get3A_1 = arith.constant 0 : index
    %get3A_2 = vector.load %arg3[%get3A, %get3A_0, %get3A_1] : memref<1x1x1024xi32, #tpu.memory_space<vmem>>, vector<1x1x1024xi32>
    %get3A_3 = vector.shape_cast %get3A_2 : vector<1x1x1024xi32> to vector<1024xi32>
    %iota3A = tpu.iota {dimensions = array<i32: 1>} : vector<1024x1000xi32>
    %broadcast_in_dim3A = vector.shape_cast %get3A_3 : vector<1024xi32> to vector<1024x1xi32>
    %eq3A = vector.broadcast %broadcast_in_dim3A : vector<1024x1xi32> to vector<1024x1000xi32>
    %eq3A_4 = arith.cmpi eq, %iota3A, %eq3A : vector<1024x1000xi32>
    %get3A_5 = arith.constant 0 : index
    %get3A_6 = arith.constant 0 : index
    %get3A_7 = vector.load %arg1[%get3A_5, %get3A_6] : memref<1024x1000xf32, #tpu.memory_space<vmem>>, vector<1024x1000xf32>
    %reduce_max3A = arith.constant dense<0xFF800000> : vector<1024xf32>
    %reduce_max3A_8 = vector.multi_reduction <maximumf>, %get3A_7, %reduce_max3A [1] : vector<1024x1000xf32> to vector<1024xf32>
    %broadcast_in_dim3A_9 = vector.shape_cast %reduce_max3A_8 : vector<1024xf32> to vector<1024x1xf32>
    %sub3A = vector.broadcast %broadcast_in_dim3A_9 : vector<1024x1xf32> to vector<1024x1000xf32>
    %sub3A_10 = arith.subf %get3A_7, %sub3A : vector<1024x1000xf32>
    %exp3A = math.exp %sub3A_10 : vector<1024x1000xf32>
    %reduce_sum3A = arith.constant dense<0.000000e+00> : vector<1024xf32>
    %reduce_sum3A_11 = vector.multi_reduction <add>, %exp3A, %reduce_sum3A [1] : vector<1024x1000xf32> to vector<1024xf32>
    %jit3A = arith.constant 0.000000e+00 : f32
    %broadcast_in_dim3A_12 = vector.broadcast %jit3A : f32 to vector<1024x1000xf32>
    %select_n3A = arith.select %eq3A_4, %get3A_7, %broadcast_in_dim3A_12 : vector<1024x1000xi1>, vector<1024x1000xf32>
    %reduce_sum3A_13 = arith.constant dense<0.000000e+00> : vector<1024xf32>
    %reduce_sum3A_14 = vector.multi_reduction <add>, %select_n3A, %reduce_sum3A_13 [1] : vector<1024x1000xf32> to vector<1024xf32>
    %log3A = math.log %reduce_sum3A_11 : vector<1024xf32>
    %add3A = arith.addf %log3A, %reduce_max3A_8 : vector<1024xf32>
    %sub3A_15 = arith.subf %add3A, %reduce_sum3A_14 : vector<1024xf32>
    %swap3A = arith.constant 0 : index
    %swap3A_16 = arith.constant 0 : index
    %swap3A_17 = arith.constant 0 : index
    %swap3A_18 = vector.load %arg4[%swap3A, %swap3A_16, %swap3A_17] : memref<1x1x1024xf32, #tpu.memory_space<vmem>>, vector<1x1x1024xf32>
    %swap3A_19 = vector.shape_cast %swap3A_18 : vector<1x1x1024xf32> to vector<1024xf32>
    %swap3A_20 = vector.shape_cast %sub3A_15 : vector<1024xf32> to vector<1x1x1024xf32>
    tpu.vector_store %arg4[%swap3A, %swap3A_16, %swap3A_17], %swap3A_20 {strides = array<i32>} : memref<1x1x1024xf32, #tpu.memory_space<vmem>>, vector<1x1x1024xf32>,
    %get3A_21 = arith.constant 0 : index
    %get3A_22 = arith.constant 0 : index
    %get3A_23 = vector.load %arg2[%get3A_21, %get3A_22] : memref<1024x1000xf32, #tpu.memory_space<vmem>>, vector<1024x1000xf32>
    %reduce_max3A_24 = arith.constant dense<0xFF800000> : vector<1024xf32>
    %reduce_max3A_25 = vector.multi_reduction <maximumf>, %get3A_23, %reduce_max3A_24 [1] : vector<1024x1000xf32> to vector<1024xf32>
    %broadcast_in_dim3A_26 = vector.shape_cast %reduce_max3A_25 : vector<1024xf32> to vector<1024x1xf32>
    %sub3A_27 = vector.broadcast %broadcast_in_dim3A_26 : vector<1024x1xf32> to vector<1024x1000xf32>
    %sub3A_28 = arith.subf %get3A_23, %sub3A_27 : vector<1024x1000xf32>
    %exp3A_29 = math.exp %sub3A_28 : vector<1024x1000xf32>
    %reduce_sum3A_30 = arith.constant dense<0.000000e+00> : vector<1024xf32>
    %reduce_sum3A_31 = vector.multi_reduction <add>, %exp3A_29, %reduce_sum3A_30 [1] : vector<1024x1000xf32> to vector<1024xf32>
    %jit3A_32 = arith.constant 0.000000e+00 : f32
    %broadcast_in_dim3A_33 = vector.broadcast %jit3A_32 : f32 to vector<1024x1000xf32>
    %select_n3A_34 = arith.select %eq3A_4, %get3A_23, %broadcast_in_dim3A_33 : vector<1024x1000xi1>, vector<1024x1000xf32>
    %reduce_sum3A_35 = arith.constant dense<0.000000e+00> : vector<1024xf32>
    %reduce_sum3A_36 = vector.multi_reduction <add>, %select_n3A_34, %reduce_sum3A_35 [1] : vector<1024x1000xf32> to vector<1024xf32>
    %log3A_37 = math.log %reduce_sum3A_31 : vector<1024xf32>
    %add3A_38 = arith.addf %log3A_37, %reduce_max3A_25 : vector<1024xf32>
    %sub3A_39 = arith.subf %add3A_38, %reduce_sum3A_36 : vector<1024xf32>
    %swap3A_40 = arith.constant 0 : index
    %swap3A_41 = arith.constant 0 : index
    %swap3A_42 = arith.constant 0 : index
    %swap3A_43 = vector.load %arg5[%swap3A_40, %swap3A_41, %swap3A_42] : memref<1x1x1024xf32, #tpu.memory_space<vmem>>, vector<1x1x1024xf32>
    %swap3A_44 = vector.shape_cast %swap3A_43 : vector<1x1x1024xf32> to vector<1024xf32>
    %swap3A_45 = vector.shape_cast %sub3A_39 : vector<1024xf32> to vector<1x1x1024xf32>
    tpu.vector_store %arg5[%swap3A_40, %swap3A_41, %swap3A_42], %swap3A_45 {strides = array<i32>} : memref<1x1x1024xf32, #tpu.memory_space<vmem>>, vector<1x1x1024xf32>,
    return
  }
  func.func @transform_0(%arg0: i32) -> (i32, i32) {
    %c0_i32 = arith.constant 0 : i32
    %c0_i32_0 = arith.constant 0 : i32
    return %arg0, %c0_i32 : i32, i32
  }
  func.func @transform_1(%arg0: i32) -> (i32, i32) {
    %c0_i32 = arith.constant 0 : i32
    %c0_i32_0 = arith.constant 0 : i32
    return %arg0, %c0_i32 : i32, i32
  }
  func.func @transform_2(%arg0: i32) -> (i32, i32, i32) {
    %c0_i32 = arith.constant 0 : i32
    %c0_i32_0 = arith.constant 0 : i32
    %c0_i32_1 = arith.constant 0 : i32
    return %arg0, %c0_i32, %c0_i32_0 : i32, i32, i32
  }
  func.func @transform_3(%arg0: i32) -> (i32, i32, i32) {
    %c0_i32 = arith.constant 0 : i32
    %c0_i32_0 = arith.constant 0 : i32
    %c0_i32_1 = arith.constant 0 : i32
    return %arg0, %c0_i32, %c0_i32_0 : i32, i32, i32
  }
  func.func @transform_4(%arg0: i32) -> (i32, i32, i32) {
    %c0_i32 = arith.constant 0 : i32
    %c0_i32_0 = arith.constant 0 : i32
    %c0_i32_1 = arith.constant 0 : i32
    return %arg0, %c0_i32, %c0_i32_0 : i32, i32, i32
  }
}

</mosaic_0001>

<sc_bundles>
// kernel: kernel.5.cloned.1.call-start
scs
__scs_entry_jumppad:
0x0: {  	(pc) =	sbr.rel $0x88, $3  }
0x1: {  	(tag) =	ssettag $0x0;
	lr =	simm.s32 $0x1  }
0x2: {  	[smem:$0x3F9E] =	sst lr;
	_ =	strace $0xD0000000  }
0x3: {  	_ = 	snop  }
0x4: {  	_ = 	snop  }
0x5: {  	_ = 	snop  }
0x6: {  	_ = 	snop  }
0x7: {  	_ = 	snop  }
__scs_overlays_trampoline_lowered:
0x8: {  	[smem:$0x3FAD] =	sst s0  }
0x9: {  	[smem:$0x3FAE] =	sst s1  }
0xa: {  	[smem:$0x3FAF] =	sst s2  }
0xb: {  	[smem:$0x3FB0] =	sst s3  }
0xc: {  	[smem:$0x3FB1] =	sst s4  }
0xd: {  	[smem:$0x3FB2] =	sst s5  }
0xe: {  	[smem:$0x3FB3] =	sst s6  }
0xf: {  	[smem:$0x3FB4] =	sst s7  }
0x10: {  	[smem:$0x3FB5] =	sst s8  }
0x11: {  	[smem:$0x3FB6] =	sst s9;
	s0 =	simm.s32 @!p0 $0x0  }
0x12: {  	s1 =	sld [smem:$0x3F9C];
	s0 =	simm.s32 @p0 $0x1  }
0x13: {  	[smem:$0x3FB7] =	sst s0;
	s0 =	simm.s32 @!p1 $0x0  }
0x14: {  	s2 =	sld [smem:$0x3F9B];
	s0 =	simm.s32 @p1 $0x1  }
0x15: {  	[smem:$0x3FB8] =	sst s0;
	s0 =	simm.s32 @!p2 $0x0  }
0x16: {  	s3 =	sld [smem:$0x3FDB];
	s0 =	simm.s32 @p2 $0x1  }
0x17: {  	s4 =	simm.s32 $0x1BF5;
	[smem:$0x3FBA] =	sst s0  }
0x18: {  	s0 =	sld [smem:$0x3F9D];
	_ =	swait.ge [sflag:s4], $0x0  }
0x19: {  	s7 =	sld [smem:$0x3F9E]  }
0x1a: {  	s8 =	sadd.s32 $0xFFFFE003, lr  }
0x1b: {  	s9 =	sadd.s32 $0xFFFFFEF7, lr;
	s5 =	simm.s32 $0xFFFFFFFF;
	p2 =	slt.u32 s8, $0xFFFFF086  }
0x1c: {  	p1 =	slt.u32 s9, $0xF7A;
	s5 =	simm.s32 @!p2 $0x0  }
0x1d: {  	s5 =	simm.s32 @p1 $0x1;
	p0 =	seq.s32 s7, s2  }
0x1e: {  	s7 =	smul.u32 @!p0 $0xF7A, s2;
	p2 =	seq.s32 @!p0 s5, $0x0  }
0x1f: {  	s9 =	smul.u32 $0xF7A, s1;
	s8 =	simm.s32 @!p0 $0x1BF5;
	p2 =	por !p2, p0  }
0x20: {  	[sflag:s8] =	ssyncset.s32 @!p0 $0xFFFFF086;
	s6 =	sadd.s32 @!p0 s3, s7;
	s7 =	simm.s32 @!p0 $0x108  }
0x21: {  	s3 =	sadd.s32 s3, s9;
	s6 =	sadd.s32 @!p0 $0x88, s6;
	s7 =	simm.s32 @p2 $0x1082  }
0x22: {  	[simem:s7], [sflag:s8] =	dma.local @!p0 [hbm:s6], $0xF7A  }
0x23: {  	s9 =	sor.u32 $0xD0000000, s2;
	s6 =	simm.s32 $0x108;
	_ =	swait.ge @!p0 [sflag:s8], $0x0  }
0x24: {  	s3 =	sadd.s32 $0x88, s3;
	s6 =	simm.s32 @!p1 $0x1082;
	[sflag:s4] =	ssyncset.s32 $0xFFFFF086  }
0x25: {  	[simem:s6], [sflag:s4] =	dma.local [hbm:s3], $0xF7A  }
0x26: {  	[smem:$0x3F9E] =	sst s1;
	(tag) =	ssettag s2;
	_ =	strace s9  }
0x27: {  	s1 =	sld [smem:$0x3FAE]  }
0x28: {  	s2 =	sld [smem:$0x3FAF]  }
0x29: {  	s4 =	sld [smem:$0x3FB1]  }
0x2a: {  	p0 =	seq.s32 s5, $0x0;
	s5 =	sld [smem:$0x3FB2]  }
0x2b: {  	s6 =	sld [smem:$0x3FB3]  }
0x2c: {  	s7 =	sld [smem:$0x3FB4]  }
0x2d: {  	s3 =	simm.s32 $0x108;
	s8 =	sld [smem:$0x3FB5]  }
0x2e: {  	s3 =	simm.s32 @!p0 $0x1082;
	s9 =	sld [smem:$0x3FB6]  }
0x2f: {  	lr =	sadd.s32 s0, s3;
	s0 =	sld [smem:$0x3FAD]  }
0x30: {  	s3 =	sld [smem:$0x3FB0]  }
0x31: {  	[smem:$0x3FB9] =	sst s10  }
0x32: {  	s10 =	sld [smem:$0x3FB7];
	_ =	sdelay $0x3  }
0x33: {  	p0 =	seq.s32 s10, $0x1;
	s10 =	sld [smem:$0x3FB9];
	_ =	sdelay $0x3  }
0x34: {  	[smem:$0x3FB9] =	sst s10  }
0x35: {  	s10 =	sld [smem:$0x3FB8];
	_ =	sdelay $0x3  }
0x36: {  	p1 =	seq.s32 s10, $0x1;
	s10 =	sld [smem:$0x3FB9];
	_ =	sdelay $0x3  }
0x37: {  	[smem:$0x3FB9] =	sst s10  }
0x38: {  	s10 =	sld [smem:$0x3FBA]  }
0x39: {  	_ = 	snop;
	(pc) =	sbr.ind lr, $3  }
0x3a: {  	_ = 	snop  }
0x3b: {  	_ = 	snop  }
0x3c: {  	p2 =	seq.s32 s10, $0x1;
	s10 =	sld [smem:$0x3FB9]  }
0x3d: {  	_ =	shalt  }
0x3e: {  	_ =	shalt  }
0x3f: {  	_ =	shalt  }
0x40: {  	_ =	shalt  }
0x41: {  	_ =	shalt  }
0x42: {  	_ =	shalt  }
0x43: {  	_ =	shalt  }
0x44: {  	_ =	shalt  }
0x45: {  	_ =	shalt  }
0x46: {  	_ =	shalt  }
0x47: {  	_ =	shalt  }
0x48: {  	_ =	shalt  }
0x49: {  	_ =	shalt  }
0x4a: {  	_ =	shalt  }
0x4b: {  	_ =	shalt  }
0x4c: {  	_ =	shalt  }
0x4d: {  	_ =	shalt  }
0x4e: {  	_ =	shalt  }
0x4f: {  	_ =	shalt  }
0x50: {  	_ =	shalt  }
0x51: {  	_ =	shalt  }
0x52: {  	_ =	shalt  }
0x53: {  	_ =	shalt  }
0x54: {  	_ =	shalt  }
0x55: {  	_ =	shalt  }
0x56: {  	_ =	shalt  }
0x57: {  	_ =	shalt  }
0x58: {  	_ =	shalt  }
0x59: {  	_ =	shalt  }
0x5a: {  	_ =	shalt  }
0x5b: {  	_ =	shalt  }
0x5c: {  	_ =	shalt  }
0x5d: {  	_ =	shalt  }
0x5e: {  	_ =	shalt  }
0x5f: {  	_ =	shalt  }
0x60: {  	_ =	shalt  }
0x61: {  	_ =	shalt  }
0x62: {  	_ =	shalt  }
0x63: {  	_ =	shalt  }
0x64: {  	_ =	shalt  }
0x65: {  	_ =	shalt  }
0x66: {  	_ =	shalt  }
0x67: {  	_ =	shalt  }
0x68: {  	_ =	shalt  }
0x69: {  	_ =	shalt  }
0x6a: {  	_ =	shalt  }
0x6b: {  	_ =	shalt  }
0x6c: {  	_ =	shalt  }
0x6d: {  	_ =	shalt  }
0x6e: {  	_ =	shalt  }
0x6f: {  	_ =	shalt  }
0x70: {  	_ =	shalt  }
0x71: {  	_ =	shalt  }
0x72: {  	_ =	shalt  }
0x73: {  	_ =	shalt  }
0x74: {  	_ =	shalt  }
0x75: {  	_ =	shalt  }
0x76: {  	_ =	shalt  }
0x77: {  	_ =	shalt  }
0x78: {  	_ =	shalt  }
0x79: {  	_ =	shalt  }
0x7a: {  	_ =	shalt  }
0x7b: {  	_ =	shalt  }
0x7c: {  	_ =	shalt  }
0x7d: {  	_ =	shalt  }
0x7e: {  	_ =	shalt  }
0x7f: {  	_ =	shalt  }
0x80: {  	_ =	shalt  }
0x81: {  	_ =	shalt  }
0x82: {  	_ =	shalt  }
0x83: {  	_ =	shalt  }
0x84: {  	_ =	shalt  }
0x85: {  	_ =	shalt  }
0x86: {  	_ =	shalt  }
0x87: {  	_ =	shalt  }
.Lfunc_end0:
.L_simem_size_0:
called_computation_lowered:
.L_overlay_start_0:
0x88: {  	s2 =	sld [smem:$0x3FD9]  }
0x89: {  	s3 =	sld [smem:$0x3FFE];
	_ =	sdelay $0x1  }
0x8a: {  	s1 =	srdreg.scid  }
0x8b: {  	s0 =	sand.u32 $0x1, s1  }
0x8c: {  	s17 =	sshll.u32 s0, $0xA;
	s2 =	sadd.s32 s3, s2  }
0x8d: {  	s2 =	sadd.s32 s2, s17  }
0x8e: {  	[smem:$0x3FC5] =	sst s2  }
0x8f: {  	_ = 	snop  }
0x90: {  	s2 =	sld [smem:$0x3FC7];
	(tm) =	ssettm $0x1  }
0x91: {  	s18 =	sld [smem:$0x3FFB];
	_ =	sdelay $0x3  }
0x92: {  	_ =	strace s18  }
0x93: {  	s3 =	sld [smem:$0x3FFC];
	_ =	sdelay $0x3  }
0x94: {  	_ =	strace s3  }
0x95: {  	s3 =	sld [smem:$0x3FFD];
	_ =	sdelay $0x3  }
0x96: {  	_ =	strace s3  }
0x97: {  	_ =	strace $0x8FFFFFFF  }
0x98: {  	s19 =	sld [smem:$0x3FDB];
	_ =	sdelay $0x1  }
0x99: {  	s4 =	simm.s32 $_scs_section_size  }
0x9a: {  	s5 =	simm.s32 $_size__tile_overlayer_lowered;
	s6 =	simm.s32 $_tile_overlayer_lowered  }
0x9b: {  	s22 =	simm.s32 $0x1BFF;
	s21 =	sshll.u32 s6, $0x1;
	s3 =	sadd.s32 s4, s19  }
0x9c: {  	s7 =	simm.s32 $0x0;
	s20 =	sshll.u32 s5, $0x1;
	s5 =	sadd.s32 s21, s3  }
0x9d: {  	[timem:s7], [sflag:s22] =	dma.local [hbm:s5], s20  }
0x9e: {  	_ =	swait.ge [sflag:s22], s20  }
0x9f: {  	s4 =	ssub.s32 $0x0, s20;
	[sflag:s22] =	ssyncset.done $0x0  }
0xa0: {  	[sflag:s22] =	ssyncadd.s32 s4;
	_ =	sdelay $0x1  }
0xa1: {  	s23 =	simm.s32 $0x1B8B  }
0xa2: {  	_ =	swait.ge [sflag:s23], $0x1  }
0xa3: {  	[sflag:s23] =	ssyncset.done $0x0  }
0xa4: {  	s25 =	simm.s32 $0x1B8E;
	s24 =	sld [smem:$0x3FFE];
	[sflag:s23] =	ssyncadd.s32 $0xFFFFFFFF  }
0xa5: {  	s26 =	simm.s32 $execute0_lowered;
	[smem:$0x3FD2] =	sst s25  }
0xa6: {  	s5 =	sshll.u32 s26, $0x1;
	_ =	strace $0x80000046;
	[dreg:$0x1] =	wrdreg $0xFFFFFFFF  }
0xa7: {  	s28 =	simm.s32 $_size_execute0_lowered;
	s3 =	sadd.s32 s3, s5;
	[dreg:$0x0] =	wrdreg $0x0  }
0xa8: {  	s5 =	sshll.u32 s28, $0x1;
	[dreg:$0x2] =	wrdreg s3  }
0xa9: {  	[dreg:$0x3] =	wrdreg s5  }
0xaa: {  	[dreg:$0x4] =	wrdreg $0xC0  }
0xab: {  	_ =	task [dreg:s7], $0x5FFFF  }
0xac: {  	[dreg:$0x1] =	wrdreg $0xFFFFFFFF  }
0xad: {  	[dreg:$0x0] =	wrdreg $0x60  }
0xae: {  	[dreg:$0x2] =	wrdreg s24  }
0xaf: {  	[dreg:$0x3] =	wrdreg s2  }
0xb0: {  	[dreg:$0x4] =	wrdreg $0x9  }
0xb1: {  	_ =	task.clear_ibuf [dreg:s7], $0x5FFFF;
	_ =	strace $0x90000046  }
0xb2: {  	s29 =	simm.s32 $0x9;
	_ =	strace $0x80000048  }
0xb3: {  	_ =	swait.ge [sflag:s29], $0x1  }
0xb4: {  	[sflag:s29] =	ssyncadd.s32 $0xFFFFFFFF  }
0xb5: {  	_ =	strace $0x90000048  }
0xb6: {  	_ =	sfence  }
0xb7: {  	s30 =	sld [smem:$0x0];
	_ =	sdelay $0x2  }
0xb8: {  	s31 =	sshll.u32 s1, $0xD;
	s1 =	sshrl.u32 s1, $0x2  }
0xb9: {  	s3 =	sand.u32 $0x4000, s31;
	s1 =	sadd.s32 s1, s30  }
0xba: {  	s0 =	sor.u32 s3, s0;
	s1 =	sshll.u32 s1, $0x11  }
0xbb: {  	s0 =	sor.u32 s1, s0  }
0xbc: {  	s0 =	sadd.s32 $0x8F2B, s0  }
0xbd: {  	[sflag:s0] =	ssyncadd.remote.s32 $0x1  }
0xbe: {  	_ =	sfence.sel $0xFFFF  }
0xbf: {  	[dreg:$0x0] =	wrdreg $0xFFFFFFFF;
	(pc) =	sbr.abs _section_cstart, $3  }
0xc0: {  	[dreg:$0x1] =	wrdreg $0xFFFFFFFF  }
0xc1: {  	_ =	task.clear_ibuf [dreg:s7], $0x2FFFF;
	_ =	strace $0x9FFFFFFF  }
0xc2: {  	(tm) =	ssettm $0x7FFFFFFF  }
0xc3: {  	_ =	shalt  }
tec
execute0_lowered:
.L_overlay_start_1:
0x0: {  	(tag) =	ssettag $0x1  }
0x1: {  	s1 =	srdreg.scid;
	s0 =	stileid.u32  }
0x2: {  	v18 =	vimm.s32 $0xEFCDAB89;
	v19 =	vimm.s32 $0x67452301;
	v20 =	vimm.s32 $0xDCFE98BA;
	s5 =	sand.u32 $0x1, s1;
	s17 =	sshll.u32 s0, $0x1  }
0x3: {  	v21 =	vimm.s32 $0x54761032;
	v22 =	vimm.s32 $0xBA98FEDC;
	v23 =	vimm.s32 $0x32107654;
	s6 =	sor.u32 s5, s17  }
0x4: {  	v24 =	vimm.s32 $0xFEDCBA98;
	v25 =	vimm.s32 $0x76543210;
	v18 =	vunpack.c.l.s4.s8 v18;
	s1 =	sshll.u32 s6, $0x8  }
0x5: {  	p0 =	slt.u32 s0, $0x8;
	v19 =	vunpack.c.l.s4.s8 v19;
	v20 =	vunpack.c.l.s4.s8 v20;
	v21 =	vunpack.c.l.s4.s8 v21;
	s2 =	sadd.s32 $0xFFFFF000, s1  }
0x6: {  	v22 =	vunpack.c.l.s4.s8 v22;
	v23 =	vunpack.c.l.s4.s8 v23;
	v24 =	vunpack.c.l.s4.s8 v24;
	s2 =	smov.u32 @p0 s1  }
0x7: {  	v25 =	vunpack.c.l.s4.s8 v25;
	v18 =	vunpack.c.0.s8.s32 v18;
	v19 =	vunpack.c.0.s8.s32 v19;
	s1 =	sadd.s32 $0x3000, s2  }
0x8: {  	v20 =	vunpack.c.0.s8.s32 v20;
	v21 =	vunpack.c.0.s8.s32 v21;
	v22 =	vunpack.c.0.s8.s32 v22;
	s3 =	sadd.s32 $0x3010, s2;
	s18 =	sadd.s32 $0x3020, s2;
	s19 =	sadd.s32 $0x3030, s2  }
0x9: {  	v23 =	vunpack.c.0.s8.s32 v23;
	s20 =	sadd.s32 $0x3040, s2;
	s4 =	sadd.s32 $0x3060, s2;
	s22 =	sadd.s32 $0x3070, s2;
	v0 =	vmov s1;
	v1 =	vmov s3  }
0xa: {  	s23 =	sadd.s32 $0x3080, s2;
	s24 =	sadd.s32 $0x3090, s2;
	s25 =	sadd.s32 $0x30A0, s2;
	v2 =	vmov s18;
	v7 =	vmov s4;
	v8 =	vmov s22  }
0xb: {  	s26 =	sadd.s32 $0x30B0, s2;
	s28 =	sadd.s32 $0x30C0, s2;
	s29 =	sadd.s32 $0x30D0, s2;
	v9 =	vmov s23;
	v10 =	vmov s24;
	v11 =	vmov s25  }
0xc: {  	s21 =	sadd.s32 $0x3050, s2;
	s30 =	sadd.s32 $0x30E0, s2;
	s2 =	sadd.s32 $0x30F0, s2;
	v12 =	vmov s26;
	v13 =	vmov s28;
	v14 =	vmov s29  }
0xd: {  	v15 =	vmov s30;
	v17 =	vmov s2;
	v0 =	vmul.u32 $0x3E8, v0  }
0xe: {  	v1 =	vmul.u32 $0x3E8, v1;
	v2 =	vmul.u32 $0x3E8, v2;
	v7 =	vmul.u32 $0x3E8, v7  }
0xf: {  	v8 =	vmul.u32 $0x3E8, v8;
	v9 =	vmul.u32 $0x3E8, v9;
	v10 =	vmul.u32 $0x3E8, v10  }
0x10: {  	v11 =	vmul.u32 $0x3E8, v11;
	v12 =	vmul.u32 $0x3E8, v12;
	v13 =	vmul.u32 $0x3E8, v13  }
0x11: {  	v14 =	vmul.u32 $0x3E8, v14;
	v15 =	vmul.u32 $0x3E8, v15;
	v3 =	vbroadcast v0, $0x0  }
0x12: {  	v17 =	vmul.u32 $0x3E8, v17;
	v4 =	vbroadcast v1, $0x0;
	v5 =	vbroadcast v2, $0x0  }
0x13: {  	v0 =	vlaneseq.u32;
	v7 =	vbroadcast v7, $0x0;
	v8 =	vbroadcast v8, $0x0  }
0x14: {  	v1 =	vmov s19;
	v9 =	vbroadcast v9, $0x0;
	v10 =	vbroadcast v10, $0x0  }
0x15: {  	v11 =	vbroadcast v11, $0x0;
	v12 =	vbroadcast v12, $0x0;
	v16 =	vmul.u32 $0x3E8, v0  }
0x16: {  	v13 =	vbroadcast v13, $0x0;
	v14 =	vbroadcast v14, $0x0;
	v6 =	vmul.u32 $0x3E8, v1  }
0x17: {  	v15 =	vbroadcast v15, $0x0;
	v17 =	vbroadcast v17, $0x0;
	v1 =	vadd.s32 v16, v3  }
0x18: {  	s7 =	rddreg [dreg:$0x0];
	v2 =	vadd.s32 v16, v4;
	v3 =	vadd.s32 v16, v5;
	v4 =	vbroadcast v6, $0x0  }
0x19: {  	s8 =	rddreg [dreg:$0x1];
	s12 =	simm.s32 $0x80;
	v5 =	vmov s20;
	v6 =	vmov s21;
	v7 =	vadd.s32 v16, v7  }
0x1a: {  	s13 =	simm.s32 $0x4180;
	s14 =	simm.s32 $0x4080;
	s15 =	simm.s32 $0x1;
	v8 =	vadd.s32 v16, v8;
	v5 =	vmul.u32 $0x3E8, v5;
	v6 =	vmul.u32 $0x3E8, v6  }
0x1b: {  	s16 =	simm.s32 $0x4200;
	s9 =	ssub.s32 $0x2, s5;
	s5 =	sadd.s32 $0x5F5200, s7;
	v9 =	vadd.s32 v16, v9;
	v10 =	vadd.s32 v16, v10;
	v11 =	vadd.s32 v16, v11  }
0x1c: {  	s17 =	simm.s32 $0x4100;
	s6 =	sshll.u32 s6, $0x5;
	s10 =	sshrl.u32 s9, $0x1;
	v12 =	vadd.s32 v16, v12;
	v5 =	vbroadcast v5, $0x0;
	v6 =	vbroadcast v6, $0x0  }
0x1d: {  	s11 =	sadd.s32 s6, s7;
	s9 =	ssub.s32 s9, s10;
	s10 =	simm.s32 $0x3E80;
	v13 =	vadd.s32 v16, v13;
	v14 =	vadd.s32 v16, v14;
	v15 =	vadd.s32 v16, v15  }
.Ltmp0:
0x1e: {  	s9 =	smax.u32 s9, $0x1;
	p0 =	sgt.u32 s0, $0x7;
	v4 =	vadd.s32 v16, v4;
	v5 =	vadd.s32 v16, v5;
	v6 =	vadd.s32 v16, v6;
	(pc) =	sbr.rel .LBB2_1-.Ltmp0, $4  }
0x1f: {  	s2 =	rddreg [dreg:$0x2];
	s3 =	simm.s32 $0x0;
	s4 =	sadd.s32 $0x401200, s7;
	v16 =	vadd.s32 v16, v17;
	v17 =	vcombine.low v19, v18;
	v18 =	vunpack.c.0.s8.s32 v24  }
0x20: {  	s31 =	sshrl.u32 s1, $0x3;
	s7 =	sadd.s32 $0x7E9200, s11;
	s18 =	simm.s32 $0x3F80;
	v19 =	vcombine.low v21, v20;
	v20 =	vcombine.low v23, v22;
	v21 =	vunpack.c.0.s8.s32 v25  }
0x21: {  	vm0 =	vmmov $0xff;
	[smem:$0x7FF] =	sst s3;
	s6 =	sadd.s32 s8, s31;
	s8 =	sadd.s32 $0x7E9600, s11;
	v17 =	vand.u32 $0xF, v17;
	v22 =	vand.u32 $0xF, v18  }
0x22: {  	s11 =	simm.s32 $0x2;
	_ =	strace $0x80000047;
	s19 =	simm.s32 $0x0;
	v18 =	vand.u32 $0xF, v19;
	v19 =	vand.u32 $0xF, v20;
	v20 =	vcombine.low v22, v21  }
.LBB2_10:
0x23: {  	[hbm4b:s7+s3] =	stream.linear.scatter [tilespmem:s18], [sflag:$0x2], $0x100, $0x38;
	[tilespmem:$0x4280] =	vst v63  }
0x24: {  	s19 =	sadd.s32 $0x1, s19;
	_ =	swait.ge [sflag:s11], $0x100  }
0x25: {  	p1 =	sne.s32 s19, s9;
	[sflag:s11] =	ssyncset.done $0x0  }
.Ltmp1:
0x26: {  	[sflag:s11] =	ssyncadd.s32 $0xFFFFFF00;
	(pc) =	sbr.rel @!p1 .LBB2_11-.Ltmp1, $4  }
0x27: {  	[hbm4b:s8+s3] =	stream.linear.scatter [tilespmem:s14], [sflag:$0x2], $0x100, $0x38;
	[tilespmem:$0x4280] =	vst v63  }
0x28: {  	_ =	swait.ge [sflag:s11], $0x100  }
0x29: {  	[sflag:s11] =	ssyncset.done $0x0  }
0x2a: {  	[sflag:s11] =	ssyncadd.s32 $0xFFFFFF00  }
.LBB2_1:
0x2b: {  	[tilespmem:s10], [sflag:$0x2] =	stream.linear.gather [hbm4b:s6+s3], $0x100, $0x38;
	[tilespmem:$0x4280] =	vst v63  }
0x2c: {  	_ =	swait.ge [sflag:s11], $0x100  }
0x2d: {  	[sflag:s11] =	ssyncset.done $0x0  }
0x2e: {  	[sflag:s11] =	ssyncadd.s32 $0xFFFFFF00  }
0x2f: {  	v21 =	vld [tilespmem:$0x3E80]  }
0x30: {  	v22 =	vld [tilespmem:$0x3E90]  }
0x31: {  	v23 =	vld [tilespmem:$0x3EA0]  }
0x32: {  	v24 =	vld [tilespmem:$0x3EB0]  }
0x33: {  	v25 =	vld [tilespmem:$0x3EC0]  }
0x34: {  	v26 =	vld [tilespmem:$0x3ED0];
	v21 =	vadd.s32 v21, v1  }
0x35: {  	[tilespmem:$0x4180] =	vst v21;
	v21 =	vadd.s32 v22, v2;
	v22 =	vld [tilespmem:$0x3EE0]  }
0x36: {  	[tilespmem:$0x4190] =	vst v21;
	v21 =	vadd.s32 v23, v3;
	v23 =	vld [tilespmem:$0x3EF0]  }
0x37: {  	v58 =	vld [tilespmem:$0x3F00];
	[tilespmem:$0x41A0] =	vst v21;
	v21 =	vadd.s32 v24, v4  }
0x38: {  	v59 =	vld [tilespmem:$0x3F10];
	[tilespmem:$0x41B0] =	vst v21;
	v21 =	vadd.s32 v25, v5  }
0x39: {  	v60 =	vld [tilespmem:$0x3F20];
	[tilespmem:$0x41C0] =	vst v21;
	v21 =	vadd.s32 v26, v6  }
0x3a: {  	[tilespmem:$0x41D0] =	vst v21;
	v21 =	vadd.s32 v22, v7;
	v22 =	vld [tilespmem:$0x3F30]  }
0x3b: {  	[tilespmem:$0x41E0] =	vst v21;
	v21 =	vadd.s32 v23, v8;
	v23 =	vld [tilespmem:$0x3F40]  }
0x3c: {  	v61 =	vld [tilespmem:$0x3F50];
	[tilespmem:$0x41F0] =	vst v21;
	v21 =	vadd.s32 v58, v9  }
0x3d: {  	v62 =	vld [tilespmem:$0x3F60];
	[tilespmem:$0x4200] =	vst v21;
	v21 =	vadd.s32 v59, v10  }
0x3e: {  	v63 =	vld [tilespmem:$0x3F70];
	[tilespmem:$0x4210] =	vst v21;
	v21 =	vadd.s32 v60, v11  }
0x3f: {  	[tilespmem:$0x4220] =	vst v21;
	v21 =	vadd.s32 v22, v12  }
.Ltmp2:
0x40: {  	[tilespmem:$0x4230] =	vst v21;
	v21 =	vadd.s32 v23, v13;
	(pc) =	sbr.rel @p0 .LBB2_6-.Ltmp2, $4  }
0x41: {  	[tilespmem:$0x4240] =	vst v21;
	v21 =	vadd.s32 v61, v14  }
0x42: {  	[tilespmem:$0x4250] =	vst v21;
	v21 =	vadd.s32 v62, v15  }
0x43: {  	[tilespmem:$0x4260] =	vst v21;
	v21 =	vadd.s32 v63, v16  }
0x44: {  	[tilespmem:$0x4270] =	vst v21  }
0x45: {  	[tilespmem:s14], [sflag:$0x1] =	stream.indirect.gather [hbm4b:s4+s12], $0x1, s13, s12, $0xb8;
	[tilespmem:$0x4280] =	vst v63  }
0x46: {  	_ =	swait.ge [sflag:s15], $0x80  }
0x47: {  	[sflag:s15] =	ssyncset.done $0x0  }
0x48: {  	[sflag:s15] =	ssyncadd.s32 $0xFFFFFF80  }
0x49: {  	[tilespmem:s17], [sflag:$0x1] =	stream.indirect.gather [hbm4b:s4+s12], $0x1, s16, s12, $0xb8;
	[tilespmem:$0x4280] =	vst v63  }
0x4a: {  	_ =	swait.ge [sflag:s15], $0x80  }
0x4b: {  	[sflag:s15] =	ssyncset.done $0x0  }
0x4c: {  	s20 =	simm.s32 $0x0;
	s21 =	simm.s32 $0x0;
	[sflag:s15] =	ssyncadd.s32 $0xFFFFFF80  }
.LBB2_3:
0x4d: {  	s22 =	sshll.u32 s21, $0x4  }
0x4e: {  	s23 =	sadd.s32 s1, s22  }
0x4f: {  	s23 =	smul.u32 $0x3E8, s23;
	_ =	sdelay $0x1  }
0x50: {  	s23 =	sshrl.u32 s23, $0x3  }
0x51: {  	s23 =	sadd.s32 s4, s23  }
0x52: {  	[tilespmem:s20], [sflag:$0x1] =	stream.linear.gather [hbm4b:s23+s20], $0x3E80, $0x38;
	[tilespmem:$0x4280] =	vst v63  }
0x53: {  	s23 =	simm.s32 $0x1  }
0x54: {  	_ =	swait.ge [sflag:s23], $0x3E80  }
0x55: {  	[sflag:s23] =	ssyncset.done $0x0  }
0x56: {  	s24 =	simm.s32 $0x3E0;
	[sflag:s23] =	ssyncadd.s32 $0xFFFFC180  }
0x57: {  	v22 =	vld [tilespmem:s24+$0x70]  }
0x58: {  	v21 =	vld [tilespmem:s24+$0xFFFFFC20]  }
0x59: {  	v23 =	vld [tilespmem:s24+$0x0]  }
0x5a: {  	v24 =	vld [tilespmem:s24+$0xFFFFFC70]  }
0x5b: {  	v26 =	vld [tilespmem:s24+$0x10]  }
0x5c: {  	v25 =	vld [tilespmem:s24+$0xFFFFFC30]  }
0x5d: {  	v27 =	vld [tilespmem:s24+$0xFFFFFC40]  }
0x5e: {  	v33 =	vld [tilespmem:s24+$0xFFFFFC50]  }
0x5f: {  	s25 =	sand.u32 $0x3FF0, s20;
	v49 =	vld [tilespmem:s24+$0x60];
	v21 =	vmul.f32 $1.442695020e+00, v21;
	v23 =	vmul.f32 $1.442695020e+00, v23  }
0x60: {  	v32 =	vld [tilespmem:s25+$0x400];
	v24 =	vmul.f32 $1.442695020e+00, v24;
	v26 =	vmul.f32 $1.442695020e+00, v26  }
0x61: {  	(erf) = vpow2.f32 v21;
	v21 =	vmul.f32 $1.442695020e+00, v25;
	v25 =	vld [tilespmem:s24+$0x30]  }
0x62: {  	v27 =	vmul.f32 $1.442695020e+00, v27;
	(erf) = vpow2.f32 v23;
	v23 =	vld [tilespmem:s24+$0xFFFFFC60]  }
0x63: {  	v34 =	vld [tilespmem:s24+$0xFFFFFC90];
	v48 =	vmul.f32 $1.442695020e+00, v33;
	(erf) = vpow2.f32 v24  }
0x64: {  	v35 =	vld [tilespmem:s25+$0x80];
	v33 =	vmul.f32 $1.442695020e+00, v49;
	(erf) = vpow2.f32 v21  }
0x65: {  	v24 =	vld [tilespmem:s24+$0x40];
	v21 =	vmul.f32 $1.442695020e+00, v32;
	(erf) = vpow2.f32 v26  }
0x66: {  	v26 =	vld [tilespmem:s24+$0x50];
	(erf) = vpow2.f32 v27;
	v25 =	vmul.f32 $1.442695020e+00, v25  }
0x67: {  	v27 =	vld [tilespmem:s24+$0xFFFFFC80];
	(erf) = vpow2.f32 v21;
	v21 =	vmul.f32 $1.442695020e+00, v23  }
0x68: {  	v31 =	vld [tilespmem:s24+$0x80];
	v34 =	vmul.f32 $1.442695020e+00, v34;
	(erf) = vpow2.f32 v48  }
0x69: {  	v40 =	vmul.f32 $1.442695020e+00, v22;
	(erf) = vpow2.f32 v25  }
0x6a: {  	v30 =	vld [tilespmem:s24+$0xFFFFFCB0];
	v24 =	vmul.f32 $1.442695020e+00, v24;
	v25 =	vpop (erf);
	(erf) = vpow2.f32 v21  }
0x6b: {  	v52 =	vmul.f32 $1.442695020e+00, v35;
	v26 =	vmul.f32 $1.442695020e+00, v26;
	v21 =	vpop (erf)  }
0x6c: {  	v29 =	vld [tilespmem:s24+$0x90];
	(erf) = vpow2.f32 v24;
	v27 =	vmul.f32 $1.442695020e+00, v27;
	v36 =	vadd.f32 $0.0e+00, v25;
	v38 =	vpop (erf)  }
0x6d: {  	v31 =	vmul.f32 $1.442695020e+00, v31;
	v37 =	vsel vm0, $0x0, v21;
	(erf) = vpow2.f32 v26;
	v39 =	vpop (erf)  }
0x6e: {  	v28 =	vld [tilespmem:s24+$0xFFFFFCC0];
	v37 =	vadd.f32 $0.0e+00, v37;
	(erf) = vpow2.f32 v27;
	v36 =	vadd.f32 v39, v36;
	v51 =	vpop (erf)  }
0x6f: {  	v30 =	vmul.f32 $1.442695020e+00, v30;
	(erf) = vpow2.f32 v33;
	v22 =	vpop (erf)  }
0x70: {  	v50 =	vld [tilespmem:s25+$0x480];
	v37 =	vadd.f32 v37, v51;
	(erf) = vpow2.f32 v34;
	v53 =	vadd.f32 v22, v36;
	v54 =	vpop (erf)  }
0x71: {  	v55 =	vld [tilespmem:s24+$0xFFFFFCD0];
	v29 =	vmul.f32 $1.442695020e+00, v29;
	(erf) = vpow2.f32 v40;
	v56 =	vpop (erf)  }
0x72: {  	v34 =	vadd.f32 v37, v54;
	(erf) = vpow2.f32 v52;
	v35 =	vadd.f32 v56, v53;
	v58 =	vpop (erf)  }
0x73: {  	v57 =	vld [tilespmem:s24+$0xB0];
	v28 =	vmul.f32 $1.442695020e+00, v28;
	(erf) = vpow2.f32 v31;
	v60 =	vpop (erf)  }
0x74: {  	v59 =	vld [tilespmem:s24+$0xFFFFFCE0];
	v33 =	vadd.f32 v34, v58;
	(erf) = vpow2.f32 v30;
	v31 =	vadd.f32 v60, v35  }
0x75: {  	v62 =	vld [tilespmem:s24+$0xFFFFFCF0];
	v32 =	vmul.f32 $1.442695020e+00, v50;
	v30 =	vpop (erf);
	(erf) = vpow2.f32 v29  }
0x76: {  	v61 =	vld [tilespmem:s24+$0xC0];
	v30 =	vadd.f32 v33, v30;
	v29 =	vadd.f32 v38, v31;
	v31 =	vmul.f32 $1.442695020e+00, v55  }
0x77: {  	v63 =	vld [tilespmem:s24+$0xD0];
	(erf) = vpow2.f32 v28;
	v28 =	vpop (erf)  }
0x78: {  	v40 =	vld [tilespmem:s24+$0xFFFFFD00];
	(erf) = vpow2.f32 v32;
	v28 =	vadd.f32 v30, v28;
	v30 =	vmul.f32 $1.442695020e+00, v57  }
0x79: {  	v42 =	vmul.f32 $1.442695020e+00, v59;
	v41 =	vpop (erf);
	(erf) = vpow2.f32 v31  }
0x7a: {  	v43 =	vld [tilespmem:s24+$0xE0];
	v31 =	vpop (erf);
	(erf) = vpow2.f32 v30;
	v30 =	vmul.f32 $1.442695020e+00, v62  }
0x7b: {  	v44 =	vld [tilespmem:s24+$0xFFFFFD10];
	v28 =	vadd.f32 v28, v31;
	v31 =	vmul.f32 $1.442695020e+00, v61;
	v45 =	vpop (erf)  }
0x7c: {  	v49 =	vmul.f32 $1.442695020e+00, v63;
	v48 =	vld [tilespmem:s25+$0x100];
	v29 =	vadd.f32 v41, v29;
	(erf) = vpow2.f32 v42;
	v47 =	vpop (erf)  }
0x7d: {  	v46 =	vld [tilespmem:s24+$0xF0];
	v28 =	vadd.f32 v28, v47;
	v50 =	vpop (erf);
	(erf) = vpow2.f32 v31;
	v31 =	vmul.f32 $1.442695020e+00, v40  }
0x7e: {  	v51 =	vld [tilespmem:s24+$0x100];
	v29 =	vadd.f32 v45, v29;
	(erf) = vpow2.f32 v30;
	v30 =	vpop (erf)  }
0x7f: {  	v52 =	vld [tilespmem:s24+$0xFFFFFD30];
	v28 =	vadd.f32 v28, v30;
	v30 =	vmul.f32 $1.442695020e+00, v43;
	(erf) = vpow2.f32 v49  }
0x80: {  	v54 =	vmul.f32 $1.442695020e+00, v44;
	v53 =	vpop (erf);
	(erf) = vpow2.f32 v31  }
0x81: {  	v55 =	vld [tilespmem:s24+$0x110];
	v29 =	vadd.f32 v50, v29;
	v31 =	vpop (erf);
	(erf) = vpow2.f32 v30;
	v30 =	vmul.f32 $1.442695020e+00, v48  }
0x82: {  	v56 =	vld [tilespmem:s24+$0xFFFFFD40];
	v28 =	vadd.f32 v28, v31;
	v31 =	vmul.f32 $1.442695020e+00, v46;
	v57 =	vpop (erf)  }
0x83: {  	v60 =	vld [tilespmem:s24+$0xFFFFFD50];
	v61 =	vmul.f32 $1.442695020e+00, v51;
	v29 =	vadd.f32 v53, v29;
	(erf) = vpow2.f32 v54;
	v59 =	vpop (erf)  }
0x84: {  	v58 =	vld [tilespmem:s25+$0x500];
	v28 =	vadd.f32 v28, v59;
	v62 =	vpop (erf);
	(erf) = vpow2.f32 v31;
	v31 =	vmul.f32 $1.442695020e+00, v52  }
0x85: {  	v63 =	vld [tilespmem:s24+$0x130];
	v29 =	vadd.f32 v57, v29;
	(erf) = vpow2.f32 v30;
	v30 =	vpop (erf)  }
0x86: {  	v40 =	vld [tilespmem:s24+$0xFFFFFD60];
	v28 =	vadd.f32 v28, v30;
	v30 =	vmul.f32 $1.442695020e+00, v55;
	(erf) = vpow2.f32 v61  }
0x87: {  	v42 =	vmul.f32 $1.442695020e+00, v56;
	v41 =	vpop (erf);
	(erf) = vpow2.f32 v31  }
0x88: {  	v43 =	vld [tilespmem:s24+$0x140];
	v29 =	vadd.f32 v62, v29;
	v31 =	vpop (erf);
	(erf) = vpow2.f32 v30;
	v30 =	vmul.f32 $1.442695020e+00, v60  }
0x89: {  	v44 =	vld [tilespmem:s24+$0xFFFFFD70];
	v28 =	vadd.f32 v28, v31;
	v31 =	vmul.f32 $1.442695020e+00, v58;
	v45 =	vpop (erf)  }
0x8a: {  	v49 =	vmul.f32 $1.442695020e+00, v63;
	v48 =	vld [tilespmem:s24+$0xFFFFFD80];
	v29 =	vadd.f32 v41, v29;
	(erf) = vpow2.f32 v42;
	v47 =	vpop (erf)  }
0x8b: {  	v46 =	vld [tilespmem:s24+$0x150];
	v28 =	vadd.f32 v28, v47;
	v50 =	vpop (erf);
	(erf) = vpow2.f32 v31;
	v31 =	vmul.f32 $1.442695020e+00, v40  }
0x8c: {  	v51 =	vld [tilespmem:s24+$0x160];
	v29 =	vadd.f32 v45, v29;
	(erf) = vpow2.f32 v30;
	v30 =	vpop (erf)  }
0x8d: {  	v52 =	vld [tilespmem:s24+$0xFFFFFD90];
	v28 =	vadd.f32 v28, v30;
	v30 =	vmul.f32 $1.442695020e+00, v43;
	(erf) = vpow2.f32 v49  }
0x8e: {  	v54 =	vmul.f32 $1.442695020e+00, v44;
	v53 =	vpop (erf);
	(erf) = vpow2.f32 v31  }
0x8f: {  	v55 =	vld [tilespmem:s24+$0x170];
	v29 =	vadd.f32 v50, v29;
	v31 =	vpop (erf);
	(erf) = vpow2.f32 v30;
	v30 =	vmul.f32 $1.442695020e+00, v48  }
0x90: {  	v56 =	vld [tilespmem:s25+$0x180];
	v28 =	vadd.f32 v28, v31;
	v31 =	vmul.f32 $1.442695020e+00, v46;
	v57 =	vpop (erf)  }
0x91: {  	v61 =	vmul.f32 $1.442695020e+00, v51;
	v60 =	vld [tilespmem:s24+$0xFFFFFDB0];
	v29 =	vadd.f32 v53, v29;
	(erf) = vpow2.f32 v54;
	v59 =	vpop (erf)  }
0x92: {  	v58 =	vld [tilespmem:s24+$0x180];
	v28 =	vadd.f32 v28, v59;
	v62 =	vpop (erf);
	(erf) = vpow2.f32 v31;
	v31 =	vmul.f32 $1.442695020e+00, v52  }
0x93: {  	v63 =	vld [tilespmem:s24+$0x190];
	v29 =	vadd.f32 v57, v29;
	(erf) = vpow2.f32 v30;
	v30 =	vpop (erf)  }
0x94: {  	v40 =	vld [tilespmem:s24+$0xFFFFFDC0];
	v28 =	vadd.f32 v28, v30;
	v30 =	vmul.f32 $1.442695020e+00, v55;
	(erf) = vpow2.f32 v61  }
0x95: {  	v42 =	vmul.f32 $1.442695020e+00, v56;
	v41 =	vpop (erf);
	(erf) = vpow2.f32 v31  }
0x96: {  	v43 =	vld [tilespmem:s25+$0x580];
	v29 =	vadd.f32 v62, v29;
	v31 =	vpop (erf);
	(erf) = vpow2.f32 v30;
	v30 =	vmul.f32 $1.442695020e+00, v60  }
0x97: {  	v44 =	vld [tilespmem:s24+$0xFFFFFDD0];
	v28 =	vadd.f32 v28, v31;
	v31 =	vmul.f32 $1.442695020e+00, v58;
	v45 =	vpop (erf)  }
0x98: {  	v49 =	vmul.f32 $1.442695020e+00, v63;
	v48 =	vld [tilespmem:s24+$0xFFFFFDE0];
	v29 =	vadd.f32 v41, v29;
	(erf) = vpow2.f32 v42;
	v47 =	vpop (erf)  }
0x99: {  	v46 =	vld [tilespmem:s24+$0x1B0];
	v28 =	vadd.f32 v28, v47;
	v50 =	vpop (erf);
	(erf) = vpow2.f32 v31;
	v31 =	vmul.f32 $1.442695020e+00, v40  }
0x9a: {  	v51 =	vld [tilespmem:s24+$0x1C0];
	v29 =	vadd.f32 v45, v29;
	(erf) = vpow2.f32 v30;
	v30 =	vpop (erf)  }
0x9b: {  	v52 =	vld [tilespmem:s24+$0xFFFFFDF0];
	v28 =	vadd.f32 v28, v30;
	v30 =	vmul.f32 $1.442695020e+00, v43;
	(erf) = vpow2.f32 v49  }
0x9c: {  	v54 =	vmul.f32 $1.442695020e+00, v44;
	v53 =	vpop (erf);
	(erf) = vpow2.f32 v31  }
0x9d: {  	v55 =	vld [tilespmem:s24+$0x1D0];
	v29 =	vadd.f32 v50, v29;
	v31 =	vpop (erf);
	(erf) = vpow2.f32 v30;
	v30 =	vmul.f32 $1.442695020e+00, v48  }
0x9e: {  	v56 =	vld [tilespmem:s24+$0xFFFFFE00];
	v28 =	vadd.f32 v28, v31;
	v31 =	vmul.f32 $1.442695020e+00, v46;
	v57 =	vpop (erf)  }
0x9f: {  	v61 =	vmul.f32 $1.442695020e+00, v51;
	v60 =	vld [tilespmem:s24+$0xFFFFFE10];
	v29 =	vadd.f32 v53, v29;
	(erf) = vpow2.f32 v54;
	v59 =	vpop (erf)  }
0xa0: {  	v58 =	vld [tilespmem:s24+$0x1E0];
	v28 =	vadd.f32 v28, v59;
	v62 =	vpop (erf);
	(erf) = vpow2.f32 v31;
	v31 =	vmul.f32 $1.442695020e+00, v52  }
0xa1: {  	v63 =	vld [tilespmem:s24+$0x1F0];
	v29 =	vadd.f32 v57, v29;
	(erf) = vpow2.f32 v30;
	v30 =	vpop (erf)  }
0xa2: {  	v40 =	vld [tilespmem:s25+$0x200];
	v28 =	vadd.f32 v28, v30;
	v30 =	vmul.f32 $1.442695020e+00, v55;
	(erf) = vpow2.f32 v61  }
0xa3: {  	v42 =	vmul.f32 $1.442695020e+00, v56;
	v41 =	vpop (erf);
	(erf) = vpow2.f32 v31  }
0xa4: {  	v43 =	vld [tilespmem:s24+$0x200];
	v29 =	vadd.f32 v62, v29;
	v31 =	vpop (erf);
	(erf) = vpow2.f32 v30;
	v30 =	vmul.f32 $1.442695020e+00, v60  }
0xa5: {  	v44 =	vld [tilespmem:s24+$0xFFFFFE30];
	v28 =	vadd.f32 v28, v31;
	v31 =	vmul.f32 $1.442695020e+00, v58;
	v45 =	vpop (erf)  }
0xa6: {  	v49 =	vmul.f32 $1.442695020e+00, v63;
	v48 =	vld [tilespmem:s24+$0xFFFFFE40];
	v29 =	vadd.f32 v41, v29;
	(erf) = vpow2.f32 v42;
	v47 =	vpop (erf)  }
0xa7: {  	v46 =	vld [tilespmem:s24+$0x210];
	v28 =	vadd.f32 v28, v47;
	v50 =	vpop (erf);
	(erf) = vpow2.f32 v31;
	v31 =	vmul.f32 $1.442695020e+00, v40  }
0xa8: {  	v51 =	vld [tilespmem:s25+$0x600];
	v29 =	vadd.f32 v45, v29;
	(erf) = vpow2.f32 v30;
	v30 =	vpop (erf)  }
0xa9: {  	v52 =	vld [tilespmem:s24+$0xFFFFFE50];
	v28 =	vadd.f32 v28, v30;
	v30 =	vmul.f32 $1.442695020e+00, v43;
	(erf) = vpow2.f32 v49  }
0xaa: {  	v54 =	vmul.f32 $1.442695020e+00, v44;
	v53 =	vpop (erf);
	(erf) = vpow2.f32 v31  }
0xab: {  	v55 =	vld [tilespmem:s24+$0x230];
	v29 =	vadd.f32 v50, v29;
	v31 =	vpop (erf);
	(erf) = vpow2.f32 v30;
	v30 =	vmul.f32 $1.442695020e+00, v48  }
0xac: {  	v56 =	vld [tilespmem:s24+$0xFFFFFE60];
	v28 =	vadd.f32 v28, v31;
	v31 =	vmul.f32 $1.442695020e+00, v46;
	v57 =	vpop (erf)  }
0xad: {  	v61 =	vmul.f32 $1.442695020e+00, v51;
	v60 =	vld [tilespmem:s24+$0xFFFFFE70];
	v29 =	vadd.f32 v53, v29;
	(erf) = vpow2.f32 v54;
	v59 =	vpop (erf)  }
0xae: {  	v58 =	vld [tilespmem:s24+$0x240];
	v28 =	vadd.f32 v28, v59;
	v62 =	vpop (erf);
	(erf) = vpow2.f32 v31;
	v31 =	vmul.f32 $1.442695020e+00, v52  }
0xaf: {  	v63 =	vld [tilespmem:s24+$0x250];
	v29 =	vadd.f32 v57, v29;
	(erf) = vpow2.f32 v30;
	v30 =	vpop (erf)  }
0xb0: {  	v40 =	vld [tilespmem:s24+$0xFFFFFE80];
	v28 =	vadd.f32 v28, v30;
	v30 =	vmul.f32 $1.442695020e+00, v55;
	(erf) = vpow2.f32 v61  }
0xb1: {  	v42 =	vmul.f32 $1.442695020e+00, v56;
	v41 =	vpop (erf);
	(erf) = vpow2.f32 v31  }
0xb2: {  	v43 =	vld [tilespmem:s24+$0x260];
	v29 =	vadd.f32 v62, v29;
	v31 =	vpop (erf);
	(erf) = vpow2.f32 v30;
	v30 =	vmul.f32 $1.442695020e+00, v60  }
0xb3: {  	v44 =	vld [tilespmem:s24+$0xFFFFFE90];
	v28 =	vadd.f32 v28, v31;
	v31 =	vmul.f32 $1.442695020e+00, v58;
	v45 =	vpop (erf)  }
0xb4: {  	v49 =	vmul.f32 $1.442695020e+00, v63;
	v48 =	vld [tilespmem:s25+$0x280];
	v29 =	vadd.f32 v41, v29;
	(erf) = vpow2.f32 v42;
	v47 =	vpop (erf)  }
0xb5: {  	v46 =	vld [tilespmem:s24+$0x270];
	v28 =	vadd.f32 v28, v47;
	v50 =	vpop (erf);
	(erf) = vpow2.f32 v31;
	v31 =	vmul.f32 $1.442695020e+00, v40  }
0xb6: {  	v51 =	vld [tilespmem:s24+$0x280];
	v29 =	vadd.f32 v45, v29;
	(erf) = vpow2.f32 v30;
	v30 =	vpop (erf)  }
0xb7: {  	v52 =	vld [tilespmem:s24+$0xFFFFFEB0];
	v28 =	vadd.f32 v28, v30;
	v30 =	vmul.f32 $1.442695020e+00, v43;
	(erf) = vpow2.f32 v49  }
0xb8: {  	v54 =	vmul.f32 $1.442695020e+00, v44;
	v53 =	vpop (erf);
	(erf) = vpow2.f32 v31  }
0xb9: {  	v55 =	vld [tilespmem:s24+$0x290];
	v29 =	vadd.f32 v50, v29;
	v31 =	vpop (erf);
	(erf) = vpow2.f32 v30;
	v30 =	vmul.f32 $1.442695020e+00, v48  }
0xba: {  	v56 =	vld [tilespmem:s24+$0xFFFFFEC0];
	v28 =	vadd.f32 v28, v31;
	v31 =	vmul.f32 $1.442695020e+00, v46;
	v57 =	vpop (erf)  }
0xbb: {  	v61 =	vmul.f32 $1.442695020e+00, v51;
	v60 =	vld [tilespmem:s24+$0xFFFFFED0];
	v29 =	vadd.f32 v53, v29;
	(erf) = vpow2.f32 v54;
	v59 =	vpop (erf)  }
0xbc: {  	v58 =	vld [tilespmem:s25+$0x680];
	v28 =	vadd.f32 v28, v59;
	v62 =	vpop (erf);
	(erf) = vpow2.f32 v31;
	v31 =	vmul.f32 $1.442695020e+00, v52  }
0xbd: {  	v63 =	vld [tilespmem:s24+$0x2B0];
	v29 =	vadd.f32 v57, v29;
	(erf) = vpow2.f32 v30;
	v30 =	vpop (erf)  }
0xbe: {  	v40 =	vld [tilespmem:s24+$0xFFFFFEE0];
	v28 =	vadd.f32 v28, v30;
	v30 =	vmul.f32 $1.442695020e+00, v55;
	(erf) = vpow2.f32 v61  }
0xbf: {  	v42 =	vmul.f32 $1.442695020e+00, v56;
	v41 =	vpop (erf);
	(erf) = vpow2.f32 v31  }
0xc0: {  	v43 =	vld [tilespmem:s24+$0x2C0];
	v29 =	vadd.f32 v62, v29;
	v31 =	vpop (erf);
	(erf) = vpow2.f32 v30;
	v30 =	vmul.f32 $1.442695020e+00, v60  }
0xc1: {  	v44 =	vld [tilespmem:s24+$0xFFFFFEF0];
	v28 =	vadd.f32 v28, v31;
	v31 =	vmul.f32 $1.442695020e+00, v58;
	v45 =	vpop (erf)  }
0xc2: {  	v49 =	vmul.f32 $1.442695020e+00, v63;
	v48 =	vld [tilespmem:s24+$0xFFFFFF00];
	v29 =	vadd.f32 v41, v29;
	(erf) = vpow2.f32 v42;
	v47 =	vpop (erf)  }
0xc3: {  	v46 =	vld [tilespmem:s24+$0x2D0];
	v28 =	vadd.f32 v28, v47;
	v50 =	vpop (erf);
	(erf) = vpow2.f32 v31;
	v31 =	vmul.f32 $1.442695020e+00, v40  }
0xc4: {  	v51 =	vld [tilespmem:s24+$0x2E0];
	v29 =	vadd.f32 v45, v29;
	(erf) = vpow2.f32 v30;
	v30 =	vpop (erf)  }
0xc5: {  	v52 =	vld [tilespmem:s24+$0xFFFFFF10];
	v28 =	vadd.f32 v28, v30;
	v30 =	vmul.f32 $1.442695020e+00, v43;
	(erf) = vpow2.f32 v49  }
0xc6: {  	v54 =	vmul.f32 $1.442695020e+00, v44;
	v53 =	vpop (erf);
	(erf) = vpow2.f32 v31  }
0xc7: {  	v55 =	vld [tilespmem:s24+$0x2F0];
	v29 =	vadd.f32 v50, v29;
	v31 =	vpop (erf);
	(erf) = vpow2.f32 v30;
	v30 =	vmul.f32 $1.442695020e+00, v48  }
0xc8: {  	v56 =	vld [tilespmem:s25+$0x300];
	v28 =	vadd.f32 v28, v31;
	v31 =	vmul.f32 $1.442695020e+00, v46;
	v57 =	vpop (erf)  }
0xc9: {  	v61 =	vmul.f32 $1.442695020e+00, v51;
	v60 =	vld [tilespmem:s24+$0xFFFFFF30];
	v29 =	vadd.f32 v53, v29;
	(erf) = vpow2.f32 v54;
	v59 =	vpop (erf)  }
0xca: {  	v58 =	vld [tilespmem:s24+$0x300];
	v28 =	vadd.f32 v28, v59;
	v62 =	vpop (erf);
	(erf) = vpow2.f32 v31;
	v31 =	vmul.f32 $1.442695020e+00, v52  }
0xcb: {  	v63 =	vld [tilespmem:s24+$0x310];
	v29 =	vadd.f32 v57, v29;
	(erf) = vpow2.f32 v30;
	v30 =	vpop (erf)  }
0xcc: {  	v40 =	vld [tilespmem:s24+$0xFFFFFF40];
	v28 =	vadd.f32 v28, v30;
	v30 =	vmul.f32 $1.442695020e+00, v55;
	(erf) = vpow2.f32 v61  }
0xcd: {  	v42 =	vmul.f32 $1.442695020e+00, v56;
	v41 =	vpop (erf);
	(erf) = vpow2.f32 v31  }
0xce: {  	v43 =	vld [tilespmem:s25+$0x700];
	v29 =	vadd.f32 v62, v29;
	v31 =	vpop (erf);
	(erf) = vpow2.f32 v30;
	v30 =	vmul.f32 $1.442695020e+00, v60  }
0xcf: {  	v44 =	vld [tilespmem:s24+$0xFFFFFF50];
	v28 =	vadd.f32 v28, v31;
	v31 =	vmul.f32 $1.442695020e+00, v58;
	v45 =	vpop (erf)  }
0xd0: {  	v49 =	vmul.f32 $1.442695020e+00, v63;
	v48 =	vld [tilespmem:s24+$0xFFFFFF60];
	v29 =	vadd.f32 v41, v29;
	(erf) = vpow2.f32 v42;
	v47 =	vpop (erf)  }
0xd1: {  	v46 =	vld [tilespmem:s24+$0x330];
	v28 =	vadd.f32 v28, v47;
	v50 =	vpop (erf);
	(erf) = vpow2.f32 v31;
	v31 =	vmul.f32 $1.442695020e+00, v40  }
0xd2: {  	v51 =	vld [tilespmem:s24+$0x340];
	v29 =	vadd.f32 v45, v29;
	(erf) = vpow2.f32 v30;
	v30 =	vpop (erf)  }
0xd3: {  	v52 =	vld [tilespmem:s24+$0xFFFFFF70];
	v28 =	vadd.f32 v28, v30;
	v30 =	vmul.f32 $1.442695020e+00, v43;
	(erf) = vpow2.f32 v49  }
0xd4: {  	v54 =	vmul.f32 $1.442695020e+00, v44;
	v53 =	vpop (erf);
	(erf) = vpow2.f32 v31  }
0xd5: {  	v55 =	vld [tilespmem:s24+$0x350];
	v29 =	vadd.f32 v50, v29;
	v31 =	vpop (erf);
	(erf) = vpow2.f32 v30;
	v30 =	vmul.f32 $1.442695020e+00, v48  }
0xd6: {  	v56 =	vld [tilespmem:s24+$0xFFFFFF80];
	v28 =	vadd.f32 v28, v31;
	v31 =	vmul.f32 $1.442695020e+00, v46;
	v57 =	vpop (erf)  }
0xd7: {  	v61 =	vmul.f32 $1.442695020e+00, v51;
	v60 =	vld [tilespmem:s24+$0xFFFFFF90];
	v29 =	vadd.f32 v53, v29;
	(erf) = vpow2.f32 v54;
	v59 =	vpop (erf)  }
0xd8: {  	v58 =	vld [tilespmem:s24+$0x360];
	v28 =	vadd.f32 v28, v59;
	v62 =	vpop (erf);
	(erf) = vpow2.f32 v31;
	v31 =	vmul.f32 $1.442695020e+00, v52  }
0xd9: {  	v63 =	vld [tilespmem:s24+$0x370];
	v29 =	vadd.f32 v57, v29;
	(erf) = vpow2.f32 v30;
	v30 =	vpop (erf)  }
0xda: {  	v40 =	vld [tilespmem:s25+$0x380];
	v28 =	vadd.f32 v28, v30;
	v30 =	vmul.f32 $1.442695020e+00, v55;
	(erf) = vpow2.f32 v61  }
0xdb: {  	v42 =	vmul.f32 $1.442695020e+00, v56;
	v41 =	vpop (erf);
	(erf) = vpow2.f32 v31  }
0xdc: {  	v43 =	vld [tilespmem:s24+$0x380];
	v29 =	vadd.f32 v62, v29;
	v31 =	vpop (erf);
	(erf) = vpow2.f32 v30;
	v30 =	vmul.f32 $1.442695020e+00, v60  }
0xdd: {  	v44 =	vld [tilespmem:s24+$0xFFFFFFB0];
	v28 =	vadd.f32 v28, v31;
	v31 =	vmul.f32 $1.442695020e+00, v58;
	v45 =	vpop (erf)  }
0xde: {  	v49 =	vmul.f32 $1.442695020e+00, v63;
	v48 =	vld [tilespmem:s24+$0xFFFFFFC0];
	v29 =	vadd.f32 v41, v29;
	(erf) = vpow2.f32 v42;
	v47 =	vpop (erf)  }
0xdf: {  	v46 =	vld [tilespmem:s24+$0x390];
	v28 =	vadd.f32 v28, v47;
	v50 =	vpop (erf);
	(erf) = vpow2.f32 v31;
	v31 =	vmul.f32 $1.442695020e+00, v40  }
0xe0: {  	v29 =	vadd.f32 v45, v29;
	(erf) = vpow2.f32 v30;
	v30 =	vpop (erf)  }
0xe1: {  	v23 =	vld [tilespmem:s24+$0x3E0];
	v28 =	vadd.f32 v28, v30;
	v30 =	vmul.f32 $1.442695020e+00, v43;
	(erf) = vpow2.f32 v49  }
0xe2: {  	v51 =	vld [tilespmem:s25+$0x780];
	v54 =	vmul.f32 $1.442695020e+00, v44;
	v53 =	vpop (erf);
	(erf) = vpow2.f32 v31  }
0xe3: {  	v52 =	vld [tilespmem:s24+$0xFFFFFFD0];
	v29 =	vadd.f32 v50, v29;
	v31 =	vpop (erf);
	(erf) = vpow2.f32 v30;
	v30 =	vmul.f32 $1.442695020e+00, v48  }
0xe4: {  	v24 =	vld [tilespmem:s24+$0x3D0];
	v28 =	vadd.f32 v28, v31;
	v31 =	vmul.f32 $1.442695020e+00, v46;
	v56 =	vpop (erf)  }
0xe5: {  	v27 =	vld [tilespmem:s24+$0xFFFFFFE0];
	v29 =	vadd.f32 v53, v29;
	(erf) = vpow2.f32 v54;
	v58 =	vpop (erf)  }
0xe6: {  	v22 =	vld [tilespmem:s24+$0x3B0];
	v28 =	vadd.f32 v28, v58;
	v60 =	vpop (erf);
	(erf) = vpow2.f32 v31  }
0xe7: {  	v25 =	vld [tilespmem:s24+$0xFFFFFFF0];
	v59 =	vmul.f32 $1.442695020e+00, v51;
	v29 =	vadd.f32 v56, v29;
	(erf) = vpow2.f32 v30;
	v30 =	vpop (erf)  }
0xe8: {  	v26 =	vld [tilespmem:s24+$0x3C0];
	s25 =	simm.s32 $0xBB0;
	v31 =	vmul.f32 $1.442695020e+00, v52;
	v28 =	vadd.f32 v28, v30  }
0xe9: {  	v39 =	vld [tilespmem:s25+$0x60];
	v29 =	vadd.f32 v60, v29;
	(erf) = vpow2.f32 v59  }
0xea: {  	v32 =	vld [tilespmem:s25+$0xFFFFFC60];
	v30 =	vpop (erf);
	(erf) = vpow2.f32 v31;
	v31 =	vmul.f32 $1.442695020e+00, v27  }
0xeb: {  	v44 =	vld [tilespmem:s25+$0xFFFFFC90];
	v61 =	vmul.f32 $1.442695020e+00, v22;
	v29 =	vadd.f32 v30, v29;
	v30 =	vpop (erf)  }
0xec: {  	v41 =	vld [tilespmem:s25+$0xFFFFFCC0];
	v30 =	vadd.f32 v28, v30;
	v28 =	vpop (erf)  }
0xed: {  	v57 =	vld [tilespmem:s25+$0xFFFFFCB0];
	(erf) = vpow2.f32 v61;
	v29 =	vadd.f32 v28, v29;
	v62 =	vpop (erf)  }
0xee: {  	v55 =	vld [tilespmem:s25+$0x90];
	(erf) = vpow2.f32 v31;
	v30 =	vadd.f32 v30, v62;
	v31 =	vpop (erf)  }
0xef: {  	v26 =	vmul.f32 $1.442695020e+00, v26;
	v42 =	vld [tilespmem:s25+$0x80];
	v31 =	vadd.f32 v31, v29  }
0xf0: {  	v25 =	vmul.f32 $1.442695020e+00, v25;
	v24 =	vmul.f32 $1.442695020e+00, v24;
	v40 =	vld [tilespmem:s25+$0xFFFFFC80]  }
0xf1: {  	v33 =	vmul.f32 $1.442695020e+00, v41;
	v41 =	vld [tilespmem:s25+$0x0];
	(erf) = vpow2.f32 v26;
	v29 =	vpop (erf)  }
0xf2: {  	v43 =	vld [tilespmem:s25+$0x70];
	(erf) = vpow2.f32 v25;
	v25 =	vadd.f32 v30, v29;
	v30 =	vpop (erf)  }
0xf3: {  	v27 =	vld [tilespmem:s25+$0x50];
	(erf) = vpow2.f32 v24;
	v24 =	vadd.f32 v30, v31;
	v31 =	vpop (erf)  }
0xf4: {  	v23 =	vmul.f32 $1.442695020e+00, v23;
	v28 =	vld [tilespmem:s25+$0xFFFFFC70];
	v25 =	vadd.f32 v25, v31  }
0xf5: {  	v26 =	vld [tilespmem:s25+$0x40]  }
0xf6: {  	v22 =	vimm.f32 $0.0e+00;
	v38 =	vmul.f32 $1.442695020e+00, v44;
	v29 =	vld [tilespmem:s25+$0xFFFFFC40];
	(erf) = vpow2.f32 v23;
	v63 =	vpop (erf)  }
0xf7: {  	v35 =	vmul.f32 $1.442695020e+00, v57;
	v34 =	vmul.f32 $1.442695020e+00, v55;
	v31 =	vld [tilespmem:s25+$0xFFFFFC20];
	v23 =	vadd.f32 v63, v24;
	v24 =	vpop (erf)  }
0xf8: {  	s26 =	simm.s32 $0x5;
	s28 =	simm.s32 $0x0;
	s24 =	simm.s32 $0x3;
	v36 =	vmul.f32 $1.442695020e+00, v42;
	v37 =	vmul.f32 $1.442695020e+00, v43;
	v30 =	vld [tilespmem:s25+$0x10];
	v24 =	vadd.f32 v25, v24;
	v25 =	vpop (erf)  }
.LBB2_4:
0xf9: {  	p1 =	sne.s32 s26, $0xF;
	v40 =	vmul.f32 $1.442695020e+00, v40;
	v39 =	vmul.f32 $1.442695020e+00, v39;
	v23 =	vadd.f32 v25, v23;
	s28 =	sadd.s32 $0x7D0, s28;
	v25 =	vpop (erf)  }
0xfa: {  	v28 =	vmul.f32 $1.442695020e+00, v28;
	v27 =	vmul.f32 $1.442695020e+00, v27;
	v42 =	vld [tilespmem:s25+$0xFFFFFC30];
	s29 =	sand.u32 $0x3FF0, s28;
	v24 =	vadd.f32 v24, v25;
	v25 =	vpop (erf)  }
0xfb: {  	v32 =	vmul.f32 $1.442695020e+00, v32;
	v26 =	vmul.f32 $1.442695020e+00, v26;
	v43 =	vld [tilespmem:s29+$0x400];
	v23 =	vadd.f32 v25, v23;
	v25 =	vpop (erf)  }
0xfc: {  	v29 =	vmul.f32 $1.442695020e+00, v29;
	v31 =	vmul.f32 $1.442695020e+00, v31;
	v24 =	vadd.f32 v24, v25;
	v25 =	vpop (erf)  }
0xfd: {  	v30 =	vmul.f32 $1.442695020e+00, v30;
	v41 =	vmul.f32 $1.442695020e+00, v41;
	v45 =	vadd.f32 v25, v23;
	v25 =	vpop (erf)  }
0xfe: {  	v21 =	vnsel vm0, $0x0, v21;
	v44 =	vld [tilespmem:s25+$0xFFFFFC50];
	(erf) = vpow2.f32 v31;
	v24 =	vadd.f32 v24, v25  }
0xff: {  	v25 =	vmul.f32 $1.442695020e+00, v42;
	v31 =	vld [tilespmem:s25+$0x30];
	(erf) = vpow2.f32 v41;
	v21 =	vadd.f32 v21, v45;
	v23 =	vpop (erf)  }
0x100: {  	v41 =	vmul.f32 $1.442695020e+00, v43;
	(erf) = vpow2.f32 v28;
	v23 =	vadd.f32 v24, v23  }
0x101: {  	(erf) = vpow2.f32 v25;
	v24 =	vperm.xlane v21, v17;
	v25 =	vmov s23  }
0x102: {  	v28 =	vld [tilespmem:s29+$0x480];
	(erf) = vpow2.f32 v30;
	vm1 =	veq.s32 v25, v0;
	v25 =	vperm.xlane v23, v17  }
0x103: {  	v30 =	vmul.f32 $1.442695020e+00, v44;
	v42 =	vld [tilespmem:s29+$0x80];
	(erf) = vpow2.f32 v29;
	v21 =	vadd.f32 v24, v21  }
0x104: {  	s30 =	sadd.s32 $0xFFFFFFFF, s23;
	s23 =	smov.u32 s24;
	s24 =	smov.u32 s26;
	v24 =	vmul.f32 $1.442695020e+00, v31;
	(erf) = vpow2.f32 v41;
	v25 =	vadd.f32 v25, v23  }
0x105: {  	v23 =	vmov s30;
	(erf) = vpow2.f32 v30;
	v29 =	vperm.xlane v21, v18  }
0x106: {  	vm2 =	veq.s32 v23, v0;
	(erf) = vpow2.f32 v24;
	v24 =	vperm.xlane v25, v18  }
0x107: {  	v30 =	vmul.f32 $1.442695020e+00, v28;
	v28 =	vpop (erf);
	(erf) = vpow2.f32 v32;
	v29 =	vadd.f32 v29, v21  }
0x108: {  	v31 =	vmul.f32 $1.442695020e+00, v42;
	v23 =	vld [tilespmem:s25+$0x3E0];
	v21 =	vpop (erf);
	(erf) = vpow2.f32 v26;
	v32 =	vadd.f32 v24, v25  }
0x109: {  	v26 =	vadd.f32 $0.0e+00, v28;
	v28 =	vsel vm0, $0x0, v21;
	v24 =	vld [tilespmem:s25+$0x3D0];
	v41 =	vpop (erf);
	v42 =	vperm.xlane v29, v19  }
0x10a: {  	v25 =	vld [tilespmem:s25+$0xFFFFFFF0];
	v45 =	vadd.f32 $0.0e+00, v28;
	v43 =	vpop (erf);
	(erf) = vpow2.f32 v27;
	v44 =	vperm.xlane v32, v19  }
0x10b: {  	v43 =	vadd.f32 v43, v26;
	v26 =	vld [tilespmem:s25+$0x3C0];
	(erf) = vpow2.f32 v40;
	v40 =	vpop (erf);
	v29 =	vadd.f32 v42, v29  }
0x10c: {  	v27 =	vld [tilespmem:s25+$0xFFFFFFE0];
	v45 =	vadd.f32 v45, v40;
	v28 =	vpop (erf);
	(erf) = vpow2.f32 v39;
	v32 =	vadd.f32 v44, v32  }
0x10d: {  	v39 =	vadd.f32 v28, v43;
	v28 =	vld [tilespmem:s25+$0x3B0];
	(erf) = vpow2.f32 v38;
	v38 =	vpop (erf);
	v42 =	vperm.xlane v29, v20  }
0x10e: {  	v43 =	vld [tilespmem:s25+$0xFFFFFCD0];
	v44 =	vadd.f32 v45, v38;
	v40 =	vpop (erf);
	(erf) = vpow2.f32 v37;
	v37 =	vperm.xlane v32, v20  }
0x10f: {  	v39 =	vadd.f32 v40, v39;
	v40 =	vld [tilespmem:s25+$0xB0];
	(erf) = vpow2.f32 v31;
	v31 =	vpop (erf);
	v29 =	vadd.f32 v42, v29  }
0x110: {  	v42 =	vld [tilespmem:s25+$0xFFFFFCE0];
	v31 =	vadd.f32 v44, v31;
	v38 =	vpop (erf);
	(erf) = vpow2.f32 v36;
	v32 =	vadd.f32 v37, v32  }
0x111: {  	v36 =	vadd.f32 v38, v39;
	v37 =	vld [tilespmem:s25+$0xC0];
	(erf) = vpow2.f32 v35;
	v35 =	vpop (erf);
	v22 =	vsel vm2, v29, v22  }
0x112: {  	v29 =	vld [tilespmem:s25+$0xFFFFFCF0];
	v31 =	vadd.f32 v31, v35;
	(erf) = vpow2.f32 v34;
	v22 =	vsel vm1, v32, v22  }
0x113: {  	v32 =	vadd.f32 v41, v36;
	v39 =	vmul.f32 $1.442695020e+00, v43;
	v35 =	vld [tilespmem:s25+$0xD0];
	(erf) = vpow2.f32 v33;
	v33 =	vpop (erf)  }
0x114: {  	v36 =	vld [tilespmem:s25+$0xFFFFFD00];
	v31 =	vadd.f32 v31, v33;
	v33 =	vmul.f32 $1.442695020e+00, v40;
	v38 =	vpop (erf);
	(erf) = vpow2.f32 v30  }
0x115: {  	v30 =	vadd.f32 v38, v32;
	v40 =	vmul.f32 $1.442695020e+00, v42;
	v38 =	vld [tilespmem:s25+$0xE0];
	(erf) = vpow2.f32 v39;
	v34 =	vpop (erf)  }
0x116: {  	v39 =	vld [tilespmem:s25+$0xFFFFFD10];
	v31 =	vadd.f32 v31, v34;
	v34 =	vmul.f32 $1.442695020e+00, v37;
	v37 =	vpop (erf);
	(erf) = vpow2.f32 v33  }
0x117: {  	v30 =	vadd.f32 v37, v30;
	v41 =	vmul.f32 $1.442695020e+00, v29;
	v33 =	vld [tilespmem:s25+$0xF0];
	(erf) = vpow2.f32 v40;
	v32 =	vpop (erf)  }
0x118: {  	v37 =	vld [tilespmem:s29+$0x100];
	v31 =	vadd.f32 v31, v32;
	v32 =	vmul.f32 $1.442695020e+00, v35;
	v35 =	vpop (erf);
	(erf) = vpow2.f32 v34  }
0x119: {  	v30 =	vadd.f32 v35, v30;
	v40 =	vmul.f32 $1.442695020e+00, v36;
	v35 =	vld [tilespmem:s25+$0x100];
	(erf) = vpow2.f32 v41;
	v29 =	vpop (erf)  }
0x11a: {  	v36 =	vld [tilespmem:s25+$0xFFFFFD30];
	v29 =	vadd.f32 v31, v29;
	v31 =	vmul.f32 $1.442695020e+00, v38;
	v38 =	vpop (erf);
	(erf) = vpow2.f32 v32  }
0x11b: {  	v30 =	vadd.f32 v38, v30;
	v41 =	vmul.f32 $1.442695020e+00, v39;
	v38 =	vld [tilespmem:s25+$0x110];
	(erf) = vpow2.f32 v40;
	v34 =	vpop (erf)  }
0x11c: {  	v39 =	vld [tilespmem:s25+$0xFFFFFD40];
	v29 =	vadd.f32 v29, v34;
	v33 =	vmul.f32 $1.442695020e+00, v33;
	v34 =	vpop (erf);
	(erf) = vpow2.f32 v31  }
0x11d: {  	v30 =	vadd.f32 v34, v30;
	v40 =	vmul.f32 $1.442695020e+00, v37;
	v34 =	vld [tilespmem:s29+$0x500];
	(erf) = vpow2.f32 v41;
	v32 =	vpop (erf)  }
0x11e: {  	v37 =	vld [tilespmem:s25+$0xFFFFFD50];
	v29 =	vadd.f32 v29, v32;
	v32 =	vmul.f32 $1.442695020e+00, v35;
	v35 =	vpop (erf);
	(erf) = vpow2.f32 v33  }
0x11f: {  	v30 =	vadd.f32 v35, v30;
	v41 =	vmul.f32 $1.442695020e+00, v36;
	v35 =	vld [tilespmem:s25+$0x130];
	(erf) = vpow2.f32 v40;
	v31 =	vpop (erf)  }
0x120: {  	v36 =	vld [tilespmem:s25+$0xFFFFFD60];
	v29 =	vadd.f32 v29, v31;
	v31 =	vmul.f32 $1.442695020e+00, v38;
	v38 =	vpop (erf);
	(erf) = vpow2.f32 v32  }
0x121: {  	v30 =	vadd.f32 v38, v30;
	v40 =	vmul.f32 $1.442695020e+00, v39;
	v38 =	vld [tilespmem:s25+$0x140];
	(erf) = vpow2.f32 v41;
	v33 =	vpop (erf)  }
0x122: {  	v39 =	vld [tilespmem:s25+$0xFFFFFD70];
	v29 =	vadd.f32 v29, v33;
	v33 =	vmul.f32 $1.442695020e+00, v34;
	v34 =	vpop (erf);
	(erf) = vpow2.f32 v31  }
0x123: {  	v30 =	vadd.f32 v34, v30;
	v41 =	vmul.f32 $1.442695020e+00, v37;
	v34 =	vld [tilespmem:s25+$0x150];
	(erf) = vpow2.f32 v40;
	v32 =	vpop (erf)  }
0x124: {  	v37 =	vld [tilespmem:s25+$0xFFFFFD80];
	v29 =	vadd.f32 v29, v32;
	v32 =	vmul.f32 $1.442695020e+00, v35;
	v35 =	vpop (erf);
	(erf) = vpow2.f32 v33  }
0x125: {  	v30 =	vadd.f32 v35, v30;
	v40 =	vmul.f32 $1.442695020e+00, v36;
	v35 =	vld [tilespmem:s25+$0x160];
	(erf) = vpow2.f32 v41;
	v31 =	vpop (erf)  }
0x126: {  	v36 =	vld [tilespmem:s25+$0xFFFFFD90];
	v29 =	vadd.f32 v29, v31;
	v31 =	vmul.f32 $1.442695020e+00, v38;
	v38 =	vpop (erf);
	(erf) = vpow2.f32 v32  }
0x127: {  	v30 =	vadd.f32 v38, v30;
	v41 =	vmul.f32 $1.442695020e+00, v39;
	v38 =	vld [tilespmem:s25+$0x170];
	(erf) = vpow2.f32 v40;
	v33 =	vpop (erf)  }
0x128: {  	v39 =	vld [tilespmem:s29+$0x180];
	v29 =	vadd.f32 v29, v33;
	v33 =	vmul.f32 $1.442695020e+00, v34;
	v34 =	vpop (erf);
	(erf) = vpow2.f32 v31  }
0x129: {  	v30 =	vadd.f32 v34, v30;
	v40 =	vmul.f32 $1.442695020e+00, v37;
	v34 =	vld [tilespmem:s25+$0x180];
	(erf) = vpow2.f32 v41;
	v32 =	vpop (erf)  }
0x12a: {  	v37 =	vld [tilespmem:s25+$0xFFFFFDB0];
	v29 =	vadd.f32 v29, v32;
	v32 =	vmul.f32 $1.442695020e+00, v35;
	v35 =	vpop (erf);
	(erf) = vpow2.f32 v33  }
0x12b: {  	v30 =	vadd.f32 v35, v30;
	v41 =	vmul.f32 $1.442695020e+00, v36;
	v35 =	vld [tilespmem:s25+$0x190];
	(erf) = vpow2.f32 v40;
	v31 =	vpop (erf)  }
0x12c: {  	v36 =	vld [tilespmem:s25+$0xFFFFFDC0];
	v29 =	vadd.f32 v29, v31;
	v31 =	vmul.f32 $1.442695020e+00, v38;
	v38 =	vpop (erf);
	(erf) = vpow2.f32 v32  }
0x12d: {  	v30 =	vadd.f32 v38, v30;
	v40 =	vmul.f32 $1.442695020e+00, v39;
	v38 =	vld [tilespmem:s29+$0x580];
	(erf) = vpow2.f32 v41;
	v33 =	vpop (erf)  }
0x12e: {  	v39 =	vld [tilespmem:s25+$0xFFFFFDD0];
	v29 =	vadd.f32 v29, v33;
	v33 =	vmul.f32 $1.442695020e+00, v34;
	v34 =	vpop (erf);
	(erf) = vpow2.f32 v31  }
0x12f: {  	v30 =	vadd.f32 v34, v30;
	v41 =	vmul.f32 $1.442695020e+00, v37;
	v34 =	vld [tilespmem:s25+$0x1B0];
	(erf) = vpow2.f32 v40;
	v32 =	vpop (erf)  }
0x130: {  	v37 =	vld [tilespmem:s25+$0xFFFFFDE0];
	v29 =	vadd.f32 v29, v32;
	v32 =	vmul.f32 $1.442695020e+00, v35;
	v35 =	vpop (erf);
	(erf) = vpow2.f32 v33  }
0x131: {  	v30 =	vadd.f32 v35, v30;
	v40 =	vmul.f32 $1.442695020e+00, v36;
	v35 =	vld [tilespmem:s25+$0x1C0];
	(erf) = vpow2.f32 v41;
	v31 =	vpop (erf)  }
0x132: {  	v36 =	vld [tilespmem:s25+$0xFFFFFDF0];
	v29 =	vadd.f32 v29, v31;
	v31 =	vmul.f32 $1.442695020e+00, v38;
	v38 =	vpop (erf);
	(erf) = vpow2.f32 v32  }
0x133: {  	v30 =	vadd.f32 v38, v30;
	v41 =	vmul.f32 $1.442695020e+00, v39;
	v38 =	vld [tilespmem:s25+$0x1D0];
	(erf) = vpow2.f32 v40;
	v33 =	vpop (erf)  }
0x134: {  	v39 =	vld [tilespmem:s25+$0xFFFFFE00];
	v29 =	vadd.f32 v29, v33;
	v33 =	vmul.f32 $1.442695020e+00, v34;
	v34 =	vpop (erf);
	(erf) = vpow2.f32 v31  }
0x135: {  	v30 =	vadd.f32 v34, v30;
	v40 =	vmul.f32 $1.442695020e+00, v37;
	v34 =	vld [tilespmem:s25+$0x1E0];
	(erf) = vpow2.f32 v41;
	v32 =	vpop (erf)  }
0x136: {  	v37 =	vld [tilespmem:s25+$0xFFFFFE10];
	v29 =	vadd.f32 v29, v32;
	v32 =	vmul.f32 $1.442695020e+00, v35;
	v35 =	vpop (erf);
	(erf) = vpow2.f32 v33  }
0x137: {  	v30 =	vadd.f32 v35, v30;
	v41 =	vmul.f32 $1.442695020e+00, v36;
	v35 =	vld [tilespmem:s25+$0x1F0];
	(erf) = vpow2.f32 v40;
	v31 =	vpop (erf)  }
0x138: {  	v36 =	vld [tilespmem:s29+$0x200];
	v29 =	vadd.f32 v29, v31;
	v31 =	vmul.f32 $1.442695020e+00, v38;
	v38 =	vpop (erf);
	(erf) = vpow2.f32 v32  }
0x139: {  	v30 =	vadd.f32 v38, v30;
	v40 =	vmul.f32 $1.442695020e+00, v39;
	v38 =	vld [tilespmem:s25+$0x200];
	(erf) = vpow2.f32 v41;
	v33 =	vpop (erf)  }
0x13a: {  	v39 =	vld [tilespmem:s25+$0xFFFFFE30];
	v29 =	vadd.f32 v29, v33;
	v33 =	vmul.f32 $1.442695020e+00, v34;
	v34 =	vpop (erf);
	(erf) = vpow2.f32 v31  }
0x13b: {  	v30 =	vadd.f32 v34, v30;
	v41 =	vmul.f32 $1.442695020e+00, v37;
	v34 =	vld [tilespmem:s25+$0x210];
	(erf) = vpow2.f32 v40;
	v32 =	vpop (erf)  }
0x13c: {  	v37 =	vld [tilespmem:s25+$0xFFFFFE40];
	v29 =	vadd.f32 v29, v32;
	v32 =	vmul.f32 $1.442695020e+00, v35;
	v35 =	vpop (erf);
	(erf) = vpow2.f32 v33  }
0x13d: {  	v30 =	vadd.f32 v35, v30;
	v40 =	vmul.f32 $1.442695020e+00, v36;
	v35 =	vld [tilespmem:s29+$0x600];
	(erf) = vpow2.f32 v41;
	v31 =	vpop (erf)  }
0x13e: {  	v36 =	vld [tilespmem:s25+$0xFFFFFE50];
	v29 =	vadd.f32 v29, v31;
	v31 =	vmul.f32 $1.442695020e+00, v38;
	v38 =	vpop (erf);
	(erf) = vpow2.f32 v32  }
0x13f: {  	v30 =	vadd.f32 v38, v30;
	v41 =	vmul.f32 $1.442695020e+00, v39;
	v38 =	vld [tilespmem:s25+$0x230];
	(erf) = vpow2.f32 v40;
	v33 =	vpop (erf)  }
0x140: {  	v39 =	vld [tilespmem:s25+$0xFFFFFE60];
	v29 =	vadd.f32 v29, v33;
	v33 =	vmul.f32 $1.442695020e+00, v34;
	v34 =	vpop (erf);
	(erf) = vpow2.f32 v31  }
0x141: {  	v30 =	vadd.f32 v34, v30;
	v40 =	vmul.f32 $1.442695020e+00, v37;
	v34 =	vld [tilespmem:s25+$0x240];
	(erf) = vpow2.f32 v41;
	v32 =	vpop (erf)  }
0x142: {  	v37 =	vld [tilespmem:s25+$0xFFFFFE70];
	v29 =	vadd.f32 v29, v32;
	v32 =	vmul.f32 $1.442695020e+00, v35;
	v35 =	vpop (erf);
	(erf) = vpow2.f32 v33  }
0x143: {  	v30 =	vadd.f32 v35, v30;
	v41 =	vmul.f32 $1.442695020e+00, v36;
	v35 =	vld [tilespmem:s25+$0x250];
	(erf) = vpow2.f32 v40;
	v31 =	vpop (erf)  }
0x144: {  	v36 =	vld [tilespmem:s25+$0xFFFFFE80];
	v29 =	vadd.f32 v29, v31;
	v31 =	vmul.f32 $1.442695020e+00, v38;
	v38 =	vpop (erf);
	(erf) = vpow2.f32 v32  }
0x145: {  	v30 =	vadd.f32 v38, v30;
	v40 =	vmul.f32 $1.442695020e+00, v39;
	v38 =	vld [tilespmem:s25+$0x260];
	(erf) = vpow2.f32 v41;
	v33 =	vpop (erf)  }
0x146: {  	v39 =	vld [tilespmem:s25+$0xFFFFFE90];
	v29 =	vadd.f32 v29, v33;
	v33 =	vmul.f32 $1.442695020e+00, v34;
	v34 =	vpop (erf);
	(erf) = vpow2.f32 v31  }
0x147: {  	v30 =	vadd.f32 v34, v30;
	v41 =	vmul.f32 $1.442695020e+00, v37;
	v34 =	vld [tilespmem:s25+$0x270];
	(erf) = vpow2.f32 v40;
	v32 =	vpop (erf)  }
0x148: {  	v37 =	vld [tilespmem:s29+$0x280];
	v29 =	vadd.f32 v29, v32;
	v32 =	vmul.f32 $1.442695020e+00, v35;
	v35 =	vpop (erf);
	(erf) = vpow2.f32 v33  }
0x149: {  	v30 =	vadd.f32 v35, v30;
	v40 =	vmul.f32 $1.442695020e+00, v36;
	v35 =	vld [tilespmem:s25+$0x280];
	(erf) = vpow2.f32 v41;
	v31 =	vpop (erf)  }
0x14a: {  	v36 =	vld [tilespmem:s25+$0xFFFFFEB0];
	v29 =	vadd.f32 v29, v31;
	v31 =	vmul.f32 $1.442695020e+00, v38;
	v38 =	vpop (erf);
	(erf) = vpow2.f32 v32  }
0x14b: {  	v30 =	vadd.f32 v38, v30;
	v41 =	vmul.f32 $1.442695020e+00, v39;
	v38 =	vld [tilespmem:s25+$0x290];
	(erf) = vpow2.f32 v40;
	v33 =	vpop (erf)  }
0x14c: {  	v39 =	vld [tilespmem:s25+$0xFFFFFEC0];
	v29 =	vadd.f32 v29, v33;
	v33 =	vmul.f32 $1.442695020e+00, v34;
	v34 =	vpop (erf);
	(erf) = vpow2.f32 v31  }
0x14d: {  	v30 =	vadd.f32 v34, v30;
	v40 =	vmul.f32 $1.442695020e+00, v37;
	v34 =	vld [tilespmem:s29+$0x680];
	(erf) = vpow2.f32 v41;
	v32 =	vpop (erf)  }
0x14e: {  	v37 =	vld [tilespmem:s25+$0xFFFFFED0];
	v29 =	vadd.f32 v29, v32;
	v32 =	vmul.f32 $1.442695020e+00, v35;
	v35 =	vpop (erf);
	(erf) = vpow2.f32 v33  }
0x14f: {  	v30 =	vadd.f32 v35, v30;
	v41 =	vmul.f32 $1.442695020e+00, v36;
	v35 =	vld [tilespmem:s25+$0x2B0];
	(erf) = vpow2.f32 v40;
	v31 =	vpop (erf)  }
0x150: {  	v36 =	vld [tilespmem:s25+$0xFFFFFEE0];
	v29 =	vadd.f32 v29, v31;
	v31 =	vmul.f32 $1.442695020e+00, v38;
	v38 =	vpop (erf);
	(erf) = vpow2.f32 v32  }
0x151: {  	v30 =	vadd.f32 v38, v30;
	v40 =	vmul.f32 $1.442695020e+00, v39;
	v38 =	vld [tilespmem:s25+$0x2C0];
	(erf) = vpow2.f32 v41;
	v33 =	vpop (erf)  }
0x152: {  	v39 =	vld [tilespmem:s25+$0xFFFFFEF0];
	v29 =	vadd.f32 v29, v33;
	v33 =	vmul.f32 $1.442695020e+00, v34;
	v34 =	vpop (erf);
	(erf) = vpow2.f32 v31  }
0x153: {  	v30 =	vadd.f32 v34, v30;
	v41 =	vmul.f32 $1.442695020e+00, v37;
	v34 =	vld [tilespmem:s25+$0x2D0];
	(erf) = vpow2.f32 v40;
	v32 =	vpop (erf)  }
0x154: {  	v37 =	vld [tilespmem:s25+$0xFFFFFF00];
	v29 =	vadd.f32 v29, v32;
	v32 =	vmul.f32 $1.442695020e+00, v35;
	v35 =	vpop (erf);
	(erf) = vpow2.f32 v33  }
0x155: {  	v30 =	vadd.f32 v35, v30;
	v40 =	vmul.f32 $1.442695020e+00, v36;
	v35 =	vld [tilespmem:s25+$0x2E0];
	(erf) = vpow2.f32 v41;
	v31 =	vpop (erf)  }
0x156: {  	v36 =	vld [tilespmem:s25+$0xFFFFFF10];
	v29 =	vadd.f32 v29, v31;
	v31 =	vmul.f32 $1.442695020e+00, v38;
	v38 =	vpop (erf);
	(erf) = vpow2.f32 v32  }
0x157: {  	v30 =	vadd.f32 v38, v30;
	v41 =	vmul.f32 $1.442695020e+00, v39;
	v38 =	vld [tilespmem:s25+$0x2F0];
	(erf) = vpow2.f32 v40;
	v33 =	vpop (erf)  }
0x158: {  	v39 =	vld [tilespmem:s29+$0x300];
	v29 =	vadd.f32 v29, v33;
	v33 =	vmul.f32 $1.442695020e+00, v34;
	v34 =	vpop (erf);
	(erf) = vpow2.f32 v31  }
0x159: {  	v30 =	vadd.f32 v34, v30;
	v40 =	vmul.f32 $1.442695020e+00, v37;
	v34 =	vld [tilespmem:s25+$0x300];
	(erf) = vpow2.f32 v41;
	v32 =	vpop (erf)  }
0x15a: {  	v37 =	vld [tilespmem:s25+$0xFFFFFF30];
	v29 =	vadd.f32 v29, v32;
	v32 =	vmul.f32 $1.442695020e+00, v35;
	v35 =	vpop (erf);
	(erf) = vpow2.f32 v33  }
0x15b: {  	v30 =	vadd.f32 v35, v30;
	v41 =	vmul.f32 $1.442695020e+00, v36;
	v35 =	vld [tilespmem:s25+$0x310];
	(erf) = vpow2.f32 v40;
	v31 =	vpop (erf)  }
0x15c: {  	v36 =	vld [tilespmem:s25+$0xFFFFFF40];
	v29 =	vadd.f32 v29, v31;
	v31 =	vmul.f32 $1.442695020e+00, v38;
	v38 =	vpop (erf);
	(erf) = vpow2.f32 v32  }
0x15d: {  	v30 =	vadd.f32 v38, v30;
	v40 =	vmul.f32 $1.442695020e+00, v39;
	v38 =	vld [tilespmem:s29+$0x700];
	(erf) = vpow2.f32 v41;
	v33 =	vpop (erf)  }
0x15e: {  	v39 =	vld [tilespmem:s25+$0xFFFFFF50];
	v29 =	vadd.f32 v29, v33;
	v33 =	vmul.f32 $1.442695020e+00, v34;
	v34 =	vpop (erf);
	(erf) = vpow2.f32 v31  }
0x15f: {  	v30 =	vadd.f32 v34, v30;
	v41 =	vmul.f32 $1.442695020e+00, v37;
	v34 =	vld [tilespmem:s25+$0x330];
	(erf) = vpow2.f32 v40;
	v32 =	vpop (erf)  }
0x160: {  	v37 =	vld [tilespmem:s25+$0xFFFFFF60];
	v29 =	vadd.f32 v29, v32;
	v32 =	vmul.f32 $1.442695020e+00, v35;
	v35 =	vpop (erf);
	(erf) = vpow2.f32 v33  }
0x161: {  	v30 =	vadd.f32 v35, v30;
	v40 =	vmul.f32 $1.442695020e+00, v36;
	v35 =	vld [tilespmem:s25+$0x340];
	(erf) = vpow2.f32 v41;
	v31 =	vpop (erf)  }
0x162: {  	v36 =	vld [tilespmem:s25+$0xFFFFFF70];
	v29 =	vadd.f32 v29, v31;
	v31 =	vmul.f32 $1.442695020e+00, v38;
	v38 =	vpop (erf);
	(erf) = vpow2.f32 v32  }
0x163: {  	v30 =	vadd.f32 v38, v30;
	v41 =	vmul.f32 $1.442695020e+00, v39;
	v38 =	vld [tilespmem:s25+$0x350];
	(erf) = vpow2.f32 v40;
	v33 =	vpop (erf)  }
0x164: {  	v39 =	vld [tilespmem:s25+$0xFFFFFF80];
	v29 =	vadd.f32 v29, v33;
	v33 =	vmul.f32 $1.442695020e+00, v34;
	v34 =	vpop (erf);
	(erf) = vpow2.f32 v31  }
0x165: {  	v30 =	vadd.f32 v34, v30;
	v40 =	vmul.f32 $1.442695020e+00, v37;
	v34 =	vld [tilespmem:s25+$0x360];
	(erf) = vpow2.f32 v41;
	v32 =	vpop (erf)  }
0x166: {  	v37 =	vld [tilespmem:s25+$0xFFFFFF90];
	v29 =	vadd.f32 v29, v32;
	v32 =	vmul.f32 $1.442695020e+00, v35;
	v35 =	vpop (erf);
	(erf) = vpow2.f32 v33  }
0x167: {  	v30 =	vadd.f32 v35, v30;
	v41 =	vmul.f32 $1.442695020e+00, v36;
	v35 =	vld [tilespmem:s25+$0x370];
	(erf) = vpow2.f32 v40;
	v31 =	vpop (erf)  }
0x168: {  	v36 =	vld [tilespmem:s29+$0x380];
	v29 =	vadd.f32 v29, v31;
	v31 =	vmul.f32 $1.442695020e+00, v38;
	v38 =	vpop (erf);
	(erf) = vpow2.f32 v32  }
0x169: {  	v30 =	vadd.f32 v38, v30;
	v40 =	vmul.f32 $1.442695020e+00, v39;
	v38 =	vld [tilespmem:s25+$0x380];
	(erf) = vpow2.f32 v41;
	v33 =	vpop (erf)  }
0x16a: {  	v39 =	vld [tilespmem:s25+$0xFFFFFFB0];
	v29 =	vadd.f32 v29, v33;
	v33 =	vmul.f32 $1.442695020e+00, v34;
	v34 =	vpop (erf);
	(erf) = vpow2.f32 v31  }
0x16b: {  	v30 =	vadd.f32 v34, v30;
	v41 =	vmul.f32 $1.442695020e+00, v37;
	v34 =	vld [tilespmem:s25+$0x390];
	(erf) = vpow2.f32 v40;
	v32 =	vpop (erf)  }
0x16c: {  	v37 =	vld [tilespmem:s25+$0xFFFFFFC0];
	v29 =	vadd.f32 v29, v32;
	v32 =	vmul.f32 $1.442695020e+00, v35;
	v35 =	vpop (erf);
	(erf) = vpow2.f32 v33  }
0x16d: {  	v30 =	vadd.f32 v35, v30;
	v40 =	vmul.f32 $1.442695020e+00, v36;
	v35 =	vld [tilespmem:s29+$0x780];
	(erf) = vpow2.f32 v41;
	v31 =	vpop (erf)  }
0x16e: {  	v36 =	vld [tilespmem:s25+$0xFFFFFFD0];
	v29 =	vadd.f32 v29, v31;
	v31 =	vmul.f32 $1.442695020e+00, v38;
	s25 =	sadd.s32 $0x7D0, s25;
	v38 =	vpop (erf);
	(erf) = vpow2.f32 v32  }
0x16f: {  	v41 =	vld [tilespmem:s25+$0xFFFFFCC0];
	v30 =	vadd.f32 v38, v30;
	v39 =	vmul.f32 $1.442695020e+00, v39;
	(erf) = vpow2.f32 v40;
	v33 =	vpop (erf)  }
0x170: {  	v38 =	vld [tilespmem:s25+$0x90];
	v29 =	vadd.f32 v29, v33;
	v33 =	vmul.f32 $1.442695020e+00, v34;
	v34 =	vpop (erf);
	(erf) = vpow2.f32 v31  }
0x171: {  	v42 =	vld [tilespmem:s25+$0xFFFFFCB0];
	v30 =	vadd.f32 v34, v30;
	v40 =	vmul.f32 $1.442695020e+00, v37;
	(erf) = vpow2.f32 v39;
	v32 =	vpop (erf)  }
0x172: {  	v37 =	vld [tilespmem:s25+$0x80];
	v29 =	vadd.f32 v29, v32;
	v32 =	vmul.f32 $1.442695020e+00, v35;
	v34 =	vpop (erf);
	(erf) = vpow2.f32 v33  }
0x173: {  	v43 =	vld [tilespmem:s25+$0x70];
	v30 =	vadd.f32 v34, v30;
	v33 =	vmul.f32 $1.442695020e+00, v36;
	(erf) = vpow2.f32 v40;
	v31 =	vpop (erf)  }
0x174: {  	v28 =	vmul.f32 $1.442695020e+00, v28;
	v44 =	vld [tilespmem:s25+$0xFFFFFC90];
	v29 =	vadd.f32 v29, v31;
	v31 =	vpop (erf);
	(erf) = vpow2.f32 v32  }
0x175: {  	v34 =	vmul.f32 $1.442695020e+00, v27;
	v39 =	vld [tilespmem:s25+$0x60];
	v30 =	vadd.f32 v31, v30;
	(erf) = vpow2.f32 v33;
	v27 =	vpop (erf)  }
0x176: {  	v26 =	vmul.f32 $1.442695020e+00, v26;
	v40 =	vld [tilespmem:s25+$0xFFFFFC80];
	v29 =	vadd.f32 v29, v27;
	v32 =	vpop (erf);
	(erf) = vpow2.f32 v28  }
0x177: {  	v27 =	vld [tilespmem:s25+$0x50];
	v30 =	vadd.f32 v32, v30;
	v32 =	vmul.f32 $1.442695020e+00, v25;
	(erf) = vpow2.f32 v34;
	v31 =	vpop (erf)  }
0x178: {  	v24 =	vmul.f32 $1.442695020e+00, v24;
	v28 =	vld [tilespmem:s25+$0xFFFFFC70];
	v29 =	vadd.f32 v29, v31;
	v31 =	vpop (erf);
	(erf) = vpow2.f32 v26  }
0x179: {  	v26 =	vld [tilespmem:s25+$0x40];
	v30 =	vadd.f32 v31, v30;
	(erf) = vpow2.f32 v32;
	v25 =	vpop (erf)  }
.Ltmp3:
0x17a: {  	v23 =	vmul.f32 $1.442695020e+00, v23;
	v32 =	vld [tilespmem:s25+$0xFFFFFC60];
	v25 =	vadd.f32 v29, v25;
	v31 =	vpop (erf);
	(erf) = vpow2.f32 v24;
	(pc) =	sbr.rel @p1 .LBB2_4-.Ltmp3, $4  }
0x17b: {  	v33 =	vmul.f32 $1.442695020e+00, v41;
	v29 =	vld [tilespmem:s25+$0xFFFFFC40];
	v41 =	vadd.f32 v31, v30;
	v31 =	vpop (erf)  }
0x17c: {  	v34 =	vmul.f32 $1.442695020e+00, v38;
	v30 =	vld [tilespmem:s25+$0x10];
	v45 =	vadd.f32 v25, v31;
	v38 =	vpop (erf);
	(erf) = vpow2.f32 v23  }
0x17d: {  	v35 =	vmul.f32 $1.442695020e+00, v42;
	v36 =	vmul.f32 $1.442695020e+00, v37;
	v31 =	vld [tilespmem:s25+$0xFFFFFC20];
	v23 =	vadd.f32 v38, v41;
	v24 =	vpop (erf)  }
0x17e: {  	s26 =	sadd.s32 $0x2, s26;
	v37 =	vmul.f32 $1.442695020e+00, v43;
	v38 =	vmul.f32 $1.442695020e+00, v44;
	v41 =	vld [tilespmem:s25+$0x0];
	v24 =	vadd.f32 v45, v24;
	v25 =	vpop (erf)  }
0x17f: {  	_ = 	snop  }
0x180: {  	v42 =	vld [tilespmem:s25+$0xFFFFFC30]  }
0x181: {  	s26 =	sadd.s32 $0x7D0, s28  }
0x182: {  	s26 =	sand.u32 $0x3FF0, s26;
	v31 =	vmul.f32 $1.442695020e+00, v31  }
0x183: {  	v28 =	vmul.f32 $1.442695020e+00, v28;
	v43 =	vld [tilespmem:s26+$0x400];
	v41 =	vmul.f32 $1.442695020e+00, v41  }
0x184: {  	v44 =	vld [tilespmem:s25+$0xFFFFFC50];
	v30 =	vmul.f32 $1.442695020e+00, v30;
	(erf) = vpow2.f32 v31  }
0x185: {  	v62 =	vld [tilespmem:s25+$0x30];
	v61 =	vmul.f32 $1.442695020e+00, v42;
	(erf) = vpow2.f32 v41  }
0x186: {  	(erf) = vpow2.f32 v28  }
0x187: {  	v63 =	vmul.f32 $1.442695020e+00, v29;
	v28 =	vpop (erf);
	(erf) = vpow2.f32 v61  }
0x188: {  	v43 =	vmul.f32 $1.442695020e+00, v43;
	v29 =	vpop (erf);
	(erf) = vpow2.f32 v30  }
0x189: {  	v44 =	vmul.f32 $1.442695020e+00, v44;
	v30 =	vpop (erf);
	(erf) = vpow2.f32 v63  }
0x18a: {  	v47 =	vmul.f32 $1.442695020e+00, v62;
	v31 =	vpop (erf);
	(erf) = vpow2.f32 v43  }
0x18b: {  	v48 =	vmul.f32 $1.442695020e+00, v32;
	v32 =	vpop (erf);
	(erf) = vpow2.f32 v44  }
0x18c: {  	v49 =	vmul.f32 $1.442695020e+00, v26;
	v26 =	vpop (erf);
	(erf) = vpow2.f32 v47  }
0x18d: {  	v50 =	vpop (erf);
	(erf) = vpow2.f32 v48  }
0x18e: {  	v51 =	vmul.f32 $1.442695020e+00, v27;
	v52 =	vld [tilespmem:s26+$0x80];
	v27 =	vpop (erf);
	(erf) = vpow2.f32 v49  }
0x18f: {  	v40 =	vmul.f32 $1.442695020e+00, v40;
	v41 =	vadd.f32 $0.0e+00, v50;
	v53 =	vsel vm0, $0x0, v27;
	v45 =	vpop (erf)  }
0x190: {  	v39 =	vmul.f32 $1.442695020e+00, v39;
	(erf) = vpow2.f32 v51;
	v43 =	vadd.f32 $0.0e+00, v53;
	v54 =	vpop (erf)  }
0x191: {  	(erf) = vpow2.f32 v40;
	v41 =	vadd.f32 v54, v41;
	v55 =	vpop (erf)  }
0x192: {  	(erf) = vpow2.f32 v39;
	v40 =	vadd.f32 v43, v55;
	v56 =	vpop (erf)  }
0x193: {  	v57 =	vld [tilespmem:s26+$0x480];
	v58 =	vmul.f32 $1.442695020e+00, v52;
	(erf) = vpow2.f32 v38;
	v41 =	vadd.f32 v56, v41;
	v59 =	vpop (erf)  }
0x194: {  	v60 =	vld [tilespmem:s25+$0xFFFFFCD0];
	(erf) = vpow2.f32 v37;
	v38 =	vadd.f32 v40, v59;
	v61 =	vpop (erf)  }
0x195: {  	v63 =	vld [tilespmem:s25+$0xB0];
	(erf) = vpow2.f32 v58;
	v62 =	vadd.f32 v61, v41;
	v46 =	vpop (erf)  }
0x196: {  	v47 =	vld [tilespmem:s25+$0xFFFFFCE0];
	(erf) = vpow2.f32 v36;
	v38 =	vadd.f32 v38, v46;
	v48 =	vpop (erf)  }
0x197: {  	v50 =	vld [tilespmem:s25+$0xC0];
	(erf) = vpow2.f32 v35;
	v49 =	vadd.f32 v48, v62;
	v51 =	vpop (erf)  }
0x198: {  	v52 =	vld [tilespmem:s25+$0xFFFFFCF0];
	v39 =	vmul.f32 $1.442695020e+00, v57;
	(erf) = vpow2.f32 v34;
	v35 =	vadd.f32 v38, v51  }
0x199: {  	v54 =	vmul.f32 $1.442695020e+00, v60;
	v55 =	vld [tilespmem:s25+$0xD0];
	(erf) = vpow2.f32 v33;
	v56 =	vpop (erf);
	v53 =	vadd.f32 v45, v49  }
0x19a: {  	v57 =	vld [tilespmem:s25+$0xFFFFFD00];
	v58 =	vmul.f32 $1.442695020e+00, v63;
	v59 =	vpop (erf);
	(erf) = vpow2.f32 v39;
	v33 =	vadd.f32 v35, v56  }
0x19b: {  	v60 =	vmul.f32 $1.442695020e+00, v47;
	v61 =	vld [tilespmem:s25+$0xE0];
	(erf) = vpow2.f32 v54;
	v62 =	vpop (erf);
	v34 =	vadd.f32 v59, v53  }
0x19c: {  	v63 =	vld [tilespmem:s25+$0xFFFFFD10];
	v45 =	vmul.f32 $1.442695020e+00, v50;
	v46 =	vpop (erf);
	(erf) = vpow2.f32 v58;
	v33 =	vadd.f32 v33, v62  }
0x19d: {  	v47 =	vmul.f32 $1.442695020e+00, v52;
	v48 =	vld [tilespmem:s25+$0xF0];
	(erf) = vpow2.f32 v60;
	v49 =	vpop (erf);
	v34 =	vadd.f32 v46, v34  }
0x19e: {  	v38 =	vmul.f32 $1.442695020e+00, v55;
	v50 =	vld [tilespmem:s26+$0x100];
	v51 =	vpop (erf);
	(erf) = vpow2.f32 v45;
	v33 =	vadd.f32 v33, v49  }
0x19f: {  	v52 =	vmul.f32 $1.442695020e+00, v57;
	v53 =	vld [tilespmem:s25+$0x100];
	(erf) = vpow2.f32 v47;
	v54 =	vpop (erf);
	v34 =	vadd.f32 v51, v34  }
0x1a0: {  	v55 =	vld [tilespmem:s25+$0xFFFFFD30];
	v56 =	vmul.f32 $1.442695020e+00, v61;
	v57 =	vpop (erf);
	(erf) = vpow2.f32 v38;
	v33 =	vadd.f32 v33, v54  }
0x1a1: {  	v58 =	vmul.f32 $1.442695020e+00, v63;
	v59 =	vld [tilespmem:s25+$0x110];
	(erf) = vpow2.f32 v52;
	v60 =	vpop (erf);
	v34 =	vadd.f32 v57, v34  }
0x1a2: {  	v61 =	vld [tilespmem:s25+$0xFFFFFD40];
	v62 =	vmul.f32 $1.442695020e+00, v48;
	v63 =	vpop (erf);
	(erf) = vpow2.f32 v56;
	v33 =	vadd.f32 v33, v60  }
0x1a3: {  	v45 =	vld [tilespmem:s26+$0x500];
	v44 =	vmul.f32 $1.442695020e+00, v50;
	(erf) = vpow2.f32 v58;
	v46 =	vpop (erf);
	v34 =	vadd.f32 v63, v34  }
0x1a4: {  	v47 =	vld [tilespmem:s25+$0xFFFFFD50];
	v48 =	vmul.f32 $1.442695020e+00, v53;
	v49 =	vpop (erf);
	(erf) = vpow2.f32 v62;
	v33 =	vadd.f32 v33, v46  }
0x1a5: {  	v50 =	vmul.f32 $1.442695020e+00, v55;
	v51 =	vld [tilespmem:s25+$0x130];
	(erf) = vpow2.f32 v44;
	v52 =	vpop (erf);
	v34 =	vadd.f32 v49, v34  }
0x1a6: {  	v53 =	vld [tilespmem:s25+$0xFFFFFD60];
	v54 =	vmul.f32 $1.442695020e+00, v59;
	v55 =	vpop (erf);
	(erf) = vpow2.f32 v48;
	v33 =	vadd.f32 v33, v52  }
0x1a7: {  	v56 =	vmul.f32 $1.442695020e+00, v61;
	v57 =	vld [tilespmem:s25+$0x140];
	(erf) = vpow2.f32 v50;
	v58 =	vpop (erf);
	v34 =	vadd.f32 v55, v34  }
0x1a8: {  	v59 =	vld [tilespmem:s25+$0xFFFFFD70];
	v60 =	vmul.f32 $1.442695020e+00, v45;
	v61 =	vpop (erf);
	(erf) = vpow2.f32 v54;
	v33 =	vadd.f32 v33, v58  }
0x1a9: {  	v62 =	vmul.f32 $1.442695020e+00, v47;
	v63 =	vld [tilespmem:s25+$0x150];
	(erf) = vpow2.f32 v56;
	v44 =	vpop (erf);
	v34 =	vadd.f32 v61, v34  }
0x1aa: {  	v45 =	vld [tilespmem:s25+$0xFFFFFD80];
	v46 =	vmul.f32 $1.442695020e+00, v51;
	v47 =	vpop (erf);
	(erf) = vpow2.f32 v60;
	v33 =	vadd.f32 v33, v44  }
0x1ab: {  	v48 =	vmul.f32 $1.442695020e+00, v53;
	v49 =	vld [tilespmem:s25+$0x160];
	(erf) = vpow2.f32 v62;
	v50 =	vpop (erf);
	v34 =	vadd.f32 v47, v34  }
0x1ac: {  	v51 =	vld [tilespmem:s25+$0xFFFFFD90];
	v52 =	vmul.f32 $1.442695020e+00, v57;
	v53 =	vpop (erf);
	(erf) = vpow2.f32 v46;
	v33 =	vadd.f32 v33, v50  }
0x1ad: {  	v54 =	vmul.f32 $1.442695020e+00, v59;
	v55 =	vld [tilespmem:s25+$0x170];
	(erf) = vpow2.f32 v48;
	v56 =	vpop (erf);
	v34 =	vadd.f32 v53, v34  }
0x1ae: {  	v57 =	vld [tilespmem:s26+$0x180];
	v58 =	vmul.f32 $1.442695020e+00, v63;
	v59 =	vpop (erf);
	(erf) = vpow2.f32 v52;
	v33 =	vadd.f32 v33, v56  }
0x1af: {  	v60 =	vmul.f32 $1.442695020e+00, v45;
	v61 =	vld [tilespmem:s25+$0x180];
	(erf) = vpow2.f32 v54;
	v62 =	vpop (erf);
	v34 =	vadd.f32 v59, v34  }
0x1b0: {  	v63 =	vld [tilespmem:s25+$0xFFFFFDB0];
	v45 =	vmul.f32 $1.442695020e+00, v49;
	v46 =	vpop (erf);
	(erf) = vpow2.f32 v58;
	v33 =	vadd.f32 v33, v62  }
0x1b1: {  	v47 =	vmul.f32 $1.442695020e+00, v51;
	v48 =	vld [tilespmem:s25+$0x190];
	(erf) = vpow2.f32 v60;
	v49 =	vpop (erf);
	v34 =	vadd.f32 v46, v34  }
0x1b2: {  	v50 =	vld [tilespmem:s25+$0xFFFFFDC0];
	v51 =	vmul.f32 $1.442695020e+00, v55;
	v52 =	vpop (erf);
	(erf) = vpow2.f32 v45;
	v33 =	vadd.f32 v33, v49  }
0x1b3: {  	v53 =	vmul.f32 $1.442695020e+00, v57;
	v54 =	vld [tilespmem:s26+$0x580];
	(erf) = vpow2.f32 v47;
	v55 =	vpop (erf);
	v34 =	vadd.f32 v52, v34  }
0x1b4: {  	v56 =	vld [tilespmem:s25+$0xFFFFFDD0];
	v57 =	vmul.f32 $1.442695020e+00, v61;
	v58 =	vpop (erf);
	(erf) = vpow2.f32 v51;
	v33 =	vadd.f32 v33, v55  }
0x1b5: {  	v59 =	vmul.f32 $1.442695020e+00, v63;
	v60 =	vld [tilespmem:s25+$0x1B0];
	(erf) = vpow2.f32 v53;
	v61 =	vpop (erf);
	v34 =	vadd.f32 v58, v34  }
0x1b6: {  	v62 =	vld [tilespmem:s25+$0xFFFFFDE0];
	v63 =	vmul.f32 $1.442695020e+00, v48;
	v44 =	vpop (erf);
	(erf) = vpow2.f32 v57;
	v33 =	vadd.f32 v33, v61  }
0x1b7: {  	v45 =	vmul.f32 $1.442695020e+00, v50;
	v46 =	vld [tilespmem:s25+$0x1C0];
	(erf) = vpow2.f32 v59;
	v47 =	vpop (erf);
	v34 =	vadd.f32 v44, v34  }
0x1b8: {  	v48 =	vld [tilespmem:s25+$0xFFFFFDF0];
	v49 =	vmul.f32 $1.442695020e+00, v54;
	v50 =	vpop (erf);
	(erf) = vpow2.f32 v63;
	v33 =	vadd.f32 v33, v47  }
0x1b9: {  	v51 =	vmul.f32 $1.442695020e+00, v56;
	v52 =	vld [tilespmem:s25+$0x1D0];
	(erf) = vpow2.f32 v45;
	v53 =	vpop (erf);
	v34 =	vadd.f32 v50, v34  }
0x1ba: {  	v54 =	vld [tilespmem:s25+$0xFFFFFE00];
	v55 =	vmul.f32 $1.442695020e+00, v60;
	v56 =	vpop (erf);
	(erf) = vpow2.f32 v49;
	v33 =	vadd.f32 v33, v53  }
0x1bb: {  	v57 =	vmul.f32 $1.442695020e+00, v62;
	v58 =	vld [tilespmem:s25+$0x1E0];
	(erf) = vpow2.f32 v51;
	v59 =	vpop (erf);
	v34 =	vadd.f32 v56, v34  }
0x1bc: {  	v60 =	vld [tilespmem:s25+$0xFFFFFE10];
	v61 =	vmul.f32 $1.442695020e+00, v46;
	v62 =	vpop (erf);
	(erf) = vpow2.f32 v55;
	v33 =	vadd.f32 v33, v59  }
0x1bd: {  	v63 =	vmul.f32 $1.442695020e+00, v48;
	v45 =	vld [tilespmem:s25+$0x1F0];
	(erf) = vpow2.f32 v57;
	v46 =	vpop (erf);
	v34 =	vadd.f32 v62, v34  }
0x1be: {  	v47 =	vld [tilespmem:s26+$0x200];
	v48 =	vmul.f32 $1.442695020e+00, v52;
	v49 =	vpop (erf);
	(erf) = vpow2.f32 v61;
	v33 =	vadd.f32 v33, v46  }
0x1bf: {  	v50 =	vmul.f32 $1.442695020e+00, v54;
	v51 =	vld [tilespmem:s25+$0x200];
	(erf) = vpow2.f32 v63;
	v52 =	vpop (erf);
	v34 =	vadd.f32 v49, v34  }
0x1c0: {  	v53 =	vld [tilespmem:s25+$0xFFFFFE30];
	v54 =	vmul.f32 $1.442695020e+00, v58;
	v55 =	vpop (erf);
	(erf) = vpow2.f32 v48;
	v33 =	vadd.f32 v33, v52  }
0x1c1: {  	v56 =	vmul.f32 $1.442695020e+00, v60;
	v57 =	vld [tilespmem:s25+$0x210];
	(erf) = vpow2.f32 v50;
	v58 =	vpop (erf);
	v34 =	vadd.f32 v55, v34  }
0x1c2: {  	v59 =	vld [tilespmem:s25+$0xFFFFFE40];
	v60 =	vmul.f32 $1.442695020e+00, v45;
	v61 =	vpop (erf);
	(erf) = vpow2.f32 v54;
	v33 =	vadd.f32 v33, v58  }
0x1c3: {  	v62 =	vmul.f32 $1.442695020e+00, v47;
	v63 =	vld [tilespmem:s26+$0x600];
	(erf) = vpow2.f32 v56;
	v45 =	vpop (erf);
	v34 =	vadd.f32 v61, v34  }
0x1c4: {  	v46 =	vld [tilespmem:s25+$0xFFFFFE50];
	v47 =	vmul.f32 $1.442695020e+00, v51;
	v48 =	vpop (erf);
	(erf) = vpow2.f32 v60;
	v33 =	vadd.f32 v33, v45  }
0x1c5: {  	v49 =	vmul.f32 $1.442695020e+00, v53;
	v50 =	vld [tilespmem:s25+$0x230];
	(erf) = vpow2.f32 v62;
	v51 =	vpop (erf);
	v34 =	vadd.f32 v48, v34  }
0x1c6: {  	v52 =	vld [tilespmem:s25+$0xFFFFFE60];
	v53 =	vmul.f32 $1.442695020e+00, v57;
	v54 =	vpop (erf);
	(erf) = vpow2.f32 v47;
	v33 =	vadd.f32 v33, v51  }
0x1c7: {  	v55 =	vmul.f32 $1.442695020e+00, v59;
	v56 =	vld [tilespmem:s25+$0x240];
	(erf) = vpow2.f32 v49;
	v57 =	vpop (erf);
	v34 =	vadd.f32 v54, v34  }
0x1c8: {  	v58 =	vld [tilespmem:s25+$0xFFFFFE70];
	v59 =	vmul.f32 $1.442695020e+00, v63;
	v60 =	vpop (erf);
	(erf) = vpow2.f32 v53;
	v33 =	vadd.f32 v33, v57  }
0x1c9: {  	v61 =	vmul.f32 $1.442695020e+00, v46;
	v62 =	vld [tilespmem:s25+$0x250];
	(erf) = vpow2.f32 v55;
	v63 =	vpop (erf);
	v34 =	vadd.f32 v60, v34  }
0x1ca: {  	v45 =	vld [tilespmem:s25+$0xFFFFFE80];
	v46 =	vmul.f32 $1.442695020e+00, v50;
	v47 =	vpop (erf);
	(erf) = vpow2.f32 v59;
	v33 =	vadd.f32 v33, v63  }
0x1cb: {  	v48 =	vmul.f32 $1.442695020e+00, v52;
	v49 =	vld [tilespmem:s25+$0x260];
	(erf) = vpow2.f32 v61;
	v50 =	vpop (erf);
	v34 =	vadd.f32 v47, v34  }
0x1cc: {  	v51 =	vld [tilespmem:s25+$0xFFFFFE90];
	v52 =	vmul.f32 $1.442695020e+00, v56;
	v53 =	vpop (erf);
	(erf) = vpow2.f32 v46;
	v33 =	vadd.f32 v33, v50  }
0x1cd: {  	v54 =	vmul.f32 $1.442695020e+00, v58;
	v55 =	vld [tilespmem:s25+$0x270];
	(erf) = vpow2.f32 v48;
	v56 =	vpop (erf);
	v34 =	vadd.f32 v53, v34  }
0x1ce: {  	v57 =	vld [tilespmem:s26+$0x280];
	v58 =	vmul.f32 $1.442695020e+00, v62;
	v59 =	vpop (erf);
	(erf) = vpow2.f32 v52;
	v33 =	vadd.f32 v33, v56  }
0x1cf: {  	v60 =	vmul.f32 $1.442695020e+00, v45;
	v61 =	vld [tilespmem:s25+$0x280];
	(erf) = vpow2.f32 v54;
	v62 =	vpop (erf);
	v34 =	vadd.f32 v59, v34  }
0x1d0: {  	v63 =	vld [tilespmem:s25+$0xFFFFFEB0];
	v45 =	vmul.f32 $1.442695020e+00, v49;
	v46 =	vpop (erf);
	(erf) = vpow2.f32 v58;
	v33 =	vadd.f32 v33, v62  }
0x1d1: {  	v47 =	vmul.f32 $1.442695020e+00, v51;
	v48 =	vld [tilespmem:s25+$0x290];
	(erf) = vpow2.f32 v60;
	v49 =	vpop (erf);
	v34 =	vadd.f32 v46, v34  }
0x1d2: {  	v50 =	vld [tilespmem:s25+$0xFFFFFEC0];
	v51 =	vmul.f32 $1.442695020e+00, v55;
	v52 =	vpop (erf);
	(erf) = vpow2.f32 v45;
	v33 =	vadd.f32 v33, v49  }
0x1d3: {  	v53 =	vmul.f32 $1.442695020e+00, v57;
	v54 =	vld [tilespmem:s26+$0x680];
	(erf) = vpow2.f32 v47;
	v55 =	vpop (erf);
	v34 =	vadd.f32 v52, v34  }
0x1d4: {  	v56 =	vld [tilespmem:s25+$0xFFFFFED0];
	v57 =	vmul.f32 $1.442695020e+00, v61;
	v58 =	vpop (erf);
	(erf) = vpow2.f32 v51;
	v33 =	vadd.f32 v33, v55  }
0x1d5: {  	v59 =	vmul.f32 $1.442695020e+00, v63;
	v60 =	vld [tilespmem:s25+$0x2B0];
	(erf) = vpow2.f32 v53;
	v61 =	vpop (erf);
	v34 =	vadd.f32 v58, v34  }
0x1d6: {  	v62 =	vld [tilespmem:s25+$0xFFFFFEE0];
	v63 =	vmul.f32 $1.442695020e+00, v48;
	v44 =	vpop (erf);
	(erf) = vpow2.f32 v57;
	v33 =	vadd.f32 v33, v61  }
0x1d7: {  	v45 =	vmul.f32 $1.442695020e+00, v50;
	v46 =	vld [tilespmem:s25+$0x2C0];
	(erf) = vpow2.f32 v59;
	v47 =	vpop (erf);
	v34 =	vadd.f32 v44, v34  }
0x1d8: {  	v48 =	vld [tilespmem:s25+$0xFFFFFEF0];
	v49 =	vmul.f32 $1.442695020e+00, v54;
	v50 =	vpop (erf);
	(erf) = vpow2.f32 v63;
	v33 =	vadd.f32 v33, v47  }
0x1d9: {  	v51 =	vmul.f32 $1.442695020e+00, v56;
	v52 =	vld [tilespmem:s25+$0x2D0];
	(erf) = vpow2.f32 v45;
	v53 =	vpop (erf);
	v34 =	vadd.f32 v50, v34  }
0x1da: {  	v54 =	vld [tilespmem:s25+$0xFFFFFF00];
	v55 =	vmul.f32 $1.442695020e+00, v60;
	v56 =	vpop (erf);
	(erf) = vpow2.f32 v49;
	v33 =	vadd.f32 v33, v53  }
0x1db: {  	v57 =	vmul.f32 $1.442695020e+00, v62;
	v58 =	vld [tilespmem:s25+$0x2E0];
	(erf) = vpow2.f32 v51;
	v59 =	vpop (erf);
	v34 =	vadd.f32 v56, v34  }
0x1dc: {  	v60 =	vld [tilespmem:s25+$0xFFFFFF10];
	v61 =	vmul.f32 $1.442695020e+00, v46;
	v62 =	vpop (erf);
	(erf) = vpow2.f32 v55;
	v33 =	vadd.f32 v33, v59  }
0x1dd: {  	v63 =	vmul.f32 $1.442695020e+00, v48;
	v45 =	vld [tilespmem:s25+$0x2F0];
	(erf) = vpow2.f32 v57;
	v46 =	vpop (erf);
	v34 =	vadd.f32 v62, v34  }
0x1de: {  	v47 =	vld [tilespmem:s26+$0x300];
	v48 =	vmul.f32 $1.442695020e+00, v52;
	v49 =	vpop (erf);
	(erf) = vpow2.f32 v61;
	v33 =	vadd.f32 v33, v46  }
0x1df: {  	v50 =	vmul.f32 $1.442695020e+00, v54;
	v51 =	vld [tilespmem:s25+$0x300];
	(erf) = vpow2.f32 v63;
	v52 =	vpop (erf);
	v34 =	vadd.f32 v49, v34  }
0x1e0: {  	v53 =	vld [tilespmem:s25+$0xFFFFFF30];
	v54 =	vmul.f32 $1.442695020e+00, v58;
	v55 =	vpop (erf);
	(erf) = vpow2.f32 v48;
	v33 =	vadd.f32 v33, v52  }
0x1e1: {  	v56 =	vmul.f32 $1.442695020e+00, v60;
	v57 =	vld [tilespmem:s25+$0x310];
	(erf) = vpow2.f32 v50;
	v58 =	vpop (erf);
	v34 =	vadd.f32 v55, v34  }
0x1e2: {  	v59 =	vld [tilespmem:s25+$0xFFFFFF40];
	v60 =	vmul.f32 $1.442695020e+00, v45;
	v61 =	vpop (erf);
	(erf) = vpow2.f32 v54;
	v33 =	vadd.f32 v33, v58  }
0x1e3: {  	v62 =	vmul.f32 $1.442695020e+00, v47;
	v63 =	vld [tilespmem:s26+$0x700];
	(erf) = vpow2.f32 v56;
	v45 =	vpop (erf);
	v34 =	vadd.f32 v61, v34  }
0x1e4: {  	v46 =	vld [tilespmem:s25+$0xFFFFFF50];
	v47 =	vmul.f32 $1.442695020e+00, v51;
	v48 =	vpop (erf);
	(erf) = vpow2.f32 v60;
	v33 =	vadd.f32 v33, v45  }
0x1e5: {  	v49 =	vmul.f32 $1.442695020e+00, v53;
	v50 =	vld [tilespmem:s25+$0x330];
	(erf) = vpow2.f32 v62;
	v51 =	vpop (erf);
	v34 =	vadd.f32 v48, v34  }
0x1e6: {  	v52 =	vld [tilespmem:s25+$0xFFFFFF60];
	v53 =	vmul.f32 $1.442695020e+00, v57;
	v54 =	vpop (erf);
	(erf) = vpow2.f32 v47;
	v33 =	vadd.f32 v33, v51  }
0x1e7: {  	v55 =	vmul.f32 $1.442695020e+00, v59;
	v56 =	vld [tilespmem:s25+$0x340];
	(erf) = vpow2.f32 v49;
	v57 =	vpop (erf);
	v34 =	vadd.f32 v54, v34  }
0x1e8: {  	v58 =	vld [tilespmem:s25+$0xFFFFFF70];
	v59 =	vmul.f32 $1.442695020e+00, v63;
	v60 =	vpop (erf);
	(erf) = vpow2.f32 v53;
	v33 =	vadd.f32 v33, v57  }
0x1e9: {  	v61 =	vmul.f32 $1.442695020e+00, v46;
	v62 =	vld [tilespmem:s25+$0x350];
	(erf) = vpow2.f32 v55;
	v63 =	vpop (erf);
	v34 =	vadd.f32 v60, v34  }
0x1ea: {  	v45 =	vld [tilespmem:s25+$0xFFFFFF80];
	v46 =	vmul.f32 $1.442695020e+00, v50;
	v47 =	vpop (erf);
	(erf) = vpow2.f32 v59;
	v33 =	vadd.f32 v33, v63  }
0x1eb: {  	v48 =	vmul.f32 $1.442695020e+00, v52;
	v49 =	vld [tilespmem:s25+$0x360];
	(erf) = vpow2.f32 v61;
	v50 =	vpop (erf);
	v34 =	vadd.f32 v47, v34  }
0x1ec: {  	v51 =	vld [tilespmem:s25+$0xFFFFFF90];
	v52 =	vmul.f32 $1.442695020e+00, v56;
	v53 =	vpop (erf);
	(erf) = vpow2.f32 v46;
	v33 =	vadd.f32 v33, v50  }
0x1ed: {  	v54 =	vmul.f32 $1.442695020e+00, v58;
	v55 =	vld [tilespmem:s25+$0x370];
	(erf) = vpow2.f32 v48;
	v56 =	vpop (erf);
	v34 =	vadd.f32 v53, v34  }
0x1ee: {  	v57 =	vld [tilespmem:s26+$0x380];
	v58 =	vmul.f32 $1.442695020e+00, v62;
	v59 =	vpop (erf);
	(erf) = vpow2.f32 v52;
	v33 =	vadd.f32 v33, v56  }
0x1ef: {  	v60 =	vmul.f32 $1.442695020e+00, v45;
	v61 =	vld [tilespmem:s25+$0x380];
	(erf) = vpow2.f32 v54;
	v62 =	vpop (erf);
	v34 =	vadd.f32 v59, v34  }
0x1f0: {  	v63 =	vld [tilespmem:s25+$0xFFFFFFB0];
	v44 =	vmul.f32 $1.442695020e+00, v49;
	v45 =	vpop (erf);
	(erf) = vpow2.f32 v58;
	v33 =	vadd.f32 v33, v62  }
0x1f1: {  	v46 =	vmul.f32 $1.442695020e+00, v51;
	v47 =	vld [tilespmem:s25+$0x390];
	(erf) = vpow2.f32 v60;
	v48 =	vpop (erf);
	v34 =	vadd.f32 v45, v34  }
0x1f2: {  	v49 =	vld [tilespmem:s25+$0xFFFFFFC0];
	v50 =	vmul.f32 $1.442695020e+00, v55;
	v51 =	vpop (erf);
	(erf) = vpow2.f32 v44;
	v33 =	vadd.f32 v33, v48  }
0x1f3: {  	v52 =	vmul.f32 $1.442695020e+00, v57;
	v53 =	vld [tilespmem:s26+$0x780];
	(erf) = vpow2.f32 v46;
	v54 =	vpop (erf);
	v34 =	vadd.f32 v51, v34  }
0x1f4: {  	v55 =	vld [tilespmem:s25+$0xFFFFFFD0];
	v56 =	vmul.f32 $1.442695020e+00, v61;
	v57 =	vpop (erf);
	(erf) = vpow2.f32 v50;
	v33 =	vadd.f32 v33, v54  }
0x1f5: {  	v58 =	vld [tilespmem:s25+$0x3B0];
	v59 =	vmul.f32 $1.442695020e+00, v63;
	(erf) = vpow2.f32 v52;
	v60 =	vpop (erf);
	v34 =	vadd.f32 v57, v34  }
0x1f6: {  	v61 =	vld [tilespmem:s25+$0xFFFFFFE0];
	v62 =	vmul.f32 $1.442695020e+00, v47;
	v63 =	vpop (erf);
	(erf) = vpow2.f32 v56;
	v33 =	vadd.f32 v33, v60  }
0x1f7: {  	v44 =	vld [tilespmem:s25+$0x3C0];
	v45 =	vmul.f32 $1.442695020e+00, v49;
	(erf) = vpow2.f32 v59;
	v46 =	vpop (erf);
	v34 =	vadd.f32 v63, v34  }
0x1f8: {  	v47 =	vld [tilespmem:s25+$0xFFFFFFF0];
	v39 =	vmul.f32 $1.442695020e+00, v53;
	v48 =	vpop (erf);
	(erf) = vpow2.f32 v62;
	v33 =	vadd.f32 v33, v46  }
0x1f9: {  	v49 =	vld [tilespmem:s25+$0x3D0];
	v50 =	vmul.f32 $1.442695020e+00, v55;
	(erf) = vpow2.f32 v45;
	v51 =	vpop (erf);
	v34 =	vadd.f32 v48, v34  }
0x1fa: {  	v52 =	vmul.f32 $1.442695020e+00, v58;
	v53 =	vpop (erf);
	(erf) = vpow2.f32 v39;
	v33 =	vadd.f32 v33, v51  }
0x1fb: {  	v54 =	vld [tilespmem:s25+$0x3E0];
	v55 =	vmul.f32 $1.442695020e+00, v61;
	(erf) = vpow2.f32 v50;
	v56 =	vpop (erf);
	v34 =	vadd.f32 v53, v34  }
0x1fc: {  	v35 =	vmul.f32 $1.442695020e+00, v44;
	v57 =	vpop (erf);
	(erf) = vpow2.f32 v52;
	v33 =	vadd.f32 v33, v56  }
0x1fd: {  	v58 =	vmul.f32 $1.442695020e+00, v47;
	(erf) = vpow2.f32 v55;
	v59 =	vpop (erf);
	v34 =	vadd.f32 v57, v34  }
0x1fe: {  	v36 =	vmul.f32 $1.442695020e+00, v49;
	v60 =	vpop (erf);
	(erf) = vpow2.f32 v35;
	v33 =	vadd.f32 v33, v59  }
0x1ff: {  	(erf) = vpow2.f32 v58;
	v61 =	vpop (erf);
	v34 =	vadd.f32 v60, v34  }
0x200: {  	v62 =	vmul.f32 $1.442695020e+00, v54;
	v63 =	vpop (erf);
	(erf) = vpow2.f32 v36;
	v33 =	vadd.f32 v33, v61  }
0x201: {  	v40 =	vpop (erf);
	v34 =	vadd.f32 v63, v34  }
0x202: {  	v23 =	vadd.f32 v25, v23;
	(erf) = vpow2.f32 v62;
	v42 =	vpop (erf);
	v41 =	vadd.f32 v33, v40  }
0x203: {  	v24 =	vadd.f32 v24, v28;
	v44 =	vpop (erf);
	v43 =	vadd.f32 v42, v34  }
0x204: {  	v23 =	vadd.f32 v29, v23;
	v45 =	vpop (erf);
	v25 =	vadd.f32 v41, v44  }
0x205: {  	v24 =	vadd.f32 v24, v30;
	v46 =	vpop (erf);
	v28 =	vadd.f32 v45, v43  }
0x206: {  	v23 =	vadd.f32 v31, v23;
	v47 =	vpop (erf);
	v25 =	vadd.f32 v25, v46  }
0x207: {  	v21 =	vnsel vm0, $0x0, v21;
	v24 =	vadd.f32 v24, v32;
	v48 =	vpop (erf);
	v28 =	vadd.f32 v47, v28  }
0x208: {  	v21 =	vadd.f32 v21, v23;
	v49 =	vpop (erf);
	v23 =	vadd.f32 v25, v48  }
0x209: {  	v24 =	vadd.f32 v24, v26;
	v50 =	vpop (erf);
	v25 =	vadd.f32 v49, v28  }
0x20a: {  	v27 =	vnsel vm0, $0x0, v27;
	v51 =	vperm.xlane v21, v17;
	v23 =	vadd.f32 v23, v50  }
0x20b: {  	v53 =	vpop (erf);
	v25 =	vadd.f32 v27, v25  }
0x20c: {  	v52 =	vperm.xlane v24, v17;
	v21 =	vadd.f32 v51, v21;
	v23 =	vadd.f32 v23, v53  }
0x20d: {  	v54 =	vperm.xlane v25, v17  }
0x20e: {  	v24 =	vadd.f32 v52, v24;
	v55 =	vperm.xlane v21, v18;
	v56 =	vperm.xlane v23, v17  }
0x20f: {  	v25 =	vadd.f32 v54, v25  }
0x210: {  	v57 =	vperm.xlane v24, v18;
	v21 =	vadd.f32 v55, v21;
	v23 =	vadd.f32 v56, v23  }
0x211: {  	v26 =	vperm.xlane v25, v18  }
0x212: {  	v24 =	vadd.f32 v57, v24;
	v27 =	vperm.xlane v21, v19;
	v28 =	vperm.xlane v23, v18  }
0x213: {  	v25 =	vadd.f32 v26, v25  }
0x214: {  	v29 =	vperm.xlane v24, v19;
	v21 =	vadd.f32 v27, v21;
	v23 =	vadd.f32 v28, v23  }
0x215: {  	v26 =	vperm.xlane v25, v19  }
0x216: {  	s30 =	sadd.s32 $0xFFFFFFFF, s23;
	v24 =	vadd.f32 v29, v24;
	v27 =	vperm.xlane v21, v20;
	v28 =	vperm.xlane v23, v19  }
0x217: {  	v58 =	vmov s23;
	v60 =	vmov s30;
	v25 =	vadd.f32 v26, v25  }
0x218: {  	v59 =	vperm.xlane v24, v20;
	v21 =	vadd.f32 v27, v21;
	v23 =	vadd.f32 v28, v23  }
0x219: {  	s21 =	sadd.s32 $0x1, s21;
	vm2 =	veq.s32 v58, v0;
	vm1 =	veq.s32 v60, v0;
	v61 =	vperm.xlane v25, v20  }
0x21a: {  	s31 =	sadd.s32 $0xFFFFFFFF, s24;
	p1 =	seq.s32 s21, $0x10;
	v24 =	vadd.f32 v59, v24;
	v21 =	vsel vm1, v21, v22;
	v22 =	vperm.xlane v23, v20  }
.Ltmp4:
0x21b: {  	v62 =	vmov s31;
	v63 =	vmov s24;
	v25 =	vadd.f32 v61, v25;
	(pc) =	sbr.rel @!p1 .LBB2_3-.Ltmp4, $4  }
.Ltmp5:
0x21c: {  	vm1 =	veq.s32 v62, v0;
	v21 =	vsel vm2, v24, v21;
	v22 =	vadd.f32 v22, v23;
	(pc) =	sbr.rel @p1 .LBB2_10-.Ltmp5, $4  }
0x21d: {  	vm2 =	veq.s32 v63, v0;
	v21 =	vsel vm1, v25, v21  }
0x21e: {  	v21 =	vsel vm2, v22, v21  }
0x21f: {  	[tilespmem:s22+$0x3F80] =	vst v21  }
0x220: {  	_ = 	snop  }
.LBB2_6:
0x221: {  	[tilespmem:s14], [sflag:$0x1] =	stream.indirect.gather [hbm4b:s5+s12], $0x1, s13, s12, $0xb8;
	[tilespmem:$0x4280] =	vst v63  }
0x222: {  	_ =	swait.ge [sflag:s15], $0x80  }
0x223: {  	[sflag:s15] =	ssyncset.done $0x0  }
0x224: {  	[sflag:s15] =	ssyncadd.s32 $0xFFFFFF80  }
0x225: {  	[tilespmem:s17], [sflag:$0x1] =	stream.indirect.gather [hbm4b:s5+s12], $0x1, s16, s12, $0xb8;
	[tilespmem:$0x4280] =	vst v63  }
0x226: {  	_ =	swait.ge [sflag:s15], $0x80  }
0x227: {  	[sflag:s15] =	ssyncset.done $0x0  }
0x228: {  	s20 =	simm.s32 $0x0;
	s21 =	simm.s32 $0x0;
	[sflag:s15] =	ssyncadd.s32 $0xFFFFFF80  }
.LBB2_7:
0x229: {  	s22 =	sshll.u32 s21, $0x4  }
0x22a: {  	s23 =	sadd.s32 s1, s22  }
0x22b: {  	s23 =	smul.u32 $0x3E8, s23;
	_ =	sdelay $0x1  }
0x22c: {  	s23 =	sshrl.u32 s23, $0x3  }
0x22d: {  	s23 =	sadd.s32 s5, s23  }
0x22e: {  	[tilespmem:s20], [sflag:$0x1] =	stream.linear.gather [hbm4b:s23+s20], $0x3E80, $0x38;
	[tilespmem:$0x4280] =	vst v63  }
0x22f: {  	s23 =	simm.s32 $0x1  }
0x230: {  	_ =	swait.ge [sflag:s23], $0x3E80  }
0x231: {  	[sflag:s23] =	ssyncset.done $0x0  }
0x232: {  	s24 =	simm.s32 $0x3E0;
	[sflag:s23] =	ssyncadd.s32 $0xFFFFC180  }
0x233: {  	v22 =	vld [tilespmem:s24+$0x70]  }
0x234: {  	v21 =	vld [tilespmem:s24+$0xFFFFFC20]  }
0x235: {  	v23 =	vld [tilespmem:s24+$0x0]  }
0x236: {  	v24 =	vld [tilespmem:s24+$0xFFFFFC70]  }
0x237: {  	v26 =	vld [tilespmem:s24+$0x10]  }
0x238: {  	v25 =	vld [tilespmem:s24+$0xFFFFFC30]  }
0x239: {  	v27 =	vld [tilespmem:s24+$0xFFFFFC40]  }
0x23a: {  	v33 =	vld [tilespmem:s24+$0xFFFFFC50]  }
0x23b: {  	s25 =	sand.u32 $0x3FF0, s20;
	v49 =	vld [tilespmem:s24+$0x60];
	v21 =	vmul.f32 $1.442695020e+00, v21;
	v23 =	vmul.f32 $1.442695020e+00, v23  }
0x23c: {  	v32 =	vld [tilespmem:s25+$0x400];
	v24 =	vmul.f32 $1.442695020e+00, v24;
	v26 =	vmul.f32 $1.442695020e+00, v26  }
0x23d: {  	(erf) = vpow2.f32 v21;
	v21 =	vmul.f32 $1.442695020e+00, v25;
	v25 =	vld [tilespmem:s24+$0x30]  }
0x23e: {  	v27 =	vmul.f32 $1.442695020e+00, v27;
	(erf) = vpow2.f32 v23;
	v23 =	vld [tilespmem:s24+$0xFFFFFC60]  }
0x23f: {  	v34 =	vld [tilespmem:s24+$0xFFFFFC90];
	v48 =	vmul.f32 $1.442695020e+00, v33;
	(erf) = vpow2.f32 v24  }
0x240: {  	v35 =	vld [tilespmem:s25+$0x80];
	v33 =	vmul.f32 $1.442695020e+00, v49;
	(erf) = vpow2.f32 v21  }
0x241: {  	v24 =	vld [tilespmem:s24+$0x40];
	v21 =	vmul.f32 $1.442695020e+00, v32;
	(erf) = vpow2.f32 v26  }
0x242: {  	v26 =	vld [tilespmem:s24+$0x50];
	(erf) = vpow2.f32 v27;
	v25 =	vmul.f32 $1.442695020e+00, v25  }
0x243: {  	v27 =	vld [tilespmem:s24+$0xFFFFFC80];
	(erf) = vpow2.f32 v21;
	v21 =	vmul.f32 $1.442695020e+00, v23  }
0x244: {  	v31 =	vld [tilespmem:s24+$0x80];
	v34 =	vmul.f32 $1.442695020e+00, v34;
	(erf) = vpow2.f32 v48  }
0x245: {  	v40 =	vmul.f32 $1.442695020e+00, v22;
	(erf) = vpow2.f32 v25  }
0x246: {  	v30 =	vld [tilespmem:s24+$0xFFFFFCB0];
	v24 =	vmul.f32 $1.442695020e+00, v24;
	v25 =	vpop (erf);
	(erf) = vpow2.f32 v21  }
0x247: {  	v52 =	vmul.f32 $1.442695020e+00, v35;
	v26 =	vmul.f32 $1.442695020e+00, v26;
	v21 =	vpop (erf)  }
0x248: {  	v29 =	vld [tilespmem:s24+$0x90];
	(erf) = vpow2.f32 v24;
	v27 =	vmul.f32 $1.442695020e+00, v27;
	v36 =	vadd.f32 $0.0e+00, v25;
	v38 =	vpop (erf)  }
0x249: {  	v31 =	vmul.f32 $1.442695020e+00, v31;
	v37 =	vsel vm0, $0x0, v21;
	(erf) = vpow2.f32 v26;
	v39 =	vpop (erf)  }
0x24a: {  	v28 =	vld [tilespmem:s24+$0xFFFFFCC0];
	v37 =	vadd.f32 $0.0e+00, v37;
	(erf) = vpow2.f32 v27;
	v36 =	vadd.f32 v39, v36;
	v51 =	vpop (erf)  }
0x24b: {  	v30 =	vmul.f32 $1.442695020e+00, v30;
	(erf) = vpow2.f32 v33;
	v22 =	vpop (erf)  }
0x24c: {  	v50 =	vld [tilespmem:s25+$0x480];
	v37 =	vadd.f32 v37, v51;
	(erf) = vpow2.f32 v34;
	v53 =	vadd.f32 v22, v36;
	v54 =	vpop (erf)  }
0x24d: {  	v55 =	vld [tilespmem:s24+$0xFFFFFCD0];
	v29 =	vmul.f32 $1.442695020e+00, v29;
	(erf) = vpow2.f32 v40;
	v56 =	vpop (erf)  }
0x24e: {  	v34 =	vadd.f32 v37, v54;
	(erf) = vpow2.f32 v52;
	v35 =	vadd.f32 v56, v53;
	v58 =	vpop (erf)  }
0x24f: {  	v57 =	vld [tilespmem:s24+$0xB0];
	v28 =	vmul.f32 $1.442695020e+00, v28;
	(erf) = vpow2.f32 v31;
	v60 =	vpop (erf)  }
0x250: {  	v59 =	vld [tilespmem:s24+$0xFFFFFCE0];
	v33 =	vadd.f32 v34, v58;
	(erf) = vpow2.f32 v30;
	v31 =	vadd.f32 v60, v35  }
0x251: {  	v62 =	vld [tilespmem:s24+$0xFFFFFCF0];
	v32 =	vmul.f32 $1.442695020e+00, v50;
	v30 =	vpop (erf);
	(erf) = vpow2.f32 v29  }
0x252: {  	v61 =	vld [tilespmem:s24+$0xC0];
	v30 =	vadd.f32 v33, v30;
	v29 =	vadd.f32 v38, v31;
	v31 =	vmul.f32 $1.442695020e+00, v55  }
0x253: {  	v63 =	vld [tilespmem:s24+$0xD0];
	(erf) = vpow2.f32 v28;
	v28 =	vpop (erf)  }
0x254: {  	v40 =	vld [tilespmem:s24+$0xFFFFFD00];
	(erf) = vpow2.f32 v32;
	v28 =	vadd.f32 v30, v28;
	v30 =	vmul.f32 $1.442695020e+00, v57  }
0x255: {  	v42 =	vmul.f32 $1.442695020e+00, v59;
	v41 =	vpop (erf);
	(erf) = vpow2.f32 v31  }
0x256: {  	v43 =	vld [tilespmem:s24+$0xE0];
	v31 =	vpop (erf);
	(erf) = vpow2.f32 v30;
	v30 =	vmul.f32 $1.442695020e+00, v62  }
0x257: {  	v44 =	vld [tilespmem:s24+$0xFFFFFD10];
	v28 =	vadd.f32 v28, v31;
	v31 =	vmul.f32 $1.442695020e+00, v61;
	v45 =	vpop (erf)  }
0x258: {  	v49 =	vmul.f32 $1.442695020e+00, v63;
	v48 =	vld [tilespmem:s25+$0x100];
	v29 =	vadd.f32 v41, v29;
	(erf) = vpow2.f32 v42;
	v47 =	vpop (erf)  }
0x259: {  	v46 =	vld [tilespmem:s24+$0xF0];
	v28 =	vadd.f32 v28, v47;
	v50 =	vpop (erf);
	(erf) = vpow2.f32 v31;
	v31 =	vmul.f32 $1.442695020e+00, v40  }
0x25a: {  	v51 =	vld [tilespmem:s24+$0x100];
	v29 =	vadd.f32 v45, v29;
	(erf) = vpow2.f32 v30;
	v30 =	vpop (erf)  }
0x25b: {  	v52 =	vld [tilespmem:s24+$0xFFFFFD30];
	v28 =	vadd.f32 v28, v30;
	v30 =	vmul.f32 $1.442695020e+00, v43;
	(erf) = vpow2.f32 v49  }
0x25c: {  	v54 =	vmul.f32 $1.442695020e+00, v44;
	v53 =	vpop (erf);
	(erf) = vpow2.f32 v31  }
0x25d: {  	v55 =	vld [tilespmem:s24+$0x110];
	v29 =	vadd.f32 v50, v29;
	v31 =	vpop (erf);
	(erf) = vpow2.f32 v30;
	v30 =	vmul.f32 $1.442695020e+00, v48  }
0x25e: {  	v56 =	vld [tilespmem:s24+$0xFFFFFD40];
	v28 =	vadd.f32 v28, v31;
	v31 =	vmul.f32 $1.442695020e+00, v46;
	v57 =	vpop (erf)  }
0x25f: {  	v60 =	vld [tilespmem:s24+$0xFFFFFD50];
	v61 =	vmul.f32 $1.442695020e+00, v51;
	v29 =	vadd.f32 v53, v29;
	(erf) = vpow2.f32 v54;
	v59 =	vpop (erf)  }
0x260: {  	v58 =	vld [tilespmem:s25+$0x500];
	v28 =	vadd.f32 v28, v59;
	v62 =	vpop (erf);
	(erf) = vpow2.f32 v31;
	v31 =	vmul.f32 $1.442695020e+00, v52  }
0x261: {  	v63 =	vld [tilespmem:s24+$0x130];
	v29 =	vadd.f32 v57, v29;
	(erf) = vpow2.f32 v30;
	v30 =	vpop (erf)  }
0x262: {  	v40 =	vld [tilespmem:s24+$0xFFFFFD60];
	v28 =	vadd.f32 v28, v30;
	v30 =	vmul.f32 $1.442695020e+00, v55;
	(erf) = vpow2.f32 v61  }
0x263: {  	v42 =	vmul.f32 $1.442695020e+00, v56;
	v41 =	vpop (erf);
	(erf) = vpow2.f32 v31  }
0x264: {  	v43 =	vld [tilespmem:s24+$0x140];
	v29 =	vadd.f32 v62, v29;
	v31 =	vpop (erf);
	(erf) = vpow2.f32 v30;
	v30 =	vmul.f32 $1.442695020e+00, v60  }
0x265: {  	v44 =	vld [tilespmem:s24+$0xFFFFFD70];
	v28 =	vadd.f32 v28, v31;
	v31 =	vmul.f32 $1.442695020e+00, v58;
	v45 =	vpop (erf)  }
0x266: {  	v49 =	vmul.f32 $1.442695020e+00, v63;
	v48 =	vld [tilespmem:s24+$0xFFFFFD80];
	v29 =	vadd.f32 v41, v29;
	(erf) = vpow2.f32 v42;
	v47 =	vpop (erf)  }
0x267: {  	v46 =	vld [tilespmem:s24+$0x150];
	v28 =	vadd.f32 v28, v47;
	v50 =	vpop (erf);
	(erf) = vpow2.f32 v31;
	v31 =	vmul.f32 $1.442695020e+00, v40  }
0x268: {  	v51 =	vld [tilespmem:s24+$0x160];
	v29 =	vadd.f32 v45, v29;
	(erf) = vpow2.f32 v30;
	v30 =	vpop (erf)  }
0x269: {  	v52 =	vld [tilespmem:s24+$0xFFFFFD90];
	v28 =	vadd.f32 v28, v30;
	v30 =	vmul.f32 $1.442695020e+00, v43;
	(erf) = vpow2.f32 v49  }
0x26a: {  	v54 =	vmul.f32 $1.442695020e+00, v44;
	v53 =	vpop (erf);
	(erf) = vpow2.f32 v31  }
0x26b: {  	v55 =	vld [tilespmem:s24+$0x170];
	v29 =	vadd.f32 v50, v29;
	v31 =	vpop (erf);
	(erf) = vpow2.f32 v30;
	v30 =	vmul.f32 $1.442695020e+00, v48  }
0x26c: {  	v56 =	vld [tilespmem:s25+$0x180];
	v28 =	vadd.f32 v28, v31;
	v31 =	vmul.f32 $1.442695020e+00, v46;
	v57 =	vpop (erf)  }
0x26d: {  	v61 =	vmul.f32 $1.442695020e+00, v51;
	v60 =	vld [tilespmem:s24+$0xFFFFFDB0];
	v29 =	vadd.f32 v53, v29;
	(erf) = vpow2.f32 v54;
	v59 =	vpop (erf)  }
0x26e: {  	v58 =	vld [tilespmem:s24+$0x180];
	v28 =	vadd.f32 v28, v59;
	v62 =	vpop (erf);
	(erf) = vpow2.f32 v31;
	v31 =	vmul.f32 $1.442695020e+00, v52  }
0x26f: {  	v63 =	vld [tilespmem:s24+$0x190];
	v29 =	vadd.f32 v57, v29;
	(erf) = vpow2.f32 v30;
	v30 =	vpop (erf)  }
0x270: {  	v40 =	vld [tilespmem:s24+$0xFFFFFDC0];
	v28 =	vadd.f32 v28, v30;
	v30 =	vmul.f32 $1.442695020e+00, v55;
	(erf) = vpow2.f32 v61  }
0x271: {  	v42 =	vmul.f32 $1.442695020e+00, v56;
	v41 =	vpop (erf);
	(erf) = vpow2.f32 v31  }
0x272: {  	v43 =	vld [tilespmem:s25+$0x580];
	v29 =	vadd.f32 v62, v29;
	v31 =	vpop (erf);
	(erf) = vpow2.f32 v30;
	v30 =	vmul.f32 $1.442695020e+00, v60  }
0x273: {  	v44 =	vld [tilespmem:s24+$0xFFFFFDD0];
	v28 =	vadd.f32 v28, v31;
	v31 =	vmul.f32 $1.442695020e+00, v58;
	v45 =	vpop (erf)  }
0x274: {  	v49 =	vmul.f32 $1.442695020e+00, v63;
	v48 =	vld [tilespmem:s24+$0xFFFFFDE0];
	v29 =	vadd.f32 v41, v29;
	(erf) = vpow2.f32 v42;
	v47 =	vpop (erf)  }
0x275: {  	v46 =	vld [tilespmem:s24+$0x1B0];
	v28 =	vadd.f32 v28, v47;
	v50 =	vpop (erf);
	(erf) = vpow2.f32 v31;
	v31 =	vmul.f32 $1.442695020e+00, v40  }
0x276: {  	v51 =	vld [tilespmem:s24+$0x1C0];
	v29 =	vadd.f32 v45, v29;
	(erf) = vpow2.f32 v30;
	v30 =	vpop (erf)  }
0x277: {  	v52 =	vld [tilespmem:s24+$0xFFFFFDF0];
	v28 =	vadd.f32 v28, v30;
	v30 =	vmul.f32 $1.442695020e+00, v43;
	(erf) = vpow2.f32 v49  }
0x278: {  	v54 =	vmul.f32 $1.442695020e+00, v44;
	v53 =	vpop (erf);
	(erf) = vpow2.f32 v31  }
0x279: {  	v55 =	vld [tilespmem:s24+$0x1D0];
	v29 =	vadd.f32 v50, v29;
	v31 =	vpop (erf);
	(erf) = vpow2.f32 v30;
	v30 =	vmul.f32 $1.442695020e+00, v48  }
0x27a: {  	v56 =	vld [tilespmem:s24+$0xFFFFFE00];
	v28 =	vadd.f32 v28, v31;
	v31 =	vmul.f32 $1.442695020e+00, v46;
	v57 =	vpop (erf)  }
0x27b: {  	v61 =	vmul.f32 $1.442695020e+00, v51;
	v60 =	vld [tilespmem:s24+$0xFFFFFE10];
	v29 =	vadd.f32 v53, v29;
	(erf) = vpow2.f32 v54;
	v59 =	vpop (erf)  }
0x27c: {  	v58 =	vld [tilespmem:s24+$0x1E0];
	v28 =	vadd.f32 v28, v59;
	v62 =	vpop (erf);
	(erf) = vpow2.f32 v31;
	v31 =	vmul.f32 $1.442695020e+00, v52  }
0x27d: {  	v63 =	vld [tilespmem:s24+$0x1F0];
	v29 =	vadd.f32 v57, v29;
	(erf) = vpow2.f32 v30;
	v30 =	vpop (erf)  }
0x27e: {  	v40 =	vld [tilespmem:s25+$0x200];
	v28 =	vadd.f32 v28, v30;
	v30 =	vmul.f32 $1.442695020e+00, v55;
	(erf) = vpow2.f32 v61  }
0x27f: {  	v42 =	vmul.f32 $1.442695020e+00, v56;
	v41 =	vpop (erf);
	(erf) = vpow2.f32 v31  }
0x280: {  	v43 =	vld [tilespmem:s24+$0x200];
	v29 =	vadd.f32 v62, v29;
	v31 =	vpop (erf);
	(erf) = vpow2.f32 v30;
	v30 =	vmul.f32 $1.442695020e+00, v60  }
0x281: {  	v44 =	vld [tilespmem:s24+$0xFFFFFE30];
	v28 =	vadd.f32 v28, v31;
	v31 =	vmul.f32 $1.442695020e+00, v58;
	v45 =	vpop (erf)  }
0x282: {  	v49 =	vmul.f32 $1.442695020e+00, v63;
	v48 =	vld [tilespmem:s24+$0xFFFFFE40];
	v29 =	vadd.f32 v41, v29;
	(erf) = vpow2.f32 v42;
	v47 =	vpop (erf)  }
0x283: {  	v46 =	vld [tilespmem:s24+$0x210];
	v28 =	vadd.f32 v28, v47;
	v50 =	vpop (erf);
	(erf) = vpow2.f32 v31;
	v31 =	vmul.f32 $1.442695020e+00, v40  }
0x284: {  	v51 =	vld [tilespmem:s25+$0x600];
	v29 =	vadd.f32 v45, v29;
	(erf) = vpow2.f32 v30;
	v30 =	vpop (erf)  }
0x285: {  	v52 =	vld [tilespmem:s24+$0xFFFFFE50];
	v28 =	vadd.f32 v28, v30;
	v30 =	vmul.f32 $1.442695020e+00, v43;
	(erf) = vpow2.f32 v49  }
0x286: {  	v54 =	vmul.f32 $1.442695020e+00, v44;
	v53 =	vpop (erf);
	(erf) = vpow2.f32 v31  }
0x287: {  	v55 =	vld [tilespmem:s24+$0x230];
	v29 =	vadd.f32 v50, v29;
	v31 =	vpop (erf);
	(erf) = vpow2.f32 v30;
	v30 =	vmul.f32 $1.442695020e+00, v48  }
0x288: {  	v56 =	vld [tilespmem:s24+$0xFFFFFE60];
	v28 =	vadd.f32 v28, v31;
	v31 =	vmul.f32 $1.442695020e+00, v46;
	v57 =	vpop (erf)  }
0x289: {  	v61 =	vmul.f32 $1.442695020e+00, v51;
	v60 =	vld [tilespmem:s24+$0xFFFFFE70];
	v29 =	vadd.f32 v53, v29;
	(erf) = vpow2.f32 v54;
	v59 =	vpop (erf)  }
0x28a: {  	v58 =	vld [tilespmem:s24+$0x240];
	v28 =	vadd.f32 v28, v59;
	v62 =	vpop (erf);
	(erf) = vpow2.f32 v31;
	v31 =	vmul.f32 $1.442695020e+00, v52  }
0x28b: {  	v63 =	vld [tilespmem:s24+$0x250];
	v29 =	vadd.f32 v57, v29;
	(erf) = vpow2.f32 v30;
	v30 =	vpop (erf)  }
0x28c: {  	v40 =	vld [tilespmem:s24+$0xFFFFFE80];
	v28 =	vadd.f32 v28, v30;
	v30 =	vmul.f32 $1.442695020e+00, v55;
	(erf) = vpow2.f32 v61  }
0x28d: {  	v42 =	vmul.f32 $1.442695020e+00, v56;
	v41 =	vpop (erf);
	(erf) = vpow2.f32 v31  }
0x28e: {  	v43 =	vld [tilespmem:s24+$0x260];
	v29 =	vadd.f32 v62, v29;
	v31 =	vpop (erf);
	(erf) = vpow2.f32 v30;
	v30 =	vmul.f32 $1.442695020e+00, v60  }
0x28f: {  	v44 =	vld [tilespmem:s24+$0xFFFFFE90];
	v28 =	vadd.f32 v28, v31;
	v31 =	vmul.f32 $1.442695020e+00, v58;
	v45 =	vpop (erf)  }
0x290: {  	v49 =	vmul.f32 $1.442695020e+00, v63;
	v48 =	vld [tilespmem:s25+$0x280];
	v29 =	vadd.f32 v41, v29;
	(erf) = vpow2.f32 v42;
	v47 =	vpop (erf)  }
0x291: {  	v46 =	vld [tilespmem:s24+$0x270];
	v28 =	vadd.f32 v28, v47;
	v50 =	vpop (erf);
	(erf) = vpow2.f32 v31;
	v31 =	vmul.f32 $1.442695020e+00, v40  }
0x292: {  	v51 =	vld [tilespmem:s24+$0x280];
	v29 =	vadd.f32 v45, v29;
	(erf) = vpow2.f32 v30;
	v30 =	vpop (erf)  }
0x293: {  	v52 =	vld [tilespmem:s24+$0xFFFFFEB0];
	v28 =	vadd.f32 v28, v30;
	v30 =	vmul.f32 $1.442695020e+00, v43;
	(erf) = vpow2.f32 v49  }
0x294: {  	v54 =	vmul.f32 $1.442695020e+00, v44;
	v53 =	vpop (erf);
	(erf) = vpow2.f32 v31  }
0x295: {  	v55 =	vld [tilespmem:s24+$0x290];
	v29 =	vadd.f32 v50, v29;
	v31 =	vpop (erf);
	(erf) = vpow2.f32 v30;
	v30 =	vmul.f32 $1.442695020e+00, v48  }
0x296: {  	v56 =	vld [tilespmem:s24+$0xFFFFFEC0];
	v28 =	vadd.f32 v28, v31;
	v31 =	vmul.f32 $1.442695020e+00, v46;
	v57 =	vpop (erf)  }
0x297: {  	v61 =	vmul.f32 $1.442695020e+00, v51;
	v60 =	vld [tilespmem:s24+$0xFFFFFED0];
	v29 =	vadd.f32 v53, v29;
	(erf) = vpow2.f32 v54;
	v59 =	vpop (erf)  }
0x298: {  	v58 =	vld [tilespmem:s25+$0x680];
	v28 =	vadd.f32 v28, v59;
	v62 =	vpop (erf);
	(erf) = vpow2.f32 v31;
	v31 =	vmul.f32 $1.442695020e+00, v52  }
0x299: {  	v63 =	vld [tilespmem:s24+$0x2B0];
	v29 =	vadd.f32 v57, v29;
	(erf) = vpow2.f32 v30;
	v30 =	vpop (erf)  }
0x29a: {  	v40 =	vld [tilespmem:s24+$0xFFFFFEE0];
	v28 =	vadd.f32 v28, v30;
	v30 =	vmul.f32 $1.442695020e+00, v55;
	(erf) = vpow2.f32 v61  }
0x29b: {  	v42 =	vmul.f32 $1.442695020e+00, v56;
	v41 =	vpop (erf);
	(erf) = vpow2.f32 v31  }
0x29c: {  	v43 =	vld [tilespmem:s24+$0x2C0];
	v29 =	vadd.f32 v62, v29;
	v31 =	vpop (erf);
	(erf) = vpow2.f32 v30;
	v30 =	vmul.f32 $1.442695020e+00, v60  }
0x29d: {  	v44 =	vld [tilespmem:s24+$0xFFFFFEF0];
	v28 =	vadd.f32 v28, v31;
	v31 =	vmul.f32 $1.442695020e+00, v58;
	v45 =	vpop (erf)  }
0x29e: {  	v49 =	vmul.f32 $1.442695020e+00, v63;
	v48 =	vld [tilespmem:s24+$0xFFFFFF00];
	v29 =	vadd.f32 v41, v29;
	(erf) = vpow2.f32 v42;
	v47 =	vpop (erf)  }
0x29f: {  	v46 =	vld [tilespmem:s24+$0x2D0];
	v28 =	vadd.f32 v28, v47;
	v50 =	vpop (erf);
	(erf) = vpow2.f32 v31;
	v31 =	vmul.f32 $1.442695020e+00, v40  }
0x2a0: {  	v51 =	vld [tilespmem:s24+$0x2E0];
	v29 =	vadd.f32 v45, v29;
	(erf) = vpow2.f32 v30;
	v30 =	vpop (erf)  }
0x2a1: {  	v52 =	vld [tilespmem:s24+$0xFFFFFF10];
	v28 =	vadd.f32 v28, v30;
	v30 =	vmul.f32 $1.442695020e+00, v43;
	(erf) = vpow2.f32 v49  }
0x2a2: {  	v54 =	vmul.f32 $1.442695020e+00, v44;
	v53 =	vpop (erf);
	(erf) = vpow2.f32 v31  }
0x2a3: {  	v55 =	vld [tilespmem:s24+$0x2F0];
	v29 =	vadd.f32 v50, v29;
	v31 =	vpop (erf);
	(erf) = vpow2.f32 v30;
	v30 =	vmul.f32 $1.442695020e+00, v48  }
0x2a4: {  	v56 =	vld [tilespmem:s25+$0x300];
	v28 =	vadd.f32 v28, v31;
	v31 =	vmul.f32 $1.442695020e+00, v46;
	v57 =	vpop (erf)  }
0x2a5: {  	v61 =	vmul.f32 $1.442695020e+00, v51;
	v60 =	vld [tilespmem:s24+$0xFFFFFF30];
	v29 =	vadd.f32 v53, v29;
	(erf) = vpow2.f32 v54;
	v59 =	vpop (erf)  }
0x2a6: {  	v58 =	vld [tilespmem:s24+$0x300];
	v28 =	vadd.f32 v28, v59;
	v62 =	vpop (erf);
	(erf) = vpow2.f32 v31;
	v31 =	vmul.f32 $1.442695020e+00, v52  }
0x2a7: {  	v63 =	vld [tilespmem:s24+$0x310];
	v29 =	vadd.f32 v57, v29;
	(erf) = vpow2.f32 v30;
	v30 =	vpop (erf)  }
0x2a8: {  	v40 =	vld [tilespmem:s24+$0xFFFFFF40];
	v28 =	vadd.f32 v28, v30;
	v30 =	vmul.f32 $1.442695020e+00, v55;
	(erf) = vpow2.f32 v61  }
0x2a9: {  	v42 =	vmul.f32 $1.442695020e+00, v56;
	v41 =	vpop (erf);
	(erf) = vpow2.f32 v31  }
0x2aa: {  	v43 =	vld [tilespmem:s25+$0x700];
	v29 =	vadd.f32 v62, v29;
	v31 =	vpop (erf);
	(erf) = vpow2.f32 v30;
	v30 =	vmul.f32 $1.442695020e+00, v60  }
0x2ab: {  	v44 =	vld [tilespmem:s24+$0xFFFFFF50];
	v28 =	vadd.f32 v28, v31;
	v31 =	vmul.f32 $1.442695020e+00, v58;
	v45 =	vpop (erf)  }
0x2ac: {  	v49 =	vmul.f32 $1.442695020e+00, v63;
	v48 =	vld [tilespmem:s24+$0xFFFFFF60];
	v29 =	vadd.f32 v41, v29;
	(erf) = vpow2.f32 v42;
	v47 =	vpop (erf)  }
0x2ad: {  	v46 =	vld [tilespmem:s24+$0x330];
	v28 =	vadd.f32 v28, v47;
	v50 =	vpop (erf);
	(erf) = vpow2.f32 v31;
	v31 =	vmul.f32 $1.442695020e+00, v40  }
0x2ae: {  	v51 =	vld [tilespmem:s24+$0x340];
	v29 =	vadd.f32 v45, v29;
	(erf) = vpow2.f32 v30;
	v30 =	vpop (erf)  }
0x2af: {  	v52 =	vld [tilespmem:s24+$0xFFFFFF70];
	v28 =	vadd.f32 v28, v30;
	v30 =	vmul.f32 $1.442695020e+00, v43;
	(erf) = vpow2.f32 v49  }
0x2b0: {  	v54 =	vmul.f32 $1.442695020e+00, v44;
	v53 =	vpop (erf);
	(erf) = vpow2.f32 v31  }
0x2b1: {  	v55 =	vld [tilespmem:s24+$0x350];
	v29 =	vadd.f32 v50, v29;
	v31 =	vpop (erf);
	(erf) = vpow2.f32 v30;
	v30 =	vmul.f32 $1.442695020e+00, v48  }
0x2b2: {  	v56 =	vld [tilespmem:s24+$0xFFFFFF80];
	v28 =	vadd.f32 v28, v31;
	v31 =	vmul.f32 $1.442695020e+00, v46;
	v57 =	vpop (erf)  }
0x2b3: {  	v61 =	vmul.f32 $1.442695020e+00, v51;
	v60 =	vld [tilespmem:s24+$0xFFFFFF90];
	v29 =	vadd.f32 v53, v29;
	(erf) = vpow2.f32 v54;
	v59 =	vpop (erf)  }
0x2b4: {  	v58 =	vld [tilespmem:s24+$0x360];
	v28 =	vadd.f32 v28, v59;
	v62 =	vpop (erf);
	(erf) = vpow2.f32 v31;
	v31 =	vmul.f32 $1.442695020e+00, v52  }
0x2b5: {  	v63 =	vld [tilespmem:s24+$0x370];
	v29 =	vadd.f32 v57, v29;
	(erf) = vpow2.f32 v30;
	v30 =	vpop (erf)  }
0x2b6: {  	v40 =	vld [tilespmem:s25+$0x380];
	v28 =	vadd.f32 v28, v30;
	v30 =	vmul.f32 $1.442695020e+00, v55;
	(erf) = vpow2.f32 v61  }
0x2b7: {  	v42 =	vmul.f32 $1.442695020e+00, v56;
	v41 =	vpop (erf);
	(erf) = vpow2.f32 v31  }
0x2b8: {  	v43 =	vld [tilespmem:s24+$0x380];
	v29 =	vadd.f32 v62, v29;
	v31 =	vpop (erf);
	(erf) = vpow2.f32 v30;
	v30 =	vmul.f32 $1.442695020e+00, v60  }
0x2b9: {  	v44 =	vld [tilespmem:s24+$0xFFFFFFB0];
	v28 =	vadd.f32 v28, v31;
	v31 =	vmul.f32 $1.442695020e+00, v58;
	v45 =	vpop (erf)  }
0x2ba: {  	v49 =	vmul.f32 $1.442695020e+00, v63;
	v48 =	vld [tilespmem:s24+$0xFFFFFFC0];
	v29 =	vadd.f32 v41, v29;
	(erf) = vpow2.f32 v42;
	v47 =	vpop (erf)  }
0x2bb: {  	v46 =	vld [tilespmem:s24+$0x390];
	v28 =	vadd.f32 v28, v47;
	v50 =	vpop (erf);
	(erf) = vpow2.f32 v31;
	v31 =	vmul.f32 $1.442695020e+00, v40  }
0x2bc: {  	v29 =	vadd.f32 v45, v29;
	(erf) = vpow2.f32 v30;
	v30 =	vpop (erf)  }
0x2bd: {  	v23 =	vld [tilespmem:s24+$0x3E0];
	v28 =	vadd.f32 v28, v30;
	v30 =	vmul.f32 $1.442695020e+00, v43;
	(erf) = vpow2.f32 v49  }
0x2be: {  	v51 =	vld [tilespmem:s25+$0x780];
	v54 =	vmul.f32 $1.442695020e+00, v44;
	v53 =	vpop (erf);
	(erf) = vpow2.f32 v31  }
0x2bf: {  	v52 =	vld [tilespmem:s24+$0xFFFFFFD0];
	v29 =	vadd.f32 v50, v29;
	v31 =	vpop (erf);
	(erf) = vpow2.f32 v30;
	v30 =	vmul.f32 $1.442695020e+00, v48  }
0x2c0: {  	v24 =	vld [tilespmem:s24+$0x3D0];
	v28 =	vadd.f32 v28, v31;
	v31 =	vmul.f32 $1.442695020e+00, v46;
	v56 =	vpop (erf)  }
0x2c1: {  	v27 =	vld [tilespmem:s24+$0xFFFFFFE0];
	v29 =	vadd.f32 v53, v29;
	(erf) = vpow2.f32 v54;
	v58 =	vpop (erf)  }
0x2c2: {  	v22 =	vld [tilespmem:s24+$0x3B0];
	v28 =	vadd.f32 v28, v58;
	v60 =	vpop (erf);
	(erf) = vpow2.f32 v31  }
0x2c3: {  	v25 =	vld [tilespmem:s24+$0xFFFFFFF0];
	v59 =	vmul.f32 $1.442695020e+00, v51;
	v29 =	vadd.f32 v56, v29;
	(erf) = vpow2.f32 v30;
	v30 =	vpop (erf)  }
0x2c4: {  	v26 =	vld [tilespmem:s24+$0x3C0];
	s25 =	simm.s32 $0xBB0;
	v31 =	vmul.f32 $1.442695020e+00, v52;
	v28 =	vadd.f32 v28, v30  }
0x2c5: {  	v39 =	vld [tilespmem:s25+$0x60];
	v29 =	vadd.f32 v60, v29;
	(erf) = vpow2.f32 v59  }
0x2c6: {  	v32 =	vld [tilespmem:s25+$0xFFFFFC60];
	v30 =	vpop (erf);
	(erf) = vpow2.f32 v31;
	v31 =	vmul.f32 $1.442695020e+00, v27  }
0x2c7: {  	v44 =	vld [tilespmem:s25+$0xFFFFFC90];
	v61 =	vmul.f32 $1.442695020e+00, v22;
	v29 =	vadd.f32 v30, v29;
	v30 =	vpop (erf)  }
0x2c8: {  	v41 =	vld [tilespmem:s25+$0xFFFFFCC0];
	v30 =	vadd.f32 v28, v30;
	v28 =	vpop (erf)  }
0x2c9: {  	v57 =	vld [tilespmem:s25+$0xFFFFFCB0];
	(erf) = vpow2.f32 v61;
	v29 =	vadd.f32 v28, v29;
	v62 =	vpop (erf)  }
0x2ca: {  	v55 =	vld [tilespmem:s25+$0x90];
	(erf) = vpow2.f32 v31;
	v30 =	vadd.f32 v30, v62;
	v31 =	vpop (erf)  }
0x2cb: {  	v26 =	vmul.f32 $1.442695020e+00, v26;
	v42 =	vld [tilespmem:s25+$0x80];
	v31 =	vadd.f32 v31, v29  }
0x2cc: {  	v25 =	vmul.f32 $1.442695020e+00, v25;
	v24 =	vmul.f32 $1.442695020e+00, v24;
	v40 =	vld [tilespmem:s25+$0xFFFFFC80]  }
0x2cd: {  	v33 =	vmul.f32 $1.442695020e+00, v41;
	v41 =	vld [tilespmem:s25+$0x0];
	(erf) = vpow2.f32 v26;
	v29 =	vpop (erf)  }
0x2ce: {  	v43 =	vld [tilespmem:s25+$0x70];
	(erf) = vpow2.f32 v25;
	v25 =	vadd.f32 v30, v29;
	v30 =	vpop (erf)  }
0x2cf: {  	v27 =	vld [tilespmem:s25+$0x50];
	(erf) = vpow2.f32 v24;
	v24 =	vadd.f32 v30, v31;
	v31 =	vpop (erf)  }
0x2d0: {  	v23 =	vmul.f32 $1.442695020e+00, v23;
	v28 =	vld [tilespmem:s25+$0xFFFFFC70];
	v25 =	vadd.f32 v25, v31  }
0x2d1: {  	v26 =	vld [tilespmem:s25+$0x40]  }
0x2d2: {  	v22 =	vimm.f32 $0.0e+00;
	v38 =	vmul.f32 $1.442695020e+00, v44;
	v29 =	vld [tilespmem:s25+$0xFFFFFC40];
	(erf) = vpow2.f32 v23;
	v63 =	vpop (erf)  }
0x2d3: {  	v35 =	vmul.f32 $1.442695020e+00, v57;
	v34 =	vmul.f32 $1.442695020e+00, v55;
	v31 =	vld [tilespmem:s25+$0xFFFFFC20];
	v23 =	vadd.f32 v63, v24;
	v24 =	vpop (erf)  }
0x2d4: {  	s26 =	simm.s32 $0x5;
	s28 =	simm.s32 $0x0;
	s24 =	simm.s32 $0x3;
	v36 =	vmul.f32 $1.442695020e+00, v42;
	v37 =	vmul.f32 $1.442695020e+00, v43;
	v30 =	vld [tilespmem:s25+$0x10];
	v24 =	vadd.f32 v25, v24;
	v25 =	vpop (erf)  }
.LBB2_8:
0x2d5: {  	p1 =	sne.s32 s26, $0xF;
	v40 =	vmul.f32 $1.442695020e+00, v40;
	v39 =	vmul.f32 $1.442695020e+00, v39;
	v23 =	vadd.f32 v25, v23;
	s28 =	sadd.s32 $0x7D0, s28;
	v25 =	vpop (erf)  }
0x2d6: {  	v28 =	vmul.f32 $1.442695020e+00, v28;
	v27 =	vmul.f32 $1.442695020e+00, v27;
	v42 =	vld [tilespmem:s25+$0xFFFFFC30];
	s29 =	sand.u32 $0x3FF0, s28;
	v24 =	vadd.f32 v24, v25;
	v25 =	vpop (erf)  }
0x2d7: {  	v32 =	vmul.f32 $1.442695020e+00, v32;
	v26 =	vmul.f32 $1.442695020e+00, v26;
	v43 =	vld [tilespmem:s29+$0x400];
	v23 =	vadd.f32 v25, v23;
	v25 =	vpop (erf)  }
0x2d8: {  	v29 =	vmul.f32 $1.442695020e+00, v29;
	v31 =	vmul.f32 $1.442695020e+00, v31;
	v24 =	vadd.f32 v24, v25;
	v25 =	vpop (erf)  }
0x2d9: {  	v30 =	vmul.f32 $1.442695020e+00, v30;
	v41 =	vmul.f32 $1.442695020e+00, v41;
	v45 =	vadd.f32 v25, v23;
	v25 =	vpop (erf)  }
0x2da: {  	v21 =	vnsel vm0, $0x0, v21;
	v44 =	vld [tilespmem:s25+$0xFFFFFC50];
	(erf) = vpow2.f32 v31;
	v24 =	vadd.f32 v24, v25  }
0x2db: {  	v25 =	vmul.f32 $1.442695020e+00, v42;
	v31 =	vld [tilespmem:s25+$0x30];
	(erf) = vpow2.f32 v41;
	v21 =	vadd.f32 v21, v45;
	v23 =	vpop (erf)  }
0x2dc: {  	v41 =	vmul.f32 $1.442695020e+00, v43;
	(erf) = vpow2.f32 v28;
	v23 =	vadd.f32 v24, v23  }
0x2dd: {  	(erf) = vpow2.f32 v25;
	v24 =	vperm.xlane v21, v17;
	v25 =	vmov s23  }
0x2de: {  	v28 =	vld [tilespmem:s29+$0x480];
	(erf) = vpow2.f32 v30;
	vm1 =	veq.s32 v25, v0;
	v25 =	vperm.xlane v23, v17  }
0x2df: {  	v30 =	vmul.f32 $1.442695020e+00, v44;
	v42 =	vld [tilespmem:s29+$0x80];
	(erf) = vpow2.f32 v29;
	v21 =	vadd.f32 v24, v21  }
0x2e0: {  	s30 =	sadd.s32 $0xFFFFFFFF, s23;
	s23 =	smov.u32 s24;
	s24 =	smov.u32 s26;
	v24 =	vmul.f32 $1.442695020e+00, v31;
	(erf) = vpow2.f32 v41;
	v25 =	vadd.f32 v25, v23  }
0x2e1: {  	v23 =	vmov s30;
	(erf) = vpow2.f32 v30;
	v29 =	vperm.xlane v21, v18  }
0x2e2: {  	vm2 =	veq.s32 v23, v0;
	(erf) = vpow2.f32 v24;
	v24 =	vperm.xlane v25, v18  }
0x2e3: {  	v30 =	vmul.f32 $1.442695020e+00, v28;
	v28 =	vpop (erf);
	(erf) = vpow2.f32 v32;
	v29 =	vadd.f32 v29, v21  }
0x2e4: {  	v31 =	vmul.f32 $1.442695020e+00, v42;
	v23 =	vld [tilespmem:s25+$0x3E0];
	v21 =	vpop (erf);
	(erf) = vpow2.f32 v26;
	v32 =	vadd.f32 v24, v25  }
0x2e5: {  	v26 =	vadd.f32 $0.0e+00, v28;
	v28 =	vsel vm0, $0x0, v21;
	v24 =	vld [tilespmem:s25+$0x3D0];
	v41 =	vpop (erf);
	v42 =	vperm.xlane v29, v19  }
0x2e6: {  	v25 =	vld [tilespmem:s25+$0xFFFFFFF0];
	v45 =	vadd.f32 $0.0e+00, v28;
	v43 =	vpop (erf);
	(erf) = vpow2.f32 v27;
	v44 =	vperm.xlane v32, v19  }
0x2e7: {  	v43 =	vadd.f32 v43, v26;
	v26 =	vld [tilespmem:s25+$0x3C0];
	(erf) = vpow2.f32 v40;
	v40 =	vpop (erf);
	v29 =	vadd.f32 v42, v29  }
0x2e8: {  	v27 =	vld [tilespmem:s25+$0xFFFFFFE0];
	v45 =	vadd.f32 v45, v40;
	v28 =	vpop (erf);
	(erf) = vpow2.f32 v39;
	v32 =	vadd.f32 v44, v32  }
0x2e9: {  	v39 =	vadd.f32 v28, v43;
	v28 =	vld [tilespmem:s25+$0x3B0];
	(erf) = vpow2.f32 v38;
	v38 =	vpop (erf);
	v42 =	vperm.xlane v29, v20  }
0x2ea: {  	v43 =	vld [tilespmem:s25+$0xFFFFFCD0];
	v44 =	vadd.f32 v45, v38;
	v40 =	vpop (erf);
	(erf) = vpow2.f32 v37;
	v37 =	vperm.xlane v32, v20  }
0x2eb: {  	v39 =	vadd.f32 v40, v39;
	v40 =	vld [tilespmem:s25+$0xB0];
	(erf) = vpow2.f32 v31;
	v31 =	vpop (erf);
	v29 =	vadd.f32 v42, v29  }
0x2ec: {  	v42 =	vld [tilespmem:s25+$0xFFFFFCE0];
	v31 =	vadd.f32 v44, v31;
	v38 =	vpop (erf);
	(erf) = vpow2.f32 v36;
	v32 =	vadd.f32 v37, v32  }
0x2ed: {  	v36 =	vadd.f32 v38, v39;
	v37 =	vld [tilespmem:s25+$0xC0];
	(erf) = vpow2.f32 v35;
	v35 =	vpop (erf);
	v22 =	vsel vm2, v29, v22  }
0x2ee: {  	v29 =	vld [tilespmem:s25+$0xFFFFFCF0];
	v31 =	vadd.f32 v31, v35;
	(erf) = vpow2.f32 v34;
	v22 =	vsel vm1, v32, v22  }
0x2ef: {  	v32 =	vadd.f32 v41, v36;
	v39 =	vmul.f32 $1.442695020e+00, v43;
	v35 =	vld [tilespmem:s25+$0xD0];
	(erf) = vpow2.f32 v33;
	v33 =	vpop (erf)  }
0x2f0: {  	v36 =	vld [tilespmem:s25+$0xFFFFFD00];
	v31 =	vadd.f32 v31, v33;
	v33 =	vmul.f32 $1.442695020e+00, v40;
	v38 =	vpop (erf);
	(erf) = vpow2.f32 v30  }
0x2f1: {  	v30 =	vadd.f32 v38, v32;
	v40 =	vmul.f32 $1.442695020e+00, v42;
	v38 =	vld [tilespmem:s25+$0xE0];
	(erf) = vpow2.f32 v39;
	v34 =	vpop (erf)  }
0x2f2: {  	v39 =	vld [tilespmem:s25+$0xFFFFFD10];
	v31 =	vadd.f32 v31, v34;
	v34 =	vmul.f32 $1.442695020e+00, v37;
	v37 =	vpop (erf);
	(erf) = vpow2.f32 v33  }
0x2f3: {  	v30 =	vadd.f32 v37, v30;
	v41 =	vmul.f32 $1.442695020e+00, v29;
	v33 =	vld [tilespmem:s25+$0xF0];
	(erf) = vpow2.f32 v40;
	v32 =	vpop (erf)  }
0x2f4: {  	v37 =	vld [tilespmem:s29+$0x100];
	v31 =	vadd.f32 v31, v32;
	v32 =	vmul.f32 $1.442695020e+00, v35;
	v35 =	vpop (erf);
	(erf) = vpow2.f32 v34  }
0x2f5: {  	v30 =	vadd.f32 v35, v30;
	v40 =	vmul.f32 $1.442695020e+00, v36;
	v35 =	vld [tilespmem:s25+$0x100];
	(erf) = vpow2.f32 v41;
	v29 =	vpop (erf)  }
0x2f6: {  	v36 =	vld [tilespmem:s25+$0xFFFFFD30];
	v29 =	vadd.f32 v31, v29;
	v31 =	vmul.f32 $1.442695020e+00, v38;
	v38 =	vpop (erf);
	(erf) = vpow2.f32 v32  }
0x2f7: {  	v30 =	vadd.f32 v38, v30;
	v41 =	vmul.f32 $1.442695020e+00, v39;
	v38 =	vld [tilespmem:s25+$0x110];
	(erf) = vpow2.f32 v40;
	v34 =	vpop (erf)  }
0x2f8: {  	v39 =	vld [tilespmem:s25+$0xFFFFFD40];
	v29 =	vadd.f32 v29, v34;
	v33 =	vmul.f32 $1.442695020e+00, v33;
	v34 =	vpop (erf);
	(erf) = vpow2.f32 v31  }
0x2f9: {  	v30 =	vadd.f32 v34, v30;
	v40 =	vmul.f32 $1.442695020e+00, v37;
	v34 =	vld [tilespmem:s29+$0x500];
	(erf) = vpow2.f32 v41;
	v32 =	vpop (erf)  }
0x2fa: {  	v37 =	vld [tilespmem:s25+$0xFFFFFD50];
	v29 =	vadd.f32 v29, v32;
	v32 =	vmul.f32 $1.442695020e+00, v35;
	v35 =	vpop (erf);
	(erf) = vpow2.f32 v33  }
0x2fb: {  	v30 =	vadd.f32 v35, v30;
	v41 =	vmul.f32 $1.442695020e+00, v36;
	v35 =	vld [tilespmem:s25+$0x130];
	(erf) = vpow2.f32 v40;
	v31 =	vpop (erf)  }
0x2fc: {  	v36 =	vld [tilespmem:s25+$0xFFFFFD60];
	v29 =	vadd.f32 v29, v31;
	v31 =	vmul.f32 $1.442695020e+00, v38;
	v38 =	vpop (erf);
	(erf) = vpow2.f32 v32  }
0x2fd: {  	v30 =	vadd.f32 v38, v30;
	v40 =	vmul.f32 $1.442695020e+00, v39;
	v38 =	vld [tilespmem:s25+$0x140];
	(erf) = vpow2.f32 v41;
	v33 =	vpop (erf)  }
0x2fe: {  	v39 =	vld [tilespmem:s25+$0xFFFFFD70];
	v29 =	vadd.f32 v29, v33;
	v33 =	vmul.f32 $1.442695020e+00, v34;
	v34 =	vpop (erf);
	(erf) = vpow2.f32 v31  }
0x2ff: {  	v30 =	vadd.f32 v34, v30;
	v41 =	vmul.f32 $1.442695020e+00, v37;
	v34 =	vld [tilespmem:s25+$0x150];
	(erf) = vpow2.f32 v40;
	v32 =	vpop (erf)  }
0x300: {  	v37 =	vld [tilespmem:s25+$0xFFFFFD80];
	v29 =	vadd.f32 v29, v32;
	v32 =	vmul.f32 $1.442695020e+00, v35;
	v35 =	vpop (erf);
	(erf) = vpow2.f32 v33  }
0x301: {  	v30 =	vadd.f32 v35, v30;
	v40 =	vmul.f32 $1.442695020e+00, v36;
	v35 =	vld [tilespmem:s25+$0x160];
	(erf) = vpow2.f32 v41;
	v31 =	vpop (erf)  }
0x302: {  	v36 =	vld [tilespmem:s25+$0xFFFFFD90];
	v29 =	vadd.f32 v29, v31;
	v31 =	vmul.f32 $1.442695020e+00, v38;
	v38 =	vpop (erf);
	(erf) = vpow2.f32 v32  }
0x303: {  	v30 =	vadd.f32 v38, v30;
	v41 =	vmul.f32 $1.442695020e+00, v39;
	v38 =	vld [tilespmem:s25+$0x170];
	(erf) = vpow2.f32 v40;
	v33 =	vpop (erf)  }
0x304: {  	v39 =	vld [tilespmem:s29+$0x180];
	v29 =	vadd.f32 v29, v33;
	v33 =	vmul.f32 $1.442695020e+00, v34;
	v34 =	vpop (erf);
	(erf) = vpow2.f32 v31  }
0x305: {  	v30 =	vadd.f32 v34, v30;
	v40 =	vmul.f32 $1.442695020e+00, v37;
	v34 =	vld [tilespmem:s25+$0x180];
	(erf) = vpow2.f32 v41;
	v32 =	vpop (erf)  }
0x306: {  	v37 =	vld [tilespmem:s25+$0xFFFFFDB0];
	v29 =	vadd.f32 v29, v32;
	v32 =	vmul.f32 $1.442695020e+00, v35;
	v35 =	vpop (erf);
	(erf) = vpow2.f32 v33  }
0x307: {  	v30 =	vadd.f32 v35, v30;
	v41 =	vmul.f32 $1.442695020e+00, v36;
	v35 =	vld [tilespmem:s25+$0x190];
	(erf) = vpow2.f32 v40;
	v31 =	vpop (erf)  }
0x308: {  	v36 =	vld [tilespmem:s25+$0xFFFFFDC0];
	v29 =	vadd.f32 v29, v31;
	v31 =	vmul.f32 $1.442695020e+00, v38;
	v38 =	vpop (erf);
	(erf) = vpow2.f32 v32  }
0x309: {  	v30 =	vadd.f32 v38, v30;
	v40 =	vmul.f32 $1.442695020e+00, v39;
	v38 =	vld [tilespmem:s29+$0x580];
	(erf) = vpow2.f32 v41;
	v33 =	vpop (erf)  }
0x30a: {  	v39 =	vld [tilespmem:s25+$0xFFFFFDD0];
	v29 =	vadd.f32 v29, v33;
	v33 =	vmul.f32 $1.442695020e+00, v34;
	v34 =	vpop (erf);
	(erf) = vpow2.f32 v31  }
0x30b: {  	v30 =	vadd.f32 v34, v30;
	v41 =	vmul.f32 $1.442695020e+00, v37;
	v34 =	vld [tilespmem:s25+$0x1B0];
	(erf) = vpow2.f32 v40;
	v32 =	vpop (erf)  }
0x30c: {  	v37 =	vld [tilespmem:s25+$0xFFFFFDE0];
	v29 =	vadd.f32 v29, v32;
	v32 =	vmul.f32 $1.442695020e+00, v35;
	v35 =	vpop (erf);
	(erf) = vpow2.f32 v33  }
0x30d: {  	v30 =	vadd.f32 v35, v30;
	v40 =	vmul.f32 $1.442695020e+00, v36;
	v35 =	vld [tilespmem:s25+$0x1C0];
	(erf) = vpow2.f32 v41;
	v31 =	vpop (erf)  }
0x30e: {  	v36 =	vld [tilespmem:s25+$0xFFFFFDF0];
	v29 =	vadd.f32 v29, v31;
	v31 =	vmul.f32 $1.442695020e+00, v38;
	v38 =	vpop (erf);
	(erf) = vpow2.f32 v32  }
0x30f: {  	v30 =	vadd.f32 v38, v30;
	v41 =	vmul.f32 $1.442695020e+00, v39;
	v38 =	vld [tilespmem:s25+$0x1D0];
	(erf) = vpow2.f32 v40;
	v33 =	vpop (erf)  }
0x310: {  	v39 =	vld [tilespmem:s25+$0xFFFFFE00];
	v29 =	vadd.f32 v29, v33;
	v33 =	vmul.f32 $1.442695020e+00, v34;
	v34 =	vpop (erf);
	(erf) = vpow2.f32 v31  }
0x311: {  	v30 =	vadd.f32 v34, v30;
	v40 =	vmul.f32 $1.442695020e+00, v37;
	v34 =	vld [tilespmem:s25+$0x1E0];
	(erf) = vpow2.f32 v41;
	v32 =	vpop (erf)  }
0x312: {  	v37 =	vld [tilespmem:s25+$0xFFFFFE10];
	v29 =	vadd.f32 v29, v32;
	v32 =	vmul.f32 $1.442695020e+00, v35;
	v35 =	vpop (erf);
	(erf) = vpow2.f32 v33  }
0x313: {  	v30 =	vadd.f32 v35, v30;
	v41 =	vmul.f32 $1.442695020e+00, v36;
	v35 =	vld [tilespmem:s25+$0x1F0];
	(erf) = vpow2.f32 v40;
	v31 =	vpop (erf)  }
0x314: {  	v36 =	vld [tilespmem:s29+$0x200];
	v29 =	vadd.f32 v29, v31;
	v31 =	vmul.f32 $1.442695020e+00, v38;
	v38 =	vpop (erf);
	(erf) = vpow2.f32 v32  }
0x315: {  	v30 =	vadd.f32 v38, v30;
	v40 =	vmul.f32 $1.442695020e+00, v39;
	v38 =	vld [tilespmem:s25+$0x200];
	(erf) = vpow2.f32 v41;
	v33 =	vpop (erf)  }
0x316: {  	v39 =	vld [tilespmem:s25+$0xFFFFFE30];
	v29 =	vadd.f32 v29, v33;
	v33 =	vmul.f32 $1.442695020e+00, v34;
	v34 =	vpop (erf);
	(erf) = vpow2.f32 v31  }
0x317: {  	v30 =	vadd.f32 v34, v30;
	v41 =	vmul.f32 $1.442695020e+00, v37;
	v34 =	vld [tilespmem:s25+$0x210];
	(erf) = vpow2.f32 v40;
	v32 =	vpop (erf)  }
0x318: {  	v37 =	vld [tilespmem:s25+$0xFFFFFE40];
	v29 =	vadd.f32 v29, v32;
	v32 =	vmul.f32 $1.442695020e+00, v35;
	v35 =	vpop (erf);
	(erf) = vpow2.f32 v33  }
0x319: {  	v30 =	vadd.f32 v35, v30;
	v40 =	vmul.f32 $1.442695020e+00, v36;
	v35 =	vld [tilespmem:s29+$0x600];
	(erf) = vpow2.f32 v41;
	v31 =	vpop (erf)  }
0x31a: {  	v36 =	vld [tilespmem:s25+$0xFFFFFE50];
	v29 =	vadd.f32 v29, v31;
	v31 =	vmul.f32 $1.442695020e+00, v38;
	v38 =	vpop (erf);
	(erf) = vpow2.f32 v32  }
0x31b: {  	v30 =	vadd.f32 v38, v30;
	v41 =	vmul.f32 $1.442695020e+00, v39;
	v38 =	vld [tilespmem:s25+$0x230];
	(erf) = vpow2.f32 v40;
	v33 =	vpop (erf)  }
0x31c: {  	v39 =	vld [tilespmem:s25+$0xFFFFFE60];
	v29 =	vadd.f32 v29, v33;
	v33 =	vmul.f32 $1.442695020e+00, v34;
	v34 =	vpop (erf);
	(erf) = vpow2.f32 v31  }
0x31d: {  	v30 =	vadd.f32 v34, v30;
	v40 =	vmul.f32 $1.442695020e+00, v37;
	v34 =	vld [tilespmem:s25+$0x240];
	(erf) = vpow2.f32 v41;
	v32 =	vpop (erf)  }
0x31e: {  	v37 =	vld [tilespmem:s25+$0xFFFFFE70];
	v29 =	vadd.f32 v29, v32;
	v32 =	vmul.f32 $1.442695020e+00, v35;
	v35 =	vpop (erf);
	(erf) = vpow2.f32 v33  }
0x31f: {  	v30 =	vadd.f32 v35, v30;
	v41 =	vmul.f32 $1.442695020e+00, v36;
	v35 =	vld [tilespmem:s25+$0x250];
	(erf) = vpow2.f32 v40;
	v31 =	vpop (erf)  }
0x320: {  	v36 =	vld [tilespmem:s25+$0xFFFFFE80];
	v29 =	vadd.f32 v29, v31;
	v31 =	vmul.f32 $1.442695020e+00, v38;
	v38 =	vpop (erf);
	(erf) = vpow2.f32 v32  }
0x321: {  	v30 =	vadd.f32 v38, v30;
	v40 =	vmul.f32 $1.442695020e+00, v39;
	v38 =	vld [tilespmem:s25+$0x260];
	(erf) = vpow2.f32 v41;
	v33 =	vpop (erf)  }
0x322: {  	v39 =	vld [tilespmem:s25+$0xFFFFFE90];
	v29 =	vadd.f32 v29, v33;
	v33 =	vmul.f32 $1.442695020e+00, v34;
	v34 =	vpop (erf);
	(erf) = vpow2.f32 v31  }
0x323: {  	v30 =	vadd.f32 v34, v30;
	v41 =	vmul.f32 $1.442695020e+00, v37;
	v34 =	vld [tilespmem:s25+$0x270];
	(erf) = vpow2.f32 v40;
	v32 =	vpop (erf)  }
0x324: {  	v37 =	vld [tilespmem:s29+$0x280];
	v29 =	vadd.f32 v29, v32;
	v32 =	vmul.f32 $1.442695020e+00, v35;
	v35 =	vpop (erf);
	(erf) = vpow2.f32 v33  }
0x325: {  	v30 =	vadd.f32 v35, v30;
	v40 =	vmul.f32 $1.442695020e+00, v36;
	v35 =	vld [tilespmem:s25+$0x280];
	(erf) = vpow2.f32 v41;
	v31 =	vpop (erf)  }
0x326: {  	v36 =	vld [tilespmem:s25+$0xFFFFFEB0];
	v29 =	vadd.f32 v29, v31;
	v31 =	vmul.f32 $1.442695020e+00, v38;
	v38 =	vpop (erf);
	(erf) = vpow2.f32 v32  }
0x327: {  	v30 =	vadd.f32 v38, v30;
	v41 =	vmul.f32 $1.442695020e+00, v39;
	v38 =	vld [tilespmem:s25+$0x290];
	(erf) = vpow2.f32 v40;
	v33 =	vpop (erf)  }
0x328: {  	v39 =	vld [tilespmem:s25+$0xFFFFFEC0];
	v29 =	vadd.f32 v29, v33;
	v33 =	vmul.f32 $1.442695020e+00, v34;
	v34 =	vpop (erf);
	(erf) = vpow2.f32 v31  }
0x329: {  	v30 =	vadd.f32 v34, v30;
	v40 =	vmul.f32 $1.442695020e+00, v37;
	v34 =	vld [tilespmem:s29+$0x680];
	(erf) = vpow2.f32 v41;
	v32 =	vpop (erf)  }
0x32a: {  	v37 =	vld [tilespmem:s25+$0xFFFFFED0];
	v29 =	vadd.f32 v29, v32;
	v32 =	vmul.f32 $1.442695020e+00, v35;
	v35 =	vpop (erf);
	(erf) = vpow2.f32 v33  }
0x32b: {  	v30 =	vadd.f32 v35, v30;
	v41 =	vmul.f32 $1.442695020e+00, v36;
	v35 =	vld [tilespmem:s25+$0x2B0];
	(erf) = vpow2.f32 v40;
	v31 =	vpop (erf)  }
0x32c: {  	v36 =	vld [tilespmem:s25+$0xFFFFFEE0];
	v29 =	vadd.f32 v29, v31;
	v31 =	vmul.f32 $1.442695020e+00, v38;
	v38 =	vpop (erf);
	(erf) = vpow2.f32 v32  }
0x32d: {  	v30 =	vadd.f32 v38, v30;
	v40 =	vmul.f32 $1.442695020e+00, v39;
	v38 =	vld [tilespmem:s25+$0x2C0];
	(erf) = vpow2.f32 v41;
	v33 =	vpop (erf)  }
0x32e: {  	v39 =	vld [tilespmem:s25+$0xFFFFFEF0];
	v29 =	vadd.f32 v29, v33;
	v33 =	vmul.f32 $1.442695020e+00, v34;
	v34 =	vpop (erf);
	(erf) = vpow2.f32 v31  }
0x32f: {  	v30 =	vadd.f32 v34, v30;
	v41 =	vmul.f32 $1.442695020e+00, v37;
	v34 =	vld [tilespmem:s25+$0x2D0];
	(erf) = vpow2.f32 v40;
	v32 =	vpop (erf)  }
0x330: {  	v37 =	vld [tilespmem:s25+$0xFFFFFF00];
	v29 =	vadd.f32 v29, v32;
	v32 =	vmul.f32 $1.442695020e+00, v35;
	v35 =	vpop (erf);
	(erf) = vpow2.f32 v33  }
0x331: {  	v30 =	vadd.f32 v35, v30;
	v40 =	vmul.f32 $1.442695020e+00, v36;
	v35 =	vld [tilespmem:s25+$0x2E0];
	(erf) = vpow2.f32 v41;
	v31 =	vpop (erf)  }
0x332: {  	v36 =	vld [tilespmem:s25+$0xFFFFFF10];
	v29 =	vadd.f32 v29, v31;
	v31 =	vmul.f32 $1.442695020e+00, v38;
	v38 =	vpop (erf);
	(erf) = vpow2.f32 v32  }
0x333: {  	v30 =	vadd.f32 v38, v30;
	v41 =	vmul.f32 $1.442695020e+00, v39;
	v38 =	vld [tilespmem:s25+$0x2F0];
	(erf) = vpow2.f32 v40;
	v33 =	vpop (erf)  }
0x334: {  	v39 =	vld [tilespmem:s29+$0x300];
	v29 =	vadd.f32 v29, v33;
	v33 =	vmul.f32 $1.442695020e+00, v34;
	v34 =	vpop (erf);
	(erf) = vpow2.f32 v31  }
0x335: {  	v30 =	vadd.f32 v34, v30;
	v40 =	vmul.f32 $1.442695020e+00, v37;
	v34 =	vld [tilespmem:s25+$0x300];
	(erf) = vpow2.f32 v41;
	v32 =	vpop (erf)  }
0x336: {  	v37 =	vld [tilespmem:s25+$0xFFFFFF30];
	v29 =	vadd.f32 v29, v32;
	v32 =	vmul.f32 $1.442695020e+00, v35;
	v35 =	vpop (erf);
	(erf) = vpow2.f32 v33  }
0x337: {  	v30 =	vadd.f32 v35, v30;
	v41 =	vmul.f32 $1.442695020e+00, v36;
	v35 =	vld [tilespmem:s25+$0x310];
	(erf) = vpow2.f32 v40;
	v31 =	vpop (erf)  }
0x338: {  	v36 =	vld [tilespmem:s25+$0xFFFFFF40];
	v29 =	vadd.f32 v29, v31;
	v31 =	vmul.f32 $1.442695020e+00, v38;
	v38 =	vpop (erf);
	(erf) = vpow2.f32 v32  }
0x339: {  	v30 =	vadd.f32 v38, v30;
	v40 =	vmul.f32 $1.442695020e+00, v39;
	v38 =	vld [tilespmem:s29+$0x700];
	(erf) = vpow2.f32 v41;
	v33 =	vpop (erf)  }
0x33a: {  	v39 =	vld [tilespmem:s25+$0xFFFFFF50];
	v29 =	vadd.f32 v29, v33;
	v33 =	vmul.f32 $1.442695020e+00, v34;
	v34 =	vpop (erf);
	(erf) = vpow2.f32 v31  }
0x33b: {  	v30 =	vadd.f32 v34, v30;
	v41 =	vmul.f32 $1.442695020e+00, v37;
	v34 =	vld [tilespmem:s25+$0x330];
	(erf) = vpow2.f32 v40;
	v32 =	vpop (erf)  }
0x33c: {  	v37 =	vld [tilespmem:s25+$0xFFFFFF60];
	v29 =	vadd.f32 v29, v32;
	v32 =	vmul.f32 $1.442695020e+00, v35;
	v35 =	vpop (erf);
	(erf) = vpow2.f32 v33  }
0x33d: {  	v30 =	vadd.f32 v35, v30;
	v40 =	vmul.f32 $1.442695020e+00, v36;
	v35 =	vld [tilespmem:s25+$0x340];
	(erf) = vpow2.f32 v41;
	v31 =	vpop (erf)  }
0x33e: {  	v36 =	vld [tilespmem:s25+$0xFFFFFF70];
	v29 =	vadd.f32 v29, v31;
	v31 =	vmul.f32 $1.442695020e+00, v38;
	v38 =	vpop (erf);
	(erf) = vpow2.f32 v32  }
0x33f: {  	v30 =	vadd.f32 v38, v30;
	v41 =	vmul.f32 $1.442695020e+00, v39;
	v38 =	vld [tilespmem:s25+$0x350];
	(erf) = vpow2.f32 v40;
	v33 =	vpop (erf)  }
0x340: {  	v39 =	vld [tilespmem:s25+$0xFFFFFF80];
	v29 =	vadd.f32 v29, v33;
	v33 =	vmul.f32 $1.442695020e+00, v34;
	v34 =	vpop (erf);
	(erf) = vpow2.f32 v31  }
0x341: {  	v30 =	vadd.f32 v34, v30;
	v40 =	vmul.f32 $1.442695020e+00, v37;
	v34 =	vld [tilespmem:s25+$0x360];
	(erf) = vpow2.f32 v41;
	v32 =	vpop (erf)  }
0x342: {  	v37 =	vld [tilespmem:s25+$0xFFFFFF90];
	v29 =	vadd.f32 v29, v32;
	v32 =	vmul.f32 $1.442695020e+00, v35;
	v35 =	vpop (erf);
	(erf) = vpow2.f32 v33  }
0x343: {  	v30 =	vadd.f32 v35, v30;
	v41 =	vmul.f32 $1.442695020e+00, v36;
	v35 =	vld [tilespmem:s25+$0x370];
	(erf) = vpow2.f32 v40;
	v31 =	vpop (erf)  }
0x344: {  	v36 =	vld [tilespmem:s29+$0x380];
	v29 =	vadd.f32 v29, v31;
	v31 =	vmul.f32 $1.442695020e+00, v38;
	v38 =	vpop (erf);
	(erf) = vpow2.f32 v32  }
0x345: {  	v30 =	vadd.f32 v38, v30;
	v40 =	vmul.f32 $1.442695020e+00, v39;
	v38 =	vld [tilespmem:s25+$0x380];
	(erf) = vpow2.f32 v41;
	v33 =	vpop (erf)  }
0x346: {  	v39 =	vld [tilespmem:s25+$0xFFFFFFB0];
	v29 =	vadd.f32 v29, v33;
	v33 =	vmul.f32 $1.442695020e+00, v34;
	v34 =	vpop (erf);
	(erf) = vpow2.f32 v31  }
0x347: {  	v30 =	vadd.f32 v34, v30;
	v41 =	vmul.f32 $1.442695020e+00, v37;
	v34 =	vld [tilespmem:s25+$0x390];
	(erf) = vpow2.f32 v40;
	v32 =	vpop (erf)  }
0x348: {  	v37 =	vld [tilespmem:s25+$0xFFFFFFC0];
	v29 =	vadd.f32 v29, v32;
	v32 =	vmul.f32 $1.442695020e+00, v35;
	v35 =	vpop (erf);
	(erf) = vpow2.f32 v33  }
0x349: {  	v30 =	vadd.f32 v35, v30;
	v40 =	vmul.f32 $1.442695020e+00, v36;
	v35 =	vld [tilespmem:s29+$0x780];
	(erf) = vpow2.f32 v41;
	v31 =	vpop (erf)  }
0x34a: {  	v36 =	vld [tilespmem:s25+$0xFFFFFFD0];
	v29 =	vadd.f32 v29, v31;
	v31 =	vmul.f32 $1.442695020e+00, v38;
	s25 =	sadd.s32 $0x7D0, s25;
	v38 =	vpop (erf);
	(erf) = vpow2.f32 v32  }
0x34b: {  	v41 =	vld [tilespmem:s25+$0xFFFFFCC0];
	v30 =	vadd.f32 v38, v30;
	v39 =	vmul.f32 $1.442695020e+00, v39;
	(erf) = vpow2.f32 v40;
	v33 =	vpop (erf)  }
0x34c: {  	v38 =	vld [tilespmem:s25+$0x90];
	v29 =	vadd.f32 v29, v33;
	v33 =	vmul.f32 $1.442695020e+00, v34;
	v34 =	vpop (erf);
	(erf) = vpow2.f32 v31  }
0x34d: {  	v42 =	vld [tilespmem:s25+$0xFFFFFCB0];
	v30 =	vadd.f32 v34, v30;
	v40 =	vmul.f32 $1.442695020e+00, v37;
	(erf) = vpow2.f32 v39;
	v32 =	vpop (erf)  }
0x34e: {  	v37 =	vld [tilespmem:s25+$0x80];
	v29 =	vadd.f32 v29, v32;
	v32 =	vmul.f32 $1.442695020e+00, v35;
	v34 =	vpop (erf);
	(erf) = vpow2.f32 v33  }
0x34f: {  	v43 =	vld [tilespmem:s25+$0x70];
	v30 =	vadd.f32 v34, v30;
	v33 =	vmul.f32 $1.442695020e+00, v36;
	(erf) = vpow2.f32 v40;
	v31 =	vpop (erf)  }
0x350: {  	v28 =	vmul.f32 $1.442695020e+00, v28;
	v44 =	vld [tilespmem:s25+$0xFFFFFC90];
	v29 =	vadd.f32 v29, v31;
	v31 =	vpop (erf);
	(erf) = vpow2.f32 v32  }
0x351: {  	v34 =	vmul.f32 $1.442695020e+00, v27;
	v39 =	vld [tilespmem:s25+$0x60];
	v30 =	vadd.f32 v31, v30;
	(erf) = vpow2.f32 v33;
	v27 =	vpop (erf)  }
0x352: {  	v26 =	vmul.f32 $1.442695020e+00, v26;
	v40 =	vld [tilespmem:s25+$0xFFFFFC80];
	v29 =	vadd.f32 v29, v27;
	v32 =	vpop (erf);
	(erf) = vpow2.f32 v28  }
0x353: {  	v27 =	vld [tilespmem:s25+$0x50];
	v30 =	vadd.f32 v32, v30;
	v32 =	vmul.f32 $1.442695020e+00, v25;
	(erf) = vpow2.f32 v34;
	v31 =	vpop (erf)  }
0x354: {  	v24 =	vmul.f32 $1.442695020e+00, v24;
	v28 =	vld [tilespmem:s25+$0xFFFFFC70];
	v29 =	vadd.f32 v29, v31;
	v31 =	vpop (erf);
	(erf) = vpow2.f32 v26  }
0x355: {  	v26 =	vld [tilespmem:s25+$0x40];
	v30 =	vadd.f32 v31, v30;
	(erf) = vpow2.f32 v32;
	v25 =	vpop (erf)  }
.Ltmp6:
0x356: {  	v23 =	vmul.f32 $1.442695020e+00, v23;
	v32 =	vld [tilespmem:s25+$0xFFFFFC60];
	v25 =	vadd.f32 v29, v25;
	v31 =	vpop (erf);
	(erf) = vpow2.f32 v24;
	(pc) =	sbr.rel @p1 .LBB2_8-.Ltmp6, $4  }
0x357: {  	v33 =	vmul.f32 $1.442695020e+00, v41;
	v29 =	vld [tilespmem:s25+$0xFFFFFC40];
	v41 =	vadd.f32 v31, v30;
	v31 =	vpop (erf)  }
0x358: {  	v34 =	vmul.f32 $1.442695020e+00, v38;
	v30 =	vld [tilespmem:s25+$0x10];
	v45 =	vadd.f32 v25, v31;
	v38 =	vpop (erf);
	(erf) = vpow2.f32 v23  }
0x359: {  	v35 =	vmul.f32 $1.442695020e+00, v42;
	v36 =	vmul.f32 $1.442695020e+00, v37;
	v31 =	vld [tilespmem:s25+$0xFFFFFC20];
	v23 =	vadd.f32 v38, v41;
	v24 =	vpop (erf)  }
0x35a: {  	s26 =	sadd.s32 $0x2, s26;
	v37 =	vmul.f32 $1.442695020e+00, v43;
	v38 =	vmul.f32 $1.442695020e+00, v44;
	v41 =	vld [tilespmem:s25+$0x0];
	v24 =	vadd.f32 v45, v24;
	v25 =	vpop (erf)  }
0x35b: {  	_ = 	snop  }
0x35c: {  	v42 =	vld [tilespmem:s25+$0xFFFFFC30]  }
0x35d: {  	s26 =	sadd.s32 $0x7D0, s28  }
0x35e: {  	s26 =	sand.u32 $0x3FF0, s26;
	v31 =	vmul.f32 $1.442695020e+00, v31  }
0x35f: {  	v28 =	vmul.f32 $1.442695020e+00, v28;
	v43 =	vld [tilespmem:s26+$0x400];
	v41 =	vmul.f32 $1.442695020e+00, v41  }
0x360: {  	v44 =	vld [tilespmem:s25+$0xFFFFFC50];
	v30 =	vmul.f32 $1.442695020e+00, v30;
	(erf) = vpow2.f32 v31  }
0x361: {  	v62 =	vld [tilespmem:s25+$0x30];
	v61 =	vmul.f32 $1.442695020e+00, v42;
	(erf) = vpow2.f32 v41  }
0x362: {  	(erf) = vpow2.f32 v28  }
0x363: {  	v63 =	vmul.f32 $1.442695020e+00, v29;
	v28 =	vpop (erf);
	(erf) = vpow2.f32 v61  }
0x364: {  	v43 =	vmul.f32 $1.442695020e+00, v43;
	v29 =	vpop (erf);
	(erf) = vpow2.f32 v30  }
0x365: {  	v44 =	vmul.f32 $1.442695020e+00, v44;
	v30 =	vpop (erf);
	(erf) = vpow2.f32 v63  }
0x366: {  	v47 =	vmul.f32 $1.442695020e+00, v62;
	v31 =	vpop (erf);
	(erf) = vpow2.f32 v43  }
0x367: {  	v48 =	vmul.f32 $1.442695020e+00, v32;
	v32 =	vpop (erf);
	(erf) = vpow2.f32 v44  }
0x368: {  	v49 =	vmul.f32 $1.442695020e+00, v26;
	v26 =	vpop (erf);
	(erf) = vpow2.f32 v47  }
0x369: {  	v50 =	vpop (erf);
	(erf) = vpow2.f32 v48  }
0x36a: {  	v51 =	vmul.f32 $1.442695020e+00, v27;
	v52 =	vld [tilespmem:s26+$0x80];
	v27 =	vpop (erf);
	(erf) = vpow2.f32 v49  }
0x36b: {  	v40 =	vmul.f32 $1.442695020e+00, v40;
	v41 =	vadd.f32 $0.0e+00, v50;
	v53 =	vsel vm0, $0x0, v27;
	v45 =	vpop (erf)  }
0x36c: {  	v39 =	vmul.f32 $1.442695020e+00, v39;
	(erf) = vpow2.f32 v51;
	v43 =	vadd.f32 $0.0e+00, v53;
	v54 =	vpop (erf)  }
0x36d: {  	(erf) = vpow2.f32 v40;
	v41 =	vadd.f32 v54, v41;
	v55 =	vpop (erf)  }
0x36e: {  	(erf) = vpow2.f32 v39;
	v40 =	vadd.f32 v43, v55;
	v56 =	vpop (erf)  }
0x36f: {  	v57 =	vld [tilespmem:s26+$0x480];
	v58 =	vmul.f32 $1.442695020e+00, v52;
	(erf) = vpow2.f32 v38;
	v41 =	vadd.f32 v56, v41;
	v59 =	vpop (erf)  }
0x370: {  	v60 =	vld [tilespmem:s25+$0xFFFFFCD0];
	(erf) = vpow2.f32 v37;
	v38 =	vadd.f32 v40, v59;
	v61 =	vpop (erf)  }
0x371: {  	v63 =	vld [tilespmem:s25+$0xB0];
	(erf) = vpow2.f32 v58;
	v62 =	vadd.f32 v61, v41;
	v46 =	vpop (erf)  }
0x372: {  	v47 =	vld [tilespmem:s25+$0xFFFFFCE0];
	(erf) = vpow2.f32 v36;
	v38 =	vadd.f32 v38, v46;
	v48 =	vpop (erf)  }
0x373: {  	v50 =	vld [tilespmem:s25+$0xC0];
	(erf) = vpow2.f32 v35;
	v49 =	vadd.f32 v48, v62;
	v51 =	vpop (erf)  }
0x374: {  	v52 =	vld [tilespmem:s25+$0xFFFFFCF0];
	v39 =	vmul.f32 $1.442695020e+00, v57;
	(erf) = vpow2.f32 v34;
	v35 =	vadd.f32 v38, v51  }
0x375: {  	v54 =	vmul.f32 $1.442695020e+00, v60;
	v55 =	vld [tilespmem:s25+$0xD0];
	(erf) = vpow2.f32 v33;
	v56 =	vpop (erf);
	v53 =	vadd.f32 v45, v49  }
0x376: {  	v57 =	vld [tilespmem:s25+$0xFFFFFD00];
	v58 =	vmul.f32 $1.442695020e+00, v63;
	v59 =	vpop (erf);
	(erf) = vpow2.f32 v39;
	v33 =	vadd.f32 v35, v56  }
0x377: {  	v60 =	vmul.f32 $1.442695020e+00, v47;
	v61 =	vld [tilespmem:s25+$0xE0];
	(erf) = vpow2.f32 v54;
	v62 =	vpop (erf);
	v34 =	vadd.f32 v59, v53  }
0x378: {  	v63 =	vld [tilespmem:s25+$0xFFFFFD10];
	v45 =	vmul.f32 $1.442695020e+00, v50;
	v46 =	vpop (erf);
	(erf) = vpow2.f32 v58;
	v33 =	vadd.f32 v33, v62  }
0x379: {  	v47 =	vmul.f32 $1.442695020e+00, v52;
	v48 =	vld [tilespmem:s25+$0xF0];
	(erf) = vpow2.f32 v60;
	v49 =	vpop (erf);
	v34 =	vadd.f32 v46, v34  }
0x37a: {  	v38 =	vmul.f32 $1.442695020e+00, v55;
	v50 =	vld [tilespmem:s26+$0x100];
	v51 =	vpop (erf);
	(erf) = vpow2.f32 v45;
	v33 =	vadd.f32 v33, v49  }
0x37b: {  	v52 =	vmul.f32 $1.442695020e+00, v57;
	v53 =	vld [tilespmem:s25+$0x100];
	(erf) = vpow2.f32 v47;
	v54 =	vpop (erf);
	v34 =	vadd.f32 v51, v34  }
0x37c: {  	v55 =	vld [tilespmem:s25+$0xFFFFFD30];
	v56 =	vmul.f32 $1.442695020e+00, v61;
	v57 =	vpop (erf);
	(erf) = vpow2.f32 v38;
	v33 =	vadd.f32 v33, v54  }
0x37d: {  	v58 =	vmul.f32 $1.442695020e+00, v63;
	v59 =	vld [tilespmem:s25+$0x110];
	(erf) = vpow2.f32 v52;
	v60 =	vpop (erf);
	v34 =	vadd.f32 v57, v34  }
0x37e: {  	v61 =	vld [tilespmem:s25+$0xFFFFFD40];
	v62 =	vmul.f32 $1.442695020e+00, v48;
	v63 =	vpop (erf);
	(erf) = vpow2.f32 v56;
	v33 =	vadd.f32 v33, v60  }
0x37f: {  	v45 =	vld [tilespmem:s26+$0x500];
	v44 =	vmul.f32 $1.442695020e+00, v50;
	(erf) = vpow2.f32 v58;
	v46 =	vpop (erf);
	v34 =	vadd.f32 v63, v34  }
0x380: {  	v47 =	vld [tilespmem:s25+$0xFFFFFD50];
	v48 =	vmul.f32 $1.442695020e+00, v53;
	v49 =	vpop (erf);
	(erf) = vpow2.f32 v62;
	v33 =	vadd.f32 v33, v46  }
0x381: {  	v50 =	vmul.f32 $1.442695020e+00, v55;
	v51 =	vld [tilespmem:s25+$0x130];
	(erf) = vpow2.f32 v44;
	v52 =	vpop (erf);
	v34 =	vadd.f32 v49, v34  }
0x382: {  	v53 =	vld [tilespmem:s25+$0xFFFFFD60];
	v54 =	vmul.f32 $1.442695020e+00, v59;
	v55 =	vpop (erf);
	(erf) = vpow2.f32 v48;
	v33 =	vadd.f32 v33, v52  }
0x383: {  	v56 =	vmul.f32 $1.442695020e+00, v61;
	v57 =	vld [tilespmem:s25+$0x140];
	(erf) = vpow2.f32 v50;
	v58 =	vpop (erf);
	v34 =	vadd.f32 v55, v34  }
0x384: {  	v59 =	vld [tilespmem:s25+$0xFFFFFD70];
	v60 =	vmul.f32 $1.442695020e+00, v45;
	v61 =	vpop (erf);
	(erf) = vpow2.f32 v54;
	v33 =	vadd.f32 v33, v58  }
0x385: {  	v62 =	vmul.f32 $1.442695020e+00, v47;
	v63 =	vld [tilespmem:s25+$0x150];
	(erf) = vpow2.f32 v56;
	v44 =	vpop (erf);
	v34 =	vadd.f32 v61, v34  }
0x386: {  	v45 =	vld [tilespmem:s25+$0xFFFFFD80];
	v46 =	vmul.f32 $1.442695020e+00, v51;
	v47 =	vpop (erf);
	(erf) = vpow2.f32 v60;
	v33 =	vadd.f32 v33, v44  }
0x387: {  	v48 =	vmul.f32 $1.442695020e+00, v53;
	v49 =	vld [tilespmem:s25+$0x160];
	(erf) = vpow2.f32 v62;
	v50 =	vpop (erf);
	v34 =	vadd.f32 v47, v34  }
0x388: {  	v51 =	vld [tilespmem:s25+$0xFFFFFD90];
	v52 =	vmul.f32 $1.442695020e+00, v57;
	v53 =	vpop (erf);
	(erf) = vpow2.f32 v46;
	v33 =	vadd.f32 v33, v50  }
0x389: {  	v54 =	vmul.f32 $1.442695020e+00, v59;
	v55 =	vld [tilespmem:s25+$0x170];
	(erf) = vpow2.f32 v48;
	v56 =	vpop (erf);
	v34 =	vadd.f32 v53, v34  }
0x38a: {  	v57 =	vld [tilespmem:s26+$0x180];
	v58 =	vmul.f32 $1.442695020e+00, v63;
	v59 =	vpop (erf);
	(erf) = vpow2.f32 v52;
	v33 =	vadd.f32 v33, v56  }
0x38b: {  	v60 =	vmul.f32 $1.442695020e+00, v45;
	v61 =	vld [tilespmem:s25+$0x180];
	(erf) = vpow2.f32 v54;
	v62 =	vpop (erf);
	v34 =	vadd.f32 v59, v34  }
0x38c: {  	v63 =	vld [tilespmem:s25+$0xFFFFFDB0];
	v45 =	vmul.f32 $1.442695020e+00, v49;
	v46 =	vpop (erf);
	(erf) = vpow2.f32 v58;
	v33 =	vadd.f32 v33, v62  }
0x38d: {  	v47 =	vmul.f32 $1.442695020e+00, v51;
	v48 =	vld [tilespmem:s25+$0x190];
	(erf) = vpow2.f32 v60;
	v49 =	vpop (erf);
	v34 =	vadd.f32 v46, v34  }
0x38e: {  	v50 =	vld [tilespmem:s25+$0xFFFFFDC0];
	v51 =	vmul.f32 $1.442695020e+00, v55;
	v52 =	vpop (erf);
	(erf) = vpow2.f32 v45;
	v33 =	vadd.f32 v33, v49  }
0x38f: {  	v53 =	vmul.f32 $1.442695020e+00, v57;
	v54 =	vld [tilespmem:s26+$0x580];
	(erf) = vpow2.f32 v47;
	v55 =	vpop (erf);
	v34 =	vadd.f32 v52, v34  }
0x390: {  	v56 =	vld [tilespmem:s25+$0xFFFFFDD0];
	v57 =	vmul.f32 $1.442695020e+00, v61;
	v58 =	vpop (erf);
	(erf) = vpow2.f32 v51;
	v33 =	vadd.f32 v33, v55  }
0x391: {  	v59 =	vmul.f32 $1.442695020e+00, v63;
	v60 =	vld [tilespmem:s25+$0x1B0];
	(erf) = vpow2.f32 v53;
	v61 =	vpop (erf);
	v34 =	vadd.f32 v58, v34  }
0x392: {  	v62 =	vld [tilespmem:s25+$0xFFFFFDE0];
	v63 =	vmul.f32 $1.442695020e+00, v48;
	v44 =	vpop (erf);
	(erf) = vpow2.f32 v57;
	v33 =	vadd.f32 v33, v61  }
0x393: {  	v45 =	vmul.f32 $1.442695020e+00, v50;
	v46 =	vld [tilespmem:s25+$0x1C0];
	(erf) = vpow2.f32 v59;
	v47 =	vpop (erf);
	v34 =	vadd.f32 v44, v34  }
0x394: {  	v48 =	vld [tilespmem:s25+$0xFFFFFDF0];
	v49 =	vmul.f32 $1.442695020e+00, v54;
	v50 =	vpop (erf);
	(erf) = vpow2.f32 v63;
	v33 =	vadd.f32 v33, v47  }
0x395: {  	v51 =	vmul.f32 $1.442695020e+00, v56;
	v52 =	vld [tilespmem:s25+$0x1D0];
	(erf) = vpow2.f32 v45;
	v53 =	vpop (erf);
	v34 =	vadd.f32 v50, v34  }
0x396: {  	v54 =	vld [tilespmem:s25+$0xFFFFFE00];
	v55 =	vmul.f32 $1.442695020e+00, v60;
	v56 =	vpop (erf);
	(erf) = vpow2.f32 v49;
	v33 =	vadd.f32 v33, v53  }
0x397: {  	v57 =	vmul.f32 $1.442695020e+00, v62;
	v58 =	vld [tilespmem:s25+$0x1E0];
	(erf) = vpow2.f32 v51;
	v59 =	vpop (erf);
	v34 =	vadd.f32 v56, v34  }
0x398: {  	v60 =	vld [tilespmem:s25+$0xFFFFFE10];
	v61 =	vmul.f32 $1.442695020e+00, v46;
	v62 =	vpop (erf);
	(erf) = vpow2.f32 v55;
	v33 =	vadd.f32 v33, v59  }
0x399: {  	v63 =	vmul.f32 $1.442695020e+00, v48;
	v45 =	vld [tilespmem:s25+$0x1F0];
	(erf) = vpow2.f32 v57;
	v46 =	vpop (erf);
	v34 =	vadd.f32 v62, v34  }
0x39a: {  	v47 =	vld [tilespmem:s26+$0x200];
	v48 =	vmul.f32 $1.442695020e+00, v52;
	v49 =	vpop (erf);
	(erf) = vpow2.f32 v61;
	v33 =	vadd.f32 v33, v46  }
0x39b: {  	v50 =	vmul.f32 $1.442695020e+00, v54;
	v51 =	vld [tilespmem:s25+$0x200];
	(erf) = vpow2.f32 v63;
	v52 =	vpop (erf);
	v34 =	vadd.f32 v49, v34  }
0x39c: {  	v53 =	vld [tilespmem:s25+$0xFFFFFE30];
	v54 =	vmul.f32 $1.442695020e+00, v58;
	v55 =	vpop (erf);
	(erf) = vpow2.f32 v48;
	v33 =	vadd.f32 v33, v52  }
0x39d: {  	v56 =	vmul.f32 $1.442695020e+00, v60;
	v57 =	vld [tilespmem:s25+$0x210];
	(erf) = vpow2.f32 v50;
	v58 =	vpop (erf);
	v34 =	vadd.f32 v55, v34  }
0x39e: {  	v59 =	vld [tilespmem:s25+$0xFFFFFE40];
	v60 =	vmul.f32 $1.442695020e+00, v45;
	v61 =	vpop (erf);
	(erf) = vpow2.f32 v54;
	v33 =	vadd.f32 v33, v58  }
0x39f: {  	v62 =	vmul.f32 $1.442695020e+00, v47;
	v63 =	vld [tilespmem:s26+$0x600];
	(erf) = vpow2.f32 v56;
	v45 =	vpop (erf);
	v34 =	vadd.f32 v61, v34  }
0x3a0: {  	v46 =	vld [tilespmem:s25+$0xFFFFFE50];
	v47 =	vmul.f32 $1.442695020e+00, v51;
	v48 =	vpop (erf);
	(erf) = vpow2.f32 v60;
	v33 =	vadd.f32 v33, v45  }
0x3a1: {  	v49 =	vmul.f32 $1.442695020e+00, v53;
	v50 =	vld [tilespmem:s25+$0x230];
	(erf) = vpow2.f32 v62;
	v51 =	vpop (erf);
	v34 =	vadd.f32 v48, v34  }
0x3a2: {  	v52 =	vld [tilespmem:s25+$0xFFFFFE60];
	v53 =	vmul.f32 $1.442695020e+00, v57;
	v54 =	vpop (erf);
	(erf) = vpow2.f32 v47;
	v33 =	vadd.f32 v33, v51  }
0x3a3: {  	v55 =	vmul.f32 $1.442695020e+00, v59;
	v56 =	vld [tilespmem:s25+$0x240];
	(erf) = vpow2.f32 v49;
	v57 =	vpop (erf);
	v34 =	vadd.f32 v54, v34  }
0x3a4: {  	v58 =	vld [tilespmem:s25+$0xFFFFFE70];
	v59 =	vmul.f32 $1.442695020e+00, v63;
	v60 =	vpop (erf);
	(erf) = vpow2.f32 v53;
	v33 =	vadd.f32 v33, v57  }
0x3a5: {  	v61 =	vmul.f32 $1.442695020e+00, v46;
	v62 =	vld [tilespmem:s25+$0x250];
	(erf) = vpow2.f32 v55;
	v63 =	vpop (erf);
	v34 =	vadd.f32 v60, v34  }
0x3a6: {  	v45 =	vld [tilespmem:s25+$0xFFFFFE80];
	v46 =	vmul.f32 $1.442695020e+00, v50;
	v47 =	vpop (erf);
	(erf) = vpow2.f32 v59;
	v33 =	vadd.f32 v33, v63  }
0x3a7: {  	v48 =	vmul.f32 $1.442695020e+00, v52;
	v49 =	vld [tilespmem:s25+$0x260];
	(erf) = vpow2.f32 v61;
	v50 =	vpop (erf);
	v34 =	vadd.f32 v47, v34  }
0x3a8: {  	v51 =	vld [tilespmem:s25+$0xFFFFFE90];
	v52 =	vmul.f32 $1.442695020e+00, v56;
	v53 =	vpop (erf);
	(erf) = vpow2.f32 v46;
	v33 =	vadd.f32 v33, v50  }
0x3a9: {  	v54 =	vmul.f32 $1.442695020e+00, v58;
	v55 =	vld [tilespmem:s25+$0x270];
	(erf) = vpow2.f32 v48;
	v56 =	vpop (erf);
	v34 =	vadd.f32 v53, v34  }
0x3aa: {  	v57 =	vld [tilespmem:s26+$0x280];
	v58 =	vmul.f32 $1.442695020e+00, v62;
	v59 =	vpop (erf);
	(erf) = vpow2.f32 v52;
	v33 =	vadd.f32 v33, v56  }
0x3ab: {  	v60 =	vmul.f32 $1.442695020e+00, v45;
	v61 =	vld [tilespmem:s25+$0x280];
	(erf) = vpow2.f32 v54;
	v62 =	vpop (erf);
	v34 =	vadd.f32 v59, v34  }
0x3ac: {  	v63 =	vld [tilespmem:s25+$0xFFFFFEB0];
	v45 =	vmul.f32 $1.442695020e+00, v49;
	v46 =	vpop (erf);
	(erf) = vpow2.f32 v58;
	v33 =	vadd.f32 v33, v62  }
0x3ad: {  	v47 =	vmul.f32 $1.442695020e+00, v51;
	v48 =	vld [tilespmem:s25+$0x290];
	(erf) = vpow2.f32 v60;
	v49 =	vpop (erf);
	v34 =	vadd.f32 v46, v34  }
0x3ae: {  	v50 =	vld [tilespmem:s25+$0xFFFFFEC0];
	v51 =	vmul.f32 $1.442695020e+00, v55;
	v52 =	vpop (erf);
	(erf) = vpow2.f32 v45;
	v33 =	vadd.f32 v33, v49  }
0x3af: {  	v53 =	vmul.f32 $1.442695020e+00, v57;
	v54 =	vld [tilespmem:s26+$0x680];
	(erf) = vpow2.f32 v47;
	v55 =	vpop (erf);
	v34 =	vadd.f32 v52, v34  }
0x3b0: {  	v56 =	vld [tilespmem:s25+$0xFFFFFED0];
	v57 =	vmul.f32 $1.442695020e+00, v61;
	v58 =	vpop (erf);
	(erf) = vpow2.f32 v51;
	v33 =	vadd.f32 v33, v55  }
0x3b1: {  	v59 =	vmul.f32 $1.442695020e+00, v63;
	v60 =	vld [tilespmem:s25+$0x2B0];
	(erf) = vpow2.f32 v53;
	v61 =	vpop (erf);
	v34 =	vadd.f32 v58, v34  }
0x3b2: {  	v62 =	vld [tilespmem:s25+$0xFFFFFEE0];
	v63 =	vmul.f32 $1.442695020e+00, v48;
	v44 =	vpop (erf);
	(erf) = vpow2.f32 v57;
	v33 =	vadd.f32 v33, v61  }
0x3b3: {  	v45 =	vmul.f32 $1.442695020e+00, v50;
	v46 =	vld [tilespmem:s25+$0x2C0];
	(erf) = vpow2.f32 v59;
	v47 =	vpop (erf);
	v34 =	vadd.f32 v44, v34  }
0x3b4: {  	v48 =	vld [tilespmem:s25+$0xFFFFFEF0];
	v49 =	vmul.f32 $1.442695020e+00, v54;
	v50 =	vpop (erf);
	(erf) = vpow2.f32 v63;
	v33 =	vadd.f32 v33, v47  }
0x3b5: {  	v51 =	vmul.f32 $1.442695020e+00, v56;
	v52 =	vld [tilespmem:s25+$0x2D0];
	(erf) = vpow2.f32 v45;
	v53 =	vpop (erf);
	v34 =	vadd.f32 v50, v34  }
0x3b6: {  	v54 =	vld [tilespmem:s25+$0xFFFFFF00];
	v55 =	vmul.f32 $1.442695020e+00, v60;
	v56 =	vpop (erf);
	(erf) = vpow2.f32 v49;
	v33 =	vadd.f32 v33, v53  }
0x3b7: {  	v57 =	vmul.f32 $1.442695020e+00, v62;
	v58 =	vld [tilespmem:s25+$0x2E0];
	(erf) = vpow2.f32 v51;
	v59 =	vpop (erf);
	v34 =	vadd.f32 v56, v34  }
0x3b8: {  	v60 =	vld [tilespmem:s25+$0xFFFFFF10];
	v61 =	vmul.f32 $1.442695020e+00, v46;
	v62 =	vpop (erf);
	(erf) = vpow2.f32 v55;
	v33 =	vadd.f32 v33, v59  }
0x3b9: {  	v63 =	vmul.f32 $1.442695020e+00, v48;
	v45 =	vld [tilespmem:s25+$0x2F0];
	(erf) = vpow2.f32 v57;
	v46 =	vpop (erf);
	v34 =	vadd.f32 v62, v34  }
0x3ba: {  	v47 =	vld [tilespmem:s26+$0x300];
	v48 =	vmul.f32 $1.442695020e+00, v52;
	v49 =	vpop (erf);
	(erf) = vpow2.f32 v61;
	v33 =	vadd.f32 v33, v46  }
0x3bb: {  	v50 =	vmul.f32 $1.442695020e+00, v54;
	v51 =	vld [tilespmem:s25+$0x300];
	(erf) = vpow2.f32 v63;
	v52 =	vpop (erf);
	v34 =	vadd.f32 v49, v34  }
0x3bc: {  	v53 =	vld [tilespmem:s25+$0xFFFFFF30];
	v54 =	vmul.f32 $1.442695020e+00, v58;
	v55 =	vpop (erf);
	(erf) = vpow2.f32 v48;
	v33 =	vadd.f32 v33, v52  }
0x3bd: {  	v56 =	vmul.f32 $1.442695020e+00, v60;
	v57 =	vld [tilespmem:s25+$0x310];
	(erf) = vpow2.f32 v50;
	v58 =	vpop (erf);
	v34 =	vadd.f32 v55, v34  }
0x3be: {  	v59 =	vld [tilespmem:s25+$0xFFFFFF40];
	v60 =	vmul.f32 $1.442695020e+00, v45;
	v61 =	vpop (erf);
	(erf) = vpow2.f32 v54;
	v33 =	vadd.f32 v33, v58  }
0x3bf: {  	v62 =	vmul.f32 $1.442695020e+00, v47;
	v63 =	vld [tilespmem:s26+$0x700];
	(erf) = vpow2.f32 v56;
	v45 =	vpop (erf);
	v34 =	vadd.f32 v61, v34  }
0x3c0: {  	v46 =	vld [tilespmem:s25+$0xFFFFFF50];
	v47 =	vmul.f32 $1.442695020e+00, v51;
	v48 =	vpop (erf);
	(erf) = vpow2.f32 v60;
	v33 =	vadd.f32 v33, v45  }
0x3c1: {  	v49 =	vmul.f32 $1.442695020e+00, v53;
	v50 =	vld [tilespmem:s25+$0x330];
	(erf) = vpow2.f32 v62;
	v51 =	vpop (erf);
	v34 =	vadd.f32 v48, v34  }
0x3c2: {  	v52 =	vld [tilespmem:s25+$0xFFFFFF60];
	v53 =	vmul.f32 $1.442695020e+00, v57;
	v54 =	vpop (erf);
	(erf) = vpow2.f32 v47;
	v33 =	vadd.f32 v33, v51  }
0x3c3: {  	v55 =	vmul.f32 $1.442695020e+00, v59;
	v56 =	vld [tilespmem:s25+$0x340];
	(erf) = vpow2.f32 v49;
	v57 =	vpop (erf);
	v34 =	vadd.f32 v54, v34  }
0x3c4: {  	v58 =	vld [tilespmem:s25+$0xFFFFFF70];
	v59 =	vmul.f32 $1.442695020e+00, v63;
	v60 =	vpop (erf);
	(erf) = vpow2.f32 v53;
	v33 =	vadd.f32 v33, v57  }
0x3c5: {  	v61 =	vmul.f32 $1.442695020e+00, v46;
	v62 =	vld [tilespmem:s25+$0x350];
	(erf) = vpow2.f32 v55;
	v63 =	vpop (erf);
	v34 =	vadd.f32 v60, v34  }
0x3c6: {  	v45 =	vld [tilespmem:s25+$0xFFFFFF80];
	v46 =	vmul.f32 $1.442695020e+00, v50;
	v47 =	vpop (erf);
	(erf) = vpow2.f32 v59;
	v33 =	vadd.f32 v33, v63  }
0x3c7: {  	v48 =	vmul.f32 $1.442695020e+00, v52;
	v49 =	vld [tilespmem:s25+$0x360];
	(erf) = vpow2.f32 v61;
	v50 =	vpop (erf);
	v34 =	vadd.f32 v47, v34  }
0x3c8: {  	v51 =	vld [tilespmem:s25+$0xFFFFFF90];
	v52 =	vmul.f32 $1.442695020e+00, v56;
	v53 =	vpop (erf);
	(erf) = vpow2.f32 v46;
	v33 =	vadd.f32 v33, v50  }
0x3c9: {  	v54 =	vmul.f32 $1.442695020e+00, v58;
	v55 =	vld [tilespmem:s25+$0x370];
	(erf) = vpow2.f32 v48;
	v56 =	vpop (erf);
	v34 =	vadd.f32 v53, v34  }
0x3ca: {  	v57 =	vld [tilespmem:s26+$0x380];
	v58 =	vmul.f32 $1.442695020e+00, v62;
	v59 =	vpop (erf);
	(erf) = vpow2.f32 v52;
	v33 =	vadd.f32 v33, v56  }
0x3cb: {  	v60 =	vmul.f32 $1.442695020e+00, v45;
	v61 =	vld [tilespmem:s25+$0x380];
	(erf) = vpow2.f32 v54;
	v62 =	vpop (erf);
	v34 =	vadd.f32 v59, v34  }
0x3cc: {  	v63 =	vld [tilespmem:s25+$0xFFFFFFB0];
	v44 =	vmul.f32 $1.442695020e+00, v49;
	v45 =	vpop (erf);
	(erf) = vpow2.f32 v58;
	v33 =	vadd.f32 v33, v62  }
0x3cd: {  	v46 =	vmul.f32 $1.442695020e+00, v51;
	v47 =	vld [tilespmem:s25+$0x390];
	(erf) = vpow2.f32 v60;
	v48 =	vpop (erf);
	v34 =	vadd.f32 v45, v34  }
0x3ce: {  	v49 =	vld [tilespmem:s25+$0xFFFFFFC0];
	v50 =	vmul.f32 $1.442695020e+00, v55;
	v51 =	vpop (erf);
	(erf) = vpow2.f32 v44;
	v33 =	vadd.f32 v33, v48  }
0x3cf: {  	v52 =	vmul.f32 $1.442695020e+00, v57;
	v53 =	vld [tilespmem:s26+$0x780];
	(erf) = vpow2.f32 v46;
	v54 =	vpop (erf);
	v34 =	vadd.f32 v51, v34  }
0x3d0: {  	v55 =	vld [tilespmem:s25+$0xFFFFFFD0];
	v56 =	vmul.f32 $1.442695020e+00, v61;
	v57 =	vpop (erf);
	(erf) = vpow2.f32 v50;
	v33 =	vadd.f32 v33, v54  }
0x3d1: {  	v58 =	vld [tilespmem:s25+$0x3B0];
	v59 =	vmul.f32 $1.442695020e+00, v63;
	(erf) = vpow2.f32 v52;
	v60 =	vpop (erf);
	v34 =	vadd.f32 v57, v34  }
0x3d2: {  	v61 =	vld [tilespmem:s25+$0xFFFFFFE0];
	v62 =	vmul.f32 $1.442695020e+00, v47;
	v63 =	vpop (erf);
	(erf) = vpow2.f32 v56;
	v33 =	vadd.f32 v33, v60  }
0x3d3: {  	v44 =	vld [tilespmem:s25+$0x3C0];
	v45 =	vmul.f32 $1.442695020e+00, v49;
	(erf) = vpow2.f32 v59;
	v46 =	vpop (erf);
	v34 =	vadd.f32 v63, v34  }
0x3d4: {  	v47 =	vld [tilespmem:s25+$0xFFFFFFF0];
	v39 =	vmul.f32 $1.442695020e+00, v53;
	v48 =	vpop (erf);
	(erf) = vpow2.f32 v62;
	v33 =	vadd.f32 v33, v46  }
0x3d5: {  	v49 =	vld [tilespmem:s25+$0x3D0];
	v50 =	vmul.f32 $1.442695020e+00, v55;
	(erf) = vpow2.f32 v45;
	v51 =	vpop (erf);
	v34 =	vadd.f32 v48, v34  }
0x3d6: {  	v52 =	vmul.f32 $1.442695020e+00, v58;
	v53 =	vpop (erf);
	(erf) = vpow2.f32 v39;
	v33 =	vadd.f32 v33, v51  }
0x3d7: {  	v54 =	vld [tilespmem:s25+$0x3E0];
	v55 =	vmul.f32 $1.442695020e+00, v61;
	(erf) = vpow2.f32 v50;
	v56 =	vpop (erf);
	v34 =	vadd.f32 v53, v34  }
0x3d8: {  	v35 =	vmul.f32 $1.442695020e+00, v44;
	v57 =	vpop (erf);
	(erf) = vpow2.f32 v52;
	v33 =	vadd.f32 v33, v56  }
0x3d9: {  	v58 =	vmul.f32 $1.442695020e+00, v47;
	(erf) = vpow2.f32 v55;
	v59 =	vpop (erf);
	v34 =	vadd.f32 v57, v34  }
0x3da: {  	v36 =	vmul.f32 $1.442695020e+00, v49;
	v60 =	vpop (erf);
	(erf) = vpow2.f32 v35;
	v33 =	vadd.f32 v33, v59  }
0x3db: {  	(erf) = vpow2.f32 v58;
	v61 =	vpop (erf);
	v34 =	vadd.f32 v60, v34  }
0x3dc: {  	v62 =	vmul.f32 $1.442695020e+00, v54;
	v63 =	vpop (erf);
	(erf) = vpow2.f32 v36;
	v33 =	vadd.f32 v33, v61  }
0x3dd: {  	v40 =	vpop (erf);
	v34 =	vadd.f32 v63, v34  }
0x3de: {  	v23 =	vadd.f32 v25, v23;
	(erf) = vpow2.f32 v62;
	v42 =	vpop (erf);
	v41 =	vadd.f32 v33, v40  }
0x3df: {  	v24 =	vadd.f32 v24, v28;
	v44 =	vpop (erf);
	v43 =	vadd.f32 v42, v34  }
0x3e0: {  	v23 =	vadd.f32 v29, v23;
	v45 =	vpop (erf);
	v25 =	vadd.f32 v41, v44  }
0x3e1: {  	v24 =	vadd.f32 v24, v30;
	v46 =	vpop (erf);
	v28 =	vadd.f32 v45, v43  }
0x3e2: {  	v23 =	vadd.f32 v31, v23;
	v47 =	vpop (erf);
	v25 =	vadd.f32 v25, v46  }
0x3e3: {  	v21 =	vnsel vm0, $0x0, v21;
	v24 =	vadd.f32 v24, v32;
	v48 =	vpop (erf);
	v28 =	vadd.f32 v47, v28  }
0x3e4: {  	v21 =	vadd.f32 v21, v23;
	v49 =	vpop (erf);
	v23 =	vadd.f32 v25, v48  }
0x3e5: {  	v24 =	vadd.f32 v24, v26;
	v50 =	vpop (erf);
	v25 =	vadd.f32 v49, v28  }
0x3e6: {  	v27 =	vnsel vm0, $0x0, v27;
	v51 =	vperm.xlane v21, v17;
	v23 =	vadd.f32 v23, v50  }
0x3e7: {  	v53 =	vpop (erf);
	v25 =	vadd.f32 v27, v25  }
0x3e8: {  	v52 =	vperm.xlane v24, v17;
	v21 =	vadd.f32 v51, v21;
	v23 =	vadd.f32 v23, v53  }
0x3e9: {  	v54 =	vperm.xlane v25, v17  }
0x3ea: {  	v24 =	vadd.f32 v52, v24;
	v55 =	vperm.xlane v21, v18;
	v56 =	vperm.xlane v23, v17  }
0x3eb: {  	v25 =	vadd.f32 v54, v25  }
0x3ec: {  	v57 =	vperm.xlane v24, v18;
	v21 =	vadd.f32 v55, v21;
	v23 =	vadd.f32 v56, v23  }
0x3ed: {  	v26 =	vperm.xlane v25, v18  }
0x3ee: {  	v24 =	vadd.f32 v57, v24;
	v27 =	vperm.xlane v21, v19;
	v28 =	vperm.xlane v23, v18  }
0x3ef: {  	v25 =	vadd.f32 v26, v25  }
0x3f0: {  	v29 =	vperm.xlane v24, v19;
	v21 =	vadd.f32 v27, v21;
	v23 =	vadd.f32 v28, v23  }
0x3f1: {  	v26 =	vperm.xlane v25, v19  }
0x3f2: {  	s30 =	sadd.s32 $0xFFFFFFFF, s23;
	v24 =	vadd.f32 v29, v24;
	v27 =	vperm.xlane v21, v20;
	v28 =	vperm.xlane v23, v19  }
0x3f3: {  	v58 =	vmov s23;
	v60 =	vmov s30;
	v25 =	vadd.f32 v26, v25  }
0x3f4: {  	v59 =	vperm.xlane v24, v20;
	v21 =	vadd.f32 v27, v21;
	v23 =	vadd.f32 v28, v23  }
0x3f5: {  	s21 =	sadd.s32 $0x1, s21;
	vm2 =	veq.s32 v58, v0;
	vm1 =	veq.s32 v60, v0;
	v61 =	vperm.xlane v25, v20  }
0x3f6: {  	s31 =	sadd.s32 $0xFFFFFFFF, s24;
	p1 =	sne.s32 s21, $0x10;
	v24 =	vadd.f32 v59, v24;
	v21 =	vsel vm1, v21, v22;
	v22 =	vperm.xlane v23, v20  }
.Ltmp7:
0x3f7: {  	v62 =	vmov s31;
	v63 =	vmov s24;
	v25 =	vadd.f32 v61, v25;
	(pc) =	sbr.rel @p1 .LBB2_7-.Ltmp7, $4  }
.Ltmp8:
0x3f8: {  	vm1 =	veq.s32 v62, v0;
	v21 =	vsel vm2, v24, v21;
	v22 =	vadd.f32 v22, v23;
	(pc) =	sbr.rel @!p1 .LBB2_10-.Ltmp8, $4  }
0x3f9: {  	vm2 =	veq.s32 v63, v0;
	v21 =	vsel vm1, v25, v21  }
0x3fa: {  	v21 =	vsel vm2, v22, v21  }
0x3fb: {  	[tilespmem:s22+$0x3F80] =	vst v21  }
0x3fc: {  	_ = 	snop  }
.LBB2_11:
0x3fd: {  	_ =	sfence.sel $0x180000  }
0x3fe: {  	[bflag:$0x0] =	sbarrier.arrive $0xFFFF  }
0x3ff: {  	p0 =	sne.s32 s0, $0x0;
	_ =	strace $0x90000047  }
0x400: {  	s0 =	sadd.s32 @!p0 $0x100000, s2;
	[bflag:$0x2] =	sbarrier.arrive $0xFFFF  }
0x401: {  	[sflag:s0] =	ssyncadd.tile.s32 @!p0 $0x1;
	_ =	shalt  }
.Lfunc_end2:
_tile_overlayer_lowered:
.L_overlay_start_2:
0x402: {  	(tag) =	ssettag $0x2  }
0x403: {  	s0 =	rddreg [dreg:$0x0];
	s2 =	stileid.u32  }
0x404: {  	s1 =	rddreg [dreg:$0x1];
	p0 =	sne.s32 s2, $0x0  }
0x405: {  	s3 =	rddreg [dreg:$0x2];
	[bflag:$0x3] =	sbarrier.arrive $0xFFFF;
	s2 =	simm.s32 @!p0 $0x1C02  }
0x406: {  	[timem:s3], [sflag:s2] =	dma.local @!p0 [hbm:s0], s1  }
0x407: {  	s0 =	simm.s32 @!p0 $0x2  }
0x408: {  	_ =	swait.ge @!p0 [sflag:s0], s1  }
0x409: {  	s1 =	ssub.s32 @!p0 $0x0, s1;
	[sflag:s0] =	ssyncset.done @!p0 $0x0  }
0x40a: {  	[sflag:s0] =	ssyncadd.s32 @!p0 s1  }
0x40b: {  	[bflag:$0x3] =	sbarrier.arrive $0xFFFF  }
0x40c: {  	_ =	shalt  }

</sc_bundles>
